<compile_context>
chip_gen: v7x
topology: tpu7x:2x2x1
jax: 0.10.2.dev20260603
libtpu: 0.0.44.dev20260713+nightly
codegen_flags: <defaults>
</compile_context>

<pallas_src>
import jax
import jax.numpy as jnp
from jax import lax
from jax.experimental import pallas as pl
from jax.experimental.pallas import tpu as pltpu
from jax.experimental.pallas import tpu_sc as plsc

_N = 10000
_E = 320000
_D = 128
_G = 64

_NC = 2
_NS = 16
_NW = _NC * _NS
_CW = 128
_RPW = 80
_ROWS = _NW * _RPW
_RPS = _ROWS // _NS
_EPAD = _ROWS * _CW
_NACC = 10112
_RPT = _NACC // _NS
_DUMP = _N
_YSTG = 632
_YLAST = _N - (_NS - 1) * _YSTG


def _pack_rows(nelem):
  r = nelem // 128
  return r + (8 - r % 8) % 8

_f32 = jnp.float32

_mesh = plsc.VectorSubcoreMesh(
    core_axis_name="c", subcore_axis_name="s", num_cores=_NC, num_subcores=_NS)

_sc_params = pltpu.CompilerParams(use_tc_tiling_on_sc=False)


def _fill(store, nrows, ncols, val):
  def body(i, carry):
    for q in range(ncols // 16):
      store(i, q, jnp.full((16,), val, _f32))
    return carry
  lax.fori_loop(0, nrows, body, 0)


def _zero_acc(zrows, acc_sh, s):
  r0 = s * _RPT
  nfull = _RPT // _CW
  rem = _RPT - nfull * _CW
  for z in range(nfull):
    pltpu.sync_copy(zrows, acc_sh.at[pl.ds(r0 + z * _CW, _CW)])
  if rem:
    pltpu.sync_copy(zrows.at[pl.ds(0, rem)],
                    acc_sh.at[pl.ds(r0 + nfull * _CW, rem)])


def _writeout(acc_sh, out_hbm, c, s):
  pltpu.sync_copy(acc_sh.at[pl.ds(s * _RPT, _RPT)],
                  out_hbm.at[c, pl.ds(s * _RPT, _RPT)])


_EROWS = _E // _CW
_DST0 = _ROWS


def _tce_body(e_ref, o_ref):
  o_ref[0:_EROWS] = e_ref[0:_EROWS]
  o_ref[_EROWS:_ROWS] = jnp.zeros((_ROWS - _EROWS, _CW), jnp.int32)
  o_ref[_ROWS:_ROWS + _EROWS] = e_ref[_EROWS:]
  o_ref[_ROWS + _EROWS:] = jnp.full((_ROWS - _EROWS, _CW), _DUMP, jnp.int32)


_tce = pl.pallas_call(
    _tce_body, out_shape=jax.ShapeDtypeStruct((2 * _ROWS, _CW), jnp.int32))


def _make_deg_pass():
  K = 8

  def body(er_hbm, out_p, dstv, ones, acc_sh, ssem):
    c = lax.axis_index("c")
    s = lax.axis_index("s")
    wid = c * _NS + s
    _fill(lambda i, q, v: ones.__setitem__((i, pl.ds(q * 16, 16)), v),
          _CW, 16, 0.0)
    _zero_acc(ones, acc_sh, s)
    _fill(lambda i, q, v: ones.__setitem__((i, pl.ds(q * 16, 16)), v),
          _CW, 16, 1.0)
    plsc.subcore_barrier()
    pltpu.sync_copy(er_hbm.at[pl.ds(_DST0 + wid * _RPW, _RPW)], dstv)

    def group(g, carry):
      descs = [pltpu.async_copy(ones, acc_sh.at[dstv.at[g * K + b]], ssem,
                                add=True) for b in range(K)]
      for d in descs:
        d.wait()
      return carry
    lax.fori_loop(0, _RPW // K, group, 0)
    plsc.subcore_barrier()
    _writeout(acc_sh, out_p, c, s)

  return pl.kernel(
      body,
      out_type=jax.ShapeDtypeStruct((_NC, _NACC, 16), _f32),
      mesh=_mesh,
      compiler_params=_sc_params,
      scratch_types=[
          pltpu.VMEM((_RPW, _CW), jnp.int32),
          pltpu.VMEM((_CW, 16), _f32),
          pltpu.VMEM_SHARED((_NACC, 16), _f32),
          pltpu.SemaphoreType.DMA,
      ])


def _make_seg_pass(H):
  K = 4

  def body(ysp_p, er_hbm, out_p, srcv, dstv, bufs, acc_sh,
           y_sh, gsem0, gsem1, ssem0, ssem1):
    c = lax.axis_index("c")
    s = lax.axis_index("s")
    @pl.when(s < _NS - 1)
    def _():
      pltpu.sync_copy(ysp_p.at[c, pl.ds(s * _YSTG, _YSTG)],
                      y_sh.at[pl.ds(s * _YSTG, _YSTG)])
    @pl.when(s == _NS - 1)
    def _():
      pltpu.sync_copy(ysp_p.at[c, pl.ds((_NS - 1) * _YSTG, _YLAST)],
                      y_sh.at[pl.ds((_NS - 1) * _YSTG, _YLAST)])
    _fill(lambda i, q, v: bufs.__setitem__((0, i, pl.ds(q * 16, 16)), v),
          _CW, H, 0.0)
    _zero_acc(bufs.at[0], acc_sh, s)
    plsc.subcore_barrier()
    pltpu.sync_copy(er_hbm.at[pl.ds(s * _RPS, _RPS)], srcv)
    pltpu.sync_copy(er_hbm.at[pl.ds(_DST0 + s * _RPS, _RPS)], dstv)

    gsems = (gsem0, gsem1)
    ssems = (ssem0, ssem1)

    def fire_g(g, st):
      for b in range(K):
        pltpu.async_copy(y_sh.at[srcv.at[g * K + b]], bufs.at[st * K + b],
                         gsems[st])

    def drain_g(st):
      for b in range(K):
        pltpu.make_async_copy(y_sh.at[srcv.at[b]], bufs.at[st * K + b],
                              gsems[st]).wait()

    def fire_s(g, st):
      for b in range(K):
        pltpu.async_copy(bufs.at[st * K + b], acc_sh.at[dstv.at[g * K + b]],
                         ssems[st], add=True)

    def drain_s(st):
      for b in range(K):
        pltpu.make_async_copy(bufs.at[st * K + b], acc_sh.at[pl.ds(0, _CW)],
                              ssems[st]).wait()

    npairs = _RPS // K // 2

    def piped(gg, carry):
      g0 = 2 * gg
      fire_g(g0, 0)
      fire_g(g0 + 1, 1)
      drain_g(0)
      fire_s(g0, 0)
      drain_g(1)
      fire_s(g0 + 1, 1)
      drain_s(0)
      drain_s(1)
      return carry
    lax.fori_loop(0, npairs, piped, 0)
    plsc.subcore_barrier()
    _writeout(acc_sh, out_p, c, s)

  return pl.kernel(
      body,
      out_type=jax.ShapeDtypeStruct((_NC, _NACC, H), _f32),
      mesh=_mesh,
      compiler_params=_sc_params,
      scratch_types=[
          pltpu.VMEM((_RPS, _CW), jnp.int32),
          pltpu.VMEM((_RPS, _CW), jnp.int32),
          pltpu.VMEM((2 * K, _CW, H), _f32),
          pltpu.VMEM_SHARED((_NACC, H), _f32),
          pltpu.VMEM_SHARED((_N, H), _f32),
          pltpu.SemaphoreType.DMA,
          pltpu.SemaphoreType.DMA,
          pltpu.SemaphoreType.DMA,
          pltpu.SemaphoreType.DMA,
      ])


_deg_pass = _make_deg_pass()
_seg_pass16 = _make_seg_pass(16)
_seg_pass32 = _make_seg_pass(32)



_YP16 = _pack_rows(_N * 16)
_YP32 = _pack_rows(_N * 32)
_NR16 = _N * 16 // 128
_NR32 = _N * 32 // 128



def _tc0_body(x_ref, w1_ref, xw_ref):
  xw_ref[...] = jnp.dot(x_ref[...], w1_ref[...], preferred_element_type=_f32)


_tc0 = pl.pallas_call(
    _tc0_body, out_shape=jax.ShapeDtypeStruct((_N, 32), _f32))


def _tc1_body(xw_ref, dacc_ref, y1_ref, dinv_ref, cnt_scr, ya, yb):
  cnt = dacc_ref[0] + dacc_ref[1]
  for j in range(8):
    cnt_scr[j::8, :] = cnt[:, 16 * j:16 * j + 16]
  deg = cnt_scr[: _N, 0:1] + 1.0
  dinv = lax.rsqrt(deg)
  y1 = xw_ref[...] * dinv
  ya[...] = y1[:, :16]
  yb[...] = y1[:, 16:]
  for c, ys in enumerate((ya, yb)):
    y1_ref[c, :_NR16] = jnp.concatenate(
        [ys[j::8, :] for j in range(8)], axis=1)
    y1_ref[c, _NR16:] = jnp.zeros((_YP16 - _NR16, 128), _f32)
  dinv_ref[...] = dinv


_tc1 = pl.pallas_call(
    _tc1_body,
    out_shape=(jax.ShapeDtypeStruct((_NC, _YP16, 128), _f32),
               jax.ShapeDtypeStruct((_N, 1), _f32)),
    scratch_shapes=[pltpu.VMEM((_NACC, 16), _f32),
                    pltpu.VMEM((_N, 16), _f32),
                    pltpu.VMEM((_N, 16), _f32)])


def _tc2_body(acc_ref, y1_ref, dinv_ref, b1_ref, w2_ref, y2_ref, aa, ab,
              ya, yb):
  dinv = dinv_ref[...]
  for c, asr in enumerate((aa, ab)):
    ap = acc_ref[c][:_NR16] + y1_ref[c][:_NR16]
    for j in range(8):
      asr[j::8, :] = ap[:, 16 * j:16 * j + 16]
  a = jnp.concatenate([aa[...], ab[...]], axis=1)
  h1 = jnp.maximum(a * dinv + b1_ref[...], 0.0)
  y2 = jnp.dot(h1, w2_ref[...], preferred_element_type=_f32) * dinv
  ya[...] = y2[:, :32]
  yb[...] = y2[:, 32:]
  for c, ys in enumerate((ya, yb)):
    y2_ref[c, :_NR32] = jnp.concatenate(
        [ys[j::4, :] for j in range(4)], axis=1)
    y2_ref[c, _NR32:] = jnp.zeros((_YP32 - _NR32, 128), _f32)


_tc2 = pl.pallas_call(
    _tc2_body,
    out_shape=jax.ShapeDtypeStruct((_NC, _YP32, 128), _f32),
    scratch_shapes=[pltpu.VMEM((_N, 16), _f32),
                    pltpu.VMEM((_N, 16), _f32),
                    pltpu.VMEM((_N, 32), _f32),
                    pltpu.VMEM((_N, 32), _f32)])


def _tc3_body(acc_ref, y2_ref, dinv_ref, b2_ref, batch_ref, wf_ref, bf_ref,
              out_ref, ha, hb):
  for c, hs in enumerate((ha, hb)):
    ap = acc_ref[c][:_NR32] + y2_ref[c][:_NR32]
    for j in range(4):
      hs[j::4, :] = ap[:, 32 * j:32 * j + 32]
  a = jnp.concatenate([ha[...], hb[...]], axis=1)
  h2 = jnp.maximum(a * dinv_ref[...] + b2_ref[...], 0.0)
  gid = lax.broadcasted_iota(jnp.int32, (_G, _N), 0)
  seg = (gid == batch_ref[...]).astype(_f32)
  sums = jnp.dot(seg, h2, preferred_element_type=_f32)
  cnts = jnp.sum(seg, axis=1, keepdims=True)
  pooled = sums / jnp.maximum(cnts, 1.0)
  logits = jnp.dot(pooled, wf_ref[...], preferred_element_type=_f32) + bf_ref[...]
  out_ref[...] = 1.0 / (1.0 + jnp.exp(-logits))


_tc3 = pl.pallas_call(
    _tc3_body,
    out_shape=jax.ShapeDtypeStruct((_G, 1), _f32),
    scratch_shapes=[pltpu.VMEM((_N, 32), _f32),
                    pltpu.VMEM((_N, 32), _f32)])


def kernel(x, edge_index, batch, W1, b1, W2, b2, Wf, bf):
  er = _tce(edge_index.astype(jnp.int32).reshape(2 * _EROWS, _CW))
  dacc = _deg_pass(er)
  dacc_p = dacc.reshape(_NC, _NACC * 16 // 128, 128)
  xw = _tc0(x, W1)
  y1p, dinv = _tc1(xw, dacc_p)
  y1s = y1p.reshape(_NC, _YP16 * 128 // 16, 16)
  acc1 = _seg_pass16(y1s, er)
  acc1_p = acc1.reshape(_NC, _NACC * 16 // 128, 128)
  y2p = _tc2(acc1_p, y1p, dinv, b1.reshape(1, 32), W2)
  y2s = y2p.reshape(_NC, _YP32 * 128 // 32, 32)
  acc2 = _seg_pass32(y2s, er)
  acc2_p = acc2.reshape(_NC, _NACC * 32 // 128, 128)
  out = _tc3(acc2_p, y2p, dinv, b2.reshape(1, 64),
             batch.astype(jnp.int32).reshape(1, _N), Wf, bf.reshape(1, 1))
  return out.reshape(-1)

# --- scband reference (transcript-rebuilt; emitter-appended) ---
"""Pipeline reference for scband-gcn-48017734369800 (READ-ONLY COPY).

The authoritative reference and input builder live on the scoring server;
editing this copy changes nothing except your own understanding.
"""

import jax, jax.numpy as jnp
import numpy as np

N = 10000
E = 320000
D = 128
NUM_GRAPHS = 64


def setup_inputs(seed: int = 0):
    key = jax.random.key(seed)
    k1, k2, k3, k4, k5, k6 = jax.random.split(key, 6)
    x = jax.random.normal(k1, (N, D), dtype=jnp.float32)
    edge_index = jax.random.randint(k2, (2, E), 0, N)
    batch = jnp.sort(jax.random.randint(k3, (N,), 0, NUM_GRAPHS))
    W1 = jax.random.normal(k4, (D, 32), dtype=jnp.float32) * 0.1
    b1 = jnp.zeros((32,), dtype=jnp.float32)
    W2 = jax.random.normal(k5, (32, 64), dtype=jnp.float32) * 0.1
    b2 = jnp.zeros((64,), dtype=jnp.float32)
    Wf = jax.random.normal(k6, (64, 1), dtype=jnp.float32) * 0.1
    bf = jnp.zeros((1,), dtype=jnp.float32)
    return {"x": x, "edge_index": edge_index, "batch": batch,
            "W1": W1, "b1": b1, "W2": W2, "b2": b2, "Wf": Wf, "bf": bf}


def _gcn_conv(h, s, d, norm, W, b):
    # GCNConv: x' = D^{-1/2}(A+I)D^{-1/2} (x W) + b
    m = (h @ W)[s] * norm
    agg = jax.ops.segment_sum(m, d, num_segments=N)
    return agg + b


def reference(x, edge_index, batch, W1, b1, W2, b2, Wf, bf):
    src = edge_index[0]
    dst = edge_index[1]
    loop = jnp.arange(N, dtype=src.dtype)
    s = jnp.concatenate([src, loop])
    d = jnp.concatenate([dst, loop])
    deg = jax.ops.segment_sum(jnp.ones_like(d, dtype=x.dtype), d, num_segments=N)
    dinv = jax.lax.rsqrt(jnp.maximum(deg, 1.0))
    norm = (dinv[s] * dinv[d])[:, None]
    h1 = jax.nn.relu(_gcn_conv(x, s, d, norm, W1, b1))
    # dropout p=0.2 only active in training; eval mode -> identity
    h2 = jax.nn.relu(_gcn_conv(h1, s, d, norm, W2, b2))
    sums = jax.ops.segment_sum(h2, batch, num_segments=NUM_GRAPHS)
    cnts = jax.ops.segment_sum(jnp.ones((N,), dtype=h2.dtype), batch, num_segments=NUM_GRAPHS)
    pooled = sums / jnp.maximum(cnts, 1.0)[:, None]
    out = jax.nn.sigmoid(pooled @ Wf + bf).reshape(-1)
    return out

if __name__ == "__main__":
    import jax
    _d = setup_inputs()
    print(jax.jit(kernel)(*tuple(_d.values())))

</pallas_src>

<mosaic_0001>
#map = affine_map<(d0, d1) -> (0, 0, 0)>
#map1 = affine_map<(d0, d1) -> (0, 0)>
module attributes {stable_mosaic.version = 14 : i64} {
  func.func @body(%arg0: i32, %arg1: i32, %arg2: memref<2x10016x32xf32, #tpu.memory_space<hbm>>, %arg3: memref<5120x128xi32, #tpu.memory_space<hbm>>, %arg4: memref<2x10112x32xf32, #tpu.memory_space<hbm>>, %arg5: memref<160x128xi32, #tpu.memory_space<vmem>>, %arg6: memref<160x128xi32, #tpu.memory_space<vmem>>, %arg7: memref<8x128x32xf32, #tpu.memory_space<vmem>>, %arg8: memref<10112x32xf32, #tpu.memory_space<vmem_shared>>, %arg9: memref<10000x32xf32, #tpu.memory_space<vmem_shared>>, %arg10: memref<!tpu.dma_semaphore, #tpu.memory_space<semaphore_mem>>, %arg11: memref<!tpu.dma_semaphore, #tpu.memory_space<semaphore_mem>>, %arg12: memref<!tpu.dma_semaphore, #tpu.memory_space<semaphore_mem>>, %arg13: memref<!tpu.dma_semaphore, #tpu.memory_space<semaphore_mem>>) attributes {dimension_semantics = [#tpu.dimension_semantics<core_parallel>, #tpu.dimension_semantics<subcore_parallel>], iteration_bounds = array<i64: 2, 16>, scalar_prefetch = 0 : i64, scratch_operands = 9 : i64, tpu.core_type = #tpu.core_type<sc_vector_subcore>, window_params = [{transform_indices = #map}, {transform_indices = #map1}, {transform_indices = #map}]} {
    %lt3A = arith.constant 15 : i32
    %lt3A_0 = arith.cmpi slt, %arg1, %lt3A : i32
    %convert_element_type3A = arith.extui %lt3A_0 : i1 to i32
    %cond3A = arith.constant 0 : i32
    %cond3A_1 = arith.cmpi ne, %convert_element_type3A, %cond3A : i32
    scf.if %cond3A_1 {
      %mul3A_42 = arith.constant 632 : i32
      %mul3A_43 = arith.muli %arg1, %mul3A_42 : i32
      %mul3A_44 = arith.constant 632 : i32
      %mul3A_45 = arith.muli %arg1, %mul3A_44 : i32
      "tpu.region"() ({
        %run_scoped3A_46 = tpu.sem_alloc : memref<!tpu.dma_semaphore, #tpu.memory_space<semaphore_mem>>
        %dma_start3A = arith.constant 0 : i32
        %dma_start3A_47 = tpu.memref_slice %arg9[%mul3A_45, %dma_start3A] : memref<10000x32xf32, #tpu.memory_space<vmem_shared>> -> memref<632x32xf32, #tpu.memory_space<vmem_shared>>
        %dma_start3A_48 = arith.constant 0 : i32
        %dma_start3A_49 = tpu.memref_slice %arg2[%arg0, %mul3A_43, %dma_start3A_48] : memref<2x10016x32xf32, #tpu.memory_space<hbm>> -> memref<1x632x32xf32, #tpu.memory_space<hbm>>
        %dma_start3A_50 = tpu.memref_squeeze %dma_start3A_49 : memref<1x632x32xf32, #tpu.memory_space<hbm>> -> memref<632x32xf32, #tpu.memory_space<hbm>>
        tpu.enqueue_dma source(%dma_start3A_50 : memref<632x32xf32, #tpu.memory_space<hbm>>) target(%dma_start3A_47 : memref<632x32xf32, #tpu.memory_space<vmem_shared>>) target_semaphore(%run_scoped3A_46 : memref<!tpu.dma_semaphore, #tpu.memory_space<semaphore_mem>>)
        %dma_wait3A = arith.constant 0 : i32
        %dma_wait3A_51 = tpu.memref_slice %arg9[%mul3A_45, %dma_wait3A] : memref<10000x32xf32, #tpu.memory_space<vmem_shared>> -> memref<632x32xf32, #tpu.memory_space<vmem_shared>>
        %dma_wait3A_52 = arith.constant 0 : i32
        %dma_wait3A_53 = tpu.memref_slice %arg2[%arg0, %mul3A_43, %dma_wait3A_52] : memref<2x10016x32xf32, #tpu.memory_space<hbm>> -> memref<1x632x32xf32, #tpu.memory_space<hbm>>
        %dma_wait3A_54 = tpu.memref_squeeze %dma_wait3A_53 : memref<1x632x32xf32, #tpu.memory_space<hbm>> -> memref<632x32xf32, #tpu.memory_space<hbm>>
        tpu.wait_dma2 semaphore(%run_scoped3A_46 : memref<!tpu.dma_semaphore, #tpu.memory_space<semaphore_mem>>) src(%dma_wait3A_54 : memref<632x32xf32, #tpu.memory_space<hbm>>) dst(%dma_wait3A_51 : memref<632x32xf32, #tpu.memory_space<vmem_shared>>)
        tpu.yield
      }) : () -> ()
    } else {
    }
    %eq3A = arith.constant 15 : i32
    %eq3A_2 = arith.cmpi eq, %arg1, %eq3A : i32
    %convert_element_type3A_3 = arith.extui %eq3A_2 : i1 to i32
    %cond3A_4 = arith.constant 0 : i32
    %cond3A_5 = arith.cmpi ne, %convert_element_type3A_3, %cond3A_4 : i32
    scf.if %cond3A_5 {
      "tpu.region"() ({
        %run_scoped3A_42 = tpu.sem_alloc : memref<!tpu.dma_semaphore, #tpu.memory_space<semaphore_mem>>
        %dma_start3A = arith.constant 9480 : i32
        %dma_start3A_43 = arith.constant 0 : i32
        %dma_start3A_44 = tpu.memref_slice %arg9[%dma_start3A, %dma_start3A_43] : memref<10000x32xf32, #tpu.memory_space<vmem_shared>> -> memref<520x32xf32, #tpu.memory_space<vmem_shared>>
        %dma_start3A_45 = arith.constant 9480 : i32
        %dma_start3A_46 = arith.constant 0 : i32
        %dma_start3A_47 = tpu.memref_slice %arg2[%arg0, %dma_start3A_45, %dma_start3A_46] : memref<2x10016x32xf32, #tpu.memory_space<hbm>> -> memref<1x520x32xf32, #tpu.memory_space<hbm>>
        %dma_start3A_48 = tpu.memref_squeeze %dma_start3A_47 : memref<1x520x32xf32, #tpu.memory_space<hbm>> -> memref<520x32xf32, #tpu.memory_space<hbm>>
        tpu.enqueue_dma source(%dma_start3A_48 : memref<520x32xf32, #tpu.memory_space<hbm>>) target(%dma_start3A_44 : memref<520x32xf32, #tpu.memory_space<vmem_shared>>) target_semaphore(%run_scoped3A_42 : memref<!tpu.dma_semaphore, #tpu.memory_space<semaphore_mem>>)
        %dma_wait3A = arith.constant 9480 : i32
        %dma_wait3A_49 = arith.constant 0 : i32
        %dma_wait3A_50 = tpu.memref_slice %arg9[%dma_wait3A, %dma_wait3A_49] : memref<10000x32xf32, #tpu.memory_space<vmem_shared>> -> memref<520x32xf32, #tpu.memory_space<vmem_shared>>
        %dma_wait3A_51 = arith.constant 9480 : i32
        %dma_wait3A_52 = arith.constant 0 : i32
        %dma_wait3A_53 = tpu.memref_slice %arg2[%arg0, %dma_wait3A_51, %dma_wait3A_52] : memref<2x10016x32xf32, #tpu.memory_space<hbm>> -> memref<1x520x32xf32, #tpu.memory_space<hbm>>
        %dma_wait3A_54 = tpu.memref_squeeze %dma_wait3A_53 : memref<1x520x32xf32, #tpu.memory_space<hbm>> -> memref<520x32xf32, #tpu.memory_space<hbm>>
        tpu.wait_dma2 semaphore(%run_scoped3A_42 : memref<!tpu.dma_semaphore, #tpu.memory_space<semaphore_mem>>) src(%dma_wait3A_54 : memref<520x32xf32, #tpu.memory_space<hbm>>) dst(%dma_wait3A_50 : memref<520x32xf32, #tpu.memory_space<vmem_shared>>)
        tpu.yield
      }) : () -> ()
    } else {
    }
    %scan3A = arith.constant 0 : i32
    %scan3A_6 = arith.constant 0 : i32
    %scan3A_7 = arith.constant 128 : i32
    %scan3A_8 = arith.addi %scan3A_6, %scan3A_7 : i32
    %scan3A_9 = arith.constant 1 : i32
    scf.for %scan3A_42 = %scan3A_6 to %scan3A_8 step %scan3A_9  : i32 {
      %broadcast_in_dim3A = arith.constant 0.000000e+00 : f32
      %broadcast_in_dim3A_43 = vector.broadcast %broadcast_in_dim3A : f32 to vector<16xf32>
      %swap3A = arith.constant 0 : i32
      %swap3A_44 = arith.index_cast %swap3A : i32 to index
      %swap3A_45 = arith.index_cast %scan3A_42 : i32 to index
      %swap3A_46 = arith.constant 0 : index
      %swap3A_47 = tpu.vector_load %arg7[%swap3A_44, %swap3A_45, %swap3A_46] {strides = array<i32>} : memref<8x128x32xf32, #tpu.memory_space<vmem>>, vector<1x1x16xf32>,
      %swap3A_48 = vector.shape_cast %swap3A_47 : vector<1x1x16xf32> to vector<16xf32>
      %swap3A_49 = vector.shape_cast %broadcast_in_dim3A_43 : vector<16xf32> to vector<1x1x16xf32>
      tpu.vector_store %arg7[%swap3A_44, %swap3A_45, %swap3A_46], %swap3A_49 {strides = array<i32>} : memref<8x128x32xf32, #tpu.memory_space<vmem>>, vector<1x1x16xf32>,
      %broadcast_in_dim3A_50 = arith.constant 0.000000e+00 : f32
      %broadcast_in_dim3A_51 = vector.broadcast %broadcast_in_dim3A_50 : f32 to vector<16xf32>
      %swap3A_52 = arith.constant 0 : i32
      %swap3A_53 = arith.index_cast %swap3A_52 : i32 to index
      %swap3A_54 = arith.index_cast %scan3A_42 : i32 to index
      %swap3A_55 = arith.constant 16 : index
      %swap3A_56 = tpu.vector_load %arg7[%swap3A_53, %swap3A_54, %swap3A_55] {strides = array<i32>} : memref<8x128x32xf32, #tpu.memory_space<vmem>>, vector<1x1x16xf32>,
      %swap3A_57 = vector.shape_cast %swap3A_56 : vector<1x1x16xf32> to vector<16xf32>
      %swap3A_58 = vector.shape_cast %broadcast_in_dim3A_51 : vector<16xf32> to vector<1x1x16xf32>
      tpu.vector_store %arg7[%swap3A_53, %swap3A_54, %swap3A_55], %swap3A_58 {strides = array<i32>} : memref<8x128x32xf32, #tpu.memory_space<vmem>>, vector<1x1x16xf32>,
    }
    %scan3A_10 = arith.constant 128 : i32
    %mul3A = arith.constant 632 : i32
    %mul3A_11 = arith.muli %arg1, %mul3A : i32
    %add3A = arith.constant 0 : i32
    %add3A_12 = arith.addi %mul3A_11, %add3A : i32
    %run_scoped3A = arith.constant 0 : i32
    "tpu.region"() ({
      %run_scoped3A_42 = tpu.sem_alloc : memref<!tpu.dma_semaphore, #tpu.memory_space<semaphore_mem>>
      %dma_start3A = arith.constant 0 : i32
      %dma_start3A_43 = arith.constant 0 : i32
      %dma_start3A_44 = tpu.memref_slice %arg7[%run_scoped3A, %dma_start3A, %dma_start3A_43] : memref<8x128x32xf32, #tpu.memory_space<vmem>> -> memref<1x128x32xf32, #tpu.memory_space<vmem>>
      %dma_start3A_45 = tpu.memref_squeeze %dma_start3A_44 : memref<1x128x32xf32, #tpu.memory_space<vmem>> -> memref<128x32xf32, #tpu.memory_space<vmem>>
      %dma_start3A_46 = arith.constant 0 : i32
      %dma_start3A_47 = tpu.memref_slice %arg8[%add3A_12, %dma_start3A_46] : memref<10112x32xf32, #tpu.memory_space<vmem_shared>> -> memref<128x32xf32, #tpu.memory_space<vmem_shared>>
      %dma_start3A_48 = arith.constant 0 : i32
      %dma_start3A_49 = tpu.memref_slice %arg8[%add3A_12, %dma_start3A_48] : memref<10112x32xf32, #tpu.memory_space<vmem_shared>> -> memref<128x32xf32, #tpu.memory_space<vmem_shared>>
      %dma_start3A_50 = arith.constant 0 : i32
      %dma_start3A_51 = arith.constant 0 : i32
      %dma_start3A_52 = tpu.memref_slice %arg7[%run_scoped3A, %dma_start3A_50, %dma_start3A_51] : memref<8x128x32xf32, #tpu.memory_space<vmem>> -> memref<1x128x32xf32, #tpu.memory_space<vmem>>
      %dma_start3A_53 = tpu.memref_squeeze %dma_start3A_52 : memref<1x128x32xf32, #tpu.memory_space<vmem>> -> memref<128x32xf32, #tpu.memory_space<vmem>>
      tpu.enqueue_dma source(%dma_start3A_53 : memref<128x32xf32, #tpu.memory_space<vmem>>) target(%dma_start3A_49 : memref<128x32xf32, #tpu.memory_space<vmem_shared>>) target_semaphore(%run_scoped3A_42 : memref<!tpu.dma_semaphore, #tpu.memory_space<semaphore_mem>>)
      %dma_wait3A = arith.constant 0 : i32
      %dma_wait3A_54 = arith.constant 0 : i32
      %dma_wait3A_55 = tpu.memref_slice %arg7[%run_scoped3A, %dma_wait3A, %dma_wait3A_54] : memref<8x128x32xf32, #tpu.memory_space<vmem>> -> memref<1x128x32xf32, #tpu.memory_space<vmem>>
      %dma_wait3A_56 = tpu.memref_squeeze %dma_wait3A_55 : memref<1x128x32xf32, #tpu.memory_space<vmem>> -> memref<128x32xf32, #tpu.memory_space<vmem>>
      %dma_wait3A_57 = arith.constant 0 : i32
      %dma_wait3A_58 = tpu.memref_slice %arg8[%add3A_12, %dma_wait3A_57] : memref<10112x32xf32, #tpu.memory_space<vmem_shared>> -> memref<128x32xf32, #tpu.memory_space<vmem_shared>>
      %dma_wait3A_59 = arith.constant 0 : i32
      %dma_wait3A_60 = tpu.memref_slice %arg8[%add3A_12, %dma_wait3A_59] : memref<10112x32xf32, #tpu.memory_space<vmem_shared>> -> memref<128x32xf32, #tpu.memory_space<vmem_shared>>
      %dma_wait3A_61 = arith.constant 0 : i32
      %dma_wait3A_62 = arith.constant 0 : i32
      %dma_wait3A_63 = tpu.memref_slice %arg7[%run_scoped3A, %dma_wait3A_61, %dma_wait3A_62] : memref<8x128x32xf32, #tpu.memory_space<vmem>> -> memref<1x128x32xf32, #tpu.memory_space<vmem>>
      %dma_wait3A_64 = tpu.memref_squeeze %dma_wait3A_63 : memref<1x128x32xf32, #tpu.memory_space<vmem>> -> memref<128x32xf32, #tpu.memory_space<vmem>>
      tpu.wait_dma2 semaphore(%run_scoped3A_42 : memref<!tpu.dma_semaphore, #tpu.memory_space<semaphore_mem>>) src(%dma_wait3A_64 : memref<128x32xf32, #tpu.memory_space<vmem>>) dst(%dma_wait3A_60 : memref<128x32xf32, #tpu.memory_space<vmem_shared>>)
      tpu.yield
    }) : () -> ()
    %add3A_13 = arith.constant 128 : i32
    %add3A_14 = arith.addi %mul3A_11, %add3A_13 : i32
    %run_scoped3A_15 = arith.constant 0 : i32
    "tpu.region"() ({
      %run_scoped3A_42 = tpu.sem_alloc : memref<!tpu.dma_semaphore, #tpu.memory_space<semaphore_mem>>
      %dma_start3A = arith.constant 0 : i32
      %dma_start3A_43 = arith.constant 0 : i32
      %dma_start3A_44 = tpu.memref_slice %arg7[%run_scoped3A_15, %dma_start3A, %dma_start3A_43] : memref<8x128x32xf32, #tpu.memory_space<vmem>> -> memref<1x128x32xf32, #tpu.memory_space<vmem>>
      %dma_start3A_45 = tpu.memref_squeeze %dma_start3A_44 : memref<1x128x32xf32, #tpu.memory_space<vmem>> -> memref<128x32xf32, #tpu.memory_space<vmem>>
      %dma_start3A_46 = arith.constant 0 : i32
      %dma_start3A_47 = tpu.memref_slice %arg8[%add3A_14, %dma_start3A_46] : memref<10112x32xf32, #tpu.memory_space<vmem_shared>> -> memref<128x32xf32, #tpu.memory_space<vmem_shared>>
      %dma_start3A_48 = arith.constant 0 : i32
      %dma_start3A_49 = tpu.memref_slice %arg8[%add3A_14, %dma_start3A_48] : memref<10112x32xf32, #tpu.memory_space<vmem_shared>> -> memref<128x32xf32, #tpu.memory_space<vmem_shared>>
      %dma_start3A_50 = arith.constant 0 : i32
      %dma_start3A_51 = arith.constant 0 : i32
      %dma_start3A_52 = tpu.memref_slice %arg7[%run_scoped3A_15, %dma_start3A_50, %dma_start3A_51] : memref<8x128x32xf32, #tpu.memory_space<vmem>> -> memref<1x128x32xf32, #tpu.memory_space<vmem>>
      %dma_start3A_53 = tpu.memref_squeeze %dma_start3A_52 : memref<1x128x32xf32, #tpu.memory_space<vmem>> -> memref<128x32xf32, #tpu.memory_space<vmem>>
      tpu.enqueue_dma source(%dma_start3A_53 : memref<128x32xf32, #tpu.memory_space<vmem>>) target(%dma_start3A_49 : memref<128x32xf32, #tpu.memory_space<vmem_shared>>) target_semaphore(%run_scoped3A_42 : memref<!tpu.dma_semaphore, #tpu.memory_space<semaphore_mem>>)
      %dma_wait3A = arith.constant 0 : i32
      %dma_wait3A_54 = arith.constant 0 : i32
      %dma_wait3A_55 = tpu.memref_slice %arg7[%run_scoped3A_15, %dma_wait3A, %dma_wait3A_54] : memref<8x128x32xf32, #tpu.memory_space<vmem>> -> memref<1x128x32xf32, #tpu.memory_space<vmem>>
      %dma_wait3A_56 = tpu.memref_squeeze %dma_wait3A_55 : memref<1x128x32xf32, #tpu.memory_space<vmem>> -> memref<128x32xf32, #tpu.memory_space<vmem>>
      %dma_wait3A_57 = arith.constant 0 : i32
      %dma_wait3A_58 = tpu.memref_slice %arg8[%add3A_14, %dma_wait3A_57] : memref<10112x32xf32, #tpu.memory_space<vmem_shared>> -> memref<128x32xf32, #tpu.memory_space<vmem_shared>>
      %dma_wait3A_59 = arith.constant 0 : i32
      %dma_wait3A_60 = tpu.memref_slice %arg8[%add3A_14, %dma_wait3A_59] : memref<10112x32xf32, #tpu.memory_space<vmem_shared>> -> memref<128x32xf32, #tpu.memory_space<vmem_shared>>
      %dma_wait3A_61 = arith.constant 0 : i32
      %dma_wait3A_62 = arith.constant 0 : i32
      %dma_wait3A_63 = tpu.memref_slice %arg7[%run_scoped3A_15, %dma_wait3A_61, %dma_wait3A_62] : memref<8x128x32xf32, #tpu.memory_space<vmem>> -> memref<1x128x32xf32, #tpu.memory_space<vmem>>
      %dma_wait3A_64 = tpu.memref_squeeze %dma_wait3A_63 : memref<1x128x32xf32, #tpu.memory_space<vmem>> -> memref<128x32xf32, #tpu.memory_space<vmem>>
      tpu.wait_dma2 semaphore(%run_scoped3A_42 : memref<!tpu.dma_semaphore, #tpu.memory_space<semaphore_mem>>) src(%dma_wait3A_64 : memref<128x32xf32, #tpu.memory_space<vmem>>) dst(%dma_wait3A_60 : memref<128x32xf32, #tpu.memory_space<vmem_shared>>)
      tpu.yield
    }) : () -> ()
    %add3A_16 = arith.constant 256 : i32
    %add3A_17 = arith.addi %mul3A_11, %add3A_16 : i32
    %run_scoped3A_18 = arith.constant 0 : i32
    "tpu.region"() ({
      %run_scoped3A_42 = tpu.sem_alloc : memref<!tpu.dma_semaphore, #tpu.memory_space<semaphore_mem>>
      %dma_start3A = arith.constant 0 : i32
      %dma_start3A_43 = arith.constant 0 : i32
      %dma_start3A_44 = tpu.memref_slice %arg7[%run_scoped3A_18, %dma_start3A, %dma_start3A_43] : memref<8x128x32xf32, #tpu.memory_space<vmem>> -> memref<1x128x32xf32, #tpu.memory_space<vmem>>
      %dma_start3A_45 = tpu.memref_squeeze %dma_start3A_44 : memref<1x128x32xf32, #tpu.memory_space<vmem>> -> memref<128x32xf32, #tpu.memory_space<vmem>>
      %dma_start3A_46 = arith.constant 0 : i32
      %dma_start3A_47 = tpu.memref_slice %arg8[%add3A_17, %dma_start3A_46] : memref<10112x32xf32, #tpu.memory_space<vmem_shared>> -> memref<128x32xf32, #tpu.memory_space<vmem_shared>>
      %dma_start3A_48 = arith.constant 0 : i32
      %dma_start3A_49 = tpu.memref_slice %arg8[%add3A_17, %dma_start3A_48] : memref<10112x32xf32, #tpu.memory_space<vmem_shared>> -> memref<128x32xf32, #tpu.memory_space<vmem_shared>>
      %dma_start3A_50 = arith.constant 0 : i32
      %dma_start3A_51 = arith.constant 0 : i32
      %dma_start3A_52 = tpu.memref_slice %arg7[%run_scoped3A_18, %dma_start3A_50, %dma_start3A_51] : memref<8x128x32xf32, #tpu.memory_space<vmem>> -> memref<1x128x32xf32, #tpu.memory_space<vmem>>
      %dma_start3A_53 = tpu.memref_squeeze %dma_start3A_52 : memref<1x128x32xf32, #tpu.memory_space<vmem>> -> memref<128x32xf32, #tpu.memory_space<vmem>>
      tpu.enqueue_dma source(%dma_start3A_53 : memref<128x32xf32, #tpu.memory_space<vmem>>) target(%dma_start3A_49 : memref<128x32xf32, #tpu.memory_space<vmem_shared>>) target_semaphore(%run_scoped3A_42 : memref<!tpu.dma_semaphore, #tpu.memory_space<semaphore_mem>>)
      %dma_wait3A = arith.constant 0 : i32
      %dma_wait3A_54 = arith.constant 0 : i32
      %dma_wait3A_55 = tpu.memref_slice %arg7[%run_scoped3A_18, %dma_wait3A, %dma_wait3A_54] : memref<8x128x32xf32, #tpu.memory_space<vmem>> -> memref<1x128x32xf32, #tpu.memory_space<vmem>>
      %dma_wait3A_56 = tpu.memref_squeeze %dma_wait3A_55 : memref<1x128x32xf32, #tpu.memory_space<vmem>> -> memref<128x32xf32, #tpu.memory_space<vmem>>
      %dma_wait3A_57 = arith.constant 0 : i32
      %dma_wait3A_58 = tpu.memref_slice %arg8[%add3A_17, %dma_wait3A_57] : memref<10112x32xf32, #tpu.memory_space<vmem_shared>> -> memref<128x32xf32, #tpu.memory_space<vmem_shared>>
      %dma_wait3A_59 = arith.constant 0 : i32
      %dma_wait3A_60 = tpu.memref_slice %arg8[%add3A_17, %dma_wait3A_59] : memref<10112x32xf32, #tpu.memory_space<vmem_shared>> -> memref<128x32xf32, #tpu.memory_space<vmem_shared>>
      %dma_wait3A_61 = arith.constant 0 : i32
      %dma_wait3A_62 = arith.constant 0 : i32
      %dma_wait3A_63 = tpu.memref_slice %arg7[%run_scoped3A_18, %dma_wait3A_61, %dma_wait3A_62] : memref<8x128x32xf32, #tpu.memory_space<vmem>> -> memref<1x128x32xf32, #tpu.memory_space<vmem>>
      %dma_wait3A_64 = tpu.memref_squeeze %dma_wait3A_63 : memref<1x128x32xf32, #tpu.memory_space<vmem>> -> memref<128x32xf32, #tpu.memory_space<vmem>>
      tpu.wait_dma2 semaphore(%run_scoped3A_42 : memref<!tpu.dma_semaphore, #tpu.memory_space<semaphore_mem>>) src(%dma_wait3A_64 : memref<128x32xf32, #tpu.memory_space<vmem>>) dst(%dma_wait3A_60 : memref<128x32xf32, #tpu.memory_space<vmem_shared>>)
      tpu.yield
    }) : () -> ()
    %add3A_19 = arith.constant 384 : i32
    %add3A_20 = arith.addi %mul3A_11, %add3A_19 : i32
    %run_scoped3A_21 = arith.constant 0 : i32
    "tpu.region"() ({
      %run_scoped3A_42 = tpu.sem_alloc : memref<!tpu.dma_semaphore, #tpu.memory_space<semaphore_mem>>
      %dma_start3A = arith.constant 0 : i32
      %dma_start3A_43 = arith.constant 0 : i32
      %dma_start3A_44 = tpu.memref_slice %arg7[%run_scoped3A_21, %dma_start3A, %dma_start3A_43] : memref<8x128x32xf32, #tpu.memory_space<vmem>> -> memref<1x128x32xf32, #tpu.memory_space<vmem>>
      %dma_start3A_45 = tpu.memref_squeeze %dma_start3A_44 : memref<1x128x32xf32, #tpu.memory_space<vmem>> -> memref<128x32xf32, #tpu.memory_space<vmem>>
      %dma_start3A_46 = arith.constant 0 : i32
      %dma_start3A_47 = tpu.memref_slice %arg8[%add3A_20, %dma_start3A_46] : memref<10112x32xf32, #tpu.memory_space<vmem_shared>> -> memref<128x32xf32, #tpu.memory_space<vmem_shared>>
      %dma_start3A_48 = arith.constant 0 : i32
      %dma_start3A_49 = tpu.memref_slice %arg8[%add3A_20, %dma_start3A_48] : memref<10112x32xf32, #tpu.memory_space<vmem_shared>> -> memref<128x32xf32, #tpu.memory_space<vmem_shared>>
      %dma_start3A_50 = arith.constant 0 : i32
      %dma_start3A_51 = arith.constant 0 : i32
      %dma_start3A_52 = tpu.memref_slice %arg7[%run_scoped3A_21, %dma_start3A_50, %dma_start3A_51] : memref<8x128x32xf32, #tpu.memory_space<vmem>> -> memref<1x128x32xf32, #tpu.memory_space<vmem>>
      %dma_start3A_53 = tpu.memref_squeeze %dma_start3A_52 : memref<1x128x32xf32, #tpu.memory_space<vmem>> -> memref<128x32xf32, #tpu.memory_space<vmem>>
      tpu.enqueue_dma source(%dma_start3A_53 : memref<128x32xf32, #tpu.memory_space<vmem>>) target(%dma_start3A_49 : memref<128x32xf32, #tpu.memory_space<vmem_shared>>) target_semaphore(%run_scoped3A_42 : memref<!tpu.dma_semaphore, #tpu.memory_space<semaphore_mem>>)
      %dma_wait3A = arith.constant 0 : i32
      %dma_wait3A_54 = arith.constant 0 : i32
      %dma_wait3A_55 = tpu.memref_slice %arg7[%run_scoped3A_21, %dma_wait3A, %dma_wait3A_54] : memref<8x128x32xf32, #tpu.memory_space<vmem>> -> memref<1x128x32xf32, #tpu.memory_space<vmem>>
      %dma_wait3A_56 = tpu.memref_squeeze %dma_wait3A_55 : memref<1x128x32xf32, #tpu.memory_space<vmem>> -> memref<128x32xf32, #tpu.memory_space<vmem>>
      %dma_wait3A_57 = arith.constant 0 : i32
      %dma_wait3A_58 = tpu.memref_slice %arg8[%add3A_20, %dma_wait3A_57] : memref<10112x32xf32, #tpu.memory_space<vmem_shared>> -> memref<128x32xf32, #tpu.memory_space<vmem_shared>>
      %dma_wait3A_59 = arith.constant 0 : i32
      %dma_wait3A_60 = tpu.memref_slice %arg8[%add3A_20, %dma_wait3A_59] : memref<10112x32xf32, #tpu.memory_space<vmem_shared>> -> memref<128x32xf32, #tpu.memory_space<vmem_shared>>
      %dma_wait3A_61 = arith.constant 0 : i32
      %dma_wait3A_62 = arith.constant 0 : i32
      %dma_wait3A_63 = tpu.memref_slice %arg7[%run_scoped3A_21, %dma_wait3A_61, %dma_wait3A_62] : memref<8x128x32xf32, #tpu.memory_space<vmem>> -> memref<1x128x32xf32, #tpu.memory_space<vmem>>
      %dma_wait3A_64 = tpu.memref_squeeze %dma_wait3A_63 : memref<1x128x32xf32, #tpu.memory_space<vmem>> -> memref<128x32xf32, #tpu.memory_space<vmem>>
      tpu.wait_dma2 semaphore(%run_scoped3A_42 : memref<!tpu.dma_semaphore, #tpu.memory_space<semaphore_mem>>) src(%dma_wait3A_64 : memref<128x32xf32, #tpu.memory_space<vmem>>) dst(%dma_wait3A_60 : memref<128x32xf32, #tpu.memory_space<vmem_shared>>)
      tpu.yield
    }) : () -> ()
    %add3A_22 = arith.constant 512 : i32
    %add3A_23 = arith.addi %mul3A_11, %add3A_22 : i32
    %run_scoped3A_24 = arith.constant 0 : i32
    "tpu.region"() ({
      %run_scoped3A_42 = tpu.sem_alloc : memref<!tpu.dma_semaphore, #tpu.memory_space<semaphore_mem>>
      %dma_start3A = arith.constant 0 : i32
      %dma_start3A_43 = arith.constant 0 : i32
      %dma_start3A_44 = tpu.memref_slice %arg7[%run_scoped3A_24, %dma_start3A, %dma_start3A_43] : memref<8x128x32xf32, #tpu.memory_space<vmem>> -> memref<1x128x32xf32, #tpu.memory_space<vmem>>
      %dma_start3A_45 = tpu.memref_squeeze %dma_start3A_44 : memref<1x128x32xf32, #tpu.memory_space<vmem>> -> memref<128x32xf32, #tpu.memory_space<vmem>>
      %dma_start3A_46 = arith.constant 0 : i32
      %dma_start3A_47 = arith.constant 0 : i32
      %dma_start3A_48 = tpu.memref_slice %dma_start3A_45[%dma_start3A_46, %dma_start3A_47] : memref<128x32xf32, #tpu.memory_space<vmem>> -> memref<120x32xf32, #tpu.memory_space<vmem>>
      %dma_start3A_49 = arith.constant 0 : i32
      %dma_start3A_50 = tpu.memref_slice %arg8[%add3A_23, %dma_start3A_49] : memref<10112x32xf32, #tpu.memory_space<vmem_shared>> -> memref<120x32xf32, #tpu.memory_space<vmem_shared>>
      %dma_start3A_51 = arith.constant 0 : i32
      %dma_start3A_52 = tpu.memref_slice %arg8[%add3A_23, %dma_start3A_51] : memref<10112x32xf32, #tpu.memory_space<vmem_shared>> -> memref<120x32xf32, #tpu.memory_space<vmem_shared>>
      %dma_start3A_53 = arith.constant 0 : i32
      %dma_start3A_54 = arith.constant 0 : i32
      %dma_start3A_55 = tpu.memref_slice %arg7[%run_scoped3A_24, %dma_start3A_53, %dma_start3A_54] : memref<8x128x32xf32, #tpu.memory_space<vmem>> -> memref<1x128x32xf32, #tpu.memory_space<vmem>>
      %dma_start3A_56 = tpu.memref_squeeze %dma_start3A_55 : memref<1x128x32xf32, #tpu.memory_space<vmem>> -> memref<128x32xf32, #tpu.memory_space<vmem>>
      %dma_start3A_57 = arith.constant 0 : i32
      %dma_start3A_58 = arith.constant 0 : i32
      %dma_start3A_59 = tpu.memref_slice %dma_start3A_56[%dma_start3A_57, %dma_start3A_58] : memref<128x32xf32, #tpu.memory_space<vmem>> -> memref<120x32xf32, #tpu.memory_space<vmem>>
      tpu.enqueue_dma source(%dma_start3A_59 : memref<120x32xf32, #tpu.memory_space<vmem>>) target(%dma_start3A_52 : memref<120x32xf32, #tpu.memory_space<vmem_shared>>) target_semaphore(%run_scoped3A_42 : memref<!tpu.dma_semaphore, #tpu.memory_space<semaphore_mem>>)
      %dma_wait3A = arith.constant 0 : i32
      %dma_wait3A_60 = arith.constant 0 : i32
      %dma_wait3A_61 = tpu.memref_slice %arg7[%run_scoped3A_24, %dma_wait3A, %dma_wait3A_60] : memref<8x128x32xf32, #tpu.memory_space<vmem>> -> memref<1x128x32xf32, #tpu.memory_space<vmem>>
      %dma_wait3A_62 = tpu.memref_squeeze %dma_wait3A_61 : memref<1x128x32xf32, #tpu.memory_space<vmem>> -> memref<128x32xf32, #tpu.memory_space<vmem>>
      %dma_wait3A_63 = arith.constant 0 : i32
      %dma_wait3A_64 = arith.constant 0 : i32
      %dma_wait3A_65 = tpu.memref_slice %dma_wait3A_62[%dma_wait3A_63, %dma_wait3A_64] : memref<128x32xf32, #tpu.memory_space<vmem>> -> memref<120x32xf32, #tpu.memory_space<vmem>>
      %dma_wait3A_66 = arith.constant 0 : i32
      %dma_wait3A_67 = tpu.memref_slice %arg8[%add3A_23, %dma_wait3A_66] : memref<10112x32xf32, #tpu.memory_space<vmem_shared>> -> memref<120x32xf32, #tpu.memory_space<vmem_shared>>
      %dma_wait3A_68 = arith.constant 0 : i32
      %dma_wait3A_69 = tpu.memref_slice %arg8[%add3A_23, %dma_wait3A_68] : memref<10112x32xf32, #tpu.memory_space<vmem_shared>> -> memref<120x32xf32, #tpu.memory_space<vmem_shared>>
      %dma_wait3A_70 = arith.constant 0 : i32
      %dma_wait3A_71 = arith.constant 0 : i32
      %dma_wait3A_72 = tpu.memref_slice %arg7[%run_scoped3A_24, %dma_wait3A_70, %dma_wait3A_71] : memref<8x128x32xf32, #tpu.memory_space<vmem>> -> memref<1x128x32xf32, #tpu.memory_space<vmem>>
      %dma_wait3A_73 = tpu.memref_squeeze %dma_wait3A_72 : memref<1x128x32xf32, #tpu.memory_space<vmem>> -> memref<128x32xf32, #tpu.memory_space<vmem>>
      %dma_wait3A_74 = arith.constant 0 : i32
      %dma_wait3A_75 = arith.constant 0 : i32
      %dma_wait3A_76 = tpu.memref_slice %dma_wait3A_73[%dma_wait3A_74, %dma_wait3A_75] : memref<128x32xf32, #tpu.memory_space<vmem>> -> memref<120x32xf32, #tpu.memory_space<vmem>>
      tpu.wait_dma2 semaphore(%run_scoped3A_42 : memref<!tpu.dma_semaphore, #tpu.memory_space<semaphore_mem>>) src(%dma_wait3A_76 : memref<120x32xf32, #tpu.memory_space<vmem>>) dst(%dma_wait3A_69 : memref<120x32xf32, #tpu.memory_space<vmem_shared>>)
      tpu.yield
    }) : () -> ()
    %barrier3A = arith.constant 0 : index
    tpu.barrier barrier_id(%barrier3A)
    %mul3A_25 = arith.constant 160 : i32
    %mul3A_26 = arith.muli %arg1, %mul3A_25 : i32
    "tpu.region"() ({
      %run_scoped3A_42 = tpu.sem_alloc : memref<!tpu.dma_semaphore, #tpu.memory_space<semaphore_mem>>
      %dma_start3A = arith.constant 0 : i32
      %dma_start3A_43 = tpu.memref_slice %arg3[%mul3A_26, %dma_start3A] : memref<5120x128xi32, #tpu.memory_space<hbm>> -> memref<160x128xi32, #tpu.memory_space<hbm>>
      %dma_start3A_44 = arith.constant 0 : i32
      %dma_start3A_45 = tpu.memref_slice %arg3[%mul3A_26, %dma_start3A_44] : memref<5120x128xi32, #tpu.memory_space<hbm>> -> memref<160x128xi32, #tpu.memory_space<hbm>>
      tpu.enqueue_dma source(%dma_start3A_45 : memref<160x128xi32, #tpu.memory_space<hbm>>) target(%arg5 : memref<160x128xi32, #tpu.memory_space<vmem>>) target_semaphore(%run_scoped3A_42 : memref<!tpu.dma_semaphore, #tpu.memory_space<semaphore_mem>>)
      %dma_wait3A = arith.constant 0 : i32
      %dma_wait3A_46 = tpu.memref_slice %arg3[%mul3A_26, %dma_wait3A] : memref<5120x128xi32, #tpu.memory_space<hbm>> -> memref<160x128xi32, #tpu.memory_space<hbm>>
      %dma_wait3A_47 = arith.constant 0 : i32
      %dma_wait3A_48 = tpu.memref_slice %arg3[%mul3A_26, %dma_wait3A_47] : memref<5120x128xi32, #tpu.memory_space<hbm>> -> memref<160x128xi32, #tpu.memory_space<hbm>>
      tpu.wait_dma2 semaphore(%run_scoped3A_42 : memref<!tpu.dma_semaphore, #tpu.memory_space<semaphore_mem>>) src(%dma_wait3A_48 : memref<160x128xi32, #tpu.memory_space<hbm>>) dst(%arg5 : memref<160x128xi32, #tpu.memory_space<vmem>>)
      tpu.yield
    }) : () -> ()
    %mul3A_27 = arith.constant 160 : i32
    %mul3A_28 = arith.muli %arg1, %mul3A_27 : i32
    %add3A_29 = arith.constant 2560 : i32
    %add3A_30 = arith.addi %add3A_29, %mul3A_28 : i32
    "tpu.region"() ({
      %run_scoped3A_42 = tpu.sem_alloc : memref<!tpu.dma_semaphore, #tpu.memory_space<semaphore_mem>>
      %dma_start3A = arith.constant 0 : i32
      %dma_start3A_43 = tpu.memref_slice %arg3[%add3A_30, %dma_start3A] : memref<5120x128xi32, #tpu.memory_space<hbm>> -> memref<160x128xi32, #tpu.memory_space<hbm>>
      %dma_start3A_44 = arith.constant 0 : i32
      %dma_start3A_45 = tpu.memref_slice %arg3[%add3A_30, %dma_start3A_44] : memref<5120x128xi32, #tpu.memory_space<hbm>> -> memref<160x128xi32, #tpu.memory_space<hbm>>
      tpu.enqueue_dma source(%dma_start3A_45 : memref<160x128xi32, #tpu.memory_space<hbm>>) target(%arg6 : memref<160x128xi32, #tpu.memory_space<vmem>>) target_semaphore(%run_scoped3A_42 : memref<!tpu.dma_semaphore, #tpu.memory_space<semaphore_mem>>)
      %dma_wait3A = arith.constant 0 : i32
      %dma_wait3A_46 = tpu.memref_slice %arg3[%add3A_30, %dma_wait3A] : memref<5120x128xi32, #tpu.memory_space<hbm>> -> memref<160x128xi32, #tpu.memory_space<hbm>>
      %dma_wait3A_47 = arith.constant 0 : i32
      %dma_wait3A_48 = tpu.memref_slice %arg3[%add3A_30, %dma_wait3A_47] : memref<5120x128xi32, #tpu.memory_space<hbm>> -> memref<160x128xi32, #tpu.memory_space<hbm>>
      tpu.wait_dma2 semaphore(%run_scoped3A_42 : memref<!tpu.dma_semaphore, #tpu.memory_space<semaphore_mem>>) src(%dma_wait3A_48 : memref<160x128xi32, #tpu.memory_space<hbm>>) dst(%arg6 : memref<160x128xi32, #tpu.memory_space<vmem>>)
      tpu.yield
    }) : () -> ()
    %scan3A_31 = arith.constant 0 : i32
    %scan3A_32 = arith.constant 0 : i32
    %scan3A_33 = arith.constant 20 : i32
    %scan3A_34 = arith.addi %scan3A_32, %scan3A_33 : i32
    %scan3A_35 = arith.constant 1 : i32
    scf.for %scan3A_42 = %scan3A_32 to %scan3A_34 step %scan3A_35  : i32 {
      %mul3A_43 = arith.constant 2 : i32
      %mul3A_44 = arith.muli %mul3A_43, %scan3A_42 : i32
      %mul3A_45 = arith.constant 4 : i32
      %mul3A_46 = arith.muli %mul3A_44, %mul3A_45 : i32
      %add3A_47 = arith.constant 0 : i32
      %add3A_48 = arith.addi %mul3A_46, %add3A_47 : i32
      %dma_start3A = arith.constant 0 : i32
      %dma_start3A_49 = arith.constant 0 : i32
      %dma_start3A_50 = arith.constant 0 : i32
      %dma_start3A_51 = tpu.memref_slice %arg7[%dma_start3A, %dma_start3A_49, %dma_start3A_50] : memref<8x128x32xf32, #tpu.memory_space<vmem>> -> memref<1x128x32xf32, #tpu.memory_space<vmem>>
      %dma_start3A_52 = tpu.memref_squeeze %dma_start3A_51 : memref<1x128x32xf32, #tpu.memory_space<vmem>> -> memref<128x32xf32, #tpu.memory_space<vmem>>
      %dma_start3A_53 = arith.constant 0 : i32
      %dma_start3A_54 = tpu.memref_slice %arg5[%add3A_48, %dma_start3A_53] : memref<160x128xi32, #tpu.memory_space<vmem>> -> memref<1x128xi32, #tpu.memory_space<vmem>>
      %dma_start3A_55 = tpu.memref_squeeze %dma_start3A_54 : memref<1x128xi32, #tpu.memory_space<vmem>> -> memref<128xi32, #tpu.memory_space<vmem>>
      %dma_start3A_56 = arith.constant 0 : i32
      %dma_start3A_57 = arith.constant 0 : i32
      %dma_start3A_58 = tpu.memref_slice %arg9[%dma_start3A_56, %dma_start3A_57] : memref<10000x32xf32, #tpu.memory_space<vmem_shared>> -> memref<10000x32xf32, #tpu.memory_space<vmem_shared>>
      tpu.enqueue_indirect_dma source(%dma_start3A_58 : memref<10000x32xf32, #tpu.memory_space<vmem_shared>>) target(%dma_start3A_52 : memref<128x32xf32, #tpu.memory_space<vmem>>) offsets(%dma_start3A_55 : memref<128xi32, #tpu.memory_space<vmem>>) semaphore(%arg10 : memref<!tpu.dma_semaphore, #tpu.memory_space<semaphore_mem>>)
      %mul3A_59 = arith.constant 4 : i32
      %mul3A_60 = arith.muli %mul3A_44, %mul3A_59 : i32
      %add3A_61 = arith.constant 1 : i32
      %add3A_62 = arith.addi %mul3A_60, %add3A_61 : i32
      %dma_start3A_63 = arith.constant 1 : i32
      %dma_start3A_64 = arith.constant 0 : i32
      %dma_start3A_65 = arith.constant 0 : i32
      %dma_start3A_66 = tpu.memref_slice %arg7[%dma_start3A_63, %dma_start3A_64, %dma_start3A_65] : memref<8x128x32xf32, #tpu.memory_space<vmem>> -> memref<1x128x32xf32, #tpu.memory_space<vmem>>
      %dma_start3A_67 = tpu.memref_squeeze %dma_start3A_66 : memref<1x128x32xf32, #tpu.memory_space<vmem>> -> memref<128x32xf32, #tpu.memory_space<vmem>>
      %dma_start3A_68 = arith.constant 0 : i32
      %dma_start3A_69 = tpu.memref_slice %arg5[%add3A_62, %dma_start3A_68] : memref<160x128xi32, #tpu.memory_space<vmem>> -> memref<1x128xi32, #tpu.memory_space<vmem>>
      %dma_start3A_70 = tpu.memref_squeeze %dma_start3A_69 : memref<1x128xi32, #tpu.memory_space<vmem>> -> memref<128xi32, #tpu.memory_space<vmem>>
      %dma_start3A_71 = arith.constant 0 : i32
      %dma_start3A_72 = arith.constant 0 : i32
      %dma_start3A_73 = tpu.memref_slice %arg9[%dma_start3A_71, %dma_start3A_72] : memref<10000x32xf32, #tpu.memory_space<vmem_shared>> -> memref<10000x32xf32, #tpu.memory_space<vmem_shared>>
      tpu.enqueue_indirect_dma source(%dma_start3A_73 : memref<10000x32xf32, #tpu.memory_space<vmem_shared>>) target(%dma_start3A_67 : memref<128x32xf32, #tpu.memory_space<vmem>>) offsets(%dma_start3A_70 : memref<128xi32, #tpu.memory_space<vmem>>) semaphore(%arg10 : memref<!tpu.dma_semaphore, #tpu.memory_space<semaphore_mem>>)
      %mul3A_74 = arith.constant 4 : i32
      %mul3A_75 = arith.muli %mul3A_44, %mul3A_74 : i32
      %add3A_76 = arith.constant 2 : i32
      %add3A_77 = arith.addi %mul3A_75, %add3A_76 : i32
      %dma_start3A_78 = arith.constant 2 : i32
      %dma_start3A_79 = arith.constant 0 : i32
      %dma_start3A_80 = arith.constant 0 : i32
      %dma_start3A_81 = tpu.memref_slice %arg7[%dma_start3A_78, %dma_start3A_79, %dma_start3A_80] : memref<8x128x32xf32, #tpu.memory_space<vmem>> -> memref<1x128x32xf32, #tpu.memory_space<vmem>>
      %dma_start3A_82 = tpu.memref_squeeze %dma_start3A_81 : memref<1x128x32xf32, #tpu.memory_space<vmem>> -> memref<128x32xf32, #tpu.memory_space<vmem>>
      %dma_start3A_83 = arith.constant 0 : i32
      %dma_start3A_84 = tpu.memref_slice %arg5[%add3A_77, %dma_start3A_83] : memref<160x128xi32, #tpu.memory_space<vmem>> -> memref<1x128xi32, #tpu.memory_space<vmem>>
      %dma_start3A_85 = tpu.memref_squeeze %dma_start3A_84 : memref<1x128xi32, #tpu.memory_space<vmem>> -> memref<128xi32, #tpu.memory_space<vmem>>
      %dma_start3A_86 = arith.constant 0 : i32
      %dma_start3A_87 = arith.constant 0 : i32
      %dma_start3A_88 = tpu.memref_slice %arg9[%dma_start3A_86, %dma_start3A_87] : memref<10000x32xf32, #tpu.memory_space<vmem_shared>> -> memref<10000x32xf32, #tpu.memory_space<vmem_shared>>
      tpu.enqueue_indirect_dma source(%dma_start3A_88 : memref<10000x32xf32, #tpu.memory_space<vmem_shared>>) target(%dma_start3A_82 : memref<128x32xf32, #tpu.memory_space<vmem>>) offsets(%dma_start3A_85 : memref<128xi32, #tpu.memory_space<vmem>>) semaphore(%arg10 : memref<!tpu.dma_semaphore, #tpu.memory_space<semaphore_mem>>)
      %mul3A_89 = arith.constant 4 : i32
      %mul3A_90 = arith.muli %mul3A_44, %mul3A_89 : i32
      %add3A_91 = arith.constant 3 : i32
      %add3A_92 = arith.addi %mul3A_90, %add3A_91 : i32
      %dma_start3A_93 = arith.constant 3 : i32
      %dma_start3A_94 = arith.constant 0 : i32
      %dma_start3A_95 = arith.constant 0 : i32
      %dma_start3A_96 = tpu.memref_slice %arg7[%dma_start3A_93, %dma_start3A_94, %dma_start3A_95] : memref<8x128x32xf32, #tpu.memory_space<vmem>> -> memref<1x128x32xf32, #tpu.memory_space<vmem>>
      %dma_start3A_97 = tpu.memref_squeeze %dma_start3A_96 : memref<1x128x32xf32, #tpu.memory_space<vmem>> -> memref<128x32xf32, #tpu.memory_space<vmem>>
      %dma_start3A_98 = arith.constant 0 : i32
      %dma_start3A_99 = tpu.memref_slice %arg5[%add3A_92, %dma_start3A_98] : memref<160x128xi32, #tpu.memory_space<vmem>> -> memref<1x128xi32, #tpu.memory_space<vmem>>
      %dma_start3A_100 = tpu.memref_squeeze %dma_start3A_99 : memref<1x128xi32, #tpu.memory_space<vmem>> -> memref<128xi32, #tpu.memory_space<vmem>>
      %dma_start3A_101 = arith.constant 0 : i32
      %dma_start3A_102 = arith.constant 0 : i32
      %dma_start3A_103 = tpu.memref_slice %arg9[%dma_start3A_101, %dma_start3A_102] : memref<10000x32xf32, #tpu.memory_space<vmem_shared>> -> memref<10000x32xf32, #tpu.memory_space<vmem_shared>>
      tpu.enqueue_indirect_dma source(%dma_start3A_103 : memref<10000x32xf32, #tpu.memory_space<vmem_shared>>) target(%dma_start3A_97 : memref<128x32xf32, #tpu.memory_space<vmem>>) offsets(%dma_start3A_100 : memref<128xi32, #tpu.memory_space<vmem>>) semaphore(%arg10 : memref<!tpu.dma_semaphore, #tpu.memory_space<semaphore_mem>>)
      %add3A_104 = arith.constant 1 : i32
      %add3A_105 = arith.addi %mul3A_44, %add3A_104 : i32
      %mul3A_106 = arith.constant 4 : i32
      %mul3A_107 = arith.muli %add3A_105, %mul3A_106 : i32
      %add3A_108 = arith.constant 0 : i32
      %add3A_109 = arith.addi %mul3A_107, %add3A_108 : i32
      %dma_start3A_110 = arith.constant 4 : i32
      %dma_start3A_111 = arith.constant 0 : i32
      %dma_start3A_112 = arith.constant 0 : i32
      %dma_start3A_113 = tpu.memref_slice %arg7[%dma_start3A_110, %dma_start3A_111, %dma_start3A_112] : memref<8x128x32xf32, #tpu.memory_space<vmem>> -> memref<1x128x32xf32, #tpu.memory_space<vmem>>
      %dma_start3A_114 = tpu.memref_squeeze %dma_start3A_113 : memref<1x128x32xf32, #tpu.memory_space<vmem>> -> memref<128x32xf32, #tpu.memory_space<vmem>>
      %dma_start3A_115 = arith.constant 0 : i32
      %dma_start3A_116 = tpu.memref_slice %arg5[%add3A_109, %dma_start3A_115] : memref<160x128xi32, #tpu.memory_space<vmem>> -> memref<1x128xi32, #tpu.memory_space<vmem>>
      %dma_start3A_117 = tpu.memref_squeeze %dma_start3A_116 : memref<1x128xi32, #tpu.memory_space<vmem>> -> memref<128xi32, #tpu.memory_space<vmem>>
      %dma_start3A_118 = arith.constant 0 : i32
      %dma_start3A_119 = arith.constant 0 : i32
      %dma_start3A_120 = tpu.memref_slice %arg9[%dma_start3A_118, %dma_start3A_119] : memref<10000x32xf32, #tpu.memory_space<vmem_shared>> -> memref<10000x32xf32, #tpu.memory_space<vmem_shared>>
      tpu.enqueue_indirect_dma source(%dma_start3A_120 : memref<10000x32xf32, #tpu.memory_space<vmem_shared>>) target(%dma_start3A_114 : memref<128x32xf32, #tpu.memory_space<vmem>>) offsets(%dma_start3A_117 : memref<128xi32, #tpu.memory_space<vmem>>) semaphore(%arg11 : memref<!tpu.dma_semaphore, #tpu.memory_space<semaphore_mem>>)
      %mul3A_121 = arith.constant 4 : i32
      %mul3A_122 = arith.muli %add3A_105, %mul3A_121 : i32
      %add3A_123 = arith.constant 1 : i32
      %add3A_124 = arith.addi %mul3A_122, %add3A_123 : i32
      %dma_start3A_125 = arith.constant 5 : i32
      %dma_start3A_126 = arith.constant 0 : i32
      %dma_start3A_127 = arith.constant 0 : i32
      %dma_start3A_128 = tpu.memref_slice %arg7[%dma_start3A_125, %dma_start3A_126, %dma_start3A_127] : memref<8x128x32xf32, #tpu.memory_space<vmem>> -> memref<1x128x32xf32, #tpu.memory_space<vmem>>
      %dma_start3A_129 = tpu.memref_squeeze %dma_start3A_128 : memref<1x128x32xf32, #tpu.memory_space<vmem>> -> memref<128x32xf32, #tpu.memory_space<vmem>>
      %dma_start3A_130 = arith.constant 0 : i32
      %dma_start3A_131 = tpu.memref_slice %arg5[%add3A_124, %dma_start3A_130] : memref<160x128xi32, #tpu.memory_space<vmem>> -> memref<1x128xi32, #tpu.memory_space<vmem>>
      %dma_start3A_132 = tpu.memref_squeeze %dma_start3A_131 : memref<1x128xi32, #tpu.memory_space<vmem>> -> memref<128xi32, #tpu.memory_space<vmem>>
      %dma_start3A_133 = arith.constant 0 : i32
      %dma_start3A_134 = arith.constant 0 : i32
      %dma_start3A_135 = tpu.memref_slice %arg9[%dma_start3A_133, %dma_start3A_134] : memref<10000x32xf32, #tpu.memory_space<vmem_shared>> -> memref<10000x32xf32, #tpu.memory_space<vmem_shared>>
      tpu.enqueue_indirect_dma source(%dma_start3A_135 : memref<10000x32xf32, #tpu.memory_space<vmem_shared>>) target(%dma_start3A_129 : memref<128x32xf32, #tpu.memory_space<vmem>>) offsets(%dma_start3A_132 : memref<128xi32, #tpu.memory_space<vmem>>) semaphore(%arg11 : memref<!tpu.dma_semaphore, #tpu.memory_space<semaphore_mem>>)
      %mul3A_136 = arith.constant 4 : i32
      %mul3A_137 = arith.muli %add3A_105, %mul3A_136 : i32
      %add3A_138 = arith.constant 2 : i32
      %add3A_139 = arith.addi %mul3A_137, %add3A_138 : i32
      %dma_start3A_140 = arith.constant 6 : i32
      %dma_start3A_141 = arith.constant 0 : i32
      %dma_start3A_142 = arith.constant 0 : i32
      %dma_start3A_143 = tpu.memref_slice %arg7[%dma_start3A_140, %dma_start3A_141, %dma_start3A_142] : memref<8x128x32xf32, #tpu.memory_space<vmem>> -> memref<1x128x32xf32, #tpu.memory_space<vmem>>
      %dma_start3A_144 = tpu.memref_squeeze %dma_start3A_143 : memref<1x128x32xf32, #tpu.memory_space<vmem>> -> memref<128x32xf32, #tpu.memory_space<vmem>>
      %dma_start3A_145 = arith.constant 0 : i32
      %dma_start3A_146 = tpu.memref_slice %arg5[%add3A_139, %dma_start3A_145] : memref<160x128xi32, #tpu.memory_space<vmem>> -> memref<1x128xi32, #tpu.memory_space<vmem>>
      %dma_start3A_147 = tpu.memref_squeeze %dma_start3A_146 : memref<1x128xi32, #tpu.memory_space<vmem>> -> memref<128xi32, #tpu.memory_space<vmem>>
      %dma_start3A_148 = arith.constant 0 : i32
      %dma_start3A_149 = arith.constant 0 : i32
      %dma_start3A_150 = tpu.memref_slice %arg9[%dma_start3A_148, %dma_start3A_149] : memref<10000x32xf32, #tpu.memory_space<vmem_shared>> -> memref<10000x32xf32, #tpu.memory_space<vmem_shared>>
      tpu.enqueue_indirect_dma source(%dma_start3A_150 : memref<10000x32xf32, #tpu.memory_space<vmem_shared>>) target(%dma_start3A_144 : memref<128x32xf32, #tpu.memory_space<vmem>>) offsets(%dma_start3A_147 : memref<128xi32, #tpu.memory_space<vmem>>) semaphore(%arg11 : memref<!tpu.dma_semaphore, #tpu.memory_space<semaphore_mem>>)
      %mul3A_151 = arith.constant 4 : i32
      %mul3A_152 = arith.muli %add3A_105, %mul3A_151 : i32
      %add3A_153 = arith.constant 3 : i32
      %add3A_154 = arith.addi %mul3A_152, %add3A_153 : i32
      %dma_start3A_155 = arith.constant 7 : i32
      %dma_start3A_156 = arith.constant 0 : i32
      %dma_start3A_157 = arith.constant 0 : i32
      %dma_start3A_158 = tpu.memref_slice %arg7[%dma_start3A_155, %dma_start3A_156, %dma_start3A_157] : memref<8x128x32xf32, #tpu.memory_space<vmem>> -> memref<1x128x32xf32, #tpu.memory_space<vmem>>
      %dma_start3A_159 = tpu.memref_squeeze %dma_start3A_158 : memref<1x128x32xf32, #tpu.memory_space<vmem>> -> memref<128x32xf32, #tpu.memory_space<vmem>>
      %dma_start3A_160 = arith.constant 0 : i32
      %dma_start3A_161 = tpu.memref_slice %arg5[%add3A_154, %dma_start3A_160] : memref<160x128xi32, #tpu.memory_space<vmem>> -> memref<1x128xi32, #tpu.memory_space<vmem>>
      %dma_start3A_162 = tpu.memref_squeeze %dma_start3A_161 : memref<1x128xi32, #tpu.memory_space<vmem>> -> memref<128xi32, #tpu.memory_space<vmem>>
      %dma_start3A_163 = arith.constant 0 : i32
      %dma_start3A_164 = arith.constant 0 : i32
      %dma_start3A_165 = tpu.memref_slice %arg9[%dma_start3A_163, %dma_start3A_164] : memref<10000x32xf32, #tpu.memory_space<vmem_shared>> -> memref<10000x32xf32, #tpu.memory_space<vmem_shared>>
      tpu.enqueue_indirect_dma source(%dma_start3A_165 : memref<10000x32xf32, #tpu.memory_space<vmem_shared>>) target(%dma_start3A_159 : memref<128x32xf32, #tpu.memory_space<vmem>>) offsets(%dma_start3A_162 : memref<128xi32, #tpu.memory_space<vmem>>) semaphore(%arg11 : memref<!tpu.dma_semaphore, #tpu.memory_space<semaphore_mem>>)
      %dma_wait3A = arith.constant 0 : i32
      %dma_wait3A_166 = arith.constant 0 : i32
      %dma_wait3A_167 = arith.constant 0 : i32
      %dma_wait3A_168 = arith.constant 0 : i32
      %dma_wait3A_169 = tpu.memref_slice %arg7[%dma_wait3A_166, %dma_wait3A_167, %dma_wait3A_168] : memref<8x128x32xf32, #tpu.memory_space<vmem>> -> memref<1x128x32xf32, #tpu.memory_space<vmem>>
      %dma_wait3A_170 = tpu.memref_squeeze %dma_wait3A_169 : memref<1x128x32xf32, #tpu.memory_space<vmem>> -> memref<128x32xf32, #tpu.memory_space<vmem>>
      %dma_wait3A_171 = arith.constant 0 : i32
      %dma_wait3A_172 = tpu.memref_slice %arg5[%dma_wait3A, %dma_wait3A_171] : memref<160x128xi32, #tpu.memory_space<vmem>> -> memref<1x128xi32, #tpu.memory_space<vmem>>
      %dma_wait3A_173 = tpu.memref_squeeze %dma_wait3A_172 : memref<1x128xi32, #tpu.memory_space<vmem>> -> memref<128xi32, #tpu.memory_space<vmem>>
      %dma_wait3A_174 = arith.constant 0 : i32
      %dma_wait3A_175 = arith.constant 0 : i32
      %dma_wait3A_176 = tpu.memref_slice %arg9[%dma_wait3A_174, %dma_wait3A_175] : memref<10000x32xf32, #tpu.memory_space<vmem_shared>> -> memref<10000x32xf32, #tpu.memory_space<vmem_shared>>
      tpu.wait_indirect_dma semaphore(%arg10 : memref<!tpu.dma_semaphore, #tpu.memory_space<semaphore_mem>>) src(%dma_wait3A_176 : memref<10000x32xf32, #tpu.memory_space<vmem_shared>>) dst(%dma_wait3A_170 : memref<128x32xf32, #tpu.memory_space<vmem>>)
      %dma_wait3A_177 = arith.constant 1 : i32
      %dma_wait3A_178 = arith.constant 1 : i32
      %dma_wait3A_179 = arith.constant 0 : i32
      %dma_wait3A_180 = arith.constant 0 : i32
      %dma_wait3A_181 = tpu.memref_slice %arg7[%dma_wait3A_178, %dma_wait3A_179, %dma_wait3A_180] : memref<8x128x32xf32, #tpu.memory_space<vmem>> -> memref<1x128x32xf32, #tpu.memory_space<vmem>>
      %dma_wait3A_182 = tpu.memref_squeeze %dma_wait3A_181 : memref<1x128x32xf32, #tpu.memory_space<vmem>> -> memref<128x32xf32, #tpu.memory_space<vmem>>
      %dma_wait3A_183 = arith.constant 0 : i32
      %dma_wait3A_184 = tpu.memref_slice %arg5[%dma_wait3A_177, %dma_wait3A_183] : memref<160x128xi32, #tpu.memory_space<vmem>> -> memref<1x128xi32, #tpu.memory_space<vmem>>
      %dma_wait3A_185 = tpu.memref_squeeze %dma_wait3A_184 : memref<1x128xi32, #tpu.memory_space<vmem>> -> memref<128xi32, #tpu.memory_space<vmem>>
      %dma_wait3A_186 = arith.constant 0 : i32
      %dma_wait3A_187 = arith.constant 0 : i32
      %dma_wait3A_188 = tpu.memref_slice %arg9[%dma_wait3A_186, %dma_wait3A_187] : memref<10000x32xf32, #tpu.memory_space<vmem_shared>> -> memref<10000x32xf32, #tpu.memory_space<vmem_shared>>
      tpu.wait_indirect_dma semaphore(%arg10 : memref<!tpu.dma_semaphore, #tpu.memory_space<semaphore_mem>>) src(%dma_wait3A_188 : memref<10000x32xf32, #tpu.memory_space<vmem_shared>>) dst(%dma_wait3A_182 : memref<128x32xf32, #tpu.memory_space<vmem>>)
      %dma_wait3A_189 = arith.constant 2 : i32
      %dma_wait3A_190 = arith.constant 2 : i32
      %dma_wait3A_191 = arith.constant 0 : i32
      %dma_wait3A_192 = arith.constant 0 : i32
      %dma_wait3A_193 = tpu.memref_slice %arg7[%dma_wait3A_190, %dma_wait3A_191, %dma_wait3A_192] : memref<8x128x32xf32, #tpu.memory_space<vmem>> -> memref<1x128x32xf32, #tpu.memory_space<vmem>>
      %dma_wait3A_194 = tpu.memref_squeeze %dma_wait3A_193 : memref<1x128x32xf32, #tpu.memory_space<vmem>> -> memref<128x32xf32, #tpu.memory_space<vmem>>
      %dma_wait3A_195 = arith.constant 0 : i32
      %dma_wait3A_196 = tpu.memref_slice %arg5[%dma_wait3A_189, %dma_wait3A_195] : memref<160x128xi32, #tpu.memory_space<vmem>> -> memref<1x128xi32, #tpu.memory_space<vmem>>
      %dma_wait3A_197 = tpu.memref_squeeze %dma_wait3A_196 : memref<1x128xi32, #tpu.memory_space<vmem>> -> memref<128xi32, #tpu.memory_space<vmem>>
      %dma_wait3A_198 = arith.constant 0 : i32
      %dma_wait3A_199 = arith.constant 0 : i32
      %dma_wait3A_200 = tpu.memref_slice %arg9[%dma_wait3A_198, %dma_wait3A_199] : memref<10000x32xf32, #tpu.memory_space<vmem_shared>> -> memref<10000x32xf32, #tpu.memory_space<vmem_shared>>
      tpu.wait_indirect_dma semaphore(%arg10 : memref<!tpu.dma_semaphore, #tpu.memory_space<semaphore_mem>>) src(%dma_wait3A_200 : memref<10000x32xf32, #tpu.memory_space<vmem_shared>>) dst(%dma_wait3A_194 : memref<128x32xf32, #tpu.memory_space<vmem>>)
      %dma_wait3A_201 = arith.constant 3 : i32
      %dma_wait3A_202 = arith.constant 3 : i32
      %dma_wait3A_203 = arith.constant 0 : i32
      %dma_wait3A_204 = arith.constant 0 : i32
      %dma_wait3A_205 = tpu.memref_slice %arg7[%dma_wait3A_202, %dma_wait3A_203, %dma_wait3A_204] : memref<8x128x32xf32, #tpu.memory_space<vmem>> -> memref<1x128x32xf32, #tpu.memory_space<vmem>>
      %dma_wait3A_206 = tpu.memref_squeeze %dma_wait3A_205 : memref<1x128x32xf32, #tpu.memory_space<vmem>> -> memref<128x32xf32, #tpu.memory_space<vmem>>
      %dma_wait3A_207 = arith.constant 0 : i32
      %dma_wait3A_208 = tpu.memref_slice %arg5[%dma_wait3A_201, %dma_wait3A_207] : memref<160x128xi32, #tpu.memory_space<vmem>> -> memref<1x128xi32, #tpu.memory_space<vmem>>
      %dma_wait3A_209 = tpu.memref_squeeze %dma_wait3A_208 : memref<1x128xi32, #tpu.memory_space<vmem>> -> memref<128xi32, #tpu.memory_space<vmem>>
      %dma_wait3A_210 = arith.constant 0 : i32
      %dma_wait3A_211 = arith.constant 0 : i32
      %dma_wait3A_212 = tpu.memref_slice %arg9[%dma_wait3A_210, %dma_wait3A_211] : memref<10000x32xf32, #tpu.memory_space<vmem_shared>> -> memref<10000x32xf32, #tpu.memory_space<vmem_shared>>
      tpu.wait_indirect_dma semaphore(%arg10 : memref<!tpu.dma_semaphore, #tpu.memory_space<semaphore_mem>>) src(%dma_wait3A_212 : memref<10000x32xf32, #tpu.memory_space<vmem_shared>>) dst(%dma_wait3A_206 : memref<128x32xf32, #tpu.memory_space<vmem>>)
      %mul3A_213 = arith.constant 4 : i32
      %mul3A_214 = arith.muli %mul3A_44, %mul3A_213 : i32
      %add3A_215 = arith.constant 0 : i32
      %add3A_216 = arith.addi %mul3A_214, %add3A_215 : i32
      %dma_start3A_217 = arith.constant 0 : i32
      %dma_start3A_218 = arith.constant 0 : i32
      %dma_start3A_219 = arith.constant 0 : i32
      %dma_start3A_220 = tpu.memref_slice %arg7[%dma_start3A_217, %dma_start3A_218, %dma_start3A_219] : memref<8x128x32xf32, #tpu.memory_space<vmem>> -> memref<1x128x32xf32, #tpu.memory_space<vmem>>
      %dma_start3A_221 = tpu.memref_squeeze %dma_start3A_220 : memref<1x128x32xf32, #tpu.memory_space<vmem>> -> memref<128x32xf32, #tpu.memory_space<vmem>>
      %dma_start3A_222 = arith.constant 0 : i32
      %dma_start3A_223 = tpu.memref_slice %arg6[%add3A_216, %dma_start3A_222] : memref<160x128xi32, #tpu.memory_space<vmem>> -> memref<1x128xi32, #tpu.memory_space<vmem>>
      %dma_start3A_224 = tpu.memref_squeeze %dma_start3A_223 : memref<1x128xi32, #tpu.memory_space<vmem>> -> memref<128xi32, #tpu.memory_space<vmem>>
      %dma_start3A_225 = arith.constant 0 : i32
      %dma_start3A_226 = arith.constant 0 : i32
      %dma_start3A_227 = tpu.memref_slice %arg8[%dma_start3A_225, %dma_start3A_226] : memref<10112x32xf32, #tpu.memory_space<vmem_shared>> -> memref<10112x32xf32, #tpu.memory_space<vmem_shared>>
      tpu.enqueue_indirect_dma source(%dma_start3A_221 : memref<128x32xf32, #tpu.memory_space<vmem>>) target(%dma_start3A_227 : memref<10112x32xf32, #tpu.memory_space<vmem_shared>>) offsets(%dma_start3A_224 : memref<128xi32, #tpu.memory_space<vmem>>) semaphore(%arg12 : memref<!tpu.dma_semaphore, #tpu.memory_space<semaphore_mem>>) {add = true}
      %mul3A_228 = arith.constant 4 : i32
      %mul3A_229 = arith.muli %mul3A_44, %mul3A_228 : i32
      %add3A_230 = arith.constant 1 : i32
      %add3A_231 = arith.addi %mul3A_229, %add3A_230 : i32
      %dma_start3A_232 = arith.constant 1 : i32
      %dma_start3A_233 = arith.constant 0 : i32
      %dma_start3A_234 = arith.constant 0 : i32
      %dma_start3A_235 = tpu.memref_slice %arg7[%dma_start3A_232, %dma_start3A_233, %dma_start3A_234] : memref<8x128x32xf32, #tpu.memory_space<vmem>> -> memref<1x128x32xf32, #tpu.memory_space<vmem>>
      %dma_start3A_236 = tpu.memref_squeeze %dma_start3A_235 : memref<1x128x32xf32, #tpu.memory_space<vmem>> -> memref<128x32xf32, #tpu.memory_space<vmem>>
      %dma_start3A_237 = arith.constant 0 : i32
      %dma_start3A_238 = tpu.memref_slice %arg6[%add3A_231, %dma_start3A_237] : memref<160x128xi32, #tpu.memory_space<vmem>> -> memref<1x128xi32, #tpu.memory_space<vmem>>
      %dma_start3A_239 = tpu.memref_squeeze %dma_start3A_238 : memref<1x128xi32, #tpu.memory_space<vmem>> -> memref<128xi32, #tpu.memory_space<vmem>>
      %dma_start3A_240 = arith.constant 0 : i32
      %dma_start3A_241 = arith.constant 0 : i32
      %dma_start3A_242 = tpu.memref_slice %arg8[%dma_start3A_240, %dma_start3A_241] : memref<10112x32xf32, #tpu.memory_space<vmem_shared>> -> memref<10112x32xf32, #tpu.memory_space<vmem_shared>>
      tpu.enqueue_indirect_dma source(%dma_start3A_236 : memref<128x32xf32, #tpu.memory_space<vmem>>) target(%dma_start3A_242 : memref<10112x32xf32, #tpu.memory_space<vmem_shared>>) offsets(%dma_start3A_239 : memref<128xi32, #tpu.memory_space<vmem>>) semaphore(%arg12 : memref<!tpu.dma_semaphore, #tpu.memory_space<semaphore_mem>>) {add = true}
      %mul3A_243 = arith.constant 4 : i32
      %mul3A_244 = arith.muli %mul3A_44, %mul3A_243 : i32
      %add3A_245 = arith.constant 2 : i32
      %add3A_246 = arith.addi %mul3A_244, %add3A_245 : i32
      %dma_start3A_247 = arith.constant 2 : i32
      %dma_start3A_248 = arith.constant 0 : i32
      %dma_start3A_249 = arith.constant 0 : i32
      %dma_start3A_250 = tpu.memref_slice %arg7[%dma_start3A_247, %dma_start3A_248, %dma_start3A_249] : memref<8x128x32xf32, #tpu.memory_space<vmem>> -> memref<1x128x32xf32, #tpu.memory_space<vmem>>
      %dma_start3A_251 = tpu.memref_squeeze %dma_start3A_250 : memref<1x128x32xf32, #tpu.memory_space<vmem>> -> memref<128x32xf32, #tpu.memory_space<vmem>>
      %dma_start3A_252 = arith.constant 0 : i32
      %dma_start3A_253 = tpu.memref_slice %arg6[%add3A_246, %dma_start3A_252] : memref<160x128xi32, #tpu.memory_space<vmem>> -> memref<1x128xi32, #tpu.memory_space<vmem>>
      %dma_start3A_254 = tpu.memref_squeeze %dma_start3A_253 : memref<1x128xi32, #tpu.memory_space<vmem>> -> memref<128xi32, #tpu.memory_space<vmem>>
      %dma_start3A_255 = arith.constant 0 : i32
      %dma_start3A_256 = arith.constant 0 : i32
      %dma_start3A_257 = tpu.memref_slice %arg8[%dma_start3A_255, %dma_start3A_256] : memref<10112x32xf32, #tpu.memory_space<vmem_shared>> -> memref<10112x32xf32, #tpu.memory_space<vmem_shared>>
      tpu.enqueue_indirect_dma source(%dma_start3A_251 : memref<128x32xf32, #tpu.memory_space<vmem>>) target(%dma_start3A_257 : memref<10112x32xf32, #tpu.memory_space<vmem_shared>>) offsets(%dma_start3A_254 : memref<128xi32, #tpu.memory_space<vmem>>) semaphore(%arg12 : memref<!tpu.dma_semaphore, #tpu.memory_space<semaphore_mem>>) {add = true}
      %mul3A_258 = arith.constant 4 : i32
      %mul3A_259 = arith.muli %mul3A_44, %mul3A_258 : i32
      %add3A_260 = arith.constant 3 : i32
      %add3A_261 = arith.addi %mul3A_259, %add3A_260 : i32
      %dma_start3A_262 = arith.constant 3 : i32
      %dma_start3A_263 = arith.constant 0 : i32
      %dma_start3A_264 = arith.constant 0 : i32
      %dma_start3A_265 = tpu.memref_slice %arg7[%dma_start3A_262, %dma_start3A_263, %dma_start3A_264] : memref<8x128x32xf32, #tpu.memory_space<vmem>> -> memref<1x128x32xf32, #tpu.memory_space<vmem>>
      %dma_start3A_266 = tpu.memref_squeeze %dma_start3A_265 : memref<1x128x32xf32, #tpu.memory_space<vmem>> -> memref<128x32xf32, #tpu.memory_space<vmem>>
      %dma_start3A_267 = arith.constant 0 : i32
      %dma_start3A_268 = tpu.memref_slice %arg6[%add3A_261, %dma_start3A_267] : memref<160x128xi32, #tpu.memory_space<vmem>> -> memref<1x128xi32, #tpu.memory_space<vmem>>
      %dma_start3A_269 = tpu.memref_squeeze %dma_start3A_268 : memref<1x128xi32, #tpu.memory_space<vmem>> -> memref<128xi32, #tpu.memory_space<vmem>>
      %dma_start3A_270 = arith.constant 0 : i32
      %dma_start3A_271 = arith.constant 0 : i32
      %dma_start3A_272 = tpu.memref_slice %arg8[%dma_start3A_270, %dma_start3A_271] : memref<10112x32xf32, #tpu.memory_space<vmem_shared>> -> memref<10112x32xf32, #tpu.memory_space<vmem_shared>>
      tpu.enqueue_indirect_dma source(%dma_start3A_266 : memref<128x32xf32, #tpu.memory_space<vmem>>) target(%dma_start3A_272 : memref<10112x32xf32, #tpu.memory_space<vmem_shared>>) offsets(%dma_start3A_269 : memref<128xi32, #tpu.memory_space<vmem>>) semaphore(%arg12 : memref<!tpu.dma_semaphore, #tpu.memory_space<semaphore_mem>>) {add = true}
      %dma_wait3A_273 = arith.constant 0 : i32
      %dma_wait3A_274 = arith.constant 4 : i32
      %dma_wait3A_275 = arith.constant 0 : i32
      %dma_wait3A_276 = arith.constant 0 : i32
      %dma_wait3A_277 = tpu.memref_slice %arg7[%dma_wait3A_274, %dma_wait3A_275, %dma_wait3A_276] : memref<8x128x32xf32, #tpu.memory_space<vmem>> -> memref<1x128x32xf32, #tpu.memory_space<vmem>>
      %dma_wait3A_278 = tpu.memref_squeeze %dma_wait3A_277 : memref<1x128x32xf32, #tpu.memory_space<vmem>> -> memref<128x32xf32, #tpu.memory_space<vmem>>
      %dma_wait3A_279 = arith.constant 0 : i32
      %dma_wait3A_280 = tpu.memref_slice %arg5[%dma_wait3A_273, %dma_wait3A_279] : memref<160x128xi32, #tpu.memory_space<vmem>> -> memref<1x128xi32, #tpu.memory_space<vmem>>
      %dma_wait3A_281 = tpu.memref_squeeze %dma_wait3A_280 : memref<1x128xi32, #tpu.memory_space<vmem>> -> memref<128xi32, #tpu.memory_space<vmem>>
      %dma_wait3A_282 = arith.constant 0 : i32
      %dma_wait3A_283 = arith.constant 0 : i32
      %dma_wait3A_284 = tpu.memref_slice %arg9[%dma_wait3A_282, %dma_wait3A_283] : memref<10000x32xf32, #tpu.memory_space<vmem_shared>> -> memref<10000x32xf32, #tpu.memory_space<vmem_shared>>
      tpu.wait_indirect_dma semaphore(%arg11 : memref<!tpu.dma_semaphore, #tpu.memory_space<semaphore_mem>>) src(%dma_wait3A_284 : memref<10000x32xf32, #tpu.memory_space<vmem_shared>>) dst(%dma_wait3A_278 : memref<128x32xf32, #tpu.memory_space<vmem>>)
      %dma_wait3A_285 = arith.constant 1 : i32
      %dma_wait3A_286 = arith.constant 5 : i32
      %dma_wait3A_287 = arith.constant 0 : i32
      %dma_wait3A_288 = arith.constant 0 : i32
      %dma_wait3A_289 = tpu.memref_slice %arg7[%dma_wait3A_286, %dma_wait3A_287, %dma_wait3A_288] : memref<8x128x32xf32, #tpu.memory_space<vmem>> -> memref<1x128x32xf32, #tpu.memory_space<vmem>>
      %dma_wait3A_290 = tpu.memref_squeeze %dma_wait3A_289 : memref<1x128x32xf32, #tpu.memory_space<vmem>> -> memref<128x32xf32, #tpu.memory_space<vmem>>
      %dma_wait3A_291 = arith.constant 0 : i32
      %dma_wait3A_292 = tpu.memref_slice %arg5[%dma_wait3A_285, %dma_wait3A_291] : memref<160x128xi32, #tpu.memory_space<vmem>> -> memref<1x128xi32, #tpu.memory_space<vmem>>
      %dma_wait3A_293 = tpu.memref_squeeze %dma_wait3A_292 : memref<1x128xi32, #tpu.memory_space<vmem>> -> memref<128xi32, #tpu.memory_space<vmem>>
      %dma_wait3A_294 = arith.constant 0 : i32
      %dma_wait3A_295 = arith.constant 0 : i32
      %dma_wait3A_296 = tpu.memref_slice %arg9[%dma_wait3A_294, %dma_wait3A_295] : memref<10000x32xf32, #tpu.memory_space<vmem_shared>> -> memref<10000x32xf32, #tpu.memory_space<vmem_shared>>
      tpu.wait_indirect_dma semaphore(%arg11 : memref<!tpu.dma_semaphore, #tpu.memory_space<semaphore_mem>>) src(%dma_wait3A_296 : memref<10000x32xf32, #tpu.memory_space<vmem_shared>>) dst(%dma_wait3A_290 : memref<128x32xf32, #tpu.memory_space<vmem>>)
      %dma_wait3A_297 = arith.constant 2 : i32
      %dma_wait3A_298 = arith.constant 6 : i32
      %dma_wait3A_299 = arith.constant 0 : i32
      %dma_wait3A_300 = arith.constant 0 : i32
      %dma_wait3A_301 = tpu.memref_slice %arg7[%dma_wait3A_298, %dma_wait3A_299, %dma_wait3A_300] : memref<8x128x32xf32, #tpu.memory_space<vmem>> -> memref<1x128x32xf32, #tpu.memory_space<vmem>>
      %dma_wait3A_302 = tpu.memref_squeeze %dma_wait3A_301 : memref<1x128x32xf32, #tpu.memory_space<vmem>> -> memref<128x32xf32, #tpu.memory_space<vmem>>
      %dma_wait3A_303 = arith.constant 0 : i32
      %dma_wait3A_304 = tpu.memref_slice %arg5[%dma_wait3A_297, %dma_wait3A_303] : memref<160x128xi32, #tpu.memory_space<vmem>> -> memref<1x128xi32, #tpu.memory_space<vmem>>
      %dma_wait3A_305 = tpu.memref_squeeze %dma_wait3A_304 : memref<1x128xi32, #tpu.memory_space<vmem>> -> memref<128xi32, #tpu.memory_space<vmem>>
      %dma_wait3A_306 = arith.constant 0 : i32
      %dma_wait3A_307 = arith.constant 0 : i32
      %dma_wait3A_308 = tpu.memref_slice %arg9[%dma_wait3A_306, %dma_wait3A_307] : memref<10000x32xf32, #tpu.memory_space<vmem_shared>> -> memref<10000x32xf32, #tpu.memory_space<vmem_shared>>
      tpu.wait_indirect_dma semaphore(%arg11 : memref<!tpu.dma_semaphore, #tpu.memory_space<semaphore_mem>>) src(%dma_wait3A_308 : memref<10000x32xf32, #tpu.memory_space<vmem_shared>>) dst(%dma_wait3A_302 : memref<128x32xf32, #tpu.memory_space<vmem>>)
      %dma_wait3A_309 = arith.constant 3 : i32
      %dma_wait3A_310 = arith.constant 7 : i32
      %dma_wait3A_311 = arith.constant 0 : i32
      %dma_wait3A_312 = arith.constant 0 : i32
      %dma_wait3A_313 = tpu.memref_slice %arg7[%dma_wait3A_310, %dma_wait3A_311, %dma_wait3A_312] : memref<8x128x32xf32, #tpu.memory_space<vmem>> -> memref<1x128x32xf32, #tpu.memory_space<vmem>>
      %dma_wait3A_314 = tpu.memref_squeeze %dma_wait3A_313 : memref<1x128x32xf32, #tpu.memory_space<vmem>> -> memref<128x32xf32, #tpu.memory_space<vmem>>
      %dma_wait3A_315 = arith.constant 0 : i32
      %dma_wait3A_316 = tpu.memref_slice %arg5[%dma_wait3A_309, %dma_wait3A_315] : memref<160x128xi32, #tpu.memory_space<vmem>> -> memref<1x128xi32, #tpu.memory_space<vmem>>
      %dma_wait3A_317 = tpu.memref_squeeze %dma_wait3A_316 : memref<1x128xi32, #tpu.memory_space<vmem>> -> memref<128xi32, #tpu.memory_space<vmem>>
      %dma_wait3A_318 = arith.constant 0 : i32
      %dma_wait3A_319 = arith.constant 0 : i32
      %dma_wait3A_320 = tpu.memref_slice %arg9[%dma_wait3A_318, %dma_wait3A_319] : memref<10000x32xf32, #tpu.memory_space<vmem_shared>> -> memref<10000x32xf32, #tpu.memory_space<vmem_shared>>
      tpu.wait_indirect_dma semaphore(%arg11 : memref<!tpu.dma_semaphore, #tpu.memory_space<semaphore_mem>>) src(%dma_wait3A_320 : memref<10000x32xf32, #tpu.memory_space<vmem_shared>>) dst(%dma_wait3A_314 : memref<128x32xf32, #tpu.memory_space<vmem>>)
      %add3A_321 = arith.constant 1 : i32
      %add3A_322 = arith.addi %mul3A_44, %add3A_321 : i32
      %mul3A_323 = arith.constant 4 : i32
      %mul3A_324 = arith.muli %add3A_322, %mul3A_323 : i32
      %add3A_325 = arith.constant 0 : i32
      %add3A_326 = arith.addi %mul3A_324, %add3A_325 : i32
      %dma_start3A_327 = arith.constant 4 : i32
      %dma_start3A_328 = arith.constant 0 : i32
      %dma_start3A_329 = arith.constant 0 : i32
      %dma_start3A_330 = tpu.memref_slice %arg7[%dma_start3A_327, %dma_start3A_328, %dma_start3A_329] : memref<8x128x32xf32, #tpu.memory_space<vmem>> -> memref<1x128x32xf32, #tpu.memory_space<vmem>>
      %dma_start3A_331 = tpu.memref_squeeze %dma_start3A_330 : memref<1x128x32xf32, #tpu.memory_space<vmem>> -> memref<128x32xf32, #tpu.memory_space<vmem>>
      %dma_start3A_332 = arith.constant 0 : i32
      %dma_start3A_333 = tpu.memref_slice %arg6[%add3A_326, %dma_start3A_332] : memref<160x128xi32, #tpu.memory_space<vmem>> -> memref<1x128xi32, #tpu.memory_space<vmem>>
      %dma_start3A_334 = tpu.memref_squeeze %dma_start3A_333 : memref<1x128xi32, #tpu.memory_space<vmem>> -> memref<128xi32, #tpu.memory_space<vmem>>
      %dma_start3A_335 = arith.constant 0 : i32
      %dma_start3A_336 = arith.constant 0 : i32
      %dma_start3A_337 = tpu.memref_slice %arg8[%dma_start3A_335, %dma_start3A_336] : memref<10112x32xf32, #tpu.memory_space<vmem_shared>> -> memref<10112x32xf32, #tpu.memory_space<vmem_shared>>
      tpu.enqueue_indirect_dma source(%dma_start3A_331 : memref<128x32xf32, #tpu.memory_space<vmem>>) target(%dma_start3A_337 : memref<10112x32xf32, #tpu.memory_space<vmem_shared>>) offsets(%dma_start3A_334 : memref<128xi32, #tpu.memory_space<vmem>>) semaphore(%arg13 : memref<!tpu.dma_semaphore, #tpu.memory_space<semaphore_mem>>) {add = true}
      %mul3A_338 = arith.constant 4 : i32
      %mul3A_339 = arith.muli %add3A_322, %mul3A_338 : i32
      %add3A_340 = arith.constant 1 : i32
      %add3A_341 = arith.addi %mul3A_339, %add3A_340 : i32
      %dma_start3A_342 = arith.constant 5 : i32
      %dma_start3A_343 = arith.constant 0 : i32
      %dma_start3A_344 = arith.constant 0 : i32
      %dma_start3A_345 = tpu.memref_slice %arg7[%dma_start3A_342, %dma_start3A_343, %dma_start3A_344] : memref<8x128x32xf32, #tpu.memory_space<vmem>> -> memref<1x128x32xf32, #tpu.memory_space<vmem>>
      %dma_start3A_346 = tpu.memref_squeeze %dma_start3A_345 : memref<1x128x32xf32, #tpu.memory_space<vmem>> -> memref<128x32xf32, #tpu.memory_space<vmem>>
      %dma_start3A_347 = arith.constant 0 : i32
      %dma_start3A_348 = tpu.memref_slice %arg6[%add3A_341, %dma_start3A_347] : memref<160x128xi32, #tpu.memory_space<vmem>> -> memref<1x128xi32, #tpu.memory_space<vmem>>
      %dma_start3A_349 = tpu.memref_squeeze %dma_start3A_348 : memref<1x128xi32, #tpu.memory_space<vmem>> -> memref<128xi32, #tpu.memory_space<vmem>>
      %dma_start3A_350 = arith.constant 0 : i32
      %dma_start3A_351 = arith.constant 0 : i32
      %dma_start3A_352 = tpu.memref_slice %arg8[%dma_start3A_350, %dma_start3A_351] : memref<10112x32xf32, #tpu.memory_space<vmem_shared>> -> memref<10112x32xf32, #tpu.memory_space<vmem_shared>>
      tpu.enqueue_indirect_dma source(%dma_start3A_346 : memref<128x32xf32, #tpu.memory_space<vmem>>) target(%dma_start3A_352 : memref<10112x32xf32, #tpu.memory_space<vmem_shared>>) offsets(%dma_start3A_349 : memref<128xi32, #tpu.memory_space<vmem>>) semaphore(%arg13 : memref<!tpu.dma_semaphore, #tpu.memory_space<semaphore_mem>>) {add = true}
      %mul3A_353 = arith.constant 4 : i32
      %mul3A_354 = arith.muli %add3A_322, %mul3A_353 : i32
      %add3A_355 = arith.constant 2 : i32
      %add3A_356 = arith.addi %mul3A_354, %add3A_355 : i32
      %dma_start3A_357 = arith.constant 6 : i32
      %dma_start3A_358 = arith.constant 0 : i32
      %dma_start3A_359 = arith.constant 0 : i32
      %dma_start3A_360 = tpu.memref_slice %arg7[%dma_start3A_357, %dma_start3A_358, %dma_start3A_359] : memref<8x128x32xf32, #tpu.memory_space<vmem>> -> memref<1x128x32xf32, #tpu.memory_space<vmem>>
      %dma_start3A_361 = tpu.memref_squeeze %dma_start3A_360 : memref<1x128x32xf32, #tpu.memory_space<vmem>> -> memref<128x32xf32, #tpu.memory_space<vmem>>
      %dma_start3A_362 = arith.constant 0 : i32
      %dma_start3A_363 = tpu.memref_slice %arg6[%add3A_356, %dma_start3A_362] : memref<160x128xi32, #tpu.memory_space<vmem>> -> memref<1x128xi32, #tpu.memory_space<vmem>>
      %dma_start3A_364 = tpu.memref_squeeze %dma_start3A_363 : memref<1x128xi32, #tpu.memory_space<vmem>> -> memref<128xi32, #tpu.memory_space<vmem>>
      %dma_start3A_365 = arith.constant 0 : i32
      %dma_start3A_366 = arith.constant 0 : i32
      %dma_start3A_367 = tpu.memref_slice %arg8[%dma_start3A_365, %dma_start3A_366] : memref<10112x32xf32, #tpu.memory_space<vmem_shared>> -> memref<10112x32xf32, #tpu.memory_space<vmem_shared>>
      tpu.enqueue_indirect_dma source(%dma_start3A_361 : memref<128x32xf32, #tpu.memory_space<vmem>>) target(%dma_start3A_367 : memref<10112x32xf32, #tpu.memory_space<vmem_shared>>) offsets(%dma_start3A_364 : memref<128xi32, #tpu.memory_space<vmem>>) semaphore(%arg13 : memref<!tpu.dma_semaphore, #tpu.memory_space<semaphore_mem>>) {add = true}
      %mul3A_368 = arith.constant 4 : i32
      %mul3A_369 = arith.muli %add3A_322, %mul3A_368 : i32
      %add3A_370 = arith.constant 3 : i32
      %add3A_371 = arith.addi %mul3A_369, %add3A_370 : i32
      %dma_start3A_372 = arith.constant 7 : i32
      %dma_start3A_373 = arith.constant 0 : i32
      %dma_start3A_374 = arith.constant 0 : i32
      %dma_start3A_375 = tpu.memref_slice %arg7[%dma_start3A_372, %dma_start3A_373, %dma_start3A_374] : memref<8x128x32xf32, #tpu.memory_space<vmem>> -> memref<1x128x32xf32, #tpu.memory_space<vmem>>
      %dma_start3A_376 = tpu.memref_squeeze %dma_start3A_375 : memref<1x128x32xf32, #tpu.memory_space<vmem>> -> memref<128x32xf32, #tpu.memory_space<vmem>>
      %dma_start3A_377 = arith.constant 0 : i32
      %dma_start3A_378 = tpu.memref_slice %arg6[%add3A_371, %dma_start3A_377] : memref<160x128xi32, #tpu.memory_space<vmem>> -> memref<1x128xi32, #tpu.memory_space<vmem>>
      %dma_start3A_379 = tpu.memref_squeeze %dma_start3A_378 : memref<1x128xi32, #tpu.memory_space<vmem>> -> memref<128xi32, #tpu.memory_space<vmem>>
      %dma_start3A_380 = arith.constant 0 : i32
      %dma_start3A_381 = arith.constant 0 : i32
      %dma_start3A_382 = tpu.memref_slice %arg8[%dma_start3A_380, %dma_start3A_381] : memref<10112x32xf32, #tpu.memory_space<vmem_shared>> -> memref<10112x32xf32, #tpu.memory_space<vmem_shared>>
      tpu.enqueue_indirect_dma source(%dma_start3A_376 : memref<128x32xf32, #tpu.memory_space<vmem>>) target(%dma_start3A_382 : memref<10112x32xf32, #tpu.memory_space<vmem_shared>>) offsets(%dma_start3A_379 : memref<128xi32, #tpu.memory_space<vmem>>) semaphore(%arg13 : memref<!tpu.dma_semaphore, #tpu.memory_space<semaphore_mem>>) {add = true}
      %dma_wait3A_383 = arith.constant 0 : i32
      %dma_wait3A_384 = arith.constant 0 : i32
      %dma_wait3A_385 = arith.constant 0 : i32
      %dma_wait3A_386 = tpu.memref_slice %arg7[%dma_wait3A_383, %dma_wait3A_384, %dma_wait3A_385] : memref<8x128x32xf32, #tpu.memory_space<vmem>> -> memref<1x128x32xf32, #tpu.memory_space<vmem>>
      %dma_wait3A_387 = tpu.memref_squeeze %dma_wait3A_386 : memref<1x128x32xf32, #tpu.memory_space<vmem>> -> memref<128x32xf32, #tpu.memory_space<vmem>>
      %dma_wait3A_388 = arith.constant 0 : i32
      %dma_wait3A_389 = arith.constant 0 : i32
      %dma_wait3A_390 = tpu.memref_slice %arg8[%dma_wait3A_388, %dma_wait3A_389] : memref<10112x32xf32, #tpu.memory_space<vmem_shared>> -> memref<128x32xf32, #tpu.memory_space<vmem_shared>>
      %dma_wait3A_391 = arith.constant 0 : i32
      %dma_wait3A_392 = arith.constant 0 : i32
      %dma_wait3A_393 = tpu.memref_slice %arg8[%dma_wait3A_391, %dma_wait3A_392] : memref<10112x32xf32, #tpu.memory_space<vmem_shared>> -> memref<128x32xf32, #tpu.memory_space<vmem_shared>>
      %dma_wait3A_394 = arith.constant 0 : i32
      %dma_wait3A_395 = arith.constant 0 : i32
      %dma_wait3A_396 = tpu.memref_slice %arg7[%dma_wait3A_383, %dma_wait3A_394, %dma_wait3A_395] : memref<8x128x32xf32, #tpu.memory_space<vmem>> -> memref<1x128x32xf32, #tpu.memory_space<vmem>>
      %dma_wait3A_397 = tpu.memref_squeeze %dma_wait3A_396 : memref<1x128x32xf32, #tpu.memory_space<vmem>> -> memref<128x32xf32, #tpu.memory_space<vmem>>
      tpu.wait_dma2 semaphore(%arg12 : memref<!tpu.dma_semaphore, #tpu.memory_space<semaphore_mem>>) src(%dma_wait3A_397 : memref<128x32xf32, #tpu.memory_space<vmem>>) dst(%dma_wait3A_393 : memref<128x32xf32, #tpu.memory_space<vmem_shared>>)
      %dma_wait3A_398 = arith.constant 1 : i32
      %dma_wait3A_399 = arith.constant 0 : i32
      %dma_wait3A_400 = arith.constant 0 : i32
      %dma_wait3A_401 = tpu.memref_slice %arg7[%dma_wait3A_398, %dma_wait3A_399, %dma_wait3A_400] : memref<8x128x32xf32, #tpu.memory_space<vmem>> -> memref<1x128x32xf32, #tpu.memory_space<vmem>>
      %dma_wait3A_402 = tpu.memref_squeeze %dma_wait3A_401 : memref<1x128x32xf32, #tpu.memory_space<vmem>> -> memref<128x32xf32, #tpu.memory_space<vmem>>
      %dma_wait3A_403 = arith.constant 0 : i32
      %dma_wait3A_404 = arith.constant 0 : i32
      %dma_wait3A_405 = tpu.memref_slice %arg8[%dma_wait3A_403, %dma_wait3A_404] : memref<10112x32xf32, #tpu.memory_space<vmem_shared>> -> memref<128x32xf32, #tpu.memory_space<vmem_shared>>
      %dma_wait3A_406 = arith.constant 0 : i32
      %dma_wait3A_407 = arith.constant 0 : i32
      %dma_wait3A_408 = tpu.memref_slice %arg8[%dma_wait3A_406, %dma_wait3A_407] : memref<10112x32xf32, #tpu.memory_space<vmem_shared>> -> memref<128x32xf32, #tpu.memory_space<vmem_shared>>
      %dma_wait3A_409 = arith.constant 0 : i32
      %dma_wait3A_410 = arith.constant 0 : i32
      %dma_wait3A_411 = tpu.memref_slice %arg7[%dma_wait3A_398, %dma_wait3A_409, %dma_wait3A_410] : memref<8x128x32xf32, #tpu.memory_space<vmem>> -> memref<1x128x32xf32, #tpu.memory_space<vmem>>
      %dma_wait3A_412 = tpu.memref_squeeze %dma_wait3A_411 : memref<1x128x32xf32, #tpu.memory_space<vmem>> -> memref<128x32xf32, #tpu.memory_space<vmem>>
      tpu.wait_dma2 semaphore(%arg12 : memref<!tpu.dma_semaphore, #tpu.memory_space<semaphore_mem>>) src(%dma_wait3A_412 : memref<128x32xf32, #tpu.memory_space<vmem>>) dst(%dma_wait3A_408 : memref<128x32xf32, #tpu.memory_space<vmem_shared>>)
      %dma_wait3A_413 = arith.constant 2 : i32
      %dma_wait3A_414 = arith.constant 0 : i32
      %dma_wait3A_415 = arith.constant 0 : i32
      %dma_wait3A_416 = tpu.memref_slice %arg7[%dma_wait3A_413, %dma_wait3A_414, %dma_wait3A_415] : memref<8x128x32xf32, #tpu.memory_space<vmem>> -> memref<1x128x32xf32, #tpu.memory_space<vmem>>
      %dma_wait3A_417 = tpu.memref_squeeze %dma_wait3A_416 : memref<1x128x32xf32, #tpu.memory_space<vmem>> -> memref<128x32xf32, #tpu.memory_space<vmem>>
      %dma_wait3A_418 = arith.constant 0 : i32
      %dma_wait3A_419 = arith.constant 0 : i32
      %dma_wait3A_420 = tpu.memref_slice %arg8[%dma_wait3A_418, %dma_wait3A_419] : memref<10112x32xf32, #tpu.memory_space<vmem_shared>> -> memref<128x32xf32, #tpu.memory_space<vmem_shared>>
      %dma_wait3A_421 = arith.constant 0 : i32
      %dma_wait3A_422 = arith.constant 0 : i32
      %dma_wait3A_423 = tpu.memref_slice %arg8[%dma_wait3A_421, %dma_wait3A_422] : memref<10112x32xf32, #tpu.memory_space<vmem_shared>> -> memref<128x32xf32, #tpu.memory_space<vmem_shared>>
      %dma_wait3A_424 = arith.constant 0 : i32
      %dma_wait3A_425 = arith.constant 0 : i32
      %dma_wait3A_426 = tpu.memref_slice %arg7[%dma_wait3A_413, %dma_wait3A_424, %dma_wait3A_425] : memref<8x128x32xf32, #tpu.memory_space<vmem>> -> memref<1x128x32xf32, #tpu.memory_space<vmem>>
      %dma_wait3A_427 = tpu.memref_squeeze %dma_wait3A_426 : memref<1x128x32xf32, #tpu.memory_space<vmem>> -> memref<128x32xf32, #tpu.memory_space<vmem>>
      tpu.wait_dma2 semaphore(%arg12 : memref<!tpu.dma_semaphore, #tpu.memory_space<semaphore_mem>>) src(%dma_wait3A_427 : memref<128x32xf32, #tpu.memory_space<vmem>>) dst(%dma_wait3A_423 : memref<128x32xf32, #tpu.memory_space<vmem_shared>>)
      %dma_wait3A_428 = arith.constant 3 : i32
      %dma_wait3A_429 = arith.constant 0 : i32
      %dma_wait3A_430 = arith.constant 0 : i32
      %dma_wait3A_431 = tpu.memref_slice %arg7[%dma_wait3A_428, %dma_wait3A_429, %dma_wait3A_430] : memref<8x128x32xf32, #tpu.memory_space<vmem>> -> memref<1x128x32xf32, #tpu.memory_space<vmem>>
      %dma_wait3A_432 = tpu.memref_squeeze %dma_wait3A_431 : memref<1x128x32xf32, #tpu.memory_space<vmem>> -> memref<128x32xf32, #tpu.memory_space<vmem>>
      %dma_wait3A_433 = arith.constant 0 : i32
      %dma_wait3A_434 = arith.constant 0 : i32
      %dma_wait3A_435 = tpu.memref_slice %arg8[%dma_wait3A_433, %dma_wait3A_434] : memref<10112x32xf32, #tpu.memory_space<vmem_shared>> -> memref<128x32xf32, #tpu.memory_space<vmem_shared>>
      %dma_wait3A_436 = arith.constant 0 : i32
      %dma_wait3A_437 = arith.constant 0 : i32
      %dma_wait3A_438 = tpu.memref_slice %arg8[%dma_wait3A_436, %dma_wait3A_437] : memref<10112x32xf32, #tpu.memory_space<vmem_shared>> -> memref<128x32xf32, #tpu.memory_space<vmem_shared>>
      %dma_wait3A_439 = arith.constant 0 : i32
      %dma_wait3A_440 = arith.constant 0 : i32
      %dma_wait3A_441 = tpu.memref_slice %arg7[%dma_wait3A_428, %dma_wait3A_439, %dma_wait3A_440] : memref<8x128x32xf32, #tpu.memory_space<vmem>> -> memref<1x128x32xf32, #tpu.memory_space<vmem>>
      %dma_wait3A_442 = tpu.memref_squeeze %dma_wait3A_441 : memref<1x128x32xf32, #tpu.memory_space<vmem>> -> memref<128x32xf32, #tpu.memory_space<vmem>>
      tpu.wait_dma2 semaphore(%arg12 : memref<!tpu.dma_semaphore, #tpu.memory_space<semaphore_mem>>) src(%dma_wait3A_442 : memref<128x32xf32, #tpu.memory_space<vmem>>) dst(%dma_wait3A_438 : memref<128x32xf32, #tpu.memory_space<vmem_shared>>)
      %dma_wait3A_443 = arith.constant 4 : i32
      %dma_wait3A_444 = arith.constant 0 : i32
      %dma_wait3A_445 = arith.constant 0 : i32
      %dma_wait3A_446 = tpu.memref_slice %arg7[%dma_wait3A_443, %dma_wait3A_444, %dma_wait3A_445] : memref<8x128x32xf32, #tpu.memory_space<vmem>> -> memref<1x128x32xf32, #tpu.memory_space<vmem>>
      %dma_wait3A_447 = tpu.memref_squeeze %dma_wait3A_446 : memref<1x128x32xf32, #tpu.memory_space<vmem>> -> memref<128x32xf32, #tpu.memory_space<vmem>>
      %dma_wait3A_448 = arith.constant 0 : i32
      %dma_wait3A_449 = arith.constant 0 : i32
      %dma_wait3A_450 = tpu.memref_slice %arg8[%dma_wait3A_448, %dma_wait3A_449] : memref<10112x32xf32, #tpu.memory_space<vmem_shared>> -> memref<128x32xf32, #tpu.memory_space<vmem_shared>>
      %dma_wait3A_451 = arith.constant 0 : i32
      %dma_wait3A_452 = arith.constant 0 : i32
      %dma_wait3A_453 = tpu.memref_slice %arg8[%dma_wait3A_451, %dma_wait3A_452] : memref<10112x32xf32, #tpu.memory_space<vmem_shared>> -> memref<128x32xf32, #tpu.memory_space<vmem_shared>>
      %dma_wait3A_454 = arith.constant 0 : i32
      %dma_wait3A_455 = arith.constant 0 : i32
      %dma_wait3A_456 = tpu.memref_slice %arg7[%dma_wait3A_443, %dma_wait3A_454, %dma_wait3A_455] : memref<8x128x32xf32, #tpu.memory_space<vmem>> -> memref<1x128x32xf32, #tpu.memory_space<vmem>>
      %dma_wait3A_457 = tpu.memref_squeeze %dma_wait3A_456 : memref<1x128x32xf32, #tpu.memory_space<vmem>> -> memref<128x32xf32, #tpu.memory_space<vmem>>
      tpu.wait_dma2 semaphore(%arg13 : memref<!tpu.dma_semaphore, #tpu.memory_space<semaphore_mem>>) src(%dma_wait3A_457 : memref<128x32xf32, #tpu.memory_space<vmem>>) dst(%dma_wait3A_453 : memref<128x32xf32, #tpu.memory_space<vmem_shared>>)
      %dma_wait3A_458 = arith.constant 5 : i32
      %dma_wait3A_459 = arith.constant 0 : i32
      %dma_wait3A_460 = arith.constant 0 : i32
      %dma_wait3A_461 = tpu.memref_slice %arg7[%dma_wait3A_458, %dma_wait3A_459, %dma_wait3A_460] : memref<8x128x32xf32, #tpu.memory_space<vmem>> -> memref<1x128x32xf32, #tpu.memory_space<vmem>>
      %dma_wait3A_462 = tpu.memref_squeeze %dma_wait3A_461 : memref<1x128x32xf32, #tpu.memory_space<vmem>> -> memref<128x32xf32, #tpu.memory_space<vmem>>
      %dma_wait3A_463 = arith.constant 0 : i32
      %dma_wait3A_464 = arith.constant 0 : i32
      %dma_wait3A_465 = tpu.memref_slice %arg8[%dma_wait3A_463, %dma_wait3A_464] : memref<10112x32xf32, #tpu.memory_space<vmem_shared>> -> memref<128x32xf32, #tpu.memory_space<vmem_shared>>
      %dma_wait3A_466 = arith.constant 0 : i32
      %dma_wait3A_467 = arith.constant 0 : i32
      %dma_wait3A_468 = tpu.memref_slice %arg8[%dma_wait3A_466, %dma_wait3A_467] : memref<10112x32xf32, #tpu.memory_space<vmem_shared>> -> memref<128x32xf32, #tpu.memory_space<vmem_shared>>
      %dma_wait3A_469 = arith.constant 0 : i32
      %dma_wait3A_470 = arith.constant 0 : i32
      %dma_wait3A_471 = tpu.memref_slice %arg7[%dma_wait3A_458, %dma_wait3A_469, %dma_wait3A_470] : memref<8x128x32xf32, #tpu.memory_space<vmem>> -> memref<1x128x32xf32, #tpu.memory_space<vmem>>
      %dma_wait3A_472 = tpu.memref_squeeze %dma_wait3A_471 : memref<1x128x32xf32, #tpu.memory_space<vmem>> -> memref<128x32xf32, #tpu.memory_space<vmem>>
      tpu.wait_dma2 semaphore(%arg13 : memref<!tpu.dma_semaphore, #tpu.memory_space<semaphore_mem>>) src(%dma_wait3A_472 : memref<128x32xf32, #tpu.memory_space<vmem>>) dst(%dma_wait3A_468 : memref<128x32xf32, #tpu.memory_space<vmem_shared>>)
      %dma_wait3A_473 = arith.constant 6 : i32
      %dma_wait3A_474 = arith.constant 0 : i32
      %dma_wait3A_475 = arith.constant 0 : i32
      %dma_wait3A_476 = tpu.memref_slice %arg7[%dma_wait3A_473, %dma_wait3A_474, %dma_wait3A_475] : memref<8x128x32xf32, #tpu.memory_space<vmem>> -> memref<1x128x32xf32, #tpu.memory_space<vmem>>
      %dma_wait3A_477 = tpu.memref_squeeze %dma_wait3A_476 : memref<1x128x32xf32, #tpu.memory_space<vmem>> -> memref<128x32xf32, #tpu.memory_space<vmem>>
      %dma_wait3A_478 = arith.constant 0 : i32
      %dma_wait3A_479 = arith.constant 0 : i32
      %dma_wait3A_480 = tpu.memref_slice %arg8[%dma_wait3A_478, %dma_wait3A_479] : memref<10112x32xf32, #tpu.memory_space<vmem_shared>> -> memref<128x32xf32, #tpu.memory_space<vmem_shared>>
      %dma_wait3A_481 = arith.constant 0 : i32
      %dma_wait3A_482 = arith.constant 0 : i32
      %dma_wait3A_483 = tpu.memref_slice %arg8[%dma_wait3A_481, %dma_wait3A_482] : memref<10112x32xf32, #tpu.memory_space<vmem_shared>> -> memref<128x32xf32, #tpu.memory_space<vmem_shared>>
      %dma_wait3A_484 = arith.constant 0 : i32
      %dma_wait3A_485 = arith.constant 0 : i32
      %dma_wait3A_486 = tpu.memref_slice %arg7[%dma_wait3A_473, %dma_wait3A_484, %dma_wait3A_485] : memref<8x128x32xf32, #tpu.memory_space<vmem>> -> memref<1x128x32xf32, #tpu.memory_space<vmem>>
      %dma_wait3A_487 = tpu.memref_squeeze %dma_wait3A_486 : memref<1x128x32xf32, #tpu.memory_space<vmem>> -> memref<128x32xf32, #tpu.memory_space<vmem>>
      tpu.wait_dma2 semaphore(%arg13 : memref<!tpu.dma_semaphore, #tpu.memory_space<semaphore_mem>>) src(%dma_wait3A_487 : memref<128x32xf32, #tpu.memory_space<vmem>>) dst(%dma_wait3A_483 : memref<128x32xf32, #tpu.memory_space<vmem_shared>>)
      %dma_wait3A_488 = arith.constant 7 : i32
      %dma_wait3A_489 = arith.constant 0 : i32
      %dma_wait3A_490 = arith.constant 0 : i32
      %dma_wait3A_491 = tpu.memref_slice %arg7[%dma_wait3A_488, %dma_wait3A_489, %dma_wait3A_490] : memref<8x128x32xf32, #tpu.memory_space<vmem>> -> memref<1x128x32xf32, #tpu.memory_space<vmem>>
      %dma_wait3A_492 = tpu.memref_squeeze %dma_wait3A_491 : memref<1x128x32xf32, #tpu.memory_space<vmem>> -> memref<128x32xf32, #tpu.memory_space<vmem>>
      %dma_wait3A_493 = arith.constant 0 : i32
      %dma_wait3A_494 = arith.constant 0 : i32
      %dma_wait3A_495 = tpu.memref_slice %arg8[%dma_wait3A_493, %dma_wait3A_494] : memref<10112x32xf32, #tpu.memory_space<vmem_shared>> -> memref<128x32xf32, #tpu.memory_space<vmem_shared>>
      %dma_wait3A_496 = arith.constant 0 : i32
      %dma_wait3A_497 = arith.constant 0 : i32
      %dma_wait3A_498 = tpu.memref_slice %arg8[%dma_wait3A_496, %dma_wait3A_497] : memref<10112x32xf32, #tpu.memory_space<vmem_shared>> -> memref<128x32xf32, #tpu.memory_space<vmem_shared>>
      %dma_wait3A_499 = arith.constant 0 : i32
      %dma_wait3A_500 = arith.constant 0 : i32
      %dma_wait3A_501 = tpu.memref_slice %arg7[%dma_wait3A_488, %dma_wait3A_499, %dma_wait3A_500] : memref<8x128x32xf32, #tpu.memory_space<vmem>> -> memref<1x128x32xf32, #tpu.memory_space<vmem>>
      %dma_wait3A_502 = tpu.memref_squeeze %dma_wait3A_501 : memref<1x128x32xf32, #tpu.memory_space<vmem>> -> memref<128x32xf32, #tpu.memory_space<vmem>>
      tpu.wait_dma2 semaphore(%arg13 : memref<!tpu.dma_semaphore, #tpu.memory_space<semaphore_mem>>) src(%dma_wait3A_502 : memref<128x32xf32, #tpu.memory_space<vmem>>) dst(%dma_wait3A_498 : memref<128x32xf32, #tpu.memory_space<vmem_shared>>)
    }
    %scan3A_36 = arith.constant 20 : i32
    %barrier3A_37 = arith.constant 0 : index
    tpu.barrier barrier_id(%barrier3A_37)
    %mul3A_38 = arith.constant 632 : i32
    %mul3A_39 = arith.muli %arg1, %mul3A_38 : i32
    %mul3A_40 = arith.constant 632 : i32
    %mul3A_41 = arith.muli %arg1, %mul3A_40 : i32
    "tpu.region"() ({
      %run_scoped3A_42 = tpu.sem_alloc : memref<!tpu.dma_semaphore, #tpu.memory_space<semaphore_mem>>
      %dma_start3A = arith.constant 0 : i32
      %dma_start3A_43 = tpu.memref_slice %arg4[%arg0, %mul3A_41, %dma_start3A] : memref<2x10112x32xf32, #tpu.memory_space<hbm>> -> memref<1x632x32xf32, #tpu.memory_space<hbm>>
      %dma_start3A_44 = tpu.memref_squeeze %dma_start3A_43 : memref<1x632x32xf32, #tpu.memory_space<hbm>> -> memref<632x32xf32, #tpu.memory_space<hbm>>
      %dma_start3A_45 = arith.constant 0 : i32
      %dma_start3A_46 = tpu.memref_slice %arg8[%mul3A_39, %dma_start3A_45] : memref<10112x32xf32, #tpu.memory_space<vmem_shared>> -> memref<632x32xf32, #tpu.memory_space<vmem_shared>>
      tpu.enqueue_dma source(%dma_start3A_46 : memref<632x32xf32, #tpu.memory_space<vmem_shared>>) target(%dma_start3A_44 : memref<632x32xf32, #tpu.memory_space<hbm>>) target_semaphore(%run_scoped3A_42 : memref<!tpu.dma_semaphore, #tpu.memory_space<semaphore_mem>>)
      %dma_wait3A = arith.constant 0 : i32
      %dma_wait3A_47 = tpu.memref_slice %arg4[%arg0, %mul3A_41, %dma_wait3A] : memref<2x10112x32xf32, #tpu.memory_space<hbm>> -> memref<1x632x32xf32, #tpu.memory_space<hbm>>
      %dma_wait3A_48 = tpu.memref_squeeze %dma_wait3A_47 : memref<1x632x32xf32, #tpu.memory_space<hbm>> -> memref<632x32xf32, #tpu.memory_space<hbm>>
      %dma_wait3A_49 = arith.constant 0 : i32
      %dma_wait3A_50 = tpu.memref_slice %arg8[%mul3A_39, %dma_wait3A_49] : memref<10112x32xf32, #tpu.memory_space<vmem_shared>> -> memref<632x32xf32, #tpu.memory_space<vmem_shared>>
      tpu.wait_dma2 semaphore(%run_scoped3A_42 : memref<!tpu.dma_semaphore, #tpu.memory_space<semaphore_mem>>) src(%dma_wait3A_50 : memref<632x32xf32, #tpu.memory_space<vmem_shared>>) dst(%dma_wait3A_48 : memref<632x32xf32, #tpu.memory_space<hbm>>)
      tpu.yield
    }) : () -> ()
    return
  }
}

#map = affine_map<(d0, d1) -> (0, 0)>
#map1 = affine_map<(d0, d1) -> (0, 0, 0)>
module attributes {stable_mosaic.version = 14 : i64} {
  func.func @body(%arg0: i32, %arg1: i32, %arg2: memref<5120x128xi32, #tpu.memory_space<hbm>>, %arg3: memref<2x10112x16xf32, #tpu.memory_space<hbm>>, %arg4: memref<80x128xi32, #tpu.memory_space<vmem>>, %arg5: memref<128x16xf32, #tpu.memory_space<vmem>>, %arg6: memref<10112x16xf32, #tpu.memory_space<vmem_shared>>, %arg7: memref<!tpu.dma_semaphore, #tpu.memory_space<semaphore_mem>>) attributes {dimension_semantics = [#tpu.dimension_semantics<core_parallel>, #tpu.dimension_semantics<subcore_parallel>], iteration_bounds = array<i64: 2, 16>, scalar_prefetch = 0 : i64, scratch_operands = 4 : i64, tpu.core_type = #tpu.core_type<sc_vector_subcore>, window_params = [{transform_indices = #map}, {transform_indices = #map1}]} {
    %mul3A = arith.constant 16 : i32
    %mul3A_0 = arith.muli %arg0, %mul3A : i32
    %add3A = arith.addi %mul3A_0, %arg1 : i32
    %scan3A = arith.constant 0 : i32
    %scan3A_1 = arith.constant 0 : i32
    %scan3A_2 = arith.constant 128 : i32
    %scan3A_3 = arith.addi %scan3A_1, %scan3A_2 : i32
    %scan3A_4 = arith.constant 1 : i32
    scf.for %scan3A_39 = %scan3A_1 to %scan3A_3 step %scan3A_4  : i32 {
      %broadcast_in_dim3A = arith.constant 0.000000e+00 : f32
      %broadcast_in_dim3A_40 = vector.broadcast %broadcast_in_dim3A : f32 to vector<16xf32>
      %swap3A = arith.index_cast %scan3A_39 : i32 to index
      %swap3A_41 = arith.constant 0 : index
      %swap3A_42 = tpu.vector_load %arg5[%swap3A, %swap3A_41] {strides = array<i32>} : memref<128x16xf32, #tpu.memory_space<vmem>>, vector<1x16xf32>,
      %swap3A_43 = vector.shape_cast %swap3A_42 : vector<1x16xf32> to vector<16xf32>
      %swap3A_44 = vector.shape_cast %broadcast_in_dim3A_40 : vector<16xf32> to vector<1x16xf32>
      tpu.vector_store %arg5[%swap3A, %swap3A_41], %swap3A_44 {strides = array<i32>} : memref<128x16xf32, #tpu.memory_space<vmem>>, vector<1x16xf32>,
    }
    %scan3A_5 = arith.constant 128 : i32
    %mul3A_6 = arith.constant 632 : i32
    %mul3A_7 = arith.muli %arg1, %mul3A_6 : i32
    %add3A_8 = arith.constant 0 : i32
    %add3A_9 = arith.addi %mul3A_7, %add3A_8 : i32
    "tpu.region"() ({
      %run_scoped3A = tpu.sem_alloc : memref<!tpu.dma_semaphore, #tpu.memory_space<semaphore_mem>>
      %dma_start3A = arith.constant 0 : i32
      %dma_start3A_39 = tpu.memref_slice %arg6[%add3A_9, %dma_start3A] : memref<10112x16xf32, #tpu.memory_space<vmem_shared>> -> memref<128x16xf32, #tpu.memory_space<vmem_shared>>
      %dma_start3A_40 = arith.constant 0 : i32
      %dma_start3A_41 = tpu.memref_slice %arg6[%add3A_9, %dma_start3A_40] : memref<10112x16xf32, #tpu.memory_space<vmem_shared>> -> memref<128x16xf32, #tpu.memory_space<vmem_shared>>
      tpu.enqueue_dma source(%arg5 : memref<128x16xf32, #tpu.memory_space<vmem>>) target(%dma_start3A_41 : memref<128x16xf32, #tpu.memory_space<vmem_shared>>) target_semaphore(%run_scoped3A : memref<!tpu.dma_semaphore, #tpu.memory_space<semaphore_mem>>)
      %dma_wait3A = arith.constant 0 : i32
      %dma_wait3A_42 = tpu.memref_slice %arg6[%add3A_9, %dma_wait3A] : memref<10112x16xf32, #tpu.memory_space<vmem_shared>> -> memref<128x16xf32, #tpu.memory_space<vmem_shared>>
      %dma_wait3A_43 = arith.constant 0 : i32
      %dma_wait3A_44 = tpu.memref_slice %arg6[%add3A_9, %dma_wait3A_43] : memref<10112x16xf32, #tpu.memory_space<vmem_shared>> -> memref<128x16xf32, #tpu.memory_space<vmem_shared>>
      tpu.wait_dma2 semaphore(%run_scoped3A : memref<!tpu.dma_semaphore, #tpu.memory_space<semaphore_mem>>) src(%arg5 : memref<128x16xf32, #tpu.memory_space<vmem>>) dst(%dma_wait3A_44 : memref<128x16xf32, #tpu.memory_space<vmem_shared>>)
      tpu.yield
    }) : () -> ()
    %add3A_10 = arith.constant 128 : i32
    %add3A_11 = arith.addi %mul3A_7, %add3A_10 : i32
    "tpu.region"() ({
      %run_scoped3A = tpu.sem_alloc : memref<!tpu.dma_semaphore, #tpu.memory_space<semaphore_mem>>
      %dma_start3A = arith.constant 0 : i32
      %dma_start3A_39 = tpu.memref_slice %arg6[%add3A_11, %dma_start3A] : memref<10112x16xf32, #tpu.memory_space<vmem_shared>> -> memref<128x16xf32, #tpu.memory_space<vmem_shared>>
      %dma_start3A_40 = arith.constant 0 : i32
      %dma_start3A_41 = tpu.memref_slice %arg6[%add3A_11, %dma_start3A_40] : memref<10112x16xf32, #tpu.memory_space<vmem_shared>> -> memref<128x16xf32, #tpu.memory_space<vmem_shared>>
      tpu.enqueue_dma source(%arg5 : memref<128x16xf32, #tpu.memory_space<vmem>>) target(%dma_start3A_41 : memref<128x16xf32, #tpu.memory_space<vmem_shared>>) target_semaphore(%run_scoped3A : memref<!tpu.dma_semaphore, #tpu.memory_space<semaphore_mem>>)
      %dma_wait3A = arith.constant 0 : i32
      %dma_wait3A_42 = tpu.memref_slice %arg6[%add3A_11, %dma_wait3A] : memref<10112x16xf32, #tpu.memory_space<vmem_shared>> -> memref<128x16xf32, #tpu.memory_space<vmem_shared>>
      %dma_wait3A_43 = arith.constant 0 : i32
      %dma_wait3A_44 = tpu.memref_slice %arg6[%add3A_11, %dma_wait3A_43] : memref<10112x16xf32, #tpu.memory_space<vmem_shared>> -> memref<128x16xf32, #tpu.memory_space<vmem_shared>>
      tpu.wait_dma2 semaphore(%run_scoped3A : memref<!tpu.dma_semaphore, #tpu.memory_space<semaphore_mem>>) src(%arg5 : memref<128x16xf32, #tpu.memory_space<vmem>>) dst(%dma_wait3A_44 : memref<128x16xf32, #tpu.memory_space<vmem_shared>>)
      tpu.yield
    }) : () -> ()
    %add3A_12 = arith.constant 256 : i32
    %add3A_13 = arith.addi %mul3A_7, %add3A_12 : i32
    "tpu.region"() ({
      %run_scoped3A = tpu.sem_alloc : memref<!tpu.dma_semaphore, #tpu.memory_space<semaphore_mem>>
      %dma_start3A = arith.constant 0 : i32
      %dma_start3A_39 = tpu.memref_slice %arg6[%add3A_13, %dma_start3A] : memref<10112x16xf32, #tpu.memory_space<vmem_shared>> -> memref<128x16xf32, #tpu.memory_space<vmem_shared>>
      %dma_start3A_40 = arith.constant 0 : i32
      %dma_start3A_41 = tpu.memref_slice %arg6[%add3A_13, %dma_start3A_40] : memref<10112x16xf32, #tpu.memory_space<vmem_shared>> -> memref<128x16xf32, #tpu.memory_space<vmem_shared>>
      tpu.enqueue_dma source(%arg5 : memref<128x16xf32, #tpu.memory_space<vmem>>) target(%dma_start3A_41 : memref<128x16xf32, #tpu.memory_space<vmem_shared>>) target_semaphore(%run_scoped3A : memref<!tpu.dma_semaphore, #tpu.memory_space<semaphore_mem>>)
      %dma_wait3A = arith.constant 0 : i32
      %dma_wait3A_42 = tpu.memref_slice %arg6[%add3A_13, %dma_wait3A] : memref<10112x16xf32, #tpu.memory_space<vmem_shared>> -> memref<128x16xf32, #tpu.memory_space<vmem_shared>>
      %dma_wait3A_43 = arith.constant 0 : i32
      %dma_wait3A_44 = tpu.memref_slice %arg6[%add3A_13, %dma_wait3A_43] : memref<10112x16xf32, #tpu.memory_space<vmem_shared>> -> memref<128x16xf32, #tpu.memory_space<vmem_shared>>
      tpu.wait_dma2 semaphore(%run_scoped3A : memref<!tpu.dma_semaphore, #tpu.memory_space<semaphore_mem>>) src(%arg5 : memref<128x16xf32, #tpu.memory_space<vmem>>) dst(%dma_wait3A_44 : memref<128x16xf32, #tpu.memory_space<vmem_shared>>)
      tpu.yield
    }) : () -> ()
    %add3A_14 = arith.constant 384 : i32
    %add3A_15 = arith.addi %mul3A_7, %add3A_14 : i32
    "tpu.region"() ({
      %run_scoped3A = tpu.sem_alloc : memref<!tpu.dma_semaphore, #tpu.memory_space<semaphore_mem>>
      %dma_start3A = arith.constant 0 : i32
      %dma_start3A_39 = tpu.memref_slice %arg6[%add3A_15, %dma_start3A] : memref<10112x16xf32, #tpu.memory_space<vmem_shared>> -> memref<128x16xf32, #tpu.memory_space<vmem_shared>>
      %dma_start3A_40 = arith.constant 0 : i32
      %dma_start3A_41 = tpu.memref_slice %arg6[%add3A_15, %dma_start3A_40] : memref<10112x16xf32, #tpu.memory_space<vmem_shared>> -> memref<128x16xf32, #tpu.memory_space<vmem_shared>>
      tpu.enqueue_dma source(%arg5 : memref<128x16xf32, #tpu.memory_space<vmem>>) target(%dma_start3A_41 : memref<128x16xf32, #tpu.memory_space<vmem_shared>>) target_semaphore(%run_scoped3A : memref<!tpu.dma_semaphore, #tpu.memory_space<semaphore_mem>>)
      %dma_wait3A = arith.constant 0 : i32
      %dma_wait3A_42 = tpu.memref_slice %arg6[%add3A_15, %dma_wait3A] : memref<10112x16xf32, #tpu.memory_space<vmem_shared>> -> memref<128x16xf32, #tpu.memory_space<vmem_shared>>
      %dma_wait3A_43 = arith.constant 0 : i32
      %dma_wait3A_44 = tpu.memref_slice %arg6[%add3A_15, %dma_wait3A_43] : memref<10112x16xf32, #tpu.memory_space<vmem_shared>> -> memref<128x16xf32, #tpu.memory_space<vmem_shared>>
      tpu.wait_dma2 semaphore(%run_scoped3A : memref<!tpu.dma_semaphore, #tpu.memory_space<semaphore_mem>>) src(%arg5 : memref<128x16xf32, #tpu.memory_space<vmem>>) dst(%dma_wait3A_44 : memref<128x16xf32, #tpu.memory_space<vmem_shared>>)
      tpu.yield
    }) : () -> ()
    %add3A_16 = arith.constant 512 : i32
    %add3A_17 = arith.addi %mul3A_7, %add3A_16 : i32
    "tpu.region"() ({
      %run_scoped3A = tpu.sem_alloc : memref<!tpu.dma_semaphore, #tpu.memory_space<semaphore_mem>>
      %dma_start3A = arith.constant 0 : i32
      %dma_start3A_39 = arith.constant 0 : i32
      %dma_start3A_40 = tpu.memref_slice %arg5[%dma_start3A, %dma_start3A_39] : memref<128x16xf32, #tpu.memory_space<vmem>> -> memref<120x16xf32, #tpu.memory_space<vmem>>
      %dma_start3A_41 = arith.constant 0 : i32
      %dma_start3A_42 = tpu.memref_slice %arg6[%add3A_17, %dma_start3A_41] : memref<10112x16xf32, #tpu.memory_space<vmem_shared>> -> memref<120x16xf32, #tpu.memory_space<vmem_shared>>
      %dma_start3A_43 = arith.constant 0 : i32
      %dma_start3A_44 = tpu.memref_slice %arg6[%add3A_17, %dma_start3A_43] : memref<10112x16xf32, #tpu.memory_space<vmem_shared>> -> memref<120x16xf32, #tpu.memory_space<vmem_shared>>
      %dma_start3A_45 = arith.constant 0 : i32
      %dma_start3A_46 = arith.constant 0 : i32
      %dma_start3A_47 = tpu.memref_slice %arg5[%dma_start3A_45, %dma_start3A_46] : memref<128x16xf32, #tpu.memory_space<vmem>> -> memref<120x16xf32, #tpu.memory_space<vmem>>
      tpu.enqueue_dma source(%dma_start3A_47 : memref<120x16xf32, #tpu.memory_space<vmem>>) target(%dma_start3A_44 : memref<120x16xf32, #tpu.memory_space<vmem_shared>>) target_semaphore(%run_scoped3A : memref<!tpu.dma_semaphore, #tpu.memory_space<semaphore_mem>>)
      %dma_wait3A = arith.constant 0 : i32
      %dma_wait3A_48 = arith.constant 0 : i32
      %dma_wait3A_49 = tpu.memref_slice %arg5[%dma_wait3A, %dma_wait3A_48] : memref<128x16xf32, #tpu.memory_space<vmem>> -> memref<120x16xf32, #tpu.memory_space<vmem>>
      %dma_wait3A_50 = arith.constant 0 : i32
      %dma_wait3A_51 = tpu.memref_slice %arg6[%add3A_17, %dma_wait3A_50] : memref<10112x16xf32, #tpu.memory_space<vmem_shared>> -> memref<120x16xf32, #tpu.memory_space<vmem_shared>>
      %dma_wait3A_52 = arith.constant 0 : i32
      %dma_wait3A_53 = tpu.memref_slice %arg6[%add3A_17, %dma_wait3A_52] : memref<10112x16xf32, #tpu.memory_space<vmem_shared>> -> memref<120x16xf32, #tpu.memory_space<vmem_shared>>
      %dma_wait3A_54 = arith.constant 0 : i32
      %dma_wait3A_55 = arith.constant 0 : i32
      %dma_wait3A_56 = tpu.memref_slice %arg5[%dma_wait3A_54, %dma_wait3A_55] : memref<128x16xf32, #tpu.memory_space<vmem>> -> memref<120x16xf32, #tpu.memory_space<vmem>>
      tpu.wait_dma2 semaphore(%run_scoped3A : memref<!tpu.dma_semaphore, #tpu.memory_space<semaphore_mem>>) src(%dma_wait3A_56 : memref<120x16xf32, #tpu.memory_space<vmem>>) dst(%dma_wait3A_53 : memref<120x16xf32, #tpu.memory_space<vmem_shared>>)
      tpu.yield
    }) : () -> ()
    %scan3A_18 = arith.constant 0 : i32
    %scan3A_19 = arith.constant 0 : i32
    %scan3A_20 = arith.constant 128 : i32
    %scan3A_21 = arith.addi %scan3A_19, %scan3A_20 : i32
    %scan3A_22 = arith.constant 1 : i32
    scf.for %scan3A_39 = %scan3A_19 to %scan3A_21 step %scan3A_22  : i32 {
      %broadcast_in_dim3A = arith.constant 1.000000e+00 : f32
      %broadcast_in_dim3A_40 = vector.broadcast %broadcast_in_dim3A : f32 to vector<16xf32>
      %swap3A = arith.index_cast %scan3A_39 : i32 to index
      %swap3A_41 = arith.constant 0 : index
      %swap3A_42 = tpu.vector_load %arg5[%swap3A, %swap3A_41] {strides = array<i32>} : memref<128x16xf32, #tpu.memory_space<vmem>>, vector<1x16xf32>,
      %swap3A_43 = vector.shape_cast %swap3A_42 : vector<1x16xf32> to vector<16xf32>
      %swap3A_44 = vector.shape_cast %broadcast_in_dim3A_40 : vector<16xf32> to vector<1x16xf32>
      tpu.vector_store %arg5[%swap3A, %swap3A_41], %swap3A_44 {strides = array<i32>} : memref<128x16xf32, #tpu.memory_space<vmem>>, vector<1x16xf32>,
    }
    %scan3A_23 = arith.constant 128 : i32
    %barrier3A = arith.constant 0 : index
    tpu.barrier barrier_id(%barrier3A)
    %mul3A_24 = arith.constant 80 : i32
    %mul3A_25 = arith.muli %add3A, %mul3A_24 : i32
    %add3A_26 = arith.constant 2560 : i32
    %add3A_27 = arith.addi %add3A_26, %mul3A_25 : i32
    "tpu.region"() ({
      %run_scoped3A = tpu.sem_alloc : memref<!tpu.dma_semaphore, #tpu.memory_space<semaphore_mem>>
      %dma_start3A = arith.constant 0 : i32
      %dma_start3A_39 = tpu.memref_slice %arg2[%add3A_27, %dma_start3A] : memref<5120x128xi32, #tpu.memory_space<hbm>> -> memref<80x128xi32, #tpu.memory_space<hbm>>
      %dma_start3A_40 = arith.constant 0 : i32
      %dma_start3A_41 = tpu.memref_slice %arg2[%add3A_27, %dma_start3A_40] : memref<5120x128xi32, #tpu.memory_space<hbm>> -> memref<80x128xi32, #tpu.memory_space<hbm>>
      tpu.enqueue_dma source(%dma_start3A_41 : memref<80x128xi32, #tpu.memory_space<hbm>>) target(%arg4 : memref<80x128xi32, #tpu.memory_space<vmem>>) target_semaphore(%run_scoped3A : memref<!tpu.dma_semaphore, #tpu.memory_space<semaphore_mem>>)
      %dma_wait3A = arith.constant 0 : i32
      %dma_wait3A_42 = tpu.memref_slice %arg2[%add3A_27, %dma_wait3A] : memref<5120x128xi32, #tpu.memory_space<hbm>> -> memref<80x128xi32, #tpu.memory_space<hbm>>
      %dma_wait3A_43 = arith.constant 0 : i32
      %dma_wait3A_44 = tpu.memref_slice %arg2[%add3A_27, %dma_wait3A_43] : memref<5120x128xi32, #tpu.memory_space<hbm>> -> memref<80x128xi32, #tpu.memory_space<hbm>>
      tpu.wait_dma2 semaphore(%run_scoped3A : memref<!tpu.dma_semaphore, #tpu.memory_space<semaphore_mem>>) src(%dma_wait3A_44 : memref<80x128xi32, #tpu.memory_space<hbm>>) dst(%arg4 : memref<80x128xi32, #tpu.memory_space<vmem>>)
      tpu.yield
    }) : () -> ()
    %scan3A_28 = arith.constant 0 : i32
    %scan3A_29 = arith.constant 0 : i32
    %scan3A_30 = arith.constant 10 : i32
    %scan3A_31 = arith.addi %scan3A_29, %scan3A_30 : i32
    %scan3A_32 = arith.constant 1 : i32
    scf.for %scan3A_39 = %scan3A_29 to %scan3A_31 step %scan3A_32  : i32 {
      %mul3A_40 = arith.constant 8 : i32
      %mul3A_41 = arith.muli %scan3A_39, %mul3A_40 : i32
      %add3A_42 = arith.constant 0 : i32
      %add3A_43 = arith.addi %mul3A_41, %add3A_42 : i32
      %dma_start3A = arith.constant 0 : i32
      %dma_start3A_44 = tpu.memref_slice %arg4[%add3A_43, %dma_start3A] : memref<80x128xi32, #tpu.memory_space<vmem>> -> memref<1x128xi32, #tpu.memory_space<vmem>>
      %dma_start3A_45 = tpu.memref_squeeze %dma_start3A_44 : memref<1x128xi32, #tpu.memory_space<vmem>> -> memref<128xi32, #tpu.memory_space<vmem>>
      %dma_start3A_46 = arith.constant 0 : i32
      %dma_start3A_47 = arith.constant 0 : i32
      %dma_start3A_48 = tpu.memref_slice %arg6[%dma_start3A_46, %dma_start3A_47] : memref<10112x16xf32, #tpu.memory_space<vmem_shared>> -> memref<10112x16xf32, #tpu.memory_space<vmem_shared>>
      tpu.enqueue_indirect_dma source(%arg5 : memref<128x16xf32, #tpu.memory_space<vmem>>) target(%dma_start3A_48 : memref<10112x16xf32, #tpu.memory_space<vmem_shared>>) offsets(%dma_start3A_45 : memref<128xi32, #tpu.memory_space<vmem>>) semaphore(%arg7 : memref<!tpu.dma_semaphore, #tpu.memory_space<semaphore_mem>>) {add = true}
      %mul3A_49 = arith.constant 8 : i32
      %mul3A_50 = arith.muli %scan3A_39, %mul3A_49 : i32
      %add3A_51 = arith.constant 1 : i32
      %add3A_52 = arith.addi %mul3A_50, %add3A_51 : i32
      %dma_start3A_53 = arith.constant 0 : i32
      %dma_start3A_54 = tpu.memref_slice %arg4[%add3A_52, %dma_start3A_53] : memref<80x128xi32, #tpu.memory_space<vmem>> -> memref<1x128xi32, #tpu.memory_space<vmem>>
      %dma_start3A_55 = tpu.memref_squeeze %dma_start3A_54 : memref<1x128xi32, #tpu.memory_space<vmem>> -> memref<128xi32, #tpu.memory_space<vmem>>
      %dma_start3A_56 = arith.constant 0 : i32
      %dma_start3A_57 = arith.constant 0 : i32
      %dma_start3A_58 = tpu.memref_slice %arg6[%dma_start3A_56, %dma_start3A_57] : memref<10112x16xf32, #tpu.memory_space<vmem_shared>> -> memref<10112x16xf32, #tpu.memory_space<vmem_shared>>
      tpu.enqueue_indirect_dma source(%arg5 : memref<128x16xf32, #tpu.memory_space<vmem>>) target(%dma_start3A_58 : memref<10112x16xf32, #tpu.memory_space<vmem_shared>>) offsets(%dma_start3A_55 : memref<128xi32, #tpu.memory_space<vmem>>) semaphore(%arg7 : memref<!tpu.dma_semaphore, #tpu.memory_space<semaphore_mem>>) {add = true}
      %mul3A_59 = arith.constant 8 : i32
      %mul3A_60 = arith.muli %scan3A_39, %mul3A_59 : i32
      %add3A_61 = arith.constant 2 : i32
      %add3A_62 = arith.addi %mul3A_60, %add3A_61 : i32
      %dma_start3A_63 = arith.constant 0 : i32
      %dma_start3A_64 = tpu.memref_slice %arg4[%add3A_62, %dma_start3A_63] : memref<80x128xi32, #tpu.memory_space<vmem>> -> memref<1x128xi32, #tpu.memory_space<vmem>>
      %dma_start3A_65 = tpu.memref_squeeze %dma_start3A_64 : memref<1x128xi32, #tpu.memory_space<vmem>> -> memref<128xi32, #tpu.memory_space<vmem>>
      %dma_start3A_66 = arith.constant 0 : i32
      %dma_start3A_67 = arith.constant 0 : i32
      %dma_start3A_68 = tpu.memref_slice %arg6[%dma_start3A_66, %dma_start3A_67] : memref<10112x16xf32, #tpu.memory_space<vmem_shared>> -> memref<10112x16xf32, #tpu.memory_space<vmem_shared>>
      tpu.enqueue_indirect_dma source(%arg5 : memref<128x16xf32, #tpu.memory_space<vmem>>) target(%dma_start3A_68 : memref<10112x16xf32, #tpu.memory_space<vmem_shared>>) offsets(%dma_start3A_65 : memref<128xi32, #tpu.memory_space<vmem>>) semaphore(%arg7 : memref<!tpu.dma_semaphore, #tpu.memory_space<semaphore_mem>>) {add = true}
      %mul3A_69 = arith.constant 8 : i32
      %mul3A_70 = arith.muli %scan3A_39, %mul3A_69 : i32
      %add3A_71 = arith.constant 3 : i32
      %add3A_72 = arith.addi %mul3A_70, %add3A_71 : i32
      %dma_start3A_73 = arith.constant 0 : i32
      %dma_start3A_74 = tpu.memref_slice %arg4[%add3A_72, %dma_start3A_73] : memref<80x128xi32, #tpu.memory_space<vmem>> -> memref<1x128xi32, #tpu.memory_space<vmem>>
      %dma_start3A_75 = tpu.memref_squeeze %dma_start3A_74 : memref<1x128xi32, #tpu.memory_space<vmem>> -> memref<128xi32, #tpu.memory_space<vmem>>
      %dma_start3A_76 = arith.constant 0 : i32
      %dma_start3A_77 = arith.constant 0 : i32
      %dma_start3A_78 = tpu.memref_slice %arg6[%dma_start3A_76, %dma_start3A_77] : memref<10112x16xf32, #tpu.memory_space<vmem_shared>> -> memref<10112x16xf32, #tpu.memory_space<vmem_shared>>
      tpu.enqueue_indirect_dma source(%arg5 : memref<128x16xf32, #tpu.memory_space<vmem>>) target(%dma_start3A_78 : memref<10112x16xf32, #tpu.memory_space<vmem_shared>>) offsets(%dma_start3A_75 : memref<128xi32, #tpu.memory_space<vmem>>) semaphore(%arg7 : memref<!tpu.dma_semaphore, #tpu.memory_space<semaphore_mem>>) {add = true}
      %mul3A_79 = arith.constant 8 : i32
      %mul3A_80 = arith.muli %scan3A_39, %mul3A_79 : i32
      %add3A_81 = arith.constant 4 : i32
      %add3A_82 = arith.addi %mul3A_80, %add3A_81 : i32
      %dma_start3A_83 = arith.constant 0 : i32
      %dma_start3A_84 = tpu.memref_slice %arg4[%add3A_82, %dma_start3A_83] : memref<80x128xi32, #tpu.memory_space<vmem>> -> memref<1x128xi32, #tpu.memory_space<vmem>>
      %dma_start3A_85 = tpu.memref_squeeze %dma_start3A_84 : memref<1x128xi32, #tpu.memory_space<vmem>> -> memref<128xi32, #tpu.memory_space<vmem>>
      %dma_start3A_86 = arith.constant 0 : i32
      %dma_start3A_87 = arith.constant 0 : i32
      %dma_start3A_88 = tpu.memref_slice %arg6[%dma_start3A_86, %dma_start3A_87] : memref<10112x16xf32, #tpu.memory_space<vmem_shared>> -> memref<10112x16xf32, #tpu.memory_space<vmem_shared>>
      tpu.enqueue_indirect_dma source(%arg5 : memref<128x16xf32, #tpu.memory_space<vmem>>) target(%dma_start3A_88 : memref<10112x16xf32, #tpu.memory_space<vmem_shared>>) offsets(%dma_start3A_85 : memref<128xi32, #tpu.memory_space<vmem>>) semaphore(%arg7 : memref<!tpu.dma_semaphore, #tpu.memory_space<semaphore_mem>>) {add = true}
      %mul3A_89 = arith.constant 8 : i32
      %mul3A_90 = arith.muli %scan3A_39, %mul3A_89 : i32
      %add3A_91 = arith.constant 5 : i32
      %add3A_92 = arith.addi %mul3A_90, %add3A_91 : i32
      %dma_start3A_93 = arith.constant 0 : i32
      %dma_start3A_94 = tpu.memref_slice %arg4[%add3A_92, %dma_start3A_93] : memref<80x128xi32, #tpu.memory_space<vmem>> -> memref<1x128xi32, #tpu.memory_space<vmem>>
      %dma_start3A_95 = tpu.memref_squeeze %dma_start3A_94 : memref<1x128xi32, #tpu.memory_space<vmem>> -> memref<128xi32, #tpu.memory_space<vmem>>
      %dma_start3A_96 = arith.constant 0 : i32
      %dma_start3A_97 = arith.constant 0 : i32
      %dma_start3A_98 = tpu.memref_slice %arg6[%dma_start3A_96, %dma_start3A_97] : memref<10112x16xf32, #tpu.memory_space<vmem_shared>> -> memref<10112x16xf32, #tpu.memory_space<vmem_shared>>
      tpu.enqueue_indirect_dma source(%arg5 : memref<128x16xf32, #tpu.memory_space<vmem>>) target(%dma_start3A_98 : memref<10112x16xf32, #tpu.memory_space<vmem_shared>>) offsets(%dma_start3A_95 : memref<128xi32, #tpu.memory_space<vmem>>) semaphore(%arg7 : memref<!tpu.dma_semaphore, #tpu.memory_space<semaphore_mem>>) {add = true}
      %mul3A_99 = arith.constant 8 : i32
      %mul3A_100 = arith.muli %scan3A_39, %mul3A_99 : i32
      %add3A_101 = arith.constant 6 : i32
      %add3A_102 = arith.addi %mul3A_100, %add3A_101 : i32
      %dma_start3A_103 = arith.constant 0 : i32
      %dma_start3A_104 = tpu.memref_slice %arg4[%add3A_102, %dma_start3A_103] : memref<80x128xi32, #tpu.memory_space<vmem>> -> memref<1x128xi32, #tpu.memory_space<vmem>>
      %dma_start3A_105 = tpu.memref_squeeze %dma_start3A_104 : memref<1x128xi32, #tpu.memory_space<vmem>> -> memref<128xi32, #tpu.memory_space<vmem>>
      %dma_start3A_106 = arith.constant 0 : i32
      %dma_start3A_107 = arith.constant 0 : i32
      %dma_start3A_108 = tpu.memref_slice %arg6[%dma_start3A_106, %dma_start3A_107] : memref<10112x16xf32, #tpu.memory_space<vmem_shared>> -> memref<10112x16xf32, #tpu.memory_space<vmem_shared>>
      tpu.enqueue_indirect_dma source(%arg5 : memref<128x16xf32, #tpu.memory_space<vmem>>) target(%dma_start3A_108 : memref<10112x16xf32, #tpu.memory_space<vmem_shared>>) offsets(%dma_start3A_105 : memref<128xi32, #tpu.memory_space<vmem>>) semaphore(%arg7 : memref<!tpu.dma_semaphore, #tpu.memory_space<semaphore_mem>>) {add = true}
      %mul3A_109 = arith.constant 8 : i32
      %mul3A_110 = arith.muli %scan3A_39, %mul3A_109 : i32
      %add3A_111 = arith.constant 7 : i32
      %add3A_112 = arith.addi %mul3A_110, %add3A_111 : i32
      %dma_start3A_113 = arith.constant 0 : i32
      %dma_start3A_114 = tpu.memref_slice %arg4[%add3A_112, %dma_start3A_113] : memref<80x128xi32, #tpu.memory_space<vmem>> -> memref<1x128xi32, #tpu.memory_space<vmem>>
      %dma_start3A_115 = tpu.memref_squeeze %dma_start3A_114 : memref<1x128xi32, #tpu.memory_space<vmem>> -> memref<128xi32, #tpu.memory_space<vmem>>
      %dma_start3A_116 = arith.constant 0 : i32
      %dma_start3A_117 = arith.constant 0 : i32
      %dma_start3A_118 = tpu.memref_slice %arg6[%dma_start3A_116, %dma_start3A_117] : memref<10112x16xf32, #tpu.memory_space<vmem_shared>> -> memref<10112x16xf32, #tpu.memory_space<vmem_shared>>
      tpu.enqueue_indirect_dma source(%arg5 : memref<128x16xf32, #tpu.memory_space<vmem>>) target(%dma_start3A_118 : memref<10112x16xf32, #tpu.memory_space<vmem_shared>>) offsets(%dma_start3A_115 : memref<128xi32, #tpu.memory_space<vmem>>) semaphore(%arg7 : memref<!tpu.dma_semaphore, #tpu.memory_space<semaphore_mem>>) {add = true}
      %dma_wait3A = arith.constant 0 : i32
      %dma_wait3A_119 = tpu.memref_slice %arg4[%add3A_43, %dma_wait3A] : memref<80x128xi32, #tpu.memory_space<vmem>> -> memref<1x128xi32, #tpu.memory_space<vmem>>
      %dma_wait3A_120 = tpu.memref_squeeze %dma_wait3A_119 : memref<1x128xi32, #tpu.memory_space<vmem>> -> memref<128xi32, #tpu.memory_space<vmem>>
      %dma_wait3A_121 = arith.constant 0 : i32
      %dma_wait3A_122 = arith.constant 0 : i32
      %dma_wait3A_123 = tpu.memref_slice %arg6[%dma_wait3A_121, %dma_wait3A_122] : memref<10112x16xf32, #tpu.memory_space<vmem_shared>> -> memref<10112x16xf32, #tpu.memory_space<vmem_shared>>
      tpu.wait_indirect_dma semaphore(%arg7 : memref<!tpu.dma_semaphore, #tpu.memory_space<semaphore_mem>>) src(%arg5 : memref<128x16xf32, #tpu.memory_space<vmem>>) dst(%dma_wait3A_123 : memref<10112x16xf32, #tpu.memory_space<vmem_shared>>)
      %dma_wait3A_124 = arith.constant 0 : i32
      %dma_wait3A_125 = tpu.memref_slice %arg4[%add3A_52, %dma_wait3A_124] : memref<80x128xi32, #tpu.memory_space<vmem>> -> memref<1x128xi32, #tpu.memory_space<vmem>>
      %dma_wait3A_126 = tpu.memref_squeeze %dma_wait3A_125 : memref<1x128xi32, #tpu.memory_space<vmem>> -> memref<128xi32, #tpu.memory_space<vmem>>
      %dma_wait3A_127 = arith.constant 0 : i32
      %dma_wait3A_128 = arith.constant 0 : i32
      %dma_wait3A_129 = tpu.memref_slice %arg6[%dma_wait3A_127, %dma_wait3A_128] : memref<10112x16xf32, #tpu.memory_space<vmem_shared>> -> memref<10112x16xf32, #tpu.memory_space<vmem_shared>>
      tpu.wait_indirect_dma semaphore(%arg7 : memref<!tpu.dma_semaphore, #tpu.memory_space<semaphore_mem>>) src(%arg5 : memref<128x16xf32, #tpu.memory_space<vmem>>) dst(%dma_wait3A_129 : memref<10112x16xf32, #tpu.memory_space<vmem_shared>>)
      %dma_wait3A_130 = arith.constant 0 : i32
      %dma_wait3A_131 = tpu.memref_slice %arg4[%add3A_62, %dma_wait3A_130] : memref<80x128xi32, #tpu.memory_space<vmem>> -> memref<1x128xi32, #tpu.memory_space<vmem>>
      %dma_wait3A_132 = tpu.memref_squeeze %dma_wait3A_131 : memref<1x128xi32, #tpu.memory_space<vmem>> -> memref<128xi32, #tpu.memory_space<vmem>>
      %dma_wait3A_133 = arith.constant 0 : i32
      %dma_wait3A_134 = arith.constant 0 : i32
      %dma_wait3A_135 = tpu.memref_slice %arg6[%dma_wait3A_133, %dma_wait3A_134] : memref<10112x16xf32, #tpu.memory_space<vmem_shared>> -> memref<10112x16xf32, #tpu.memory_space<vmem_shared>>
      tpu.wait_indirect_dma semaphore(%arg7 : memref<!tpu.dma_semaphore, #tpu.memory_space<semaphore_mem>>) src(%arg5 : memref<128x16xf32, #tpu.memory_space<vmem>>) dst(%dma_wait3A_135 : memref<10112x16xf32, #tpu.memory_space<vmem_shared>>)
      %dma_wait3A_136 = arith.constant 0 : i32
      %dma_wait3A_137 = tpu.memref_slice %arg4[%add3A_72, %dma_wait3A_136] : memref<80x128xi32, #tpu.memory_space<vmem>> -> memref<1x128xi32, #tpu.memory_space<vmem>>
      %dma_wait3A_138 = tpu.memref_squeeze %dma_wait3A_137 : memref<1x128xi32, #tpu.memory_space<vmem>> -> memref<128xi32, #tpu.memory_space<vmem>>
      %dma_wait3A_139 = arith.constant 0 : i32
      %dma_wait3A_140 = arith.constant 0 : i32
      %dma_wait3A_141 = tpu.memref_slice %arg6[%dma_wait3A_139, %dma_wait3A_140] : memref<10112x16xf32, #tpu.memory_space<vmem_shared>> -> memref<10112x16xf32, #tpu.memory_space<vmem_shared>>
      tpu.wait_indirect_dma semaphore(%arg7 : memref<!tpu.dma_semaphore, #tpu.memory_space<semaphore_mem>>) src(%arg5 : memref<128x16xf32, #tpu.memory_space<vmem>>) dst(%dma_wait3A_141 : memref<10112x16xf32, #tpu.memory_space<vmem_shared>>)
      %dma_wait3A_142 = arith.constant 0 : i32
      %dma_wait3A_143 = tpu.memref_slice %arg4[%add3A_82, %dma_wait3A_142] : memref<80x128xi32, #tpu.memory_space<vmem>> -> memref<1x128xi32, #tpu.memory_space<vmem>>
      %dma_wait3A_144 = tpu.memref_squeeze %dma_wait3A_143 : memref<1x128xi32, #tpu.memory_space<vmem>> -> memref<128xi32, #tpu.memory_space<vmem>>
      %dma_wait3A_145 = arith.constant 0 : i32
      %dma_wait3A_146 = arith.constant 0 : i32
      %dma_wait3A_147 = tpu.memref_slice %arg6[%dma_wait3A_145, %dma_wait3A_146] : memref<10112x16xf32, #tpu.memory_space<vmem_shared>> -> memref<10112x16xf32, #tpu.memory_space<vmem_shared>>
      tpu.wait_indirect_dma semaphore(%arg7 : memref<!tpu.dma_semaphore, #tpu.memory_space<semaphore_mem>>) src(%arg5 : memref<128x16xf32, #tpu.memory_space<vmem>>) dst(%dma_wait3A_147 : memref<10112x16xf32, #tpu.memory_space<vmem_shared>>)
      %dma_wait3A_148 = arith.constant 0 : i32
      %dma_wait3A_149 = tpu.memref_slice %arg4[%add3A_92, %dma_wait3A_148] : memref<80x128xi32, #tpu.memory_space<vmem>> -> memref<1x128xi32, #tpu.memory_space<vmem>>
      %dma_wait3A_150 = tpu.memref_squeeze %dma_wait3A_149 : memref<1x128xi32, #tpu.memory_space<vmem>> -> memref<128xi32, #tpu.memory_space<vmem>>
      %dma_wait3A_151 = arith.constant 0 : i32
      %dma_wait3A_152 = arith.constant 0 : i32
      %dma_wait3A_153 = tpu.memref_slice %arg6[%dma_wait3A_151, %dma_wait3A_152] : memref<10112x16xf32, #tpu.memory_space<vmem_shared>> -> memref<10112x16xf32, #tpu.memory_space<vmem_shared>>
      tpu.wait_indirect_dma semaphore(%arg7 : memref<!tpu.dma_semaphore, #tpu.memory_space<semaphore_mem>>) src(%arg5 : memref<128x16xf32, #tpu.memory_space<vmem>>) dst(%dma_wait3A_153 : memref<10112x16xf32, #tpu.memory_space<vmem_shared>>)
      %dma_wait3A_154 = arith.constant 0 : i32
      %dma_wait3A_155 = tpu.memref_slice %arg4[%add3A_102, %dma_wait3A_154] : memref<80x128xi32, #tpu.memory_space<vmem>> -> memref<1x128xi32, #tpu.memory_space<vmem>>
      %dma_wait3A_156 = tpu.memref_squeeze %dma_wait3A_155 : memref<1x128xi32, #tpu.memory_space<vmem>> -> memref<128xi32, #tpu.memory_space<vmem>>
      %dma_wait3A_157 = arith.constant 0 : i32
      %dma_wait3A_158 = arith.constant 0 : i32
      %dma_wait3A_159 = tpu.memref_slice %arg6[%dma_wait3A_157, %dma_wait3A_158] : memref<10112x16xf32, #tpu.memory_space<vmem_shared>> -> memref<10112x16xf32, #tpu.memory_space<vmem_shared>>
      tpu.wait_indirect_dma semaphore(%arg7 : memref<!tpu.dma_semaphore, #tpu.memory_space<semaphore_mem>>) src(%arg5 : memref<128x16xf32, #tpu.memory_space<vmem>>) dst(%dma_wait3A_159 : memref<10112x16xf32, #tpu.memory_space<vmem_shared>>)
      %dma_wait3A_160 = arith.constant 0 : i32
      %dma_wait3A_161 = tpu.memref_slice %arg4[%add3A_112, %dma_wait3A_160] : memref<80x128xi32, #tpu.memory_space<vmem>> -> memref<1x128xi32, #tpu.memory_space<vmem>>
      %dma_wait3A_162 = tpu.memref_squeeze %dma_wait3A_161 : memref<1x128xi32, #tpu.memory_space<vmem>> -> memref<128xi32, #tpu.memory_space<vmem>>
      %dma_wait3A_163 = arith.constant 0 : i32
      %dma_wait3A_164 = arith.constant 0 : i32
      %dma_wait3A_165 = tpu.memref_slice %arg6[%dma_wait3A_163, %dma_wait3A_164] : memref<10112x16xf32, #tpu.memory_space<vmem_shared>> -> memref<10112x16xf32, #tpu.memory_space<vmem_shared>>
      tpu.wait_indirect_dma semaphore(%arg7 : memref<!tpu.dma_semaphore, #tpu.memory_space<semaphore_mem>>) src(%arg5 : memref<128x16xf32, #tpu.memory_space<vmem>>) dst(%dma_wait3A_165 : memref<10112x16xf32, #tpu.memory_space<vmem_shared>>)
    }
    %scan3A_33 = arith.constant 10 : i32
    %barrier3A_34 = arith.constant 0 : index
    tpu.barrier barrier_id(%barrier3A_34)
    %mul3A_35 = arith.constant 632 : i32
    %mul3A_36 = arith.muli %arg1, %mul3A_35 : i32
    %mul3A_37 = arith.constant 632 : i32
    %mul3A_38 = arith.muli %arg1, %mul3A_37 : i32
    "tpu.region"() ({
      %run_scoped3A = tpu.sem_alloc : memref<!tpu.dma_semaphore, #tpu.memory_space<semaphore_mem>>
      %dma_start3A = arith.constant 0 : i32
      %dma_start3A_39 = tpu.memref_slice %arg3[%arg0, %mul3A_38, %dma_start3A] : memref<2x10112x16xf32, #tpu.memory_space<hbm>> -> memref<1x632x16xf32, #tpu.memory_space<hbm>>
      %dma_start3A_40 = tpu.memref_squeeze %dma_start3A_39 : memref<1x632x16xf32, #tpu.memory_space<hbm>> -> memref<632x16xf32, #tpu.memory_space<hbm>>
      %dma_start3A_41 = arith.constant 0 : i32
      %dma_start3A_42 = tpu.memref_slice %arg6[%mul3A_36, %dma_start3A_41] : memref<10112x16xf32, #tpu.memory_space<vmem_shared>> -> memref<632x16xf32, #tpu.memory_space<vmem_shared>>
      tpu.enqueue_dma source(%dma_start3A_42 : memref<632x16xf32, #tpu.memory_space<vmem_shared>>) target(%dma_start3A_40 : memref<632x16xf32, #tpu.memory_space<hbm>>) target_semaphore(%run_scoped3A : memref<!tpu.dma_semaphore, #tpu.memory_space<semaphore_mem>>)
      %dma_wait3A = arith.constant 0 : i32
      %dma_wait3A_43 = tpu.memref_slice %arg3[%arg0, %mul3A_38, %dma_wait3A] : memref<2x10112x16xf32, #tpu.memory_space<hbm>> -> memref<1x632x16xf32, #tpu.memory_space<hbm>>
      %dma_wait3A_44 = tpu.memref_squeeze %dma_wait3A_43 : memref<1x632x16xf32, #tpu.memory_space<hbm>> -> memref<632x16xf32, #tpu.memory_space<hbm>>
      %dma_wait3A_45 = arith.constant 0 : i32
      %dma_wait3A_46 = tpu.memref_slice %arg6[%mul3A_36, %dma_wait3A_45] : memref<10112x16xf32, #tpu.memory_space<vmem_shared>> -> memref<632x16xf32, #tpu.memory_space<vmem_shared>>
      tpu.wait_dma2 semaphore(%run_scoped3A : memref<!tpu.dma_semaphore, #tpu.memory_space<semaphore_mem>>) src(%dma_wait3A_46 : memref<632x16xf32, #tpu.memory_space<vmem_shared>>) dst(%dma_wait3A_44 : memref<632x16xf32, #tpu.memory_space<hbm>>)
      tpu.yield
    }) : () -> ()
    return
  }
}

#map = affine_map<(d0, d1) -> (0, 0, 0)>
#map1 = affine_map<(d0, d1) -> (0, 0)>
module attributes {stable_mosaic.version = 14 : i64} {
  func.func @body(%arg0: i32, %arg1: i32, %arg2: memref<2x10048x16xf32, #tpu.memory_space<hbm>>, %arg3: memref<5120x128xi32, #tpu.memory_space<hbm>>, %arg4: memref<2x10112x16xf32, #tpu.memory_space<hbm>>, %arg5: memref<160x128xi32, #tpu.memory_space<vmem>>, %arg6: memref<160x128xi32, #tpu.memory_space<vmem>>, %arg7: memref<8x128x16xf32, #tpu.memory_space<vmem>>, %arg8: memref<10112x16xf32, #tpu.memory_space<vmem_shared>>, %arg9: memref<10000x16xf32, #tpu.memory_space<vmem_shared>>, %arg10: memref<!tpu.dma_semaphore, #tpu.memory_space<semaphore_mem>>, %arg11: memref<!tpu.dma_semaphore, #tpu.memory_space<semaphore_mem>>, %arg12: memref<!tpu.dma_semaphore, #tpu.memory_space<semaphore_mem>>, %arg13: memref<!tpu.dma_semaphore, #tpu.memory_space<semaphore_mem>>) attributes {dimension_semantics = [#tpu.dimension_semantics<core_parallel>, #tpu.dimension_semantics<subcore_parallel>], iteration_bounds = array<i64: 2, 16>, scalar_prefetch = 0 : i64, scratch_operands = 9 : i64, tpu.core_type = #tpu.core_type<sc_vector_subcore>, window_params = [{transform_indices = #map}, {transform_indices = #map1}, {transform_indices = #map}]} {
    %lt3A = arith.constant 15 : i32
    %lt3A_0 = arith.cmpi slt, %arg1, %lt3A : i32
    %convert_element_type3A = arith.extui %lt3A_0 : i1 to i32
    %cond3A = arith.constant 0 : i32
    %cond3A_1 = arith.cmpi ne, %convert_element_type3A, %cond3A : i32
    scf.if %cond3A_1 {
      %mul3A_42 = arith.constant 632 : i32
      %mul3A_43 = arith.muli %arg1, %mul3A_42 : i32
      %mul3A_44 = arith.constant 632 : i32
      %mul3A_45 = arith.muli %arg1, %mul3A_44 : i32
      "tpu.region"() ({
        %run_scoped3A_46 = tpu.sem_alloc : memref<!tpu.dma_semaphore, #tpu.memory_space<semaphore_mem>>
        %dma_start3A = arith.constant 0 : i32
        %dma_start3A_47 = tpu.memref_slice %arg9[%mul3A_45, %dma_start3A] : memref<10000x16xf32, #tpu.memory_space<vmem_shared>> -> memref<632x16xf32, #tpu.memory_space<vmem_shared>>
        %dma_start3A_48 = arith.constant 0 : i32
        %dma_start3A_49 = tpu.memref_slice %arg2[%arg0, %mul3A_43, %dma_start3A_48] : memref<2x10048x16xf32, #tpu.memory_space<hbm>> -> memref<1x632x16xf32, #tpu.memory_space<hbm>>
        %dma_start3A_50 = tpu.memref_squeeze %dma_start3A_49 : memref<1x632x16xf32, #tpu.memory_space<hbm>> -> memref<632x16xf32, #tpu.memory_space<hbm>>
        tpu.enqueue_dma source(%dma_start3A_50 : memref<632x16xf32, #tpu.memory_space<hbm>>) target(%dma_start3A_47 : memref<632x16xf32, #tpu.memory_space<vmem_shared>>) target_semaphore(%run_scoped3A_46 : memref<!tpu.dma_semaphore, #tpu.memory_space<semaphore_mem>>)
        %dma_wait3A = arith.constant 0 : i32
        %dma_wait3A_51 = tpu.memref_slice %arg9[%mul3A_45, %dma_wait3A] : memref<10000x16xf32, #tpu.memory_space<vmem_shared>> -> memref<632x16xf32, #tpu.memory_space<vmem_shared>>
        %dma_wait3A_52 = arith.constant 0 : i32
        %dma_wait3A_53 = tpu.memref_slice %arg2[%arg0, %mul3A_43, %dma_wait3A_52] : memref<2x10048x16xf32, #tpu.memory_space<hbm>> -> memref<1x632x16xf32, #tpu.memory_space<hbm>>
        %dma_wait3A_54 = tpu.memref_squeeze %dma_wait3A_53 : memref<1x632x16xf32, #tpu.memory_space<hbm>> -> memref<632x16xf32, #tpu.memory_space<hbm>>
        tpu.wait_dma2 semaphore(%run_scoped3A_46 : memref<!tpu.dma_semaphore, #tpu.memory_space<semaphore_mem>>) src(%dma_wait3A_54 : memref<632x16xf32, #tpu.memory_space<hbm>>) dst(%dma_wait3A_51 : memref<632x16xf32, #tpu.memory_space<vmem_shared>>)
        tpu.yield
      }) : () -> ()
    } else {
    }
    %eq3A = arith.constant 15 : i32
    %eq3A_2 = arith.cmpi eq, %arg1, %eq3A : i32
    %convert_element_type3A_3 = arith.extui %eq3A_2 : i1 to i32
    %cond3A_4 = arith.constant 0 : i32
    %cond3A_5 = arith.cmpi ne, %convert_element_type3A_3, %cond3A_4 : i32
    scf.if %cond3A_5 {
      "tpu.region"() ({
        %run_scoped3A_42 = tpu.sem_alloc : memref<!tpu.dma_semaphore, #tpu.memory_space<semaphore_mem>>
        %dma_start3A = arith.constant 9480 : i32
        %dma_start3A_43 = arith.constant 0 : i32
        %dma_start3A_44 = tpu.memref_slice %arg9[%dma_start3A, %dma_start3A_43] : memref<10000x16xf32, #tpu.memory_space<vmem_shared>> -> memref<520x16xf32, #tpu.memory_space<vmem_shared>>
        %dma_start3A_45 = arith.constant 9480 : i32
        %dma_start3A_46 = arith.constant 0 : i32
        %dma_start3A_47 = tpu.memref_slice %arg2[%arg0, %dma_start3A_45, %dma_start3A_46] : memref<2x10048x16xf32, #tpu.memory_space<hbm>> -> memref<1x520x16xf32, #tpu.memory_space<hbm>>
        %dma_start3A_48 = tpu.memref_squeeze %dma_start3A_47 : memref<1x520x16xf32, #tpu.memory_space<hbm>> -> memref<520x16xf32, #tpu.memory_space<hbm>>
        tpu.enqueue_dma source(%dma_start3A_48 : memref<520x16xf32, #tpu.memory_space<hbm>>) target(%dma_start3A_44 : memref<520x16xf32, #tpu.memory_space<vmem_shared>>) target_semaphore(%run_scoped3A_42 : memref<!tpu.dma_semaphore, #tpu.memory_space<semaphore_mem>>)
        %dma_wait3A = arith.constant 9480 : i32
        %dma_wait3A_49 = arith.constant 0 : i32
        %dma_wait3A_50 = tpu.memref_slice %arg9[%dma_wait3A, %dma_wait3A_49] : memref<10000x16xf32, #tpu.memory_space<vmem_shared>> -> memref<520x16xf32, #tpu.memory_space<vmem_shared>>
        %dma_wait3A_51 = arith.constant 9480 : i32
        %dma_wait3A_52 = arith.constant 0 : i32
        %dma_wait3A_53 = tpu.memref_slice %arg2[%arg0, %dma_wait3A_51, %dma_wait3A_52] : memref<2x10048x16xf32, #tpu.memory_space<hbm>> -> memref<1x520x16xf32, #tpu.memory_space<hbm>>
        %dma_wait3A_54 = tpu.memref_squeeze %dma_wait3A_53 : memref<1x520x16xf32, #tpu.memory_space<hbm>> -> memref<520x16xf32, #tpu.memory_space<hbm>>
        tpu.wait_dma2 semaphore(%run_scoped3A_42 : memref<!tpu.dma_semaphore, #tpu.memory_space<semaphore_mem>>) src(%dma_wait3A_54 : memref<520x16xf32, #tpu.memory_space<hbm>>) dst(%dma_wait3A_50 : memref<520x16xf32, #tpu.memory_space<vmem_shared>>)
        tpu.yield
      }) : () -> ()
    } else {
    }
    %scan3A = arith.constant 0 : i32
    %scan3A_6 = arith.constant 0 : i32
    %scan3A_7 = arith.constant 128 : i32
    %scan3A_8 = arith.addi %scan3A_6, %scan3A_7 : i32
    %scan3A_9 = arith.constant 1 : i32
    scf.for %scan3A_42 = %scan3A_6 to %scan3A_8 step %scan3A_9  : i32 {
      %broadcast_in_dim3A = arith.constant 0.000000e+00 : f32
      %broadcast_in_dim3A_43 = vector.broadcast %broadcast_in_dim3A : f32 to vector<16xf32>
      %swap3A = arith.constant 0 : i32
      %swap3A_44 = arith.index_cast %swap3A : i32 to index
      %swap3A_45 = arith.index_cast %scan3A_42 : i32 to index
      %swap3A_46 = arith.constant 0 : index
      %swap3A_47 = tpu.vector_load %arg7[%swap3A_44, %swap3A_45, %swap3A_46] {strides = array<i32>} : memref<8x128x16xf32, #tpu.memory_space<vmem>>, vector<1x1x16xf32>,
      %swap3A_48 = vector.shape_cast %swap3A_47 : vector<1x1x16xf32> to vector<16xf32>
      %swap3A_49 = vector.shape_cast %broadcast_in_dim3A_43 : vector<16xf32> to vector<1x1x16xf32>
      tpu.vector_store %arg7[%swap3A_44, %swap3A_45, %swap3A_46], %swap3A_49 {strides = array<i32>} : memref<8x128x16xf32, #tpu.memory_space<vmem>>, vector<1x1x16xf32>,
    }
    %scan3A_10 = arith.constant 128 : i32
    %mul3A = arith.constant 632 : i32
    %mul3A_11 = arith.muli %arg1, %mul3A : i32
    %add3A = arith.constant 0 : i32
    %add3A_12 = arith.addi %mul3A_11, %add3A : i32
    %run_scoped3A = arith.constant 0 : i32
    "tpu.region"() ({
      %run_scoped3A_42 = tpu.sem_alloc : memref<!tpu.dma_semaphore, #tpu.memory_space<semaphore_mem>>
      %dma_start3A = arith.constant 0 : i32
      %dma_start3A_43 = arith.constant 0 : i32
      %dma_start3A_44 = tpu.memref_slice %arg7[%run_scoped3A, %dma_start3A, %dma_start3A_43] : memref<8x128x16xf32, #tpu.memory_space<vmem>> -> memref<1x128x16xf32, #tpu.memory_space<vmem>>
      %dma_start3A_45 = tpu.memref_squeeze %dma_start3A_44 : memref<1x128x16xf32, #tpu.memory_space<vmem>> -> memref<128x16xf32, #tpu.memory_space<vmem>>
      %dma_start3A_46 = arith.constant 0 : i32
      %dma_start3A_47 = tpu.memref_slice %arg8[%add3A_12, %dma_start3A_46] : memref<10112x16xf32, #tpu.memory_space<vmem_shared>> -> memref<128x16xf32, #tpu.memory_space<vmem_shared>>
      %dma_start3A_48 = arith.constant 0 : i32
      %dma_start3A_49 = tpu.memref_slice %arg8[%add3A_12, %dma_start3A_48] : memref<10112x16xf32, #tpu.memory_space<vmem_shared>> -> memref<128x16xf32, #tpu.memory_space<vmem_shared>>
      %dma_start3A_50 = arith.constant 0 : i32
      %dma_start3A_51 = arith.constant 0 : i32
      %dma_start3A_52 = tpu.memref_slice %arg7[%run_scoped3A, %dma_start3A_50, %dma_start3A_51] : memref<8x128x16xf32, #tpu.memory_space<vmem>> -> memref<1x128x16xf32, #tpu.memory_space<vmem>>
      %dma_start3A_53 = tpu.memref_squeeze %dma_start3A_52 : memref<1x128x16xf32, #tpu.memory_space<vmem>> -> memref<128x16xf32, #tpu.memory_space<vmem>>
      tpu.enqueue_dma source(%dma_start3A_53 : memref<128x16xf32, #tpu.memory_space<vmem>>) target(%dma_start3A_49 : memref<128x16xf32, #tpu.memory_space<vmem_shared>>) target_semaphore(%run_scoped3A_42 : memref<!tpu.dma_semaphore, #tpu.memory_space<semaphore_mem>>)
      %dma_wait3A = arith.constant 0 : i32
      %dma_wait3A_54 = arith.constant 0 : i32
      %dma_wait3A_55 = tpu.memref_slice %arg7[%run_scoped3A, %dma_wait3A, %dma_wait3A_54] : memref<8x128x16xf32, #tpu.memory_space<vmem>> -> memref<1x128x16xf32, #tpu.memory_space<vmem>>
      %dma_wait3A_56 = tpu.memref_squeeze %dma_wait3A_55 : memref<1x128x16xf32, #tpu.memory_space<vmem>> -> memref<128x16xf32, #tpu.memory_space<vmem>>
      %dma_wait3A_57 = arith.constant 0 : i32
      %dma_wait3A_58 = tpu.memref_slice %arg8[%add3A_12, %dma_wait3A_57] : memref<10112x16xf32, #tpu.memory_space<vmem_shared>> -> memref<128x16xf32, #tpu.memory_space<vmem_shared>>
      %dma_wait3A_59 = arith.constant 0 : i32
      %dma_wait3A_60 = tpu.memref_slice %arg8[%add3A_12, %dma_wait3A_59] : memref<10112x16xf32, #tpu.memory_space<vmem_shared>> -> memref<128x16xf32, #tpu.memory_space<vmem_shared>>
      %dma_wait3A_61 = arith.constant 0 : i32
      %dma_wait3A_62 = arith.constant 0 : i32
      %dma_wait3A_63 = tpu.memref_slice %arg7[%run_scoped3A, %dma_wait3A_61, %dma_wait3A_62] : memref<8x128x16xf32, #tpu.memory_space<vmem>> -> memref<1x128x16xf32, #tpu.memory_space<vmem>>
      %dma_wait3A_64 = tpu.memref_squeeze %dma_wait3A_63 : memref<1x128x16xf32, #tpu.memory_space<vmem>> -> memref<128x16xf32, #tpu.memory_space<vmem>>
      tpu.wait_dma2 semaphore(%run_scoped3A_42 : memref<!tpu.dma_semaphore, #tpu.memory_space<semaphore_mem>>) src(%dma_wait3A_64 : memref<128x16xf32, #tpu.memory_space<vmem>>) dst(%dma_wait3A_60 : memref<128x16xf32, #tpu.memory_space<vmem_shared>>)
      tpu.yield
    }) : () -> ()
    %add3A_13 = arith.constant 128 : i32
    %add3A_14 = arith.addi %mul3A_11, %add3A_13 : i32
    %run_scoped3A_15 = arith.constant 0 : i32
    "tpu.region"() ({
      %run_scoped3A_42 = tpu.sem_alloc : memref<!tpu.dma_semaphore, #tpu.memory_space<semaphore_mem>>
      %dma_start3A = arith.constant 0 : i32
      %dma_start3A_43 = arith.constant 0 : i32
      %dma_start3A_44 = tpu.memref_slice %arg7[%run_scoped3A_15, %dma_start3A, %dma_start3A_43] : memref<8x128x16xf32, #tpu.memory_space<vmem>> -> memref<1x128x16xf32, #tpu.memory_space<vmem>>
      %dma_start3A_45 = tpu.memref_squeeze %dma_start3A_44 : memref<1x128x16xf32, #tpu.memory_space<vmem>> -> memref<128x16xf32, #tpu.memory_space<vmem>>
      %dma_start3A_46 = arith.constant 0 : i32
      %dma_start3A_47 = tpu.memref_slice %arg8[%add3A_14, %dma_start3A_46] : memref<10112x16xf32, #tpu.memory_space<vmem_shared>> -> memref<128x16xf32, #tpu.memory_space<vmem_shared>>
      %dma_start3A_48 = arith.constant 0 : i32
      %dma_start3A_49 = tpu.memref_slice %arg8[%add3A_14, %dma_start3A_48] : memref<10112x16xf32, #tpu.memory_space<vmem_shared>> -> memref<128x16xf32, #tpu.memory_space<vmem_shared>>
      %dma_start3A_50 = arith.constant 0 : i32
      %dma_start3A_51 = arith.constant 0 : i32
      %dma_start3A_52 = tpu.memref_slice %arg7[%run_scoped3A_15, %dma_start3A_50, %dma_start3A_51] : memref<8x128x16xf32, #tpu.memory_space<vmem>> -> memref<1x128x16xf32, #tpu.memory_space<vmem>>
      %dma_start3A_53 = tpu.memref_squeeze %dma_start3A_52 : memref<1x128x16xf32, #tpu.memory_space<vmem>> -> memref<128x16xf32, #tpu.memory_space<vmem>>
      tpu.enqueue_dma source(%dma_start3A_53 : memref<128x16xf32, #tpu.memory_space<vmem>>) target(%dma_start3A_49 : memref<128x16xf32, #tpu.memory_space<vmem_shared>>) target_semaphore(%run_scoped3A_42 : memref<!tpu.dma_semaphore, #tpu.memory_space<semaphore_mem>>)
      %dma_wait3A = arith.constant 0 : i32
      %dma_wait3A_54 = arith.constant 0 : i32
      %dma_wait3A_55 = tpu.memref_slice %arg7[%run_scoped3A_15, %dma_wait3A, %dma_wait3A_54] : memref<8x128x16xf32, #tpu.memory_space<vmem>> -> memref<1x128x16xf32, #tpu.memory_space<vmem>>
      %dma_wait3A_56 = tpu.memref_squeeze %dma_wait3A_55 : memref<1x128x16xf32, #tpu.memory_space<vmem>> -> memref<128x16xf32, #tpu.memory_space<vmem>>
      %dma_wait3A_57 = arith.constant 0 : i32
      %dma_wait3A_58 = tpu.memref_slice %arg8[%add3A_14, %dma_wait3A_57] : memref<10112x16xf32, #tpu.memory_space<vmem_shared>> -> memref<128x16xf32, #tpu.memory_space<vmem_shared>>
      %dma_wait3A_59 = arith.constant 0 : i32
      %dma_wait3A_60 = tpu.memref_slice %arg8[%add3A_14, %dma_wait3A_59] : memref<10112x16xf32, #tpu.memory_space<vmem_shared>> -> memref<128x16xf32, #tpu.memory_space<vmem_shared>>
      %dma_wait3A_61 = arith.constant 0 : i32
      %dma_wait3A_62 = arith.constant 0 : i32
      %dma_wait3A_63 = tpu.memref_slice %arg7[%run_scoped3A_15, %dma_wait3A_61, %dma_wait3A_62] : memref<8x128x16xf32, #tpu.memory_space<vmem>> -> memref<1x128x16xf32, #tpu.memory_space<vmem>>
      %dma_wait3A_64 = tpu.memref_squeeze %dma_wait3A_63 : memref<1x128x16xf32, #tpu.memory_space<vmem>> -> memref<128x16xf32, #tpu.memory_space<vmem>>
      tpu.wait_dma2 semaphore(%run_scoped3A_42 : memref<!tpu.dma_semaphore, #tpu.memory_space<semaphore_mem>>) src(%dma_wait3A_64 : memref<128x16xf32, #tpu.memory_space<vmem>>) dst(%dma_wait3A_60 : memref<128x16xf32, #tpu.memory_space<vmem_shared>>)
      tpu.yield
    }) : () -> ()
    %add3A_16 = arith.constant 256 : i32
    %add3A_17 = arith.addi %mul3A_11, %add3A_16 : i32
    %run_scoped3A_18 = arith.constant 0 : i32
    "tpu.region"() ({
      %run_scoped3A_42 = tpu.sem_alloc : memref<!tpu.dma_semaphore, #tpu.memory_space<semaphore_mem>>
      %dma_start3A = arith.constant 0 : i32
      %dma_start3A_43 = arith.constant 0 : i32
      %dma_start3A_44 = tpu.memref_slice %arg7[%run_scoped3A_18, %dma_start3A, %dma_start3A_43] : memref<8x128x16xf32, #tpu.memory_space<vmem>> -> memref<1x128x16xf32, #tpu.memory_space<vmem>>
      %dma_start3A_45 = tpu.memref_squeeze %dma_start3A_44 : memref<1x128x16xf32, #tpu.memory_space<vmem>> -> memref<128x16xf32, #tpu.memory_space<vmem>>
      %dma_start3A_46 = arith.constant 0 : i32
      %dma_start3A_47 = tpu.memref_slice %arg8[%add3A_17, %dma_start3A_46] : memref<10112x16xf32, #tpu.memory_space<vmem_shared>> -> memref<128x16xf32, #tpu.memory_space<vmem_shared>>
      %dma_start3A_48 = arith.constant 0 : i32
      %dma_start3A_49 = tpu.memref_slice %arg8[%add3A_17, %dma_start3A_48] : memref<10112x16xf32, #tpu.memory_space<vmem_shared>> -> memref<128x16xf32, #tpu.memory_space<vmem_shared>>
      %dma_start3A_50 = arith.constant 0 : i32
      %dma_start3A_51 = arith.constant 0 : i32
      %dma_start3A_52 = tpu.memref_slice %arg7[%run_scoped3A_18, %dma_start3A_50, %dma_start3A_51] : memref<8x128x16xf32, #tpu.memory_space<vmem>> -> memref<1x128x16xf32, #tpu.memory_space<vmem>>
      %dma_start3A_53 = tpu.memref_squeeze %dma_start3A_52 : memref<1x128x16xf32, #tpu.memory_space<vmem>> -> memref<128x16xf32, #tpu.memory_space<vmem>>
      tpu.enqueue_dma source(%dma_start3A_53 : memref<128x16xf32, #tpu.memory_space<vmem>>) target(%dma_start3A_49 : memref<128x16xf32, #tpu.memory_space<vmem_shared>>) target_semaphore(%run_scoped3A_42 : memref<!tpu.dma_semaphore, #tpu.memory_space<semaphore_mem>>)
      %dma_wait3A = arith.constant 0 : i32
      %dma_wait3A_54 = arith.constant 0 : i32
      %dma_wait3A_55 = tpu.memref_slice %arg7[%run_scoped3A_18, %dma_wait3A, %dma_wait3A_54] : memref<8x128x16xf32, #tpu.memory_space<vmem>> -> memref<1x128x16xf32, #tpu.memory_space<vmem>>
      %dma_wait3A_56 = tpu.memref_squeeze %dma_wait3A_55 : memref<1x128x16xf32, #tpu.memory_space<vmem>> -> memref<128x16xf32, #tpu.memory_space<vmem>>
      %dma_wait3A_57 = arith.constant 0 : i32
      %dma_wait3A_58 = tpu.memref_slice %arg8[%add3A_17, %dma_wait3A_57] : memref<10112x16xf32, #tpu.memory_space<vmem_shared>> -> memref<128x16xf32, #tpu.memory_space<vmem_shared>>
      %dma_wait3A_59 = arith.constant 0 : i32
      %dma_wait3A_60 = tpu.memref_slice %arg8[%add3A_17, %dma_wait3A_59] : memref<10112x16xf32, #tpu.memory_space<vmem_shared>> -> memref<128x16xf32, #tpu.memory_space<vmem_shared>>
      %dma_wait3A_61 = arith.constant 0 : i32
      %dma_wait3A_62 = arith.constant 0 : i32
      %dma_wait3A_63 = tpu.memref_slice %arg7[%run_scoped3A_18, %dma_wait3A_61, %dma_wait3A_62] : memref<8x128x16xf32, #tpu.memory_space<vmem>> -> memref<1x128x16xf32, #tpu.memory_space<vmem>>
      %dma_wait3A_64 = tpu.memref_squeeze %dma_wait3A_63 : memref<1x128x16xf32, #tpu.memory_space<vmem>> -> memref<128x16xf32, #tpu.memory_space<vmem>>
      tpu.wait_dma2 semaphore(%run_scoped3A_42 : memref<!tpu.dma_semaphore, #tpu.memory_space<semaphore_mem>>) src(%dma_wait3A_64 : memref<128x16xf32, #tpu.memory_space<vmem>>) dst(%dma_wait3A_60 : memref<128x16xf32, #tpu.memory_space<vmem_shared>>)
      tpu.yield
    }) : () -> ()
    %add3A_19 = arith.constant 384 : i32
    %add3A_20 = arith.addi %mul3A_11, %add3A_19 : i32
    %run_scoped3A_21 = arith.constant 0 : i32
    "tpu.region"() ({
      %run_scoped3A_42 = tpu.sem_alloc : memref<!tpu.dma_semaphore, #tpu.memory_space<semaphore_mem>>
      %dma_start3A = arith.constant 0 : i32
      %dma_start3A_43 = arith.constant 0 : i32
      %dma_start3A_44 = tpu.memref_slice %arg7[%run_scoped3A_21, %dma_start3A, %dma_start3A_43] : memref<8x128x16xf32, #tpu.memory_space<vmem>> -> memref<1x128x16xf32, #tpu.memory_space<vmem>>
      %dma_start3A_45 = tpu.memref_squeeze %dma_start3A_44 : memref<1x128x16xf32, #tpu.memory_space<vmem>> -> memref<128x16xf32, #tpu.memory_space<vmem>>
      %dma_start3A_46 = arith.constant 0 : i32
      %dma_start3A_47 = tpu.memref_slice %arg8[%add3A_20, %dma_start3A_46] : memref<10112x16xf32, #tpu.memory_space<vmem_shared>> -> memref<128x16xf32, #tpu.memory_space<vmem_shared>>
      %dma_start3A_48 = arith.constant 0 : i32
      %dma_start3A_49 = tpu.memref_slice %arg8[%add3A_20, %dma_start3A_48] : memref<10112x16xf32, #tpu.memory_space<vmem_shared>> -> memref<128x16xf32, #tpu.memory_space<vmem_shared>>
      %dma_start3A_50 = arith.constant 0 : i32
      %dma_start3A_51 = arith.constant 0 : i32
      %dma_start3A_52 = tpu.memref_slice %arg7[%run_scoped3A_21, %dma_start3A_50, %dma_start3A_51] : memref<8x128x16xf32, #tpu.memory_space<vmem>> -> memref<1x128x16xf32, #tpu.memory_space<vmem>>
      %dma_start3A_53 = tpu.memref_squeeze %dma_start3A_52 : memref<1x128x16xf32, #tpu.memory_space<vmem>> -> memref<128x16xf32, #tpu.memory_space<vmem>>
      tpu.enqueue_dma source(%dma_start3A_53 : memref<128x16xf32, #tpu.memory_space<vmem>>) target(%dma_start3A_49 : memref<128x16xf32, #tpu.memory_space<vmem_shared>>) target_semaphore(%run_scoped3A_42 : memref<!tpu.dma_semaphore, #tpu.memory_space<semaphore_mem>>)
      %dma_wait3A = arith.constant 0 : i32
      %dma_wait3A_54 = arith.constant 0 : i32
      %dma_wait3A_55 = tpu.memref_slice %arg7[%run_scoped3A_21, %dma_wait3A, %dma_wait3A_54] : memref<8x128x16xf32, #tpu.memory_space<vmem>> -> memref<1x128x16xf32, #tpu.memory_space<vmem>>
      %dma_wait3A_56 = tpu.memref_squeeze %dma_wait3A_55 : memref<1x128x16xf32, #tpu.memory_space<vmem>> -> memref<128x16xf32, #tpu.memory_space<vmem>>
      %dma_wait3A_57 = arith.constant 0 : i32
      %dma_wait3A_58 = tpu.memref_slice %arg8[%add3A_20, %dma_wait3A_57] : memref<10112x16xf32, #tpu.memory_space<vmem_shared>> -> memref<128x16xf32, #tpu.memory_space<vmem_shared>>
      %dma_wait3A_59 = arith.constant 0 : i32
      %dma_wait3A_60 = tpu.memref_slice %arg8[%add3A_20, %dma_wait3A_59] : memref<10112x16xf32, #tpu.memory_space<vmem_shared>> -> memref<128x16xf32, #tpu.memory_space<vmem_shared>>
      %dma_wait3A_61 = arith.constant 0 : i32
      %dma_wait3A_62 = arith.constant 0 : i32
      %dma_wait3A_63 = tpu.memref_slice %arg7[%run_scoped3A_21, %dma_wait3A_61, %dma_wait3A_62] : memref<8x128x16xf32, #tpu.memory_space<vmem>> -> memref<1x128x16xf32, #tpu.memory_space<vmem>>
      %dma_wait3A_64 = tpu.memref_squeeze %dma_wait3A_63 : memref<1x128x16xf32, #tpu.memory_space<vmem>> -> memref<128x16xf32, #tpu.memory_space<vmem>>
      tpu.wait_dma2 semaphore(%run_scoped3A_42 : memref<!tpu.dma_semaphore, #tpu.memory_space<semaphore_mem>>) src(%dma_wait3A_64 : memref<128x16xf32, #tpu.memory_space<vmem>>) dst(%dma_wait3A_60 : memref<128x16xf32, #tpu.memory_space<vmem_shared>>)
      tpu.yield
    }) : () -> ()
    %add3A_22 = arith.constant 512 : i32
    %add3A_23 = arith.addi %mul3A_11, %add3A_22 : i32
    %run_scoped3A_24 = arith.constant 0 : i32
    "tpu.region"() ({
      %run_scoped3A_42 = tpu.sem_alloc : memref<!tpu.dma_semaphore, #tpu.memory_space<semaphore_mem>>
      %dma_start3A = arith.constant 0 : i32
      %dma_start3A_43 = arith.constant 0 : i32
      %dma_start3A_44 = tpu.memref_slice %arg7[%run_scoped3A_24, %dma_start3A, %dma_start3A_43] : memref<8x128x16xf32, #tpu.memory_space<vmem>> -> memref<1x128x16xf32, #tpu.memory_space<vmem>>
      %dma_start3A_45 = tpu.memref_squeeze %dma_start3A_44 : memref<1x128x16xf32, #tpu.memory_space<vmem>> -> memref<128x16xf32, #tpu.memory_space<vmem>>
      %dma_start3A_46 = arith.constant 0 : i32
      %dma_start3A_47 = arith.constant 0 : i32
      %dma_start3A_48 = tpu.memref_slice %dma_start3A_45[%dma_start3A_46, %dma_start3A_47] : memref<128x16xf32, #tpu.memory_space<vmem>> -> memref<120x16xf32, #tpu.memory_space<vmem>>
      %dma_start3A_49 = arith.constant 0 : i32
      %dma_start3A_50 = tpu.memref_slice %arg8[%add3A_23, %dma_start3A_49] : memref<10112x16xf32, #tpu.memory_space<vmem_shared>> -> memref<120x16xf32, #tpu.memory_space<vmem_shared>>
      %dma_start3A_51 = arith.constant 0 : i32
      %dma_start3A_52 = tpu.memref_slice %arg8[%add3A_23, %dma_start3A_51] : memref<10112x16xf32, #tpu.memory_space<vmem_shared>> -> memref<120x16xf32, #tpu.memory_space<vmem_shared>>
      %dma_start3A_53 = arith.constant 0 : i32
      %dma_start3A_54 = arith.constant 0 : i32
      %dma_start3A_55 = tpu.memref_slice %arg7[%run_scoped3A_24, %dma_start3A_53, %dma_start3A_54] : memref<8x128x16xf32, #tpu.memory_space<vmem>> -> memref<1x128x16xf32, #tpu.memory_space<vmem>>
      %dma_start3A_56 = tpu.memref_squeeze %dma_start3A_55 : memref<1x128x16xf32, #tpu.memory_space<vmem>> -> memref<128x16xf32, #tpu.memory_space<vmem>>
      %dma_start3A_57 = arith.constant 0 : i32
      %dma_start3A_58 = arith.constant 0 : i32
      %dma_start3A_59 = tpu.memref_slice %dma_start3A_56[%dma_start3A_57, %dma_start3A_58] : memref<128x16xf32, #tpu.memory_space<vmem>> -> memref<120x16xf32, #tpu.memory_space<vmem>>
      tpu.enqueue_dma source(%dma_start3A_59 : memref<120x16xf32, #tpu.memory_space<vmem>>) target(%dma_start3A_52 : memref<120x16xf32, #tpu.memory_space<vmem_shared>>) target_semaphore(%run_scoped3A_42 : memref<!tpu.dma_semaphore, #tpu.memory_space<semaphore_mem>>)
      %dma_wait3A = arith.constant 0 : i32
      %dma_wait3A_60 = arith.constant 0 : i32
      %dma_wait3A_61 = tpu.memref_slice %arg7[%run_scoped3A_24, %dma_wait3A, %dma_wait3A_60] : memref<8x128x16xf32, #tpu.memory_space<vmem>> -> memref<1x128x16xf32, #tpu.memory_space<vmem>>
      %dma_wait3A_62 = tpu.memref_squeeze %dma_wait3A_61 : memref<1x128x16xf32, #tpu.memory_space<vmem>> -> memref<128x16xf32, #tpu.memory_space<vmem>>
      %dma_wait3A_63 = arith.constant 0 : i32
      %dma_wait3A_64 = arith.constant 0 : i32
      %dma_wait3A_65 = tpu.memref_slice %dma_wait3A_62[%dma_wait3A_63, %dma_wait3A_64] : memref<128x16xf32, #tpu.memory_space<vmem>> -> memref<120x16xf32, #tpu.memory_space<vmem>>
      %dma_wait3A_66 = arith.constant 0 : i32
      %dma_wait3A_67 = tpu.memref_slice %arg8[%add3A_23, %dma_wait3A_66] : memref<10112x16xf32, #tpu.memory_space<vmem_shared>> -> memref<120x16xf32, #tpu.memory_space<vmem_shared>>
      %dma_wait3A_68 = arith.constant 0 : i32
      %dma_wait3A_69 = tpu.memref_slice %arg8[%add3A_23, %dma_wait3A_68] : memref<10112x16xf32, #tpu.memory_space<vmem_shared>> -> memref<120x16xf32, #tpu.memory_space<vmem_shared>>
      %dma_wait3A_70 = arith.constant 0 : i32
      %dma_wait3A_71 = arith.constant 0 : i32
      %dma_wait3A_72 = tpu.memref_slice %arg7[%run_scoped3A_24, %dma_wait3A_70, %dma_wait3A_71] : memref<8x128x16xf32, #tpu.memory_space<vmem>> -> memref<1x128x16xf32, #tpu.memory_space<vmem>>
      %dma_wait3A_73 = tpu.memref_squeeze %dma_wait3A_72 : memref<1x128x16xf32, #tpu.memory_space<vmem>> -> memref<128x16xf32, #tpu.memory_space<vmem>>
      %dma_wait3A_74 = arith.constant 0 : i32
      %dma_wait3A_75 = arith.constant 0 : i32
      %dma_wait3A_76 = tpu.memref_slice %dma_wait3A_73[%dma_wait3A_74, %dma_wait3A_75] : memref<128x16xf32, #tpu.memory_space<vmem>> -> memref<120x16xf32, #tpu.memory_space<vmem>>
      tpu.wait_dma2 semaphore(%run_scoped3A_42 : memref<!tpu.dma_semaphore, #tpu.memory_space<semaphore_mem>>) src(%dma_wait3A_76 : memref<120x16xf32, #tpu.memory_space<vmem>>) dst(%dma_wait3A_69 : memref<120x16xf32, #tpu.memory_space<vmem_shared>>)
      tpu.yield
    }) : () -> ()
    %barrier3A = arith.constant 0 : index
    tpu.barrier barrier_id(%barrier3A)
    %mul3A_25 = arith.constant 160 : i32
    %mul3A_26 = arith.muli %arg1, %mul3A_25 : i32
    "tpu.region"() ({
      %run_scoped3A_42 = tpu.sem_alloc : memref<!tpu.dma_semaphore, #tpu.memory_space<semaphore_mem>>
      %dma_start3A = arith.constant 0 : i32
      %dma_start3A_43 = tpu.memref_slice %arg3[%mul3A_26, %dma_start3A] : memref<5120x128xi32, #tpu.memory_space<hbm>> -> memref<160x128xi32, #tpu.memory_space<hbm>>
      %dma_start3A_44 = arith.constant 0 : i32
      %dma_start3A_45 = tpu.memref_slice %arg3[%mul3A_26, %dma_start3A_44] : memref<5120x128xi32, #tpu.memory_space<hbm>> -> memref<160x128xi32, #tpu.memory_space<hbm>>
      tpu.enqueue_dma source(%dma_start3A_45 : memref<160x128xi32, #tpu.memory_space<hbm>>) target(%arg5 : memref<160x128xi32, #tpu.memory_space<vmem>>) target_semaphore(%run_scoped3A_42 : memref<!tpu.dma_semaphore, #tpu.memory_space<semaphore_mem>>)
      %dma_wait3A = arith.constant 0 : i32
      %dma_wait3A_46 = tpu.memref_slice %arg3[%mul3A_26, %dma_wait3A] : memref<5120x128xi32, #tpu.memory_space<hbm>> -> memref<160x128xi32, #tpu.memory_space<hbm>>
      %dma_wait3A_47 = arith.constant 0 : i32
      %dma_wait3A_48 = tpu.memref_slice %arg3[%mul3A_26, %dma_wait3A_47] : memref<5120x128xi32, #tpu.memory_space<hbm>> -> memref<160x128xi32, #tpu.memory_space<hbm>>
      tpu.wait_dma2 semaphore(%run_scoped3A_42 : memref<!tpu.dma_semaphore, #tpu.memory_space<semaphore_mem>>) src(%dma_wait3A_48 : memref<160x128xi32, #tpu.memory_space<hbm>>) dst(%arg5 : memref<160x128xi32, #tpu.memory_space<vmem>>)
      tpu.yield
    }) : () -> ()
    %mul3A_27 = arith.constant 160 : i32
    %mul3A_28 = arith.muli %arg1, %mul3A_27 : i32
    %add3A_29 = arith.constant 2560 : i32
    %add3A_30 = arith.addi %add3A_29, %mul3A_28 : i32
    "tpu.region"() ({
      %run_scoped3A_42 = tpu.sem_alloc : memref<!tpu.dma_semaphore, #tpu.memory_space<semaphore_mem>>
      %dma_start3A = arith.constant 0 : i32
      %dma_start3A_43 = tpu.memref_slice %arg3[%add3A_30, %dma_start3A] : memref<5120x128xi32, #tpu.memory_space<hbm>> -> memref<160x128xi32, #tpu.memory_space<hbm>>
      %dma_start3A_44 = arith.constant 0 : i32
      %dma_start3A_45 = tpu.memref_slice %arg3[%add3A_30, %dma_start3A_44] : memref<5120x128xi32, #tpu.memory_space<hbm>> -> memref<160x128xi32, #tpu.memory_space<hbm>>
      tpu.enqueue_dma source(%dma_start3A_45 : memref<160x128xi32, #tpu.memory_space<hbm>>) target(%arg6 : memref<160x128xi32, #tpu.memory_space<vmem>>) target_semaphore(%run_scoped3A_42 : memref<!tpu.dma_semaphore, #tpu.memory_space<semaphore_mem>>)
      %dma_wait3A = arith.constant 0 : i32
      %dma_wait3A_46 = tpu.memref_slice %arg3[%add3A_30, %dma_wait3A] : memref<5120x128xi32, #tpu.memory_space<hbm>> -> memref<160x128xi32, #tpu.memory_space<hbm>>
      %dma_wait3A_47 = arith.constant 0 : i32
      %dma_wait3A_48 = tpu.memref_slice %arg3[%add3A_30, %dma_wait3A_47] : memref<5120x128xi32, #tpu.memory_space<hbm>> -> memref<160x128xi32, #tpu.memory_space<hbm>>
      tpu.wait_dma2 semaphore(%run_scoped3A_42 : memref<!tpu.dma_semaphore, #tpu.memory_space<semaphore_mem>>) src(%dma_wait3A_48 : memref<160x128xi32, #tpu.memory_space<hbm>>) dst(%arg6 : memref<160x128xi32, #tpu.memory_space<vmem>>)
      tpu.yield
    }) : () -> ()
    %scan3A_31 = arith.constant 0 : i32
    %scan3A_32 = arith.constant 0 : i32
    %scan3A_33 = arith.constant 20 : i32
    %scan3A_34 = arith.addi %scan3A_32, %scan3A_33 : i32
    %scan3A_35 = arith.constant 1 : i32
    scf.for %scan3A_42 = %scan3A_32 to %scan3A_34 step %scan3A_35  : i32 {
      %mul3A_43 = arith.constant 2 : i32
      %mul3A_44 = arith.muli %mul3A_43, %scan3A_42 : i32
      %mul3A_45 = arith.constant 4 : i32
      %mul3A_46 = arith.muli %mul3A_44, %mul3A_45 : i32
      %add3A_47 = arith.constant 0 : i32
      %add3A_48 = arith.addi %mul3A_46, %add3A_47 : i32
      %dma_start3A = arith.constant 0 : i32
      %dma_start3A_49 = arith.constant 0 : i32
      %dma_start3A_50 = arith.constant 0 : i32
      %dma_start3A_51 = tpu.memref_slice %arg7[%dma_start3A, %dma_start3A_49, %dma_start3A_50] : memref<8x128x16xf32, #tpu.memory_space<vmem>> -> memref<1x128x16xf32, #tpu.memory_space<vmem>>
      %dma_start3A_52 = tpu.memref_squeeze %dma_start3A_51 : memref<1x128x16xf32, #tpu.memory_space<vmem>> -> memref<128x16xf32, #tpu.memory_space<vmem>>
      %dma_start3A_53 = arith.constant 0 : i32
      %dma_start3A_54 = tpu.memref_slice %arg5[%add3A_48, %dma_start3A_53] : memref<160x128xi32, #tpu.memory_space<vmem>> -> memref<1x128xi32, #tpu.memory_space<vmem>>
      %dma_start3A_55 = tpu.memref_squeeze %dma_start3A_54 : memref<1x128xi32, #tpu.memory_space<vmem>> -> memref<128xi32, #tpu.memory_space<vmem>>
      %dma_start3A_56 = arith.constant 0 : i32
      %dma_start3A_57 = arith.constant 0 : i32
      %dma_start3A_58 = tpu.memref_slice %arg9[%dma_start3A_56, %dma_start3A_57] : memref<10000x16xf32, #tpu.memory_space<vmem_shared>> -> memref<10000x16xf32, #tpu.memory_space<vmem_shared>>
      tpu.enqueue_indirect_dma source(%dma_start3A_58 : memref<10000x16xf32, #tpu.memory_space<vmem_shared>>) target(%dma_start3A_52 : memref<128x16xf32, #tpu.memory_space<vmem>>) offsets(%dma_start3A_55 : memref<128xi32, #tpu.memory_space<vmem>>) semaphore(%arg10 : memref<!tpu.dma_semaphore, #tpu.memory_space<semaphore_mem>>)
      %mul3A_59 = arith.constant 4 : i32
      %mul3A_60 = arith.muli %mul3A_44, %mul3A_59 : i32
      %add3A_61 = arith.constant 1 : i32
      %add3A_62 = arith.addi %mul3A_60, %add3A_61 : i32
      %dma_start3A_63 = arith.constant 1 : i32
      %dma_start3A_64 = arith.constant 0 : i32
      %dma_start3A_65 = arith.constant 0 : i32
      %dma_start3A_66 = tpu.memref_slice %arg7[%dma_start3A_63, %dma_start3A_64, %dma_start3A_65] : memref<8x128x16xf32, #tpu.memory_space<vmem>> -> memref<1x128x16xf32, #tpu.memory_space<vmem>>
      %dma_start3A_67 = tpu.memref_squeeze %dma_start3A_66 : memref<1x128x16xf32, #tpu.memory_space<vmem>> -> memref<128x16xf32, #tpu.memory_space<vmem>>
      %dma_start3A_68 = arith.constant 0 : i32
      %dma_start3A_69 = tpu.memref_slice %arg5[%add3A_62, %dma_start3A_68] : memref<160x128xi32, #tpu.memory_space<vmem>> -> memref<1x128xi32, #tpu.memory_space<vmem>>
      %dma_start3A_70 = tpu.memref_squeeze %dma_start3A_69 : memref<1x128xi32, #tpu.memory_space<vmem>> -> memref<128xi32, #tpu.memory_space<vmem>>
      %dma_start3A_71 = arith.constant 0 : i32
      %dma_start3A_72 = arith.constant 0 : i32
      %dma_start3A_73 = tpu.memref_slice %arg9[%dma_start3A_71, %dma_start3A_72] : memref<10000x16xf32, #tpu.memory_space<vmem_shared>> -> memref<10000x16xf32, #tpu.memory_space<vmem_shared>>
      tpu.enqueue_indirect_dma source(%dma_start3A_73 : memref<10000x16xf32, #tpu.memory_space<vmem_shared>>) target(%dma_start3A_67 : memref<128x16xf32, #tpu.memory_space<vmem>>) offsets(%dma_start3A_70 : memref<128xi32, #tpu.memory_space<vmem>>) semaphore(%arg10 : memref<!tpu.dma_semaphore, #tpu.memory_space<semaphore_mem>>)
      %mul3A_74 = arith.constant 4 : i32
      %mul3A_75 = arith.muli %mul3A_44, %mul3A_74 : i32
      %add3A_76 = arith.constant 2 : i32
      %add3A_77 = arith.addi %mul3A_75, %add3A_76 : i32
      %dma_start3A_78 = arith.constant 2 : i32
      %dma_start3A_79 = arith.constant 0 : i32
      %dma_start3A_80 = arith.constant 0 : i32
      %dma_start3A_81 = tpu.memref_slice %arg7[%dma_start3A_78, %dma_start3A_79, %dma_start3A_80] : memref<8x128x16xf32, #tpu.memory_space<vmem>> -> memref<1x128x16xf32, #tpu.memory_space<vmem>>
      %dma_start3A_82 = tpu.memref_squeeze %dma_start3A_81 : memref<1x128x16xf32, #tpu.memory_space<vmem>> -> memref<128x16xf32, #tpu.memory_space<vmem>>
      %dma_start3A_83 = arith.constant 0 : i32
      %dma_start3A_84 = tpu.memref_slice %arg5[%add3A_77, %dma_start3A_83] : memref<160x128xi32, #tpu.memory_space<vmem>> -> memref<1x128xi32, #tpu.memory_space<vmem>>
      %dma_start3A_85 = tpu.memref_squeeze %dma_start3A_84 : memref<1x128xi32, #tpu.memory_space<vmem>> -> memref<128xi32, #tpu.memory_space<vmem>>
      %dma_start3A_86 = arith.constant 0 : i32
      %dma_start3A_87 = arith.constant 0 : i32
      %dma_start3A_88 = tpu.memref_slice %arg9[%dma_start3A_86, %dma_start3A_87] : memref<10000x16xf32, #tpu.memory_space<vmem_shared>> -> memref<10000x16xf32, #tpu.memory_space<vmem_shared>>
      tpu.enqueue_indirect_dma source(%dma_start3A_88 : memref<10000x16xf32, #tpu.memory_space<vmem_shared>>) target(%dma_start3A_82 : memref<128x16xf32, #tpu.memory_space<vmem>>) offsets(%dma_start3A_85 : memref<128xi32, #tpu.memory_space<vmem>>) semaphore(%arg10 : memref<!tpu.dma_semaphore, #tpu.memory_space<semaphore_mem>>)
      %mul3A_89 = arith.constant 4 : i32
      %mul3A_90 = arith.muli %mul3A_44, %mul3A_89 : i32
      %add3A_91 = arith.constant 3 : i32
      %add3A_92 = arith.addi %mul3A_90, %add3A_91 : i32
      %dma_start3A_93 = arith.constant 3 : i32
      %dma_start3A_94 = arith.constant 0 : i32
      %dma_start3A_95 = arith.constant 0 : i32
      %dma_start3A_96 = tpu.memref_slice %arg7[%dma_start3A_93, %dma_start3A_94, %dma_start3A_95] : memref<8x128x16xf32, #tpu.memory_space<vmem>> -> memref<1x128x16xf32, #tpu.memory_space<vmem>>
      %dma_start3A_97 = tpu.memref_squeeze %dma_start3A_96 : memref<1x128x16xf32, #tpu.memory_space<vmem>> -> memref<128x16xf32, #tpu.memory_space<vmem>>
      %dma_start3A_98 = arith.constant 0 : i32
      %dma_start3A_99 = tpu.memref_slice %arg5[%add3A_92, %dma_start3A_98] : memref<160x128xi32, #tpu.memory_space<vmem>> -> memref<1x128xi32, #tpu.memory_space<vmem>>
      %dma_start3A_100 = tpu.memref_squeeze %dma_start3A_99 : memref<1x128xi32, #tpu.memory_space<vmem>> -> memref<128xi32, #tpu.memory_space<vmem>>
      %dma_start3A_101 = arith.constant 0 : i32
      %dma_start3A_102 = arith.constant 0 : i32
      %dma_start3A_103 = tpu.memref_slice %arg9[%dma_start3A_101, %dma_start3A_102] : memref<10000x16xf32, #tpu.memory_space<vmem_shared>> -> memref<10000x16xf32, #tpu.memory_space<vmem_shared>>
      tpu.enqueue_indirect_dma source(%dma_start3A_103 : memref<10000x16xf32, #tpu.memory_space<vmem_shared>>) target(%dma_start3A_97 : memref<128x16xf32, #tpu.memory_space<vmem>>) offsets(%dma_start3A_100 : memref<128xi32, #tpu.memory_space<vmem>>) semaphore(%arg10 : memref<!tpu.dma_semaphore, #tpu.memory_space<semaphore_mem>>)
      %add3A_104 = arith.constant 1 : i32
      %add3A_105 = arith.addi %mul3A_44, %add3A_104 : i32
      %mul3A_106 = arith.constant 4 : i32
      %mul3A_107 = arith.muli %add3A_105, %mul3A_106 : i32
      %add3A_108 = arith.constant 0 : i32
      %add3A_109 = arith.addi %mul3A_107, %add3A_108 : i32
      %dma_start3A_110 = arith.constant 4 : i32
      %dma_start3A_111 = arith.constant 0 : i32
      %dma_start3A_112 = arith.constant 0 : i32
      %dma_start3A_113 = tpu.memref_slice %arg7[%dma_start3A_110, %dma_start3A_111, %dma_start3A_112] : memref<8x128x16xf32, #tpu.memory_space<vmem>> -> memref<1x128x16xf32, #tpu.memory_space<vmem>>
      %dma_start3A_114 = tpu.memref_squeeze %dma_start3A_113 : memref<1x128x16xf32, #tpu.memory_space<vmem>> -> memref<128x16xf32, #tpu.memory_space<vmem>>
      %dma_start3A_115 = arith.constant 0 : i32
      %dma_start3A_116 = tpu.memref_slice %arg5[%add3A_109, %dma_start3A_115] : memref<160x128xi32, #tpu.memory_space<vmem>> -> memref<1x128xi32, #tpu.memory_space<vmem>>
      %dma_start3A_117 = tpu.memref_squeeze %dma_start3A_116 : memref<1x128xi32, #tpu.memory_space<vmem>> -> memref<128xi32, #tpu.memory_space<vmem>>
      %dma_start3A_118 = arith.constant 0 : i32
      %dma_start3A_119 = arith.constant 0 : i32
      %dma_start3A_120 = tpu.memref_slice %arg9[%dma_start3A_118, %dma_start3A_119] : memref<10000x16xf32, #tpu.memory_space<vmem_shared>> -> memref<10000x16xf32, #tpu.memory_space<vmem_shared>>
      tpu.enqueue_indirect_dma source(%dma_start3A_120 : memref<10000x16xf32, #tpu.memory_space<vmem_shared>>) target(%dma_start3A_114 : memref<128x16xf32, #tpu.memory_space<vmem>>) offsets(%dma_start3A_117 : memref<128xi32, #tpu.memory_space<vmem>>) semaphore(%arg11 : memref<!tpu.dma_semaphore, #tpu.memory_space<semaphore_mem>>)
      %mul3A_121 = arith.constant 4 : i32
      %mul3A_122 = arith.muli %add3A_105, %mul3A_121 : i32
      %add3A_123 = arith.constant 1 : i32
      %add3A_124 = arith.addi %mul3A_122, %add3A_123 : i32
      %dma_start3A_125 = arith.constant 5 : i32
      %dma_start3A_126 = arith.constant 0 : i32
      %dma_start3A_127 = arith.constant 0 : i32
      %dma_start3A_128 = tpu.memref_slice %arg7[%dma_start3A_125, %dma_start3A_126, %dma_start3A_127] : memref<8x128x16xf32, #tpu.memory_space<vmem>> -> memref<1x128x16xf32, #tpu.memory_space<vmem>>
      %dma_start3A_129 = tpu.memref_squeeze %dma_start3A_128 : memref<1x128x16xf32, #tpu.memory_space<vmem>> -> memref<128x16xf32, #tpu.memory_space<vmem>>
      %dma_start3A_130 = arith.constant 0 : i32
      %dma_start3A_131 = tpu.memref_slice %arg5[%add3A_124, %dma_start3A_130] : memref<160x128xi32, #tpu.memory_space<vmem>> -> memref<1x128xi32, #tpu.memory_space<vmem>>
      %dma_start3A_132 = tpu.memref_squeeze %dma_start3A_131 : memref<1x128xi32, #tpu.memory_space<vmem>> -> memref<128xi32, #tpu.memory_space<vmem>>
      %dma_start3A_133 = arith.constant 0 : i32
      %dma_start3A_134 = arith.constant 0 : i32
      %dma_start3A_135 = tpu.memref_slice %arg9[%dma_start3A_133, %dma_start3A_134] : memref<10000x16xf32, #tpu.memory_space<vmem_shared>> -> memref<10000x16xf32, #tpu.memory_space<vmem_shared>>
      tpu.enqueue_indirect_dma source(%dma_start3A_135 : memref<10000x16xf32, #tpu.memory_space<vmem_shared>>) target(%dma_start3A_129 : memref<128x16xf32, #tpu.memory_space<vmem>>) offsets(%dma_start3A_132 : memref<128xi32, #tpu.memory_space<vmem>>) semaphore(%arg11 : memref<!tpu.dma_semaphore, #tpu.memory_space<semaphore_mem>>)
      %mul3A_136 = arith.constant 4 : i32
      %mul3A_137 = arith.muli %add3A_105, %mul3A_136 : i32
      %add3A_138 = arith.constant 2 : i32
      %add3A_139 = arith.addi %mul3A_137, %add3A_138 : i32
      %dma_start3A_140 = arith.constant 6 : i32
      %dma_start3A_141 = arith.constant 0 : i32
      %dma_start3A_142 = arith.constant 0 : i32
      %dma_start3A_143 = tpu.memref_slice %arg7[%dma_start3A_140, %dma_start3A_141, %dma_start3A_142] : memref<8x128x16xf32, #tpu.memory_space<vmem>> -> memref<1x128x16xf32, #tpu.memory_space<vmem>>
      %dma_start3A_144 = tpu.memref_squeeze %dma_start3A_143 : memref<1x128x16xf32, #tpu.memory_space<vmem>> -> memref<128x16xf32, #tpu.memory_space<vmem>>
      %dma_start3A_145 = arith.constant 0 : i32
      %dma_start3A_146 = tpu.memref_slice %arg5[%add3A_139, %dma_start3A_145] : memref<160x128xi32, #tpu.memory_space<vmem>> -> memref<1x128xi32, #tpu.memory_space<vmem>>
      %dma_start3A_147 = tpu.memref_squeeze %dma_start3A_146 : memref<1x128xi32, #tpu.memory_space<vmem>> -> memref<128xi32, #tpu.memory_space<vmem>>
      %dma_start3A_148 = arith.constant 0 : i32
      %dma_start3A_149 = arith.constant 0 : i32
      %dma_start3A_150 = tpu.memref_slice %arg9[%dma_start3A_148, %dma_start3A_149] : memref<10000x16xf32, #tpu.memory_space<vmem_shared>> -> memref<10000x16xf32, #tpu.memory_space<vmem_shared>>
      tpu.enqueue_indirect_dma source(%dma_start3A_150 : memref<10000x16xf32, #tpu.memory_space<vmem_shared>>) target(%dma_start3A_144 : memref<128x16xf32, #tpu.memory_space<vmem>>) offsets(%dma_start3A_147 : memref<128xi32, #tpu.memory_space<vmem>>) semaphore(%arg11 : memref<!tpu.dma_semaphore, #tpu.memory_space<semaphore_mem>>)
      %mul3A_151 = arith.constant 4 : i32
      %mul3A_152 = arith.muli %add3A_105, %mul3A_151 : i32
      %add3A_153 = arith.constant 3 : i32
      %add3A_154 = arith.addi %mul3A_152, %add3A_153 : i32
      %dma_start3A_155 = arith.constant 7 : i32
      %dma_start3A_156 = arith.constant 0 : i32
      %dma_start3A_157 = arith.constant 0 : i32
      %dma_start3A_158 = tpu.memref_slice %arg7[%dma_start3A_155, %dma_start3A_156, %dma_start3A_157] : memref<8x128x16xf32, #tpu.memory_space<vmem>> -> memref<1x128x16xf32, #tpu.memory_space<vmem>>
      %dma_start3A_159 = tpu.memref_squeeze %dma_start3A_158 : memref<1x128x16xf32, #tpu.memory_space<vmem>> -> memref<128x16xf32, #tpu.memory_space<vmem>>
      %dma_start3A_160 = arith.constant 0 : i32
      %dma_start3A_161 = tpu.memref_slice %arg5[%add3A_154, %dma_start3A_160] : memref<160x128xi32, #tpu.memory_space<vmem>> -> memref<1x128xi32, #tpu.memory_space<vmem>>
      %dma_start3A_162 = tpu.memref_squeeze %dma_start3A_161 : memref<1x128xi32, #tpu.memory_space<vmem>> -> memref<128xi32, #tpu.memory_space<vmem>>
      %dma_start3A_163 = arith.constant 0 : i32
      %dma_start3A_164 = arith.constant 0 : i32
      %dma_start3A_165 = tpu.memref_slice %arg9[%dma_start3A_163, %dma_start3A_164] : memref<10000x16xf32, #tpu.memory_space<vmem_shared>> -> memref<10000x16xf32, #tpu.memory_space<vmem_shared>>
      tpu.enqueue_indirect_dma source(%dma_start3A_165 : memref<10000x16xf32, #tpu.memory_space<vmem_shared>>) target(%dma_start3A_159 : memref<128x16xf32, #tpu.memory_space<vmem>>) offsets(%dma_start3A_162 : memref<128xi32, #tpu.memory_space<vmem>>) semaphore(%arg11 : memref<!tpu.dma_semaphore, #tpu.memory_space<semaphore_mem>>)
      %dma_wait3A = arith.constant 0 : i32
      %dma_wait3A_166 = arith.constant 0 : i32
      %dma_wait3A_167 = arith.constant 0 : i32
      %dma_wait3A_168 = arith.constant 0 : i32
      %dma_wait3A_169 = tpu.memref_slice %arg7[%dma_wait3A_166, %dma_wait3A_167, %dma_wait3A_168] : memref<8x128x16xf32, #tpu.memory_space<vmem>> -> memref<1x128x16xf32, #tpu.memory_space<vmem>>
      %dma_wait3A_170 = tpu.memref_squeeze %dma_wait3A_169 : memref<1x128x16xf32, #tpu.memory_space<vmem>> -> memref<128x16xf32, #tpu.memory_space<vmem>>
      %dma_wait3A_171 = arith.constant 0 : i32
      %dma_wait3A_172 = tpu.memref_slice %arg5[%dma_wait3A, %dma_wait3A_171] : memref<160x128xi32, #tpu.memory_space<vmem>> -> memref<1x128xi32, #tpu.memory_space<vmem>>
      %dma_wait3A_173 = tpu.memref_squeeze %dma_wait3A_172 : memref<1x128xi32, #tpu.memory_space<vmem>> -> memref<128xi32, #tpu.memory_space<vmem>>
      %dma_wait3A_174 = arith.constant 0 : i32
      %dma_wait3A_175 = arith.constant 0 : i32
      %dma_wait3A_176 = tpu.memref_slice %arg9[%dma_wait3A_174, %dma_wait3A_175] : memref<10000x16xf32, #tpu.memory_space<vmem_shared>> -> memref<10000x16xf32, #tpu.memory_space<vmem_shared>>
      tpu.wait_indirect_dma semaphore(%arg10 : memref<!tpu.dma_semaphore, #tpu.memory_space<semaphore_mem>>) src(%dma_wait3A_176 : memref<10000x16xf32, #tpu.memory_space<vmem_shared>>) dst(%dma_wait3A_170 : memref<128x16xf32, #tpu.memory_space<vmem>>)
      %dma_wait3A_177 = arith.constant 1 : i32
      %dma_wait3A_178 = arith.constant 1 : i32
      %dma_wait3A_179 = arith.constant 0 : i32
      %dma_wait3A_180 = arith.constant 0 : i32
      %dma_wait3A_181 = tpu.memref_slice %arg7[%dma_wait3A_178, %dma_wait3A_179, %dma_wait3A_180] : memref<8x128x16xf32, #tpu.memory_space<vmem>> -> memref<1x128x16xf32, #tpu.memory_space<vmem>>
      %dma_wait3A_182 = tpu.memref_squeeze %dma_wait3A_181 : memref<1x128x16xf32, #tpu.memory_space<vmem>> -> memref<128x16xf32, #tpu.memory_space<vmem>>
      %dma_wait3A_183 = arith.constant 0 : i32
      %dma_wait3A_184 = tpu.memref_slice %arg5[%dma_wait3A_177, %dma_wait3A_183] : memref<160x128xi32, #tpu.memory_space<vmem>> -> memref<1x128xi32, #tpu.memory_space<vmem>>
      %dma_wait3A_185 = tpu.memref_squeeze %dma_wait3A_184 : memref<1x128xi32, #tpu.memory_space<vmem>> -> memref<128xi32, #tpu.memory_space<vmem>>
      %dma_wait3A_186 = arith.constant 0 : i32
      %dma_wait3A_187 = arith.constant 0 : i32
      %dma_wait3A_188 = tpu.memref_slice %arg9[%dma_wait3A_186, %dma_wait3A_187] : memref<10000x16xf32, #tpu.memory_space<vmem_shared>> -> memref<10000x16xf32, #tpu.memory_space<vmem_shared>>
      tpu.wait_indirect_dma semaphore(%arg10 : memref<!tpu.dma_semaphore, #tpu.memory_space<semaphore_mem>>) src(%dma_wait3A_188 : memref<10000x16xf32, #tpu.memory_space<vmem_shared>>) dst(%dma_wait3A_182 : memref<128x16xf32, #tpu.memory_space<vmem>>)
      %dma_wait3A_189 = arith.constant 2 : i32
      %dma_wait3A_190 = arith.constant 2 : i32
      %dma_wait3A_191 = arith.constant 0 : i32
      %dma_wait3A_192 = arith.constant 0 : i32
      %dma_wait3A_193 = tpu.memref_slice %arg7[%dma_wait3A_190, %dma_wait3A_191, %dma_wait3A_192] : memref<8x128x16xf32, #tpu.memory_space<vmem>> -> memref<1x128x16xf32, #tpu.memory_space<vmem>>
      %dma_wait3A_194 = tpu.memref_squeeze %dma_wait3A_193 : memref<1x128x16xf32, #tpu.memory_space<vmem>> -> memref<128x16xf32, #tpu.memory_space<vmem>>
      %dma_wait3A_195 = arith.constant 0 : i32
      %dma_wait3A_196 = tpu.memref_slice %arg5[%dma_wait3A_189, %dma_wait3A_195] : memref<160x128xi32, #tpu.memory_space<vmem>> -> memref<1x128xi32, #tpu.memory_space<vmem>>
      %dma_wait3A_197 = tpu.memref_squeeze %dma_wait3A_196 : memref<1x128xi32, #tpu.memory_space<vmem>> -> memref<128xi32, #tpu.memory_space<vmem>>
      %dma_wait3A_198 = arith.constant 0 : i32
      %dma_wait3A_199 = arith.constant 0 : i32
      %dma_wait3A_200 = tpu.memref_slice %arg9[%dma_wait3A_198, %dma_wait3A_199] : memref<10000x16xf32, #tpu.memory_space<vmem_shared>> -> memref<10000x16xf32, #tpu.memory_space<vmem_shared>>
      tpu.wait_indirect_dma semaphore(%arg10 : memref<!tpu.dma_semaphore, #tpu.memory_space<semaphore_mem>>) src(%dma_wait3A_200 : memref<10000x16xf32, #tpu.memory_space<vmem_shared>>) dst(%dma_wait3A_194 : memref<128x16xf32, #tpu.memory_space<vmem>>)
      %dma_wait3A_201 = arith.constant 3 : i32
      %dma_wait3A_202 = arith.constant 3 : i32
      %dma_wait3A_203 = arith.constant 0 : i32
      %dma_wait3A_204 = arith.constant 0 : i32
      %dma_wait3A_205 = tpu.memref_slice %arg7[%dma_wait3A_202, %dma_wait3A_203, %dma_wait3A_204] : memref<8x128x16xf32, #tpu.memory_space<vmem>> -> memref<1x128x16xf32, #tpu.memory_space<vmem>>
      %dma_wait3A_206 = tpu.memref_squeeze %dma_wait3A_205 : memref<1x128x16xf32, #tpu.memory_space<vmem>> -> memref<128x16xf32, #tpu.memory_space<vmem>>
      %dma_wait3A_207 = arith.constant 0 : i32
      %dma_wait3A_208 = tpu.memref_slice %arg5[%dma_wait3A_201, %dma_wait3A_207] : memref<160x128xi32, #tpu.memory_space<vmem>> -> memref<1x128xi32, #tpu.memory_space<vmem>>
      %dma_wait3A_209 = tpu.memref_squeeze %dma_wait3A_208 : memref<1x128xi32, #tpu.memory_space<vmem>> -> memref<128xi32, #tpu.memory_space<vmem>>
      %dma_wait3A_210 = arith.constant 0 : i32
      %dma_wait3A_211 = arith.constant 0 : i32
      %dma_wait3A_212 = tpu.memref_slice %arg9[%dma_wait3A_210, %dma_wait3A_211] : memref<10000x16xf32, #tpu.memory_space<vmem_shared>> -> memref<10000x16xf32, #tpu.memory_space<vmem_shared>>
      tpu.wait_indirect_dma semaphore(%arg10 : memref<!tpu.dma_semaphore, #tpu.memory_space<semaphore_mem>>) src(%dma_wait3A_212 : memref<10000x16xf32, #tpu.memory_space<vmem_shared>>) dst(%dma_wait3A_206 : memref<128x16xf32, #tpu.memory_space<vmem>>)
      %mul3A_213 = arith.constant 4 : i32
      %mul3A_214 = arith.muli %mul3A_44, %mul3A_213 : i32
      %add3A_215 = arith.constant 0 : i32
      %add3A_216 = arith.addi %mul3A_214, %add3A_215 : i32
      %dma_start3A_217 = arith.constant 0 : i32
      %dma_start3A_218 = arith.constant 0 : i32
      %dma_start3A_219 = arith.constant 0 : i32
      %dma_start3A_220 = tpu.memref_slice %arg7[%dma_start3A_217, %dma_start3A_218, %dma_start3A_219] : memref<8x128x16xf32, #tpu.memory_space<vmem>> -> memref<1x128x16xf32, #tpu.memory_space<vmem>>
      %dma_start3A_221 = tpu.memref_squeeze %dma_start3A_220 : memref<1x128x16xf32, #tpu.memory_space<vmem>> -> memref<128x16xf32, #tpu.memory_space<vmem>>
      %dma_start3A_222 = arith.constant 0 : i32
      %dma_start3A_223 = tpu.memref_slice %arg6[%add3A_216, %dma_start3A_222] : memref<160x128xi32, #tpu.memory_space<vmem>> -> memref<1x128xi32, #tpu.memory_space<vmem>>
      %dma_start3A_224 = tpu.memref_squeeze %dma_start3A_223 : memref<1x128xi32, #tpu.memory_space<vmem>> -> memref<128xi32, #tpu.memory_space<vmem>>
      %dma_start3A_225 = arith.constant 0 : i32
      %dma_start3A_226 = arith.constant 0 : i32
      %dma_start3A_227 = tpu.memref_slice %arg8[%dma_start3A_225, %dma_start3A_226] : memref<10112x16xf32, #tpu.memory_space<vmem_shared>> -> memref<10112x16xf32, #tpu.memory_space<vmem_shared>>
      tpu.enqueue_indirect_dma source(%dma_start3A_221 : memref<128x16xf32, #tpu.memory_space<vmem>>) target(%dma_start3A_227 : memref<10112x16xf32, #tpu.memory_space<vmem_shared>>) offsets(%dma_start3A_224 : memref<128xi32, #tpu.memory_space<vmem>>) semaphore(%arg12 : memref<!tpu.dma_semaphore, #tpu.memory_space<semaphore_mem>>) {add = true}
      %mul3A_228 = arith.constant 4 : i32
      %mul3A_229 = arith.muli %mul3A_44, %mul3A_228 : i32
      %add3A_230 = arith.constant 1 : i32
      %add3A_231 = arith.addi %mul3A_229, %add3A_230 : i32
      %dma_start3A_232 = arith.constant 1 : i32
      %dma_start3A_233 = arith.constant 0 : i32
      %dma_start3A_234 = arith.constant 0 : i32
      %dma_start3A_235 = tpu.memref_slice %arg7[%dma_start3A_232, %dma_start3A_233, %dma_start3A_234] : memref<8x128x16xf32, #tpu.memory_space<vmem>> -> memref<1x128x16xf32, #tpu.memory_space<vmem>>
      %dma_start3A_236 = tpu.memref_squeeze %dma_start3A_235 : memref<1x128x16xf32, #tpu.memory_space<vmem>> -> memref<128x16xf32, #tpu.memory_space<vmem>>
      %dma_start3A_237 = arith.constant 0 : i32
      %dma_start3A_238 = tpu.memref_slice %arg6[%add3A_231, %dma_start3A_237] : memref<160x128xi32, #tpu.memory_space<vmem>> -> memref<1x128xi32, #tpu.memory_space<vmem>>
      %dma_start3A_239 = tpu.memref_squeeze %dma_start3A_238 : memref<1x128xi32, #tpu.memory_space<vmem>> -> memref<128xi32, #tpu.memory_space<vmem>>
      %dma_start3A_240 = arith.constant 0 : i32
      %dma_start3A_241 = arith.constant 0 : i32
      %dma_start3A_242 = tpu.memref_slice %arg8[%dma_start3A_240, %dma_start3A_241] : memref<10112x16xf32, #tpu.memory_space<vmem_shared>> -> memref<10112x16xf32, #tpu.memory_space<vmem_shared>>
      tpu.enqueue_indirect_dma source(%dma_start3A_236 : memref<128x16xf32, #tpu.memory_space<vmem>>) target(%dma_start3A_242 : memref<10112x16xf32, #tpu.memory_space<vmem_shared>>) offsets(%dma_start3A_239 : memref<128xi32, #tpu.memory_space<vmem>>) semaphore(%arg12 : memref<!tpu.dma_semaphore, #tpu.memory_space<semaphore_mem>>) {add = true}
      %mul3A_243 = arith.constant 4 : i32
      %mul3A_244 = arith.muli %mul3A_44, %mul3A_243 : i32
      %add3A_245 = arith.constant 2 : i32
      %add3A_246 = arith.addi %mul3A_244, %add3A_245 : i32
      %dma_start3A_247 = arith.constant 2 : i32
      %dma_start3A_248 = arith.constant 0 : i32
      %dma_start3A_249 = arith.constant 0 : i32
      %dma_start3A_250 = tpu.memref_slice %arg7[%dma_start3A_247, %dma_start3A_248, %dma_start3A_249] : memref<8x128x16xf32, #tpu.memory_space<vmem>> -> memref<1x128x16xf32, #tpu.memory_space<vmem>>
      %dma_start3A_251 = tpu.memref_squeeze %dma_start3A_250 : memref<1x128x16xf32, #tpu.memory_space<vmem>> -> memref<128x16xf32, #tpu.memory_space<vmem>>
      %dma_start3A_252 = arith.constant 0 : i32
      %dma_start3A_253 = tpu.memref_slice %arg6[%add3A_246, %dma_start3A_252] : memref<160x128xi32, #tpu.memory_space<vmem>> -> memref<1x128xi32, #tpu.memory_space<vmem>>
      %dma_start3A_254 = tpu.memref_squeeze %dma_start3A_253 : memref<1x128xi32, #tpu.memory_space<vmem>> -> memref<128xi32, #tpu.memory_space<vmem>>
      %dma_start3A_255 = arith.constant 0 : i32
      %dma_start3A_256 = arith.constant 0 : i32
      %dma_start3A_257 = tpu.memref_slice %arg8[%dma_start3A_255, %dma_start3A_256] : memref<10112x16xf32, #tpu.memory_space<vmem_shared>> -> memref<10112x16xf32, #tpu.memory_space<vmem_shared>>
      tpu.enqueue_indirect_dma source(%dma_start3A_251 : memref<128x16xf32, #tpu.memory_space<vmem>>) target(%dma_start3A_257 : memref<10112x16xf32, #tpu.memory_space<vmem_shared>>) offsets(%dma_start3A_254 : memref<128xi32, #tpu.memory_space<vmem>>) semaphore(%arg12 : memref<!tpu.dma_semaphore, #tpu.memory_space<semaphore_mem>>) {add = true}
      %mul3A_258 = arith.constant 4 : i32
      %mul3A_259 = arith.muli %mul3A_44, %mul3A_258 : i32
      %add3A_260 = arith.constant 3 : i32
      %add3A_261 = arith.addi %mul3A_259, %add3A_260 : i32
      %dma_start3A_262 = arith.constant 3 : i32
      %dma_start3A_263 = arith.constant 0 : i32
      %dma_start3A_264 = arith.constant 0 : i32
      %dma_start3A_265 = tpu.memref_slice %arg7[%dma_start3A_262, %dma_start3A_263, %dma_start3A_264] : memref<8x128x16xf32, #tpu.memory_space<vmem>> -> memref<1x128x16xf32, #tpu.memory_space<vmem>>
      %dma_start3A_266 = tpu.memref_squeeze %dma_start3A_265 : memref<1x128x16xf32, #tpu.memory_space<vmem>> -> memref<128x16xf32, #tpu.memory_space<vmem>>
      %dma_start3A_267 = arith.constant 0 : i32
      %dma_start3A_268 = tpu.memref_slice %arg6[%add3A_261, %dma_start3A_267] : memref<160x128xi32, #tpu.memory_space<vmem>> -> memref<1x128xi32, #tpu.memory_space<vmem>>
      %dma_start3A_269 = tpu.memref_squeeze %dma_start3A_268 : memref<1x128xi32, #tpu.memory_space<vmem>> -> memref<128xi32, #tpu.memory_space<vmem>>
      %dma_start3A_270 = arith.constant 0 : i32
      %dma_start3A_271 = arith.constant 0 : i32
      %dma_start3A_272 = tpu.memref_slice %arg8[%dma_start3A_270, %dma_start3A_271] : memref<10112x16xf32, #tpu.memory_space<vmem_shared>> -> memref<10112x16xf32, #tpu.memory_space<vmem_shared>>
      tpu.enqueue_indirect_dma source(%dma_start3A_266 : memref<128x16xf32, #tpu.memory_space<vmem>>) target(%dma_start3A_272 : memref<10112x16xf32, #tpu.memory_space<vmem_shared>>) offsets(%dma_start3A_269 : memref<128xi32, #tpu.memory_space<vmem>>) semaphore(%arg12 : memref<!tpu.dma_semaphore, #tpu.memory_space<semaphore_mem>>) {add = true}
      %dma_wait3A_273 = arith.constant 0 : i32
      %dma_wait3A_274 = arith.constant 4 : i32
      %dma_wait3A_275 = arith.constant 0 : i32
      %dma_wait3A_276 = arith.constant 0 : i32
      %dma_wait3A_277 = tpu.memref_slice %arg7[%dma_wait3A_274, %dma_wait3A_275, %dma_wait3A_276] : memref<8x128x16xf32, #tpu.memory_space<vmem>> -> memref<1x128x16xf32, #tpu.memory_space<vmem>>
      %dma_wait3A_278 = tpu.memref_squeeze %dma_wait3A_277 : memref<1x128x16xf32, #tpu.memory_space<vmem>> -> memref<128x16xf32, #tpu.memory_space<vmem>>
      %dma_wait3A_279 = arith.constant 0 : i32
      %dma_wait3A_280 = tpu.memref_slice %arg5[%dma_wait3A_273, %dma_wait3A_279] : memref<160x128xi32, #tpu.memory_space<vmem>> -> memref<1x128xi32, #tpu.memory_space<vmem>>
      %dma_wait3A_281 = tpu.memref_squeeze %dma_wait3A_280 : memref<1x128xi32, #tpu.memory_space<vmem>> -> memref<128xi32, #tpu.memory_space<vmem>>
      %dma_wait3A_282 = arith.constant 0 : i32
      %dma_wait3A_283 = arith.constant 0 : i32
      %dma_wait3A_284 = tpu.memref_slice %arg9[%dma_wait3A_282, %dma_wait3A_283] : memref<10000x16xf32, #tpu.memory_space<vmem_shared>> -> memref<10000x16xf32, #tpu.memory_space<vmem_shared>>
      tpu.wait_indirect_dma semaphore(%arg11 : memref<!tpu.dma_semaphore, #tpu.memory_space<semaphore_mem>>) src(%dma_wait3A_284 : memref<10000x16xf32, #tpu.memory_space<vmem_shared>>) dst(%dma_wait3A_278 : memref<128x16xf32, #tpu.memory_space<vmem>>)
      %dma_wait3A_285 = arith.constant 1 : i32
      %dma_wait3A_286 = arith.constant 5 : i32
      %dma_wait3A_287 = arith.constant 0 : i32
      %dma_wait3A_288 = arith.constant 0 : i32
      %dma_wait3A_289 = tpu.memref_slice %arg7[%dma_wait3A_286, %dma_wait3A_287, %dma_wait3A_288] : memref<8x128x16xf32, #tpu.memory_space<vmem>> -> memref<1x128x16xf32, #tpu.memory_space<vmem>>
      %dma_wait3A_290 = tpu.memref_squeeze %dma_wait3A_289 : memref<1x128x16xf32, #tpu.memory_space<vmem>> -> memref<128x16xf32, #tpu.memory_space<vmem>>
      %dma_wait3A_291 = arith.constant 0 : i32
      %dma_wait3A_292 = tpu.memref_slice %arg5[%dma_wait3A_285, %dma_wait3A_291] : memref<160x128xi32, #tpu.memory_space<vmem>> -> memref<1x128xi32, #tpu.memory_space<vmem>>
      %dma_wait3A_293 = tpu.memref_squeeze %dma_wait3A_292 : memref<1x128xi32, #tpu.memory_space<vmem>> -> memref<128xi32, #tpu.memory_space<vmem>>
      %dma_wait3A_294 = arith.constant 0 : i32
      %dma_wait3A_295 = arith.constant 0 : i32
      %dma_wait3A_296 = tpu.memref_slice %arg9[%dma_wait3A_294, %dma_wait3A_295] : memref<10000x16xf32, #tpu.memory_space<vmem_shared>> -> memref<10000x16xf32, #tpu.memory_space<vmem_shared>>
      tpu.wait_indirect_dma semaphore(%arg11 : memref<!tpu.dma_semaphore, #tpu.memory_space<semaphore_mem>>) src(%dma_wait3A_296 : memref<10000x16xf32, #tpu.memory_space<vmem_shared>>) dst(%dma_wait3A_290 : memref<128x16xf32, #tpu.memory_space<vmem>>)
      %dma_wait3A_297 = arith.constant 2 : i32
      %dma_wait3A_298 = arith.constant 6 : i32
      %dma_wait3A_299 = arith.constant 0 : i32
      %dma_wait3A_300 = arith.constant 0 : i32
      %dma_wait3A_301 = tpu.memref_slice %arg7[%dma_wait3A_298, %dma_wait3A_299, %dma_wait3A_300] : memref<8x128x16xf32, #tpu.memory_space<vmem>> -> memref<1x128x16xf32, #tpu.memory_space<vmem>>
      %dma_wait3A_302 = tpu.memref_squeeze %dma_wait3A_301 : memref<1x128x16xf32, #tpu.memory_space<vmem>> -> memref<128x16xf32, #tpu.memory_space<vmem>>
      %dma_wait3A_303 = arith.constant 0 : i32
      %dma_wait3A_304 = tpu.memref_slice %arg5[%dma_wait3A_297, %dma_wait3A_303] : memref<160x128xi32, #tpu.memory_space<vmem>> -> memref<1x128xi32, #tpu.memory_space<vmem>>
      %dma_wait3A_305 = tpu.memref_squeeze %dma_wait3A_304 : memref<1x128xi32, #tpu.memory_space<vmem>> -> memref<128xi32, #tpu.memory_space<vmem>>
      %dma_wait3A_306 = arith.constant 0 : i32
      %dma_wait3A_307 = arith.constant 0 : i32
      %dma_wait3A_308 = tpu.memref_slice %arg9[%dma_wait3A_306, %dma_wait3A_307] : memref<10000x16xf32, #tpu.memory_space<vmem_shared>> -> memref<10000x16xf32, #tpu.memory_space<vmem_shared>>
      tpu.wait_indirect_dma semaphore(%arg11 : memref<!tpu.dma_semaphore, #tpu.memory_space<semaphore_mem>>) src(%dma_wait3A_308 : memref<10000x16xf32, #tpu.memory_space<vmem_shared>>) dst(%dma_wait3A_302 : memref<128x16xf32, #tpu.memory_space<vmem>>)
      %dma_wait3A_309 = arith.constant 3 : i32
      %dma_wait3A_310 = arith.constant 7 : i32
      %dma_wait3A_311 = arith.constant 0 : i32
      %dma_wait3A_312 = arith.constant 0 : i32
      %dma_wait3A_313 = tpu.memref_slice %arg7[%dma_wait3A_310, %dma_wait3A_311, %dma_wait3A_312] : memref<8x128x16xf32, #tpu.memory_space<vmem>> -> memref<1x128x16xf32, #tpu.memory_space<vmem>>
      %dma_wait3A_314 = tpu.memref_squeeze %dma_wait3A_313 : memref<1x128x16xf32, #tpu.memory_space<vmem>> -> memref<128x16xf32, #tpu.memory_space<vmem>>
      %dma_wait3A_315 = arith.constant 0 : i32
      %dma_wait3A_316 = tpu.memref_slice %arg5[%dma_wait3A_309, %dma_wait3A_315] : memref<160x128xi32, #tpu.memory_space<vmem>> -> memref<1x128xi32, #tpu.memory_space<vmem>>
      %dma_wait3A_317 = tpu.memref_squeeze %dma_wait3A_316 : memref<1x128xi32, #tpu.memory_space<vmem>> -> memref<128xi32, #tpu.memory_space<vmem>>
      %dma_wait3A_318 = arith.constant 0 : i32
      %dma_wait3A_319 = arith.constant 0 : i32
      %dma_wait3A_320 = tpu.memref_slice %arg9[%dma_wait3A_318, %dma_wait3A_319] : memref<10000x16xf32, #tpu.memory_space<vmem_shared>> -> memref<10000x16xf32, #tpu.memory_space<vmem_shared>>
      tpu.wait_indirect_dma semaphore(%arg11 : memref<!tpu.dma_semaphore, #tpu.memory_space<semaphore_mem>>) src(%dma_wait3A_320 : memref<10000x16xf32, #tpu.memory_space<vmem_shared>>) dst(%dma_wait3A_314 : memref<128x16xf32, #tpu.memory_space<vmem>>)
      %add3A_321 = arith.constant 1 : i32
      %add3A_322 = arith.addi %mul3A_44, %add3A_321 : i32
      %mul3A_323 = arith.constant 4 : i32
      %mul3A_324 = arith.muli %add3A_322, %mul3A_323 : i32
      %add3A_325 = arith.constant 0 : i32
      %add3A_326 = arith.addi %mul3A_324, %add3A_325 : i32
      %dma_start3A_327 = arith.constant 4 : i32
      %dma_start3A_328 = arith.constant 0 : i32
      %dma_start3A_329 = arith.constant 0 : i32
      %dma_start3A_330 = tpu.memref_slice %arg7[%dma_start3A_327, %dma_start3A_328, %dma_start3A_329] : memref<8x128x16xf32, #tpu.memory_space<vmem>> -> memref<1x128x16xf32, #tpu.memory_space<vmem>>
      %dma_start3A_331 = tpu.memref_squeeze %dma_start3A_330 : memref<1x128x16xf32, #tpu.memory_space<vmem>> -> memref<128x16xf32, #tpu.memory_space<vmem>>
      %dma_start3A_332 = arith.constant 0 : i32
      %dma_start3A_333 = tpu.memref_slice %arg6[%add3A_326, %dma_start3A_332] : memref<160x128xi32, #tpu.memory_space<vmem>> -> memref<1x128xi32, #tpu.memory_space<vmem>>
      %dma_start3A_334 = tpu.memref_squeeze %dma_start3A_333 : memref<1x128xi32, #tpu.memory_space<vmem>> -> memref<128xi32, #tpu.memory_space<vmem>>
      %dma_start3A_335 = arith.constant 0 : i32
      %dma_start3A_336 = arith.constant 0 : i32
      %dma_start3A_337 = tpu.memref_slice %arg8[%dma_start3A_335, %dma_start3A_336] : memref<10112x16xf32, #tpu.memory_space<vmem_shared>> -> memref<10112x16xf32, #tpu.memory_space<vmem_shared>>
      tpu.enqueue_indirect_dma source(%dma_start3A_331 : memref<128x16xf32, #tpu.memory_space<vmem>>) target(%dma_start3A_337 : memref<10112x16xf32, #tpu.memory_space<vmem_shared>>) offsets(%dma_start3A_334 : memref<128xi32, #tpu.memory_space<vmem>>) semaphore(%arg13 : memref<!tpu.dma_semaphore, #tpu.memory_space<semaphore_mem>>) {add = true}
      %mul3A_338 = arith.constant 4 : i32
      %mul3A_339 = arith.muli %add3A_322, %mul3A_338 : i32
      %add3A_340 = arith.constant 1 : i32
      %add3A_341 = arith.addi %mul3A_339, %add3A_340 : i32
      %dma_start3A_342 = arith.constant 5 : i32
      %dma_start3A_343 = arith.constant 0 : i32
      %dma_start3A_344 = arith.constant 0 : i32
      %dma_start3A_345 = tpu.memref_slice %arg7[%dma_start3A_342, %dma_start3A_343, %dma_start3A_344] : memref<8x128x16xf32, #tpu.memory_space<vmem>> -> memref<1x128x16xf32, #tpu.memory_space<vmem>>
      %dma_start3A_346 = tpu.memref_squeeze %dma_start3A_345 : memref<1x128x16xf32, #tpu.memory_space<vmem>> -> memref<128x16xf32, #tpu.memory_space<vmem>>
      %dma_start3A_347 = arith.constant 0 : i32
      %dma_start3A_348 = tpu.memref_slice %arg6[%add3A_341, %dma_start3A_347] : memref<160x128xi32, #tpu.memory_space<vmem>> -> memref<1x128xi32, #tpu.memory_space<vmem>>
      %dma_start3A_349 = tpu.memref_squeeze %dma_start3A_348 : memref<1x128xi32, #tpu.memory_space<vmem>> -> memref<128xi32, #tpu.memory_space<vmem>>
      %dma_start3A_350 = arith.constant 0 : i32
      %dma_start3A_351 = arith.constant 0 : i32
      %dma_start3A_352 = tpu.memref_slice %arg8[%dma_start3A_350, %dma_start3A_351] : memref<10112x16xf32, #tpu.memory_space<vmem_shared>> -> memref<10112x16xf32, #tpu.memory_space<vmem_shared>>
      tpu.enqueue_indirect_dma source(%dma_start3A_346 : memref<128x16xf32, #tpu.memory_space<vmem>>) target(%dma_start3A_352 : memref<10112x16xf32, #tpu.memory_space<vmem_shared>>) offsets(%dma_start3A_349 : memref<128xi32, #tpu.memory_space<vmem>>) semaphore(%arg13 : memref<!tpu.dma_semaphore, #tpu.memory_space<semaphore_mem>>) {add = true}
      %mul3A_353 = arith.constant 4 : i32
      %mul3A_354 = arith.muli %add3A_322, %mul3A_353 : i32
      %add3A_355 = arith.constant 2 : i32
      %add3A_356 = arith.addi %mul3A_354, %add3A_355 : i32
      %dma_start3A_357 = arith.constant 6 : i32
      %dma_start3A_358 = arith.constant 0 : i32
      %dma_start3A_359 = arith.constant 0 : i32
      %dma_start3A_360 = tpu.memref_slice %arg7[%dma_start3A_357, %dma_start3A_358, %dma_start3A_359] : memref<8x128x16xf32, #tpu.memory_space<vmem>> -> memref<1x128x16xf32, #tpu.memory_space<vmem>>
      %dma_start3A_361 = tpu.memref_squeeze %dma_start3A_360 : memref<1x128x16xf32, #tpu.memory_space<vmem>> -> memref<128x16xf32, #tpu.memory_space<vmem>>
      %dma_start3A_362 = arith.constant 0 : i32
      %dma_start3A_363 = tpu.memref_slice %arg6[%add3A_356, %dma_start3A_362] : memref<160x128xi32, #tpu.memory_space<vmem>> -> memref<1x128xi32, #tpu.memory_space<vmem>>
      %dma_start3A_364 = tpu.memref_squeeze %dma_start3A_363 : memref<1x128xi32, #tpu.memory_space<vmem>> -> memref<128xi32, #tpu.memory_space<vmem>>
      %dma_start3A_365 = arith.constant 0 : i32
      %dma_start3A_366 = arith.constant 0 : i32
      %dma_start3A_367 = tpu.memref_slice %arg8[%dma_start3A_365, %dma_start3A_366] : memref<10112x16xf32, #tpu.memory_space<vmem_shared>> -> memref<10112x16xf32, #tpu.memory_space<vmem_shared>>
      tpu.enqueue_indirect_dma source(%dma_start3A_361 : memref<128x16xf32, #tpu.memory_space<vmem>>) target(%dma_start3A_367 : memref<10112x16xf32, #tpu.memory_space<vmem_shared>>) offsets(%dma_start3A_364 : memref<128xi32, #tpu.memory_space<vmem>>) semaphore(%arg13 : memref<!tpu.dma_semaphore, #tpu.memory_space<semaphore_mem>>) {add = true}
      %mul3A_368 = arith.constant 4 : i32
      %mul3A_369 = arith.muli %add3A_322, %mul3A_368 : i32
      %add3A_370 = arith.constant 3 : i32
      %add3A_371 = arith.addi %mul3A_369, %add3A_370 : i32
      %dma_start3A_372 = arith.constant 7 : i32
      %dma_start3A_373 = arith.constant 0 : i32
      %dma_start3A_374 = arith.constant 0 : i32
      %dma_start3A_375 = tpu.memref_slice %arg7[%dma_start3A_372, %dma_start3A_373, %dma_start3A_374] : memref<8x128x16xf32, #tpu.memory_space<vmem>> -> memref<1x128x16xf32, #tpu.memory_space<vmem>>
      %dma_start3A_376 = tpu.memref_squeeze %dma_start3A_375 : memref<1x128x16xf32, #tpu.memory_space<vmem>> -> memref<128x16xf32, #tpu.memory_space<vmem>>
      %dma_start3A_377 = arith.constant 0 : i32
      %dma_start3A_378 = tpu.memref_slice %arg6[%add3A_371, %dma_start3A_377] : memref<160x128xi32, #tpu.memory_space<vmem>> -> memref<1x128xi32, #tpu.memory_space<vmem>>
      %dma_start3A_379 = tpu.memref_squeeze %dma_start3A_378 : memref<1x128xi32, #tpu.memory_space<vmem>> -> memref<128xi32, #tpu.memory_space<vmem>>
      %dma_start3A_380 = arith.constant 0 : i32
      %dma_start3A_381 = arith.constant 0 : i32
      %dma_start3A_382 = tpu.memref_slice %arg8[%dma_start3A_380, %dma_start3A_381] : memref<10112x16xf32, #tpu.memory_space<vmem_shared>> -> memref<10112x16xf32, #tpu.memory_space<vmem_shared>>
      tpu.enqueue_indirect_dma source(%dma_start3A_376 : memref<128x16xf32, #tpu.memory_space<vmem>>) target(%dma_start3A_382 : memref<10112x16xf32, #tpu.memory_space<vmem_shared>>) offsets(%dma_start3A_379 : memref<128xi32, #tpu.memory_space<vmem>>) semaphore(%arg13 : memref<!tpu.dma_semaphore, #tpu.memory_space<semaphore_mem>>) {add = true}
      %dma_wait3A_383 = arith.constant 0 : i32
      %dma_wait3A_384 = arith.constant 0 : i32
      %dma_wait3A_385 = arith.constant 0 : i32
      %dma_wait3A_386 = tpu.memref_slice %arg7[%dma_wait3A_383, %dma_wait3A_384, %dma_wait3A_385] : memref<8x128x16xf32, #tpu.memory_space<vmem>> -> memref<1x128x16xf32, #tpu.memory_space<vmem>>
      %dma_wait3A_387 = tpu.memref_squeeze %dma_wait3A_386 : memref<1x128x16xf32, #tpu.memory_space<vmem>> -> memref<128x16xf32, #tpu.memory_space<vmem>>
      %dma_wait3A_388 = arith.constant 0 : i32
      %dma_wait3A_389 = arith.constant 0 : i32
      %dma_wait3A_390 = tpu.memref_slice %arg8[%dma_wait3A_388, %dma_wait3A_389] : memref<10112x16xf32, #tpu.memory_space<vmem_shared>> -> memref<128x16xf32, #tpu.memory_space<vmem_shared>>
      %dma_wait3A_391 = arith.constant 0 : i32
      %dma_wait3A_392 = arith.constant 0 : i32
      %dma_wait3A_393 = tpu.memref_slice %arg8[%dma_wait3A_391, %dma_wait3A_392] : memref<10112x16xf32, #tpu.memory_space<vmem_shared>> -> memref<128x16xf32, #tpu.memory_space<vmem_shared>>
      %dma_wait3A_394 = arith.constant 0 : i32
      %dma_wait3A_395 = arith.constant 0 : i32
      %dma_wait3A_396 = tpu.memref_slice %arg7[%dma_wait3A_383, %dma_wait3A_394, %dma_wait3A_395] : memref<8x128x16xf32, #tpu.memory_space<vmem>> -> memref<1x128x16xf32, #tpu.memory_space<vmem>>
      %dma_wait3A_397 = tpu.memref_squeeze %dma_wait3A_396 : memref<1x128x16xf32, #tpu.memory_space<vmem>> -> memref<128x16xf32, #tpu.memory_space<vmem>>
      tpu.wait_dma2 semaphore(%arg12 : memref<!tpu.dma_semaphore, #tpu.memory_space<semaphore_mem>>) src(%dma_wait3A_397 : memref<128x16xf32, #tpu.memory_space<vmem>>) dst(%dma_wait3A_393 : memref<128x16xf32, #tpu.memory_space<vmem_shared>>)
      %dma_wait3A_398 = arith.constant 1 : i32
      %dma_wait3A_399 = arith.constant 0 : i32
      %dma_wait3A_400 = arith.constant 0 : i32
      %dma_wait3A_401 = tpu.memref_slice %arg7[%dma_wait3A_398, %dma_wait3A_399, %dma_wait3A_400] : memref<8x128x16xf32, #tpu.memory_space<vmem>> -> memref<1x128x16xf32, #tpu.memory_space<vmem>>
      %dma_wait3A_402 = tpu.memref_squeeze %dma_wait3A_401 : memref<1x128x16xf32, #tpu.memory_space<vmem>> -> memref<128x16xf32, #tpu.memory_space<vmem>>
      %dma_wait3A_403 = arith.constant 0 : i32
      %dma_wait3A_404 = arith.constant 0 : i32
      %dma_wait3A_405 = tpu.memref_slice %arg8[%dma_wait3A_403, %dma_wait3A_404] : memref<10112x16xf32, #tpu.memory_space<vmem_shared>> -> memref<128x16xf32, #tpu.memory_space<vmem_shared>>
      %dma_wait3A_406 = arith.constant 0 : i32
      %dma_wait3A_407 = arith.constant 0 : i32
      %dma_wait3A_408 = tpu.memref_slice %arg8[%dma_wait3A_406, %dma_wait3A_407] : memref<10112x16xf32, #tpu.memory_space<vmem_shared>> -> memref<128x16xf32, #tpu.memory_space<vmem_shared>>
      %dma_wait3A_409 = arith.constant 0 : i32
      %dma_wait3A_410 = arith.constant 0 : i32
      %dma_wait3A_411 = tpu.memref_slice %arg7[%dma_wait3A_398, %dma_wait3A_409, %dma_wait3A_410] : memref<8x128x16xf32, #tpu.memory_space<vmem>> -> memref<1x128x16xf32, #tpu.memory_space<vmem>>
      %dma_wait3A_412 = tpu.memref_squeeze %dma_wait3A_411 : memref<1x128x16xf32, #tpu.memory_space<vmem>> -> memref<128x16xf32, #tpu.memory_space<vmem>>
      tpu.wait_dma2 semaphore(%arg12 : memref<!tpu.dma_semaphore, #tpu.memory_space<semaphore_mem>>) src(%dma_wait3A_412 : memref<128x16xf32, #tpu.memory_space<vmem>>) dst(%dma_wait3A_408 : memref<128x16xf32, #tpu.memory_space<vmem_shared>>)
      %dma_wait3A_413 = arith.constant 2 : i32
      %dma_wait3A_414 = arith.constant 0 : i32
      %dma_wait3A_415 = arith.constant 0 : i32
      %dma_wait3A_416 = tpu.memref_slice %arg7[%dma_wait3A_413, %dma_wait3A_414, %dma_wait3A_415] : memref<8x128x16xf32, #tpu.memory_space<vmem>> -> memref<1x128x16xf32, #tpu.memory_space<vmem>>
      %dma_wait3A_417 = tpu.memref_squeeze %dma_wait3A_416 : memref<1x128x16xf32, #tpu.memory_space<vmem>> -> memref<128x16xf32, #tpu.memory_space<vmem>>
      %dma_wait3A_418 = arith.constant 0 : i32
      %dma_wait3A_419 = arith.constant 0 : i32
      %dma_wait3A_420 = tpu.memref_slice %arg8[%dma_wait3A_418, %dma_wait3A_419] : memref<10112x16xf32, #tpu.memory_space<vmem_shared>> -> memref<128x16xf32, #tpu.memory_space<vmem_shared>>
      %dma_wait3A_421 = arith.constant 0 : i32
      %dma_wait3A_422 = arith.constant 0 : i32
      %dma_wait3A_423 = tpu.memref_slice %arg8[%dma_wait3A_421, %dma_wait3A_422] : memref<10112x16xf32, #tpu.memory_space<vmem_shared>> -> memref<128x16xf32, #tpu.memory_space<vmem_shared>>
      %dma_wait3A_424 = arith.constant 0 : i32
      %dma_wait3A_425 = arith.constant 0 : i32
      %dma_wait3A_426 = tpu.memref_slice %arg7[%dma_wait3A_413, %dma_wait3A_424, %dma_wait3A_425] : memref<8x128x16xf32, #tpu.memory_space<vmem>> -> memref<1x128x16xf32, #tpu.memory_space<vmem>>
      %dma_wait3A_427 = tpu.memref_squeeze %dma_wait3A_426 : memref<1x128x16xf32, #tpu.memory_space<vmem>> -> memref<128x16xf32, #tpu.memory_space<vmem>>
      tpu.wait_dma2 semaphore(%arg12 : memref<!tpu.dma_semaphore, #tpu.memory_space<semaphore_mem>>) src(%dma_wait3A_427 : memref<128x16xf32, #tpu.memory_space<vmem>>) dst(%dma_wait3A_423 : memref<128x16xf32, #tpu.memory_space<vmem_shared>>)
      %dma_wait3A_428 = arith.constant 3 : i32
      %dma_wait3A_429 = arith.constant 0 : i32
      %dma_wait3A_430 = arith.constant 0 : i32
      %dma_wait3A_431 = tpu.memref_slice %arg7[%dma_wait3A_428, %dma_wait3A_429, %dma_wait3A_430] : memref<8x128x16xf32, #tpu.memory_space<vmem>> -> memref<1x128x16xf32, #tpu.memory_space<vmem>>
      %dma_wait3A_432 = tpu.memref_squeeze %dma_wait3A_431 : memref<1x128x16xf32, #tpu.memory_space<vmem>> -> memref<128x16xf32, #tpu.memory_space<vmem>>
      %dma_wait3A_433 = arith.constant 0 : i32
      %dma_wait3A_434 = arith.constant 0 : i32
      %dma_wait3A_435 = tpu.memref_slice %arg8[%dma_wait3A_433, %dma_wait3A_434] : memref<10112x16xf32, #tpu.memory_space<vmem_shared>> -> memref<128x16xf32, #tpu.memory_space<vmem_shared>>
      %dma_wait3A_436 = arith.constant 0 : i32
      %dma_wait3A_437 = arith.constant 0 : i32
      %dma_wait3A_438 = tpu.memref_slice %arg8[%dma_wait3A_436, %dma_wait3A_437] : memref<10112x16xf32, #tpu.memory_space<vmem_shared>> -> memref<128x16xf32, #tpu.memory_space<vmem_shared>>
      %dma_wait3A_439 = arith.constant 0 : i32
      %dma_wait3A_440 = arith.constant 0 : i32
      %dma_wait3A_441 = tpu.memref_slice %arg7[%dma_wait3A_428, %dma_wait3A_439, %dma_wait3A_440] : memref<8x128x16xf32, #tpu.memory_space<vmem>> -> memref<1x128x16xf32, #tpu.memory_space<vmem>>
      %dma_wait3A_442 = tpu.memref_squeeze %dma_wait3A_441 : memref<1x128x16xf32, #tpu.memory_space<vmem>> -> memref<128x16xf32, #tpu.memory_space<vmem>>
      tpu.wait_dma2 semaphore(%arg12 : memref<!tpu.dma_semaphore, #tpu.memory_space<semaphore_mem>>) src(%dma_wait3A_442 : memref<128x16xf32, #tpu.memory_space<vmem>>) dst(%dma_wait3A_438 : memref<128x16xf32, #tpu.memory_space<vmem_shared>>)
      %dma_wait3A_443 = arith.constant 4 : i32
      %dma_wait3A_444 = arith.constant 0 : i32
      %dma_wait3A_445 = arith.constant 0 : i32
      %dma_wait3A_446 = tpu.memref_slice %arg7[%dma_wait3A_443, %dma_wait3A_444, %dma_wait3A_445] : memref<8x128x16xf32, #tpu.memory_space<vmem>> -> memref<1x128x16xf32, #tpu.memory_space<vmem>>
      %dma_wait3A_447 = tpu.memref_squeeze %dma_wait3A_446 : memref<1x128x16xf32, #tpu.memory_space<vmem>> -> memref<128x16xf32, #tpu.memory_space<vmem>>
      %dma_wait3A_448 = arith.constant 0 : i32
      %dma_wait3A_449 = arith.constant 0 : i32
      %dma_wait3A_450 = tpu.memref_slice %arg8[%dma_wait3A_448, %dma_wait3A_449] : memref<10112x16xf32, #tpu.memory_space<vmem_shared>> -> memref<128x16xf32, #tpu.memory_space<vmem_shared>>
      %dma_wait3A_451 = arith.constant 0 : i32
      %dma_wait3A_452 = arith.constant 0 : i32
      %dma_wait3A_453 = tpu.memref_slice %arg8[%dma_wait3A_451, %dma_wait3A_452] : memref<10112x16xf32, #tpu.memory_space<vmem_shared>> -> memref<128x16xf32, #tpu.memory_space<vmem_shared>>
      %dma_wait3A_454 = arith.constant 0 : i32
      %dma_wait3A_455 = arith.constant 0 : i32
      %dma_wait3A_456 = tpu.memref_slice %arg7[%dma_wait3A_443, %dma_wait3A_454, %dma_wait3A_455] : memref<8x128x16xf32, #tpu.memory_space<vmem>> -> memref<1x128x16xf32, #tpu.memory_space<vmem>>
      %dma_wait3A_457 = tpu.memref_squeeze %dma_wait3A_456 : memref<1x128x16xf32, #tpu.memory_space<vmem>> -> memref<128x16xf32, #tpu.memory_space<vmem>>
      tpu.wait_dma2 semaphore(%arg13 : memref<!tpu.dma_semaphore, #tpu.memory_space<semaphore_mem>>) src(%dma_wait3A_457 : memref<128x16xf32, #tpu.memory_space<vmem>>) dst(%dma_wait3A_453 : memref<128x16xf32, #tpu.memory_space<vmem_shared>>)
      %dma_wait3A_458 = arith.constant 5 : i32
      %dma_wait3A_459 = arith.constant 0 : i32
      %dma_wait3A_460 = arith.constant 0 : i32
      %dma_wait3A_461 = tpu.memref_slice %arg7[%dma_wait3A_458, %dma_wait3A_459, %dma_wait3A_460] : memref<8x128x16xf32, #tpu.memory_space<vmem>> -> memref<1x128x16xf32, #tpu.memory_space<vmem>>
      %dma_wait3A_462 = tpu.memref_squeeze %dma_wait3A_461 : memref<1x128x16xf32, #tpu.memory_space<vmem>> -> memref<128x16xf32, #tpu.memory_space<vmem>>
      %dma_wait3A_463 = arith.constant 0 : i32
      %dma_wait3A_464 = arith.constant 0 : i32
      %dma_wait3A_465 = tpu.memref_slice %arg8[%dma_wait3A_463, %dma_wait3A_464] : memref<10112x16xf32, #tpu.memory_space<vmem_shared>> -> memref<128x16xf32, #tpu.memory_space<vmem_shared>>
      %dma_wait3A_466 = arith.constant 0 : i32
      %dma_wait3A_467 = arith.constant 0 : i32
      %dma_wait3A_468 = tpu.memref_slice %arg8[%dma_wait3A_466, %dma_wait3A_467] : memref<10112x16xf32, #tpu.memory_space<vmem_shared>> -> memref<128x16xf32, #tpu.memory_space<vmem_shared>>
      %dma_wait3A_469 = arith.constant 0 : i32
      %dma_wait3A_470 = arith.constant 0 : i32
      %dma_wait3A_471 = tpu.memref_slice %arg7[%dma_wait3A_458, %dma_wait3A_469, %dma_wait3A_470] : memref<8x128x16xf32, #tpu.memory_space<vmem>> -> memref<1x128x16xf32, #tpu.memory_space<vmem>>
      %dma_wait3A_472 = tpu.memref_squeeze %dma_wait3A_471 : memref<1x128x16xf32, #tpu.memory_space<vmem>> -> memref<128x16xf32, #tpu.memory_space<vmem>>
      tpu.wait_dma2 semaphore(%arg13 : memref<!tpu.dma_semaphore, #tpu.memory_space<semaphore_mem>>) src(%dma_wait3A_472 : memref<128x16xf32, #tpu.memory_space<vmem>>) dst(%dma_wait3A_468 : memref<128x16xf32, #tpu.memory_space<vmem_shared>>)
      %dma_wait3A_473 = arith.constant 6 : i32
      %dma_wait3A_474 = arith.constant 0 : i32
      %dma_wait3A_475 = arith.constant 0 : i32
      %dma_wait3A_476 = tpu.memref_slice %arg7[%dma_wait3A_473, %dma_wait3A_474, %dma_wait3A_475] : memref<8x128x16xf32, #tpu.memory_space<vmem>> -> memref<1x128x16xf32, #tpu.memory_space<vmem>>
      %dma_wait3A_477 = tpu.memref_squeeze %dma_wait3A_476 : memref<1x128x16xf32, #tpu.memory_space<vmem>> -> memref<128x16xf32, #tpu.memory_space<vmem>>
      %dma_wait3A_478 = arith.constant 0 : i32
      %dma_wait3A_479 = arith.constant 0 : i32
      %dma_wait3A_480 = tpu.memref_slice %arg8[%dma_wait3A_478, %dma_wait3A_479] : memref<10112x16xf32, #tpu.memory_space<vmem_shared>> -> memref<128x16xf32, #tpu.memory_space<vmem_shared>>
      %dma_wait3A_481 = arith.constant 0 : i32
      %dma_wait3A_482 = arith.constant 0 : i32
      %dma_wait3A_483 = tpu.memref_slice %arg8[%dma_wait3A_481, %dma_wait3A_482] : memref<10112x16xf32, #tpu.memory_space<vmem_shared>> -> memref<128x16xf32, #tpu.memory_space<vmem_shared>>
      %dma_wait3A_484 = arith.constant 0 : i32
      %dma_wait3A_485 = arith.constant 0 : i32
      %dma_wait3A_486 = tpu.memref_slice %arg7[%dma_wait3A_473, %dma_wait3A_484, %dma_wait3A_485] : memref<8x128x16xf32, #tpu.memory_space<vmem>> -> memref<1x128x16xf32, #tpu.memory_space<vmem>>
      %dma_wait3A_487 = tpu.memref_squeeze %dma_wait3A_486 : memref<1x128x16xf32, #tpu.memory_space<vmem>> -> memref<128x16xf32, #tpu.memory_space<vmem>>
      tpu.wait_dma2 semaphore(%arg13 : memref<!tpu.dma_semaphore, #tpu.memory_space<semaphore_mem>>) src(%dma_wait3A_487 : memref<128x16xf32, #tpu.memory_space<vmem>>) dst(%dma_wait3A_483 : memref<128x16xf32, #tpu.memory_space<vmem_shared>>)
      %dma_wait3A_488 = arith.constant 7 : i32
      %dma_wait3A_489 = arith.constant 0 : i32
      %dma_wait3A_490 = arith.constant 0 : i32
      %dma_wait3A_491 = tpu.memref_slice %arg7[%dma_wait3A_488, %dma_wait3A_489, %dma_wait3A_490] : memref<8x128x16xf32, #tpu.memory_space<vmem>> -> memref<1x128x16xf32, #tpu.memory_space<vmem>>
      %dma_wait3A_492 = tpu.memref_squeeze %dma_wait3A_491 : memref<1x128x16xf32, #tpu.memory_space<vmem>> -> memref<128x16xf32, #tpu.memory_space<vmem>>
      %dma_wait3A_493 = arith.constant 0 : i32
      %dma_wait3A_494 = arith.constant 0 : i32
      %dma_wait3A_495 = tpu.memref_slice %arg8[%dma_wait3A_493, %dma_wait3A_494] : memref<10112x16xf32, #tpu.memory_space<vmem_shared>> -> memref<128x16xf32, #tpu.memory_space<vmem_shared>>
      %dma_wait3A_496 = arith.constant 0 : i32
      %dma_wait3A_497 = arith.constant 0 : i32
      %dma_wait3A_498 = tpu.memref_slice %arg8[%dma_wait3A_496, %dma_wait3A_497] : memref<10112x16xf32, #tpu.memory_space<vmem_shared>> -> memref<128x16xf32, #tpu.memory_space<vmem_shared>>
      %dma_wait3A_499 = arith.constant 0 : i32
      %dma_wait3A_500 = arith.constant 0 : i32
      %dma_wait3A_501 = tpu.memref_slice %arg7[%dma_wait3A_488, %dma_wait3A_499, %dma_wait3A_500] : memref<8x128x16xf32, #tpu.memory_space<vmem>> -> memref<1x128x16xf32, #tpu.memory_space<vmem>>
      %dma_wait3A_502 = tpu.memref_squeeze %dma_wait3A_501 : memref<1x128x16xf32, #tpu.memory_space<vmem>> -> memref<128x16xf32, #tpu.memory_space<vmem>>
      tpu.wait_dma2 semaphore(%arg13 : memref<!tpu.dma_semaphore, #tpu.memory_space<semaphore_mem>>) src(%dma_wait3A_502 : memref<128x16xf32, #tpu.memory_space<vmem>>) dst(%dma_wait3A_498 : memref<128x16xf32, #tpu.memory_space<vmem_shared>>)
    }
    %scan3A_36 = arith.constant 20 : i32
    %barrier3A_37 = arith.constant 0 : index
    tpu.barrier barrier_id(%barrier3A_37)
    %mul3A_38 = arith.constant 632 : i32
    %mul3A_39 = arith.muli %arg1, %mul3A_38 : i32
    %mul3A_40 = arith.constant 632 : i32
    %mul3A_41 = arith.muli %arg1, %mul3A_40 : i32
    "tpu.region"() ({
      %run_scoped3A_42 = tpu.sem_alloc : memref<!tpu.dma_semaphore, #tpu.memory_space<semaphore_mem>>
      %dma_start3A = arith.constant 0 : i32
      %dma_start3A_43 = tpu.memref_slice %arg4[%arg0, %mul3A_41, %dma_start3A] : memref<2x10112x16xf32, #tpu.memory_space<hbm>> -> memref<1x632x16xf32, #tpu.memory_space<hbm>>
      %dma_start3A_44 = tpu.memref_squeeze %dma_start3A_43 : memref<1x632x16xf32, #tpu.memory_space<hbm>> -> memref<632x16xf32, #tpu.memory_space<hbm>>
      %dma_start3A_45 = arith.constant 0 : i32
      %dma_start3A_46 = tpu.memref_slice %arg8[%mul3A_39, %dma_start3A_45] : memref<10112x16xf32, #tpu.memory_space<vmem_shared>> -> memref<632x16xf32, #tpu.memory_space<vmem_shared>>
      tpu.enqueue_dma source(%dma_start3A_46 : memref<632x16xf32, #tpu.memory_space<vmem_shared>>) target(%dma_start3A_44 : memref<632x16xf32, #tpu.memory_space<hbm>>) target_semaphore(%run_scoped3A_42 : memref<!tpu.dma_semaphore, #tpu.memory_space<semaphore_mem>>)
      %dma_wait3A = arith.constant 0 : i32
      %dma_wait3A_47 = tpu.memref_slice %arg4[%arg0, %mul3A_41, %dma_wait3A] : memref<2x10112x16xf32, #tpu.memory_space<hbm>> -> memref<1x632x16xf32, #tpu.memory_space<hbm>>
      %dma_wait3A_48 = tpu.memref_squeeze %dma_wait3A_47 : memref<1x632x16xf32, #tpu.memory_space<hbm>> -> memref<632x16xf32, #tpu.memory_space<hbm>>
      %dma_wait3A_49 = arith.constant 0 : i32
      %dma_wait3A_50 = tpu.memref_slice %arg8[%mul3A_39, %dma_wait3A_49] : memref<10112x16xf32, #tpu.memory_space<vmem_shared>> -> memref<632x16xf32, #tpu.memory_space<vmem_shared>>
      tpu.wait_dma2 semaphore(%run_scoped3A_42 : memref<!tpu.dma_semaphore, #tpu.memory_space<semaphore_mem>>) src(%dma_wait3A_50 : memref<632x16xf32, #tpu.memory_space<vmem_shared>>) dst(%dma_wait3A_48 : memref<632x16xf32, #tpu.memory_space<hbm>>)
      tpu.yield
    }) : () -> ()
    return
  }
}

module attributes {stable_mosaic.version = 14 : i64} {
  func.func @_tc0_body(%arg0: memref<10000x128xf32, #tpu.memory_space<vmem>>, %arg1: memref<128x32xf32, #tpu.memory_space<vmem>>, %arg2: memref<10000x32xf32, #tpu.memory_space<vmem>>) attributes {dimension_semantics = [], scalar_prefetch = 0 : i64, scratch_operands = 0 : i64, tpu.core_type = #tpu.core_type<tc>} {
    %get3A = arith.constant 0 : index
    %get3A_0 = arith.constant 0 : index
    %get3A_1 = vector.load %arg0[%get3A, %get3A_0] : memref<10000x128xf32, #tpu.memory_space<vmem>>, vector<10000x128xf32>
    %get3A_2 = arith.constant 0 : index
    %get3A_3 = arith.constant 0 : index
    %get3A_4 = vector.load %arg1[%get3A_2, %get3A_3] : memref<128x32xf32, #tpu.memory_space<vmem>>, vector<128x32xf32>
    %dot_general3A = arith.constant dense<0.000000e+00> : vector<10000x32xf32>
    %dot_general3A_5 = tpu.matmul %get3A_1, %get3A_4, %dot_general3A {dimension_numbers = #tpu.dot_dimension_numbers<[1], [0], [0], [1], [0, 0, 1, 1], [], []>, transpose_lhs_hint = false} : vector<10000x128xf32>, vector<128x32xf32>, vector<10000x32xf32> -> vector<10000x32xf32>
    %swap3A = arith.constant 0 : index
    %swap3A_6 = arith.constant 0 : index
    %swap3A_7 = vector.load %arg2[%swap3A, %swap3A_6] : memref<10000x32xf32, #tpu.memory_space<vmem>>, vector<10000x32xf32>
    tpu.vector_store %arg2[%swap3A, %swap3A_6], %dot_general3A_5 {strides = array<i32>} : memref<10000x32xf32, #tpu.memory_space<vmem>>, vector<10000x32xf32>,
    return
  }
}

module attributes {stable_mosaic.version = 14 : i64} {
  func.func @_tce_body(%arg0: memref<5000x128xi32, #tpu.memory_space<vmem>>, %arg1: memref<5120x128xi32, #tpu.memory_space<vmem>>) attributes {dimension_semantics = [], scalar_prefetch = 0 : i64, scratch_operands = 0 : i64, tpu.core_type = #tpu.core_type<tc>} {
    %get3A = arith.constant 0 : index
    %get3A_0 = arith.constant 0 : index
    %get3A_1 = vector.load %arg0[%get3A, %get3A_0] : memref<5000x128xi32, #tpu.memory_space<vmem>>, vector<2500x128xi32>
    %swap3A = arith.constant 0 : index
    %swap3A_2 = arith.constant 0 : index
    %swap3A_3 = vector.load %arg1[%swap3A, %swap3A_2] : memref<5120x128xi32, #tpu.memory_space<vmem>>, vector<2500x128xi32>
    tpu.vector_store %arg1[%swap3A, %swap3A_2], %get3A_1 {strides = array<i32>} : memref<5120x128xi32, #tpu.memory_space<vmem>>, vector<2500x128xi32>,
    %broadcast_in_dim3A = arith.constant 0 : i32
    %broadcast_in_dim3A_4 = vector.broadcast %broadcast_in_dim3A : i32 to vector<60x128xi32>
    %swap3A_5 = arith.constant 2500 : index
    %swap3A_6 = arith.constant 0 : index
    %swap3A_7 = vector.load %arg1[%swap3A_5, %swap3A_6] : memref<5120x128xi32, #tpu.memory_space<vmem>>, vector<60x128xi32>
    tpu.vector_store %arg1[%swap3A_5, %swap3A_6], %broadcast_in_dim3A_4 {strides = array<i32>} : memref<5120x128xi32, #tpu.memory_space<vmem>>, vector<60x128xi32>,
    %get3A_8 = arith.constant 2500 : index
    %get3A_9 = arith.constant 0 : index
    %get3A_10 = vector.load %arg0[%get3A_8, %get3A_9] : memref<5000x128xi32, #tpu.memory_space<vmem>>, vector<2500x128xi32>
    %swap3A_11 = arith.constant 2560 : index
    %swap3A_12 = arith.constant 0 : index
    %swap3A_13 = vector.load %arg1[%swap3A_11, %swap3A_12] : memref<5120x128xi32, #tpu.memory_space<vmem>>, vector<2500x128xi32>
    tpu.vector_store %arg1[%swap3A_11, %swap3A_12], %get3A_10 {strides = array<i32>} : memref<5120x128xi32, #tpu.memory_space<vmem>>, vector<2500x128xi32>,
    %broadcast_in_dim3A_14 = arith.constant 10000 : i32
    %broadcast_in_dim3A_15 = vector.broadcast %broadcast_in_dim3A_14 : i32 to vector<60x128xi32>
    %swap3A_16 = arith.constant 5060 : index
    %swap3A_17 = arith.constant 0 : index
    %swap3A_18 = vector.load %arg1[%swap3A_16, %swap3A_17] : memref<5120x128xi32, #tpu.memory_space<vmem>>, vector<60x128xi32>
    tpu.vector_store %arg1[%swap3A_16, %swap3A_17], %broadcast_in_dim3A_15 {strides = array<i32>} : memref<5120x128xi32, #tpu.memory_space<vmem>>, vector<60x128xi32>,
    return
  }
}

module attributes {stable_mosaic.version = 14 : i64} {
  func.func @_tc1_body(%arg0: memref<10000x32xf32, #tpu.memory_space<vmem>>, %arg1: memref<2x1264x128xf32, #tpu.memory_space<vmem>>, %arg2: memref<2x1256x128xf32, #tpu.memory_space<vmem>>, %arg3: memref<10000x1xf32, #tpu.memory_space<vmem>>, %arg4: memref<10112x16xf32, #tpu.memory_space<vmem>>, %arg5: memref<10000x16xf32, #tpu.memory_space<vmem>>, %arg6: memref<10000x16xf32, #tpu.memory_space<vmem>>) attributes {dimension_semantics = [], scalar_prefetch = 0 : i64, scratch_operands = 3 : i64, tpu.core_type = #tpu.core_type<tc>} {
    %get3A = arith.constant 0 : index
    %get3A_0 = arith.constant 0 : index
    %get3A_1 = arith.constant 0 : index
    %get3A_2 = vector.load %arg1[%get3A, %get3A_0, %get3A_1] : memref<2x1264x128xf32, #tpu.memory_space<vmem>>, vector<1x1264x128xf32>
    %get3A_3 = vector.shape_cast %get3A_2 : vector<1x1264x128xf32> to vector<1264x128xf32>
    %get3A_4 = arith.constant 1 : index
    %get3A_5 = arith.constant 0 : index
    %get3A_6 = arith.constant 0 : index
    %get3A_7 = vector.load %arg1[%get3A_4, %get3A_5, %get3A_6] : memref<2x1264x128xf32, #tpu.memory_space<vmem>>, vector<1x1264x128xf32>
    %get3A_8 = vector.shape_cast %get3A_7 : vector<1x1264x128xf32> to vector<1264x128xf32>
    %add3A = arith.addf %get3A_3, %get3A_8 : vector<1264x128xf32>
    %slice3A = vector.extract_strided_slice %add3A {offsets = [0, 0], sizes = [1264, 16], strides = [1, 1]} : vector<1264x128xf32> to vector<1264x16xf32>
    %swap3A = arith.constant 0 : index
    %swap3A_9 = arith.constant 0 : index
    %swap3A_10 = tpu.strided_load %arg4[%swap3A, %swap3A_9] {strides = array<i32: 8, 1>} : memref<10112x16xf32, #tpu.memory_space<vmem>>, vector<1264x16xf32>
    tpu.strided_store %arg4[%swap3A, %swap3A_9], %slice3A {strides = array<i32: 8, 1>} : memref<10112x16xf32, #tpu.memory_space<vmem>>, vector<1264x16xf32>
    %slice3A_11 = vector.extract_strided_slice %add3A {offsets = [0, 16], sizes = [1264, 16], strides = [1, 1]} : vector<1264x128xf32> to vector<1264x16xf32>
    %swap3A_12 = arith.constant 1 : index
    %swap3A_13 = arith.constant 0 : index
    %swap3A_14 = tpu.strided_load %arg4[%swap3A_12, %swap3A_13] {strides = array<i32: 8, 1>} : memref<10112x16xf32, #tpu.memory_space<vmem>>, vector<1264x16xf32>
    tpu.strided_store %arg4[%swap3A_12, %swap3A_13], %slice3A_11 {strides = array<i32: 8, 1>} : memref<10112x16xf32, #tpu.memory_space<vmem>>, vector<1264x16xf32>
    %slice3A_15 = vector.extract_strided_slice %add3A {offsets = [0, 32], sizes = [1264, 16], strides = [1, 1]} : vector<1264x128xf32> to vector<1264x16xf32>
    %swap3A_16 = arith.constant 2 : index
    %swap3A_17 = arith.constant 0 : index
    %swap3A_18 = tpu.strided_load %arg4[%swap3A_16, %swap3A_17] {strides = array<i32: 8, 1>} : memref<10112x16xf32, #tpu.memory_space<vmem>>, vector<1264x16xf32>
    tpu.strided_store %arg4[%swap3A_16, %swap3A_17], %slice3A_15 {strides = array<i32: 8, 1>} : memref<10112x16xf32, #tpu.memory_space<vmem>>, vector<1264x16xf32>
    %slice3A_19 = vector.extract_strided_slice %add3A {offsets = [0, 48], sizes = [1264, 16], strides = [1, 1]} : vector<1264x128xf32> to vector<1264x16xf32>
    %swap3A_20 = arith.constant 3 : index
    %swap3A_21 = arith.constant 0 : index
    %swap3A_22 = tpu.strided_load %arg4[%swap3A_20, %swap3A_21] {strides = array<i32: 8, 1>} : memref<10112x16xf32, #tpu.memory_space<vmem>>, vector<1264x16xf32>
    tpu.strided_store %arg4[%swap3A_20, %swap3A_21], %slice3A_19 {strides = array<i32: 8, 1>} : memref<10112x16xf32, #tpu.memory_space<vmem>>, vector<1264x16xf32>
    %slice3A_23 = vector.extract_strided_slice %add3A {offsets = [0, 64], sizes = [1264, 16], strides = [1, 1]} : vector<1264x128xf32> to vector<1264x16xf32>
    %swap3A_24 = arith.constant 4 : index
    %swap3A_25 = arith.constant 0 : index
    %swap3A_26 = tpu.strided_load %arg4[%swap3A_24, %swap3A_25] {strides = array<i32: 8, 1>} : memref<10112x16xf32, #tpu.memory_space<vmem>>, vector<1264x16xf32>
    tpu.strided_store %arg4[%swap3A_24, %swap3A_25], %slice3A_23 {strides = array<i32: 8, 1>} : memref<10112x16xf32, #tpu.memory_space<vmem>>, vector<1264x16xf32>
    %slice3A_27 = vector.extract_strided_slice %add3A {offsets = [0, 80], sizes = [1264, 16], strides = [1, 1]} : vector<1264x128xf32> to vector<1264x16xf32>
    %swap3A_28 = arith.constant 5 : index
    %swap3A_29 = arith.constant 0 : index
    %swap3A_30 = tpu.strided_load %arg4[%swap3A_28, %swap3A_29] {strides = array<i32: 8, 1>} : memref<10112x16xf32, #tpu.memory_space<vmem>>, vector<1264x16xf32>
    tpu.strided_store %arg4[%swap3A_28, %swap3A_29], %slice3A_27 {strides = array<i32: 8, 1>} : memref<10112x16xf32, #tpu.memory_space<vmem>>, vector<1264x16xf32>
    %slice3A_31 = vector.extract_strided_slice %add3A {offsets = [0, 96], sizes = [1264, 16], strides = [1, 1]} : vector<1264x128xf32> to vector<1264x16xf32>
    %swap3A_32 = arith.constant 6 : index
    %swap3A_33 = arith.constant 0 : index
    %swap3A_34 = tpu.strided_load %arg4[%swap3A_32, %swap3A_33] {strides = array<i32: 8, 1>} : memref<10112x16xf32, #tpu.memory_space<vmem>>, vector<1264x16xf32>
    tpu.strided_store %arg4[%swap3A_32, %swap3A_33], %slice3A_31 {strides = array<i32: 8, 1>} : memref<10112x16xf32, #tpu.memory_space<vmem>>, vector<1264x16xf32>
    %slice3A_35 = vector.extract_strided_slice %add3A {offsets = [0, 112], sizes = [1264, 16], strides = [1, 1]} : vector<1264x128xf32> to vector<1264x16xf32>
    %swap3A_36 = arith.constant 7 : index
    %swap3A_37 = arith.constant 0 : index
    %swap3A_38 = tpu.strided_load %arg4[%swap3A_36, %swap3A_37] {strides = array<i32: 8, 1>} : memref<10112x16xf32, #tpu.memory_space<vmem>>, vector<1264x16xf32>
    tpu.strided_store %arg4[%swap3A_36, %swap3A_37], %slice3A_35 {strides = array<i32: 8, 1>} : memref<10112x16xf32, #tpu.memory_space<vmem>>, vector<1264x16xf32>
    %get3A_39 = arith.constant 0 : index
    %get3A_40 = arith.constant 0 : index
    %get3A_41 = vector.load %arg4[%get3A_39, %get3A_40] : memref<10112x16xf32, #tpu.memory_space<vmem>>, vector<10000x1xf32>
    %add3A_42 = arith.constant 1.000000e+00 : f32
    %add3A_43 = vector.broadcast %add3A_42 : f32 to vector<10000x1xf32>
    %add3A_44 = arith.addf %get3A_41, %add3A_43 : vector<10000x1xf32>
    %rsqrt3A = math.rsqrt %add3A_44 : vector<10000x1xf32>
    %get3A_45 = arith.constant 0 : index
    %get3A_46 = arith.constant 0 : index
    %get3A_47 = vector.load %arg0[%get3A_45, %get3A_46] : memref<10000x32xf32, #tpu.memory_space<vmem>>, vector<10000x32xf32>
    %mul3A = vector.broadcast %rsqrt3A : vector<10000x1xf32> to vector<10000x32xf32>
    %mul3A_48 = arith.mulf %get3A_47, %mul3A : vector<10000x32xf32>
    %slice3A_49 = vector.extract_strided_slice %mul3A_48 {offsets = [0, 0], sizes = [10000, 16], strides = [1, 1]} : vector<10000x32xf32> to vector<10000x16xf32>
    %swap3A_50 = arith.constant 0 : index
    %swap3A_51 = arith.constant 0 : index
    %swap3A_52 = vector.load %arg5[%swap3A_50, %swap3A_51] : memref<10000x16xf32, #tpu.memory_space<vmem>>, vector<10000x16xf32>
    tpu.vector_store %arg5[%swap3A_50, %swap3A_51], %slice3A_49 {strides = array<i32>} : memref<10000x16xf32, #tpu.memory_space<vmem>>, vector<10000x16xf32>,
    %slice3A_53 = vector.extract_strided_slice %mul3A_48 {offsets = [0, 16], sizes = [10000, 16], strides = [1, 1]} : vector<10000x32xf32> to vector<10000x16xf32>
    %swap3A_54 = arith.constant 0 : index
    %swap3A_55 = arith.constant 0 : index
    %swap3A_56 = vector.load %arg6[%swap3A_54, %swap3A_55] : memref<10000x16xf32, #tpu.memory_space<vmem>>, vector<10000x16xf32>
    tpu.vector_store %arg6[%swap3A_54, %swap3A_55], %slice3A_53 {strides = array<i32>} : memref<10000x16xf32, #tpu.memory_space<vmem>>, vector<10000x16xf32>,
    %get3A_57 = arith.constant 0 : index
    %get3A_58 = arith.constant 0 : index
    %get3A_59 = tpu.strided_load %arg5[%get3A_57, %get3A_58] {strides = array<i32: 8, 1>} : memref<10000x16xf32, #tpu.memory_space<vmem>>, vector<1250x16xf32>
    %get3A_60 = arith.constant 1 : index
    %get3A_61 = arith.constant 0 : index
    %get3A_62 = tpu.strided_load %arg5[%get3A_60, %get3A_61] {strides = array<i32: 8, 1>} : memref<10000x16xf32, #tpu.memory_space<vmem>>, vector<1250x16xf32>
    %get3A_63 = arith.constant 2 : index
    %get3A_64 = arith.constant 0 : index
    %get3A_65 = tpu.strided_load %arg5[%get3A_63, %get3A_64] {strides = array<i32: 8, 1>} : memref<10000x16xf32, #tpu.memory_space<vmem>>, vector<1250x16xf32>
    %get3A_66 = arith.constant 3 : index
    %get3A_67 = arith.constant 0 : index
    %get3A_68 = tpu.strided_load %arg5[%get3A_66, %get3A_67] {strides = array<i32: 8, 1>} : memref<10000x16xf32, #tpu.memory_space<vmem>>, vector<1250x16xf32>
    %get3A_69 = arith.constant 4 : index
    %get3A_70 = arith.constant 0 : index
    %get3A_71 = tpu.strided_load %arg5[%get3A_69, %get3A_70] {strides = array<i32: 8, 1>} : memref<10000x16xf32, #tpu.memory_space<vmem>>, vector<1250x16xf32>
    %get3A_72 = arith.constant 5 : index
    %get3A_73 = arith.constant 0 : index
    %get3A_74 = tpu.strided_load %arg5[%get3A_72, %get3A_73] {strides = array<i32: 8, 1>} : memref<10000x16xf32, #tpu.memory_space<vmem>>, vector<1250x16xf32>
    %get3A_75 = arith.constant 6 : index
    %get3A_76 = arith.constant 0 : index
    %get3A_77 = tpu.strided_load %arg5[%get3A_75, %get3A_76] {strides = array<i32: 8, 1>} : memref<10000x16xf32, #tpu.memory_space<vmem>>, vector<1250x16xf32>
    %get3A_78 = arith.constant 7 : index
    %get3A_79 = arith.constant 0 : index
    %get3A_80 = tpu.strided_load %arg5[%get3A_78, %get3A_79] {strides = array<i32: 8, 1>} : memref<10000x16xf32, #tpu.memory_space<vmem>>, vector<1250x16xf32>
    %concatenate3A = tpu.concatenate %get3A_59, %get3A_62, %get3A_65, %get3A_68, %get3A_71, %get3A_74, %get3A_77, %get3A_80 in 1 : vector<1250x16xf32>, vector<1250x16xf32>, vector<1250x16xf32>, vector<1250x16xf32>, vector<1250x16xf32>, vector<1250x16xf32>, vector<1250x16xf32>, vector<1250x16xf32> -> vector<1250x128xf32>
    %swap3A_81 = arith.constant 0 : index
    %swap3A_82 = arith.constant 0 : index
    %swap3A_83 = arith.constant 0 : index
    %swap3A_84 = vector.load %arg2[%swap3A_81, %swap3A_82, %swap3A_83] : memref<2x1256x128xf32, #tpu.memory_space<vmem>>, vector<1x1250x128xf32>
    %swap3A_85 = vector.shape_cast %swap3A_84 : vector<1x1250x128xf32> to vector<1250x128xf32>
    %swap3A_86 = vector.shape_cast %concatenate3A : vector<1250x128xf32> to vector<1x1250x128xf32>
    tpu.vector_store %arg2[%swap3A_81, %swap3A_82, %swap3A_83], %swap3A_86 {strides = array<i32>} : memref<2x1256x128xf32, #tpu.memory_space<vmem>>, vector<1x1250x128xf32>,
    %broadcast_in_dim3A = arith.constant 0.000000e+00 : f32
    %broadcast_in_dim3A_87 = vector.broadcast %broadcast_in_dim3A : f32 to vector<6x128xf32>
    %swap3A_88 = arith.constant 0 : index
    %swap3A_89 = arith.constant 1250 : index
    %swap3A_90 = arith.constant 0 : index
    %swap3A_91 = vector.load %arg2[%swap3A_88, %swap3A_89, %swap3A_90] : memref<2x1256x128xf32, #tpu.memory_space<vmem>>, vector<1x6x128xf32>
    %swap3A_92 = vector.shape_cast %swap3A_91 : vector<1x6x128xf32> to vector<6x128xf32>
    %swap3A_93 = vector.shape_cast %broadcast_in_dim3A_87 : vector<6x128xf32> to vector<1x6x128xf32>
    tpu.vector_store %arg2[%swap3A_88, %swap3A_89, %swap3A_90], %swap3A_93 {strides = array<i32>} : memref<2x1256x128xf32, #tpu.memory_space<vmem>>, vector<1x6x128xf32>,
    %get3A_94 = arith.constant 0 : index
    %get3A_95 = arith.constant 0 : index
    %get3A_96 = tpu.strided_load %arg6[%get3A_94, %get3A_95] {strides = array<i32: 8, 1>} : memref<10000x16xf32, #tpu.memory_space<vmem>>, vector<1250x16xf32>
    %get3A_97 = arith.constant 1 : index
    %get3A_98 = arith.constant 0 : index
    %get3A_99 = tpu.strided_load %arg6[%get3A_97, %get3A_98] {strides = array<i32: 8, 1>} : memref<10000x16xf32, #tpu.memory_space<vmem>>, vector<1250x16xf32>
    %get3A_100 = arith.constant 2 : index
    %get3A_101 = arith.constant 0 : index
    %get3A_102 = tpu.strided_load %arg6[%get3A_100, %get3A_101] {strides = array<i32: 8, 1>} : memref<10000x16xf32, #tpu.memory_space<vmem>>, vector<1250x16xf32>
    %get3A_103 = arith.constant 3 : index
    %get3A_104 = arith.constant 0 : index
    %get3A_105 = tpu.strided_load %arg6[%get3A_103, %get3A_104] {strides = array<i32: 8, 1>} : memref<10000x16xf32, #tpu.memory_space<vmem>>, vector<1250x16xf32>
    %get3A_106 = arith.constant 4 : index
    %get3A_107 = arith.constant 0 : index
    %get3A_108 = tpu.strided_load %arg6[%get3A_106, %get3A_107] {strides = array<i32: 8, 1>} : memref<10000x16xf32, #tpu.memory_space<vmem>>, vector<1250x16xf32>
    %get3A_109 = arith.constant 5 : index
    %get3A_110 = arith.constant 0 : index
    %get3A_111 = tpu.strided_load %arg6[%get3A_109, %get3A_110] {strides = array<i32: 8, 1>} : memref<10000x16xf32, #tpu.memory_space<vmem>>, vector<1250x16xf32>
    %get3A_112 = arith.constant 6 : index
    %get3A_113 = arith.constant 0 : index
    %get3A_114 = tpu.strided_load %arg6[%get3A_112, %get3A_113] {strides = array<i32: 8, 1>} : memref<10000x16xf32, #tpu.memory_space<vmem>>, vector<1250x16xf32>
    %get3A_115 = arith.constant 7 : index
    %get3A_116 = arith.constant 0 : index
    %get3A_117 = tpu.strided_load %arg6[%get3A_115, %get3A_116] {strides = array<i32: 8, 1>} : memref<10000x16xf32, #tpu.memory_space<vmem>>, vector<1250x16xf32>
    %concatenate3A_118 = tpu.concatenate %get3A_96, %get3A_99, %get3A_102, %get3A_105, %get3A_108, %get3A_111, %get3A_114, %get3A_117 in 1 : vector<1250x16xf32>, vector<1250x16xf32>, vector<1250x16xf32>, vector<1250x16xf32>, vector<1250x16xf32>, vector<1250x16xf32>, vector<1250x16xf32>, vector<1250x16xf32> -> vector<1250x128xf32>
    %swap3A_119 = arith.constant 1 : index
    %swap3A_120 = arith.constant 0 : index
    %swap3A_121 = arith.constant 0 : index
    %swap3A_122 = vector.load %arg2[%swap3A_119, %swap3A_120, %swap3A_121] : memref<2x1256x128xf32, #tpu.memory_space<vmem>>, vector<1x1250x128xf32>
    %swap3A_123 = vector.shape_cast %swap3A_122 : vector<1x1250x128xf32> to vector<1250x128xf32>
    %swap3A_124 = vector.shape_cast %concatenate3A_118 : vector<1250x128xf32> to vector<1x1250x128xf32>
    tpu.vector_store %arg2[%swap3A_119, %swap3A_120, %swap3A_121], %swap3A_124 {strides = array<i32>} : memref<2x1256x128xf32, #tpu.memory_space<vmem>>, vector<1x1250x128xf32>,
    %broadcast_in_dim3A_125 = arith.constant 0.000000e+00 : f32
    %broadcast_in_dim3A_126 = vector.broadcast %broadcast_in_dim3A_125 : f32 to vector<6x128xf32>
    %swap3A_127 = arith.constant 1 : index
    %swap3A_128 = arith.constant 1250 : index
    %swap3A_129 = arith.constant 0 : index
    %swap3A_130 = vector.load %arg2[%swap3A_127, %swap3A_128, %swap3A_129] : memref<2x1256x128xf32, #tpu.memory_space<vmem>>, vector<1x6x128xf32>
    %swap3A_131 = vector.shape_cast %swap3A_130 : vector<1x6x128xf32> to vector<6x128xf32>
    %swap3A_132 = vector.shape_cast %broadcast_in_dim3A_126 : vector<6x128xf32> to vector<1x6x128xf32>
    tpu.vector_store %arg2[%swap3A_127, %swap3A_128, %swap3A_129], %swap3A_132 {strides = array<i32>} : memref<2x1256x128xf32, #tpu.memory_space<vmem>>, vector<1x6x128xf32>,
    %swap3A_133 = arith.constant 0 : index
    %swap3A_134 = arith.constant 0 : index
    %swap3A_135 = vector.load %arg3[%swap3A_133, %swap3A_134] : memref<10000x1xf32, #tpu.memory_space<vmem>>, vector<10000x1xf32>
    tpu.vector_store %arg3[%swap3A_133, %swap3A_134], %rsqrt3A {strides = array<i32>} : memref<10000x1xf32, #tpu.memory_space<vmem>>, vector<10000x1xf32>,
    return
  }
}

module attributes {stable_mosaic.version = 14 : i64} {
  func.func @_tc2_body(%arg0: memref<2x1264x128xf32, #tpu.memory_space<vmem>>, %arg1: memref<2x1256x128xf32, #tpu.memory_space<vmem>>, %arg2: memref<10000x1xf32, #tpu.memory_space<vmem>>, %arg3: memref<1x32xf32, #tpu.memory_space<vmem>>, %arg4: memref<32x64xf32, #tpu.memory_space<vmem>>, %arg5: memref<2x2504x128xf32, #tpu.memory_space<vmem>>, %arg6: memref<10000x16xf32, #tpu.memory_space<vmem>>, %arg7: memref<10000x16xf32, #tpu.memory_space<vmem>>, %arg8: memref<10000x32xf32, #tpu.memory_space<vmem>>, %arg9: memref<10000x32xf32, #tpu.memory_space<vmem>>) attributes {dimension_semantics = [], scalar_prefetch = 0 : i64, scratch_operands = 4 : i64, tpu.core_type = #tpu.core_type<tc>} {
    %get3A = arith.constant 0 : index
    %get3A_0 = arith.constant 0 : index
    %get3A_1 = vector.load %arg2[%get3A, %get3A_0] : memref<10000x1xf32, #tpu.memory_space<vmem>>, vector<10000x1xf32>
    %get3A_2 = arith.constant 0 : index
    %get3A_3 = arith.constant 0 : index
    %get3A_4 = arith.constant 0 : index
    %get3A_5 = vector.load %arg0[%get3A_2, %get3A_3, %get3A_4] : memref<2x1264x128xf32, #tpu.memory_space<vmem>>, vector<1x1264x128xf32>
    %get3A_6 = vector.shape_cast %get3A_5 : vector<1x1264x128xf32> to vector<1264x128xf32>
    %slice3A = vector.extract_strided_slice %get3A_6 {offsets = [0, 0], sizes = [1250, 128], strides = [1, 1]} : vector<1264x128xf32> to vector<1250x128xf32>
    %get3A_7 = arith.constant 0 : index
    %get3A_8 = arith.constant 0 : index
    %get3A_9 = arith.constant 0 : index
    %get3A_10 = vector.load %arg1[%get3A_7, %get3A_8, %get3A_9] : memref<2x1256x128xf32, #tpu.memory_space<vmem>>, vector<1x1256x128xf32>
    %get3A_11 = vector.shape_cast %get3A_10 : vector<1x1256x128xf32> to vector<1256x128xf32>
    %slice3A_12 = vector.extract_strided_slice %get3A_11 {offsets = [0, 0], sizes = [1250, 128], strides = [1, 1]} : vector<1256x128xf32> to vector<1250x128xf32>
    %add3A = arith.addf %slice3A, %slice3A_12 : vector<1250x128xf32>
    %slice3A_13 = vector.extract_strided_slice %add3A {offsets = [0, 0], sizes = [1250, 16], strides = [1, 1]} : vector<1250x128xf32> to vector<1250x16xf32>
    %swap3A = arith.constant 0 : index
    %swap3A_14 = arith.constant 0 : index
    %swap3A_15 = tpu.strided_load %arg6[%swap3A, %swap3A_14] {strides = array<i32: 8, 1>} : memref<10000x16xf32, #tpu.memory_space<vmem>>, vector<1250x16xf32>
    tpu.strided_store %arg6[%swap3A, %swap3A_14], %slice3A_13 {strides = array<i32: 8, 1>} : memref<10000x16xf32, #tpu.memory_space<vmem>>, vector<1250x16xf32>
    %slice3A_16 = vector.extract_strided_slice %add3A {offsets = [0, 16], sizes = [1250, 16], strides = [1, 1]} : vector<1250x128xf32> to vector<1250x16xf32>
    %swap3A_17 = arith.constant 1 : index
    %swap3A_18 = arith.constant 0 : index
    %swap3A_19 = tpu.strided_load %arg6[%swap3A_17, %swap3A_18] {strides = array<i32: 8, 1>} : memref<10000x16xf32, #tpu.memory_space<vmem>>, vector<1250x16xf32>
    tpu.strided_store %arg6[%swap3A_17, %swap3A_18], %slice3A_16 {strides = array<i32: 8, 1>} : memref<10000x16xf32, #tpu.memory_space<vmem>>, vector<1250x16xf32>
    %slice3A_20 = vector.extract_strided_slice %add3A {offsets = [0, 32], sizes = [1250, 16], strides = [1, 1]} : vector<1250x128xf32> to vector<1250x16xf32>
    %swap3A_21 = arith.constant 2 : index
    %swap3A_22 = arith.constant 0 : index
    %swap3A_23 = tpu.strided_load %arg6[%swap3A_21, %swap3A_22] {strides = array<i32: 8, 1>} : memref<10000x16xf32, #tpu.memory_space<vmem>>, vector<1250x16xf32>
    tpu.strided_store %arg6[%swap3A_21, %swap3A_22], %slice3A_20 {strides = array<i32: 8, 1>} : memref<10000x16xf32, #tpu.memory_space<vmem>>, vector<1250x16xf32>
    %slice3A_24 = vector.extract_strided_slice %add3A {offsets = [0, 48], sizes = [1250, 16], strides = [1, 1]} : vector<1250x128xf32> to vector<1250x16xf32>
    %swap3A_25 = arith.constant 3 : index
    %swap3A_26 = arith.constant 0 : index
    %swap3A_27 = tpu.strided_load %arg6[%swap3A_25, %swap3A_26] {strides = array<i32: 8, 1>} : memref<10000x16xf32, #tpu.memory_space<vmem>>, vector<1250x16xf32>
    tpu.strided_store %arg6[%swap3A_25, %swap3A_26], %slice3A_24 {strides = array<i32: 8, 1>} : memref<10000x16xf32, #tpu.memory_space<vmem>>, vector<1250x16xf32>
    %slice3A_28 = vector.extract_strided_slice %add3A {offsets = [0, 64], sizes = [1250, 16], strides = [1, 1]} : vector<1250x128xf32> to vector<1250x16xf32>
    %swap3A_29 = arith.constant 4 : index
    %swap3A_30 = arith.constant 0 : index
    %swap3A_31 = tpu.strided_load %arg6[%swap3A_29, %swap3A_30] {strides = array<i32: 8, 1>} : memref<10000x16xf32, #tpu.memory_space<vmem>>, vector<1250x16xf32>
    tpu.strided_store %arg6[%swap3A_29, %swap3A_30], %slice3A_28 {strides = array<i32: 8, 1>} : memref<10000x16xf32, #tpu.memory_space<vmem>>, vector<1250x16xf32>
    %slice3A_32 = vector.extract_strided_slice %add3A {offsets = [0, 80], sizes = [1250, 16], strides = [1, 1]} : vector<1250x128xf32> to vector<1250x16xf32>
    %swap3A_33 = arith.constant 5 : index
    %swap3A_34 = arith.constant 0 : index
    %swap3A_35 = tpu.strided_load %arg6[%swap3A_33, %swap3A_34] {strides = array<i32: 8, 1>} : memref<10000x16xf32, #tpu.memory_space<vmem>>, vector<1250x16xf32>
    tpu.strided_store %arg6[%swap3A_33, %swap3A_34], %slice3A_32 {strides = array<i32: 8, 1>} : memref<10000x16xf32, #tpu.memory_space<vmem>>, vector<1250x16xf32>
    %slice3A_36 = vector.extract_strided_slice %add3A {offsets = [0, 96], sizes = [1250, 16], strides = [1, 1]} : vector<1250x128xf32> to vector<1250x16xf32>
    %swap3A_37 = arith.constant 6 : index
    %swap3A_38 = arith.constant 0 : index
    %swap3A_39 = tpu.strided_load %arg6[%swap3A_37, %swap3A_38] {strides = array<i32: 8, 1>} : memref<10000x16xf32, #tpu.memory_space<vmem>>, vector<1250x16xf32>
    tpu.strided_store %arg6[%swap3A_37, %swap3A_38], %slice3A_36 {strides = array<i32: 8, 1>} : memref<10000x16xf32, #tpu.memory_space<vmem>>, vector<1250x16xf32>
    %slice3A_40 = vector.extract_strided_slice %add3A {offsets = [0, 112], sizes = [1250, 16], strides = [1, 1]} : vector<1250x128xf32> to vector<1250x16xf32>
    %swap3A_41 = arith.constant 7 : index
    %swap3A_42 = arith.constant 0 : index
    %swap3A_43 = tpu.strided_load %arg6[%swap3A_41, %swap3A_42] {strides = array<i32: 8, 1>} : memref<10000x16xf32, #tpu.memory_space<vmem>>, vector<1250x16xf32>
    tpu.strided_store %arg6[%swap3A_41, %swap3A_42], %slice3A_40 {strides = array<i32: 8, 1>} : memref<10000x16xf32, #tpu.memory_space<vmem>>, vector<1250x16xf32>
    %get3A_44 = arith.constant 1 : index
    %get3A_45 = arith.constant 0 : index
    %get3A_46 = arith.constant 0 : index
    %get3A_47 = vector.load %arg0[%get3A_44, %get3A_45, %get3A_46] : memref<2x1264x128xf32, #tpu.memory_space<vmem>>, vector<1x1264x128xf32>
    %get3A_48 = vector.shape_cast %get3A_47 : vector<1x1264x128xf32> to vector<1264x128xf32>
    %slice3A_49 = vector.extract_strided_slice %get3A_48 {offsets = [0, 0], sizes = [1250, 128], strides = [1, 1]} : vector<1264x128xf32> to vector<1250x128xf32>
    %get3A_50 = arith.constant 1 : index
    %get3A_51 = arith.constant 0 : index
    %get3A_52 = arith.constant 0 : index
    %get3A_53 = vector.load %arg1[%get3A_50, %get3A_51, %get3A_52] : memref<2x1256x128xf32, #tpu.memory_space<vmem>>, vector<1x1256x128xf32>
    %get3A_54 = vector.shape_cast %get3A_53 : vector<1x1256x128xf32> to vector<1256x128xf32>
    %slice3A_55 = vector.extract_strided_slice %get3A_54 {offsets = [0, 0], sizes = [1250, 128], strides = [1, 1]} : vector<1256x128xf32> to vector<1250x128xf32>
    %add3A_56 = arith.addf %slice3A_49, %slice3A_55 : vector<1250x128xf32>
    %slice3A_57 = vector.extract_strided_slice %add3A_56 {offsets = [0, 0], sizes = [1250, 16], strides = [1, 1]} : vector<1250x128xf32> to vector<1250x16xf32>
    %swap3A_58 = arith.constant 0 : index
    %swap3A_59 = arith.constant 0 : index
    %swap3A_60 = tpu.strided_load %arg7[%swap3A_58, %swap3A_59] {strides = array<i32: 8, 1>} : memref<10000x16xf32, #tpu.memory_space<vmem>>, vector<1250x16xf32>
    tpu.strided_store %arg7[%swap3A_58, %swap3A_59], %slice3A_57 {strides = array<i32: 8, 1>} : memref<10000x16xf32, #tpu.memory_space<vmem>>, vector<1250x16xf32>
    %slice3A_61 = vector.extract_strided_slice %add3A_56 {offsets = [0, 16], sizes = [1250, 16], strides = [1, 1]} : vector<1250x128xf32> to vector<1250x16xf32>
    %swap3A_62 = arith.constant 1 : index
    %swap3A_63 = arith.constant 0 : index
    %swap3A_64 = tpu.strided_load %arg7[%swap3A_62, %swap3A_63] {strides = array<i32: 8, 1>} : memref<10000x16xf32, #tpu.memory_space<vmem>>, vector<1250x16xf32>
    tpu.strided_store %arg7[%swap3A_62, %swap3A_63], %slice3A_61 {strides = array<i32: 8, 1>} : memref<10000x16xf32, #tpu.memory_space<vmem>>, vector<1250x16xf32>
    %slice3A_65 = vector.extract_strided_slice %add3A_56 {offsets = [0, 32], sizes = [1250, 16], strides = [1, 1]} : vector<1250x128xf32> to vector<1250x16xf32>
    %swap3A_66 = arith.constant 2 : index
    %swap3A_67 = arith.constant 0 : index
    %swap3A_68 = tpu.strided_load %arg7[%swap3A_66, %swap3A_67] {strides = array<i32: 8, 1>} : memref<10000x16xf32, #tpu.memory_space<vmem>>, vector<1250x16xf32>
    tpu.strided_store %arg7[%swap3A_66, %swap3A_67], %slice3A_65 {strides = array<i32: 8, 1>} : memref<10000x16xf32, #tpu.memory_space<vmem>>, vector<1250x16xf32>
    %slice3A_69 = vector.extract_strided_slice %add3A_56 {offsets = [0, 48], sizes = [1250, 16], strides = [1, 1]} : vector<1250x128xf32> to vector<1250x16xf32>
    %swap3A_70 = arith.constant 3 : index
    %swap3A_71 = arith.constant 0 : index
    %swap3A_72 = tpu.strided_load %arg7[%swap3A_70, %swap3A_71] {strides = array<i32: 8, 1>} : memref<10000x16xf32, #tpu.memory_space<vmem>>, vector<1250x16xf32>
    tpu.strided_store %arg7[%swap3A_70, %swap3A_71], %slice3A_69 {strides = array<i32: 8, 1>} : memref<10000x16xf32, #tpu.memory_space<vmem>>, vector<1250x16xf32>
    %slice3A_73 = vector.extract_strided_slice %add3A_56 {offsets = [0, 64], sizes = [1250, 16], strides = [1, 1]} : vector<1250x128xf32> to vector<1250x16xf32>
    %swap3A_74 = arith.constant 4 : index
    %swap3A_75 = arith.constant 0 : index
    %swap3A_76 = tpu.strided_load %arg7[%swap3A_74, %swap3A_75] {strides = array<i32: 8, 1>} : memref<10000x16xf32, #tpu.memory_space<vmem>>, vector<1250x16xf32>
    tpu.strided_store %arg7[%swap3A_74, %swap3A_75], %slice3A_73 {strides = array<i32: 8, 1>} : memref<10000x16xf32, #tpu.memory_space<vmem>>, vector<1250x16xf32>
    %slice3A_77 = vector.extract_strided_slice %add3A_56 {offsets = [0, 80], sizes = [1250, 16], strides = [1, 1]} : vector<1250x128xf32> to vector<1250x16xf32>
    %swap3A_78 = arith.constant 5 : index
    %swap3A_79 = arith.constant 0 : index
    %swap3A_80 = tpu.strided_load %arg7[%swap3A_78, %swap3A_79] {strides = array<i32: 8, 1>} : memref<10000x16xf32, #tpu.memory_space<vmem>>, vector<1250x16xf32>
    tpu.strided_store %arg7[%swap3A_78, %swap3A_79], %slice3A_77 {strides = array<i32: 8, 1>} : memref<10000x16xf32, #tpu.memory_space<vmem>>, vector<1250x16xf32>
    %slice3A_81 = vector.extract_strided_slice %add3A_56 {offsets = [0, 96], sizes = [1250, 16], strides = [1, 1]} : vector<1250x128xf32> to vector<1250x16xf32>
    %swap3A_82 = arith.constant 6 : index
    %swap3A_83 = arith.constant 0 : index
    %swap3A_84 = tpu.strided_load %arg7[%swap3A_82, %swap3A_83] {strides = array<i32: 8, 1>} : memref<10000x16xf32, #tpu.memory_space<vmem>>, vector<1250x16xf32>
    tpu.strided_store %arg7[%swap3A_82, %swap3A_83], %slice3A_81 {strides = array<i32: 8, 1>} : memref<10000x16xf32, #tpu.memory_space<vmem>>, vector<1250x16xf32>
    %slice3A_85 = vector.extract_strided_slice %add3A_56 {offsets = [0, 112], sizes = [1250, 16], strides = [1, 1]} : vector<1250x128xf32> to vector<1250x16xf32>
    %swap3A_86 = arith.constant 7 : index
    %swap3A_87 = arith.constant 0 : index
    %swap3A_88 = tpu.strided_load %arg7[%swap3A_86, %swap3A_87] {strides = array<i32: 8, 1>} : memref<10000x16xf32, #tpu.memory_space<vmem>>, vector<1250x16xf32>
    tpu.strided_store %arg7[%swap3A_86, %swap3A_87], %slice3A_85 {strides = array<i32: 8, 1>} : memref<10000x16xf32, #tpu.memory_space<vmem>>, vector<1250x16xf32>
    %get3A_89 = arith.constant 0 : index
    %get3A_90 = arith.constant 0 : index
    %get3A_91 = vector.load %arg6[%get3A_89, %get3A_90] : memref<10000x16xf32, #tpu.memory_space<vmem>>, vector<10000x16xf32>
    %get3A_92 = arith.constant 0 : index
    %get3A_93 = arith.constant 0 : index
    %get3A_94 = vector.load %arg7[%get3A_92, %get3A_93] : memref<10000x16xf32, #tpu.memory_space<vmem>>, vector<10000x16xf32>
    %concatenate3A = tpu.concatenate %get3A_91, %get3A_94 in 1 : vector<10000x16xf32>, vector<10000x16xf32> -> vector<10000x32xf32>
    %mul3A = vector.broadcast %get3A_1 : vector<10000x1xf32> to vector<10000x32xf32>
    %mul3A_95 = arith.mulf %concatenate3A, %mul3A : vector<10000x32xf32>
    %get3A_96 = arith.constant 0 : index
    %get3A_97 = arith.constant 0 : index
    %get3A_98 = vector.load %arg3[%get3A_96, %get3A_97] : memref<1x32xf32, #tpu.memory_space<vmem>>, vector<1x32xf32>
    %add3A_99 = vector.broadcast %get3A_98 : vector<1x32xf32> to vector<10000x32xf32>
    %add3A_100 = arith.addf %mul3A_95, %add3A_99 : vector<10000x32xf32>
    %max3A = arith.constant 0.000000e+00 : f32
    %max3A_101 = vector.broadcast %max3A : f32 to vector<10000x32xf32>
    %max3A_102 = arith.maximumf %add3A_100, %max3A_101 : vector<10000x32xf32>
    %get3A_103 = arith.constant 0 : index
    %get3A_104 = arith.constant 0 : index
    %get3A_105 = vector.load %arg4[%get3A_103, %get3A_104] : memref<32x64xf32, #tpu.memory_space<vmem>>, vector<32x64xf32>
    %dot_general3A = arith.constant dense<0.000000e+00> : vector<10000x64xf32>
    %dot_general3A_106 = tpu.matmul %max3A_102, %get3A_105, %dot_general3A {dimension_numbers = #tpu.dot_dimension_numbers<[1], [0], [0], [1], [0, 0, 1, 1], [], []>, transpose_lhs_hint = false} : vector<10000x32xf32>, vector<32x64xf32>, vector<10000x64xf32> -> vector<10000x64xf32>
    %mul3A_107 = vector.broadcast %get3A_1 : vector<10000x1xf32> to vector<10000x64xf32>
    %mul3A_108 = arith.mulf %dot_general3A_106, %mul3A_107 : vector<10000x64xf32>
    %slice3A_109 = vector.extract_strided_slice %mul3A_108 {offsets = [0, 0], sizes = [10000, 32], strides = [1, 1]} : vector<10000x64xf32> to vector<10000x32xf32>
    %swap3A_110 = arith.constant 0 : index
    %swap3A_111 = arith.constant 0 : index
    %swap3A_112 = vector.load %arg8[%swap3A_110, %swap3A_111] : memref<10000x32xf32, #tpu.memory_space<vmem>>, vector<10000x32xf32>
    tpu.vector_store %arg8[%swap3A_110, %swap3A_111], %slice3A_109 {strides = array<i32>} : memref<10000x32xf32, #tpu.memory_space<vmem>>, vector<10000x32xf32>,
    %slice3A_113 = vector.extract_strided_slice %mul3A_108 {offsets = [0, 32], sizes = [10000, 32], strides = [1, 1]} : vector<10000x64xf32> to vector<10000x32xf32>
    %swap3A_114 = arith.constant 0 : index
    %swap3A_115 = arith.constant 0 : index
    %swap3A_116 = vector.load %arg9[%swap3A_114, %swap3A_115] : memref<10000x32xf32, #tpu.memory_space<vmem>>, vector<10000x32xf32>
    tpu.vector_store %arg9[%swap3A_114, %swap3A_115], %slice3A_113 {strides = array<i32>} : memref<10000x32xf32, #tpu.memory_space<vmem>>, vector<10000x32xf32>,
    %get3A_117 = arith.constant 0 : index
    %get3A_118 = arith.constant 0 : index
    %get3A_119 = tpu.strided_load %arg8[%get3A_117, %get3A_118] {strides = array<i32: 4, 1>} : memref<10000x32xf32, #tpu.memory_space<vmem>>, vector<2500x32xf32>
    %get3A_120 = arith.constant 1 : index
    %get3A_121 = arith.constant 0 : index
    %get3A_122 = tpu.strided_load %arg8[%get3A_120, %get3A_121] {strides = array<i32: 4, 1>} : memref<10000x32xf32, #tpu.memory_space<vmem>>, vector<2500x32xf32>
    %get3A_123 = arith.constant 2 : index
    %get3A_124 = arith.constant 0 : index
    %get3A_125 = tpu.strided_load %arg8[%get3A_123, %get3A_124] {strides = array<i32: 4, 1>} : memref<10000x32xf32, #tpu.memory_space<vmem>>, vector<2500x32xf32>
    %get3A_126 = arith.constant 3 : index
    %get3A_127 = arith.constant 0 : index
    %get3A_128 = tpu.strided_load %arg8[%get3A_126, %get3A_127] {strides = array<i32: 4, 1>} : memref<10000x32xf32, #tpu.memory_space<vmem>>, vector<2500x32xf32>
    %concatenate3A_129 = tpu.concatenate %get3A_119, %get3A_122, %get3A_125, %get3A_128 in 1 : vector<2500x32xf32>, vector<2500x32xf32>, vector<2500x32xf32>, vector<2500x32xf32> -> vector<2500x128xf32>
    %swap3A_130 = arith.constant 0 : index
    %swap3A_131 = arith.constant 0 : index
    %swap3A_132 = arith.constant 0 : index
    %swap3A_133 = vector.load %arg5[%swap3A_130, %swap3A_131, %swap3A_132] : memref<2x2504x128xf32, #tpu.memory_space<vmem>>, vector<1x2500x128xf32>
    %swap3A_134 = vector.shape_cast %swap3A_133 : vector<1x2500x128xf32> to vector<2500x128xf32>
    %swap3A_135 = vector.shape_cast %concatenate3A_129 : vector<2500x128xf32> to vector<1x2500x128xf32>
    tpu.vector_store %arg5[%swap3A_130, %swap3A_131, %swap3A_132], %swap3A_135 {strides = array<i32>} : memref<2x2504x128xf32, #tpu.memory_space<vmem>>, vector<1x2500x128xf32>,
    %broadcast_in_dim3A = arith.constant 0.000000e+00 : f32
    %broadcast_in_dim3A_136 = vector.broadcast %broadcast_in_dim3A : f32 to vector<4x128xf32>
    %swap3A_137 = arith.constant 0 : index
    %swap3A_138 = arith.constant 2500 : index
    %swap3A_139 = arith.constant 0 : index
    %swap3A_140 = vector.load %arg5[%swap3A_137, %swap3A_138, %swap3A_139] : memref<2x2504x128xf32, #tpu.memory_space<vmem>>, vector<1x4x128xf32>
    %swap3A_141 = vector.shape_cast %swap3A_140 : vector<1x4x128xf32> to vector<4x128xf32>
    %swap3A_142 = vector.shape_cast %broadcast_in_dim3A_136 : vector<4x128xf32> to vector<1x4x128xf32>
    tpu.vector_store %arg5[%swap3A_137, %swap3A_138, %swap3A_139], %swap3A_142 {strides = array<i32>} : memref<2x2504x128xf32, #tpu.memory_space<vmem>>, vector<1x4x128xf32>,
    %get3A_143 = arith.constant 0 : index
    %get3A_144 = arith.constant 0 : index
    %get3A_145 = tpu.strided_load %arg9[%get3A_143, %get3A_144] {strides = array<i32: 4, 1>} : memref<10000x32xf32, #tpu.memory_space<vmem>>, vector<2500x32xf32>
    %get3A_146 = arith.constant 1 : index
    %get3A_147 = arith.constant 0 : index
    %get3A_148 = tpu.strided_load %arg9[%get3A_146, %get3A_147] {strides = array<i32: 4, 1>} : memref<10000x32xf32, #tpu.memory_space<vmem>>, vector<2500x32xf32>
    %get3A_149 = arith.constant 2 : index
    %get3A_150 = arith.constant 0 : index
    %get3A_151 = tpu.strided_load %arg9[%get3A_149, %get3A_150] {strides = array<i32: 4, 1>} : memref<10000x32xf32, #tpu.memory_space<vmem>>, vector<2500x32xf32>
    %get3A_152 = arith.constant 3 : index
    %get3A_153 = arith.constant 0 : index
    %get3A_154 = tpu.strided_load %arg9[%get3A_152, %get3A_153] {strides = array<i32: 4, 1>} : memref<10000x32xf32, #tpu.memory_space<vmem>>, vector<2500x32xf32>
    %concatenate3A_155 = tpu.concatenate %get3A_145, %get3A_148, %get3A_151, %get3A_154 in 1 : vector<2500x32xf32>, vector<2500x32xf32>, vector<2500x32xf32>, vector<2500x32xf32> -> vector<2500x128xf32>
    %swap3A_156 = arith.constant 1 : index
    %swap3A_157 = arith.constant 0 : index
    %swap3A_158 = arith.constant 0 : index
    %swap3A_159 = vector.load %arg5[%swap3A_156, %swap3A_157, %swap3A_158] : memref<2x2504x128xf32, #tpu.memory_space<vmem>>, vector<1x2500x128xf32>
    %swap3A_160 = vector.shape_cast %swap3A_159 : vector<1x2500x128xf32> to vector<2500x128xf32>
    %swap3A_161 = vector.shape_cast %concatenate3A_155 : vector<2500x128xf32> to vector<1x2500x128xf32>
    tpu.vector_store %arg5[%swap3A_156, %swap3A_157, %swap3A_158], %swap3A_161 {strides = array<i32>} : memref<2x2504x128xf32, #tpu.memory_space<vmem>>, vector<1x2500x128xf32>,
    %broadcast_in_dim3A_162 = arith.constant 0.000000e+00 : f32
    %broadcast_in_dim3A_163 = vector.broadcast %broadcast_in_dim3A_162 : f32 to vector<4x128xf32>
    %swap3A_164 = arith.constant 1 : index
    %swap3A_165 = arith.constant 2500 : index
    %swap3A_166 = arith.constant 0 : index
    %swap3A_167 = vector.load %arg5[%swap3A_164, %swap3A_165, %swap3A_166] : memref<2x2504x128xf32, #tpu.memory_space<vmem>>, vector<1x4x128xf32>
    %swap3A_168 = vector.shape_cast %swap3A_167 : vector<1x4x128xf32> to vector<4x128xf32>
    %swap3A_169 = vector.shape_cast %broadcast_in_dim3A_163 : vector<4x128xf32> to vector<1x4x128xf32>
    tpu.vector_store %arg5[%swap3A_164, %swap3A_165, %swap3A_166], %swap3A_169 {strides = array<i32>} : memref<2x2504x128xf32, #tpu.memory_space<vmem>>, vector<1x4x128xf32>,
    return
  }
}

module attributes {stable_mosaic.version = 14 : i64} {
  func.func @_tc3_body(%arg0: memref<2x2528x128xf32, #tpu.memory_space<vmem>>, %arg1: memref<2x2504x128xf32, #tpu.memory_space<vmem>>, %arg2: memref<10000x1xf32, #tpu.memory_space<vmem>>, %arg3: memref<1x64xf32, #tpu.memory_space<vmem>>, %arg4: memref<1x10000xi32, #tpu.memory_space<vmem>>, %arg5: memref<64x1xf32, #tpu.memory_space<vmem>>, %arg6: memref<1x1xf32, #tpu.memory_space<vmem>>, %arg7: memref<64x1xf32, #tpu.memory_space<vmem>>, %arg8: memref<10000x32xf32, #tpu.memory_space<vmem>>, %arg9: memref<10000x32xf32, #tpu.memory_space<vmem>>) attributes {dimension_semantics = [], scalar_prefetch = 0 : i64, scratch_operands = 2 : i64, tpu.core_type = #tpu.core_type<tc>} {
    %get3A = arith.constant 0 : index
    %get3A_0 = arith.constant 0 : index
    %get3A_1 = arith.constant 0 : index
    %get3A_2 = vector.load %arg0[%get3A, %get3A_0, %get3A_1] : memref<2x2528x128xf32, #tpu.memory_space<vmem>>, vector<1x2528x128xf32>
    %get3A_3 = vector.shape_cast %get3A_2 : vector<1x2528x128xf32> to vector<2528x128xf32>
    %slice3A = vector.extract_strided_slice %get3A_3 {offsets = [0, 0], sizes = [2500, 128], strides = [1, 1]} : vector<2528x128xf32> to vector<2500x128xf32>
    %get3A_4 = arith.constant 0 : index
    %get3A_5 = arith.constant 0 : index
    %get3A_6 = arith.constant 0 : index
    %get3A_7 = vector.load %arg1[%get3A_4, %get3A_5, %get3A_6] : memref<2x2504x128xf32, #tpu.memory_space<vmem>>, vector<1x2504x128xf32>
    %get3A_8 = vector.shape_cast %get3A_7 : vector<1x2504x128xf32> to vector<2504x128xf32>
    %slice3A_9 = vector.extract_strided_slice %get3A_8 {offsets = [0, 0], sizes = [2500, 128], strides = [1, 1]} : vector<2504x128xf32> to vector<2500x128xf32>
    %add3A = arith.addf %slice3A, %slice3A_9 : vector<2500x128xf32>
    %slice3A_10 = vector.extract_strided_slice %add3A {offsets = [0, 0], sizes = [2500, 32], strides = [1, 1]} : vector<2500x128xf32> to vector<2500x32xf32>
    %swap3A = arith.constant 0 : index
    %swap3A_11 = arith.constant 0 : index
    %swap3A_12 = tpu.strided_load %arg8[%swap3A, %swap3A_11] {strides = array<i32: 4, 1>} : memref<10000x32xf32, #tpu.memory_space<vmem>>, vector<2500x32xf32>
    tpu.strided_store %arg8[%swap3A, %swap3A_11], %slice3A_10 {strides = array<i32: 4, 1>} : memref<10000x32xf32, #tpu.memory_space<vmem>>, vector<2500x32xf32>
    %slice3A_13 = vector.extract_strided_slice %add3A {offsets = [0, 32], sizes = [2500, 32], strides = [1, 1]} : vector<2500x128xf32> to vector<2500x32xf32>
    %swap3A_14 = arith.constant 1 : index
    %swap3A_15 = arith.constant 0 : index
    %swap3A_16 = tpu.strided_load %arg8[%swap3A_14, %swap3A_15] {strides = array<i32: 4, 1>} : memref<10000x32xf32, #tpu.memory_space<vmem>>, vector<2500x32xf32>
    tpu.strided_store %arg8[%swap3A_14, %swap3A_15], %slice3A_13 {strides = array<i32: 4, 1>} : memref<10000x32xf32, #tpu.memory_space<vmem>>, vector<2500x32xf32>
    %slice3A_17 = vector.extract_strided_slice %add3A {offsets = [0, 64], sizes = [2500, 32], strides = [1, 1]} : vector<2500x128xf32> to vector<2500x32xf32>
    %swap3A_18 = arith.constant 2 : index
    %swap3A_19 = arith.constant 0 : index
    %swap3A_20 = tpu.strided_load %arg8[%swap3A_18, %swap3A_19] {strides = array<i32: 4, 1>} : memref<10000x32xf32, #tpu.memory_space<vmem>>, vector<2500x32xf32>
    tpu.strided_store %arg8[%swap3A_18, %swap3A_19], %slice3A_17 {strides = array<i32: 4, 1>} : memref<10000x32xf32, #tpu.memory_space<vmem>>, vector<2500x32xf32>
    %slice3A_21 = vector.extract_strided_slice %add3A {offsets = [0, 96], sizes = [2500, 32], strides = [1, 1]} : vector<2500x128xf32> to vector<2500x32xf32>
    %swap3A_22 = arith.constant 3 : index
    %swap3A_23 = arith.constant 0 : index
    %swap3A_24 = tpu.strided_load %arg8[%swap3A_22, %swap3A_23] {strides = array<i32: 4, 1>} : memref<10000x32xf32, #tpu.memory_space<vmem>>, vector<2500x32xf32>
    tpu.strided_store %arg8[%swap3A_22, %swap3A_23], %slice3A_21 {strides = array<i32: 4, 1>} : memref<10000x32xf32, #tpu.memory_space<vmem>>, vector<2500x32xf32>
    %get3A_25 = arith.constant 1 : index
    %get3A_26 = arith.constant 0 : index
    %get3A_27 = arith.constant 0 : index
    %get3A_28 = vector.load %arg0[%get3A_25, %get3A_26, %get3A_27] : memref<2x2528x128xf32, #tpu.memory_space<vmem>>, vector<1x2528x128xf32>
    %get3A_29 = vector.shape_cast %get3A_28 : vector<1x2528x128xf32> to vector<2528x128xf32>
    %slice3A_30 = vector.extract_strided_slice %get3A_29 {offsets = [0, 0], sizes = [2500, 128], strides = [1, 1]} : vector<2528x128xf32> to vector<2500x128xf32>
    %get3A_31 = arith.constant 1 : index
    %get3A_32 = arith.constant 0 : index
    %get3A_33 = arith.constant 0 : index
    %get3A_34 = vector.load %arg1[%get3A_31, %get3A_32, %get3A_33] : memref<2x2504x128xf32, #tpu.memory_space<vmem>>, vector<1x2504x128xf32>
    %get3A_35 = vector.shape_cast %get3A_34 : vector<1x2504x128xf32> to vector<2504x128xf32>
    %slice3A_36 = vector.extract_strided_slice %get3A_35 {offsets = [0, 0], sizes = [2500, 128], strides = [1, 1]} : vector<2504x128xf32> to vector<2500x128xf32>
    %add3A_37 = arith.addf %slice3A_30, %slice3A_36 : vector<2500x128xf32>
    %slice3A_38 = vector.extract_strided_slice %add3A_37 {offsets = [0, 0], sizes = [2500, 32], strides = [1, 1]} : vector<2500x128xf32> to vector<2500x32xf32>
    %swap3A_39 = arith.constant 0 : index
    %swap3A_40 = arith.constant 0 : index
    %swap3A_41 = tpu.strided_load %arg9[%swap3A_39, %swap3A_40] {strides = array<i32: 4, 1>} : memref<10000x32xf32, #tpu.memory_space<vmem>>, vector<2500x32xf32>
    tpu.strided_store %arg9[%swap3A_39, %swap3A_40], %slice3A_38 {strides = array<i32: 4, 1>} : memref<10000x32xf32, #tpu.memory_space<vmem>>, vector<2500x32xf32>
    %slice3A_42 = vector.extract_strided_slice %add3A_37 {offsets = [0, 32], sizes = [2500, 32], strides = [1, 1]} : vector<2500x128xf32> to vector<2500x32xf32>
    %swap3A_43 = arith.constant 1 : index
    %swap3A_44 = arith.constant 0 : index
    %swap3A_45 = tpu.strided_load %arg9[%swap3A_43, %swap3A_44] {strides = array<i32: 4, 1>} : memref<10000x32xf32, #tpu.memory_space<vmem>>, vector<2500x32xf32>
    tpu.strided_store %arg9[%swap3A_43, %swap3A_44], %slice3A_42 {strides = array<i32: 4, 1>} : memref<10000x32xf32, #tpu.memory_space<vmem>>, vector<2500x32xf32>
    %slice3A_46 = vector.extract_strided_slice %add3A_37 {offsets = [0, 64], sizes = [2500, 32], strides = [1, 1]} : vector<2500x128xf32> to vector<2500x32xf32>
    %swap3A_47 = arith.constant 2 : index
    %swap3A_48 = arith.constant 0 : index
    %swap3A_49 = tpu.strided_load %arg9[%swap3A_47, %swap3A_48] {strides = array<i32: 4, 1>} : memref<10000x32xf32, #tpu.memory_space<vmem>>, vector<2500x32xf32>
    tpu.strided_store %arg9[%swap3A_47, %swap3A_48], %slice3A_46 {strides = array<i32: 4, 1>} : memref<10000x32xf32, #tpu.memory_space<vmem>>, vector<2500x32xf32>
    %slice3A_50 = vector.extract_strided_slice %add3A_37 {offsets = [0, 96], sizes = [2500, 32], strides = [1, 1]} : vector<2500x128xf32> to vector<2500x32xf32>
    %swap3A_51 = arith.constant 3 : index
    %swap3A_52 = arith.constant 0 : index
    %swap3A_53 = tpu.strided_load %arg9[%swap3A_51, %swap3A_52] {strides = array<i32: 4, 1>} : memref<10000x32xf32, #tpu.memory_space<vmem>>, vector<2500x32xf32>
    tpu.strided_store %arg9[%swap3A_51, %swap3A_52], %slice3A_50 {strides = array<i32: 4, 1>} : memref<10000x32xf32, #tpu.memory_space<vmem>>, vector<2500x32xf32>
    %get3A_54 = arith.constant 0 : index
    %get3A_55 = arith.constant 0 : index
    %get3A_56 = vector.load %arg8[%get3A_54, %get3A_55] : memref<10000x32xf32, #tpu.memory_space<vmem>>, vector<10000x32xf32>
    %get3A_57 = arith.constant 0 : index
    %get3A_58 = arith.constant 0 : index
    %get3A_59 = vector.load %arg9[%get3A_57, %get3A_58] : memref<10000x32xf32, #tpu.memory_space<vmem>>, vector<10000x32xf32>
    %concatenate3A = tpu.concatenate %get3A_56, %get3A_59 in 1 : vector<10000x32xf32>, vector<10000x32xf32> -> vector<10000x64xf32>
    %get3A_60 = arith.constant 0 : index
    %get3A_61 = arith.constant 0 : index
    %get3A_62 = vector.load %arg2[%get3A_60, %get3A_61] : memref<10000x1xf32, #tpu.memory_space<vmem>>, vector<10000x1xf32>
    %mul3A = vector.broadcast %get3A_62 : vector<10000x1xf32> to vector<10000x64xf32>
    %mul3A_63 = arith.mulf %concatenate3A, %mul3A : vector<10000x64xf32>
    %get3A_64 = arith.constant 0 : index
    %get3A_65 = arith.constant 0 : index
    %get3A_66 = vector.load %arg3[%get3A_64, %get3A_65] : memref<1x64xf32, #tpu.memory_space<vmem>>, vector<1x64xf32>
    %add3A_67 = vector.broadcast %get3A_66 : vector<1x64xf32> to vector<10000x64xf32>
    %add3A_68 = arith.addf %mul3A_63, %add3A_67 : vector<10000x64xf32>
    %max3A = arith.constant 0.000000e+00 : f32
    %max3A_69 = vector.broadcast %max3A : f32 to vector<10000x64xf32>
    %max3A_70 = arith.maximumf %add3A_68, %max3A_69 : vector<10000x64xf32>
    %iota3A = tpu.iota {dimensions = array<i32: 0>} : vector<64x10000xi32>
    %get3A_71 = arith.constant 0 : index
    %get3A_72 = arith.constant 0 : index
    %get3A_73 = vector.load %arg4[%get3A_71, %get3A_72] : memref<1x10000xi32, #tpu.memory_space<vmem>>, vector<1x10000xi32>
    %eq3A = vector.broadcast %get3A_73 : vector<1x10000xi32> to vector<64x10000xi32>
    %eq3A_74 = arith.cmpi eq, %iota3A, %eq3A : vector<64x10000xi32>
    %convert_element_type3A = arith.extui %eq3A_74 : vector<64x10000xi1> to vector<64x10000xi32>
    %convert_element_type3A_75 = arith.sitofp %convert_element_type3A : vector<64x10000xi32> to vector<64x10000xf32>
    %dot_general3A = arith.constant dense<0.000000e+00> : vector<64x64xf32>
    %dot_general3A_76 = tpu.matmul %convert_element_type3A_75, %max3A_70, %dot_general3A {dimension_numbers = #tpu.dot_dimension_numbers<[1], [0], [0], [1], [0, 0, 1, 1], [], []>, transpose_lhs_hint = false} : vector<64x10000xf32>, vector<10000x64xf32>, vector<64x64xf32> -> vector<64x64xf32>
    %reduce_sum3A = arith.constant dense<0.000000e+00> : vector<64xf32>
    %reduce_sum3A_77 = vector.multi_reduction <add>, %convert_element_type3A_75, %reduce_sum3A [1] : vector<64x10000xf32> to vector<64xf32>
    %broadcast_in_dim3A = vector.shape_cast %reduce_sum3A_77 : vector<64xf32> to vector<64x1xf32>
    %max3A_78 = arith.constant 1.000000e+00 : f32
    %max3A_79 = vector.broadcast %max3A_78 : f32 to vector<64x1xf32>
    %max3A_80 = arith.maximumf %broadcast_in_dim3A, %max3A_79 : vector<64x1xf32>
    %div3A = vector.broadcast %max3A_80 : vector<64x1xf32> to vector<64x64xf32>
    %div3A_81 = arith.divf %dot_general3A_76, %div3A : vector<64x64xf32>
    %get3A_82 = arith.constant 0 : index
    %get3A_83 = arith.constant 0 : index
    %get3A_84 = vector.load %arg5[%get3A_82, %get3A_83] : memref<64x1xf32, #tpu.memory_space<vmem>>, vector<64x1xf32>
    %dot_general3A_85 = arith.constant dense<0.000000e+00> : vector<64x1xf32>
    %dot_general3A_86 = tpu.matmul %div3A_81, %get3A_84, %dot_general3A_85 {dimension_numbers = #tpu.dot_dimension_numbers<[1], [0], [0], [1], [0, 0, 1, 1], [], []>, transpose_lhs_hint = false} : vector<64x64xf32>, vector<64x1xf32>, vector<64x1xf32> -> vector<64x1xf32>
    %get3A_87 = arith.constant 0 : index
    %get3A_88 = arith.constant 0 : index
    %get3A_89 = vector.load %arg6[%get3A_87, %get3A_88] : memref<1x1xf32, #tpu.memory_space<vmem>>, vector<1x1xf32>
    %add3A_90 = vector.broadcast %get3A_89 : vector<1x1xf32> to vector<64x1xf32>
    %add3A_91 = arith.addf %dot_general3A_86, %add3A_90 : vector<64x1xf32>
    %neg3A = arith.constant 0.000000e+00 : f32
    %neg3A_92 = vector.broadcast %neg3A : f32 to vector<64x1xf32>
    %neg3A_93 = arith.subf %neg3A_92, %add3A_91 : vector<64x1xf32>
    %exp3A = math.exp %neg3A_93 : vector<64x1xf32>
    %add3A_94 = arith.constant 1.000000e+00 : f32
    %add3A_95 = vector.broadcast %add3A_94 : f32 to vector<64x1xf32>
    %add3A_96 = arith.addf %add3A_95, %exp3A : vector<64x1xf32>
    %div3A_97 = arith.constant 1.000000e+00 : f32
    %div3A_98 = vector.broadcast %div3A_97 : f32 to vector<64x1xf32>
    %div3A_99 = arith.divf %div3A_98, %add3A_96 : vector<64x1xf32>
    %swap3A_100 = arith.constant 0 : index
    %swap3A_101 = arith.constant 0 : index
    %swap3A_102 = vector.load %arg7[%swap3A_100, %swap3A_101] : memref<64x1xf32, #tpu.memory_space<vmem>>, vector<64x1xf32>
    tpu.vector_store %arg7[%swap3A_100, %swap3A_101], %div3A_99 {strides = array<i32>} : memref<64x1xf32, #tpu.memory_space<vmem>>, vector<64x1xf32>,
    return
  }
}

</mosaic_0001>

<sc_bundles>
// kernel: kernel.10.cloned.1.call-start
scs
__scs_entry_jumppad:
0x0: {  	(pc) =	sbr.rel $0x88, $3  }
0x1: {  	(tag) =	ssettag $0x0;
	lr =	simm.s32 $0x1  }
0x2: {  	[smem:$0x3F98] =	sst lr;
	_ =	strace $0xD0000000  }
0x3: {  	_ = 	snop  }
0x4: {  	_ = 	snop  }
0x5: {  	_ = 	snop  }
0x6: {  	_ = 	snop  }
0x7: {  	_ = 	snop  }
__scs_overlays_trampoline_lowered:
0x8: {  	[smem:$0x3FA7] =	sst s0  }
0x9: {  	[smem:$0x3FA8] =	sst s1  }
0xa: {  	[smem:$0x3FA9] =	sst s2  }
0xb: {  	[smem:$0x3FAA] =	sst s3  }
0xc: {  	[smem:$0x3FAB] =	sst s4  }
0xd: {  	[smem:$0x3FAC] =	sst s5  }
0xe: {  	[smem:$0x3FAD] =	sst s6  }
0xf: {  	[smem:$0x3FAE] =	sst s7  }
0x10: {  	[smem:$0x3FAF] =	sst s8  }
0x11: {  	[smem:$0x3FB0] =	sst s9;
	s0 =	simm.s32 @!p0 $0x0  }
0x12: {  	s1 =	sld [smem:$0x3F96];
	s0 =	simm.s32 @p0 $0x1  }
0x13: {  	[smem:$0x3FB1] =	sst s0;
	s0 =	simm.s32 @!p1 $0x0  }
0x14: {  	s2 =	sld [smem:$0x3F95];
	s0 =	simm.s32 @p1 $0x1  }
0x15: {  	[smem:$0x3FB2] =	sst s0;
	s0 =	simm.s32 @!p2 $0x0  }
0x16: {  	s3 =	sld [smem:$0x3FDB];
	s0 =	simm.s32 @p2 $0x1  }
0x17: {  	s4 =	simm.s32 $0x1BF5;
	[smem:$0x3FB4] =	sst s0  }
0x18: {  	s0 =	sld [smem:$0x3F97];
	_ =	swait.ge [sflag:s4], $0x0  }
0x19: {  	s7 =	sld [smem:$0x3F98]  }
0x1a: {  	s8 =	sadd.s32 $0xFFFFE003, lr  }
0x1b: {  	s9 =	sadd.s32 $0xFFFFFEF7, lr;
	s5 =	simm.s32 $0xFFFFFFFF;
	p2 =	slt.u32 s8, $0xFFFFF086  }
0x1c: {  	p1 =	slt.u32 s9, $0xF7A;
	s5 =	simm.s32 @!p2 $0x0  }
0x1d: {  	s5 =	simm.s32 @p1 $0x1;
	p0 =	seq.s32 s7, s2  }
0x1e: {  	s7 =	smul.u32 @!p0 $0xF7A, s2;
	p2 =	seq.s32 @!p0 s5, $0x0  }
0x1f: {  	s9 =	smul.u32 $0xF7A, s1;
	s8 =	simm.s32 @!p0 $0x1BF5;
	p2 =	por !p2, p0  }
0x20: {  	[sflag:s8] =	ssyncset.s32 @!p0 $0xFFFFF086;
	s6 =	sadd.s32 @!p0 s3, s7;
	s7 =	simm.s32 @!p0 $0x108  }
0x21: {  	s3 =	sadd.s32 s3, s9;
	s6 =	sadd.s32 @!p0 $0x88, s6;
	s7 =	simm.s32 @p2 $0x1082  }
0x22: {  	[simem:s7], [sflag:s8] =	dma.local @!p0 [hbm:s6], $0xF7A  }
0x23: {  	s9 =	sor.u32 $0xD0000000, s2;
	s6 =	simm.s32 $0x108;
	_ =	swait.ge @!p0 [sflag:s8], $0x0  }
0x24: {  	s3 =	sadd.s32 $0x88, s3;
	s6 =	simm.s32 @!p1 $0x1082;
	[sflag:s4] =	ssyncset.s32 $0xFFFFF086  }
0x25: {  	[simem:s6], [sflag:s4] =	dma.local [hbm:s3], $0xF7A  }
0x26: {  	[smem:$0x3F98] =	sst s1;
	(tag) =	ssettag s2;
	_ =	strace s9  }
0x27: {  	s1 =	sld [smem:$0x3FA8]  }
0x28: {  	s2 =	sld [smem:$0x3FA9]  }
0x29: {  	s4 =	sld [smem:$0x3FAB]  }
0x2a: {  	p0 =	seq.s32 s5, $0x0;
	s5 =	sld [smem:$0x3FAC]  }
0x2b: {  	s6 =	sld [smem:$0x3FAD]  }
0x2c: {  	s7 =	sld [smem:$0x3FAE]  }
0x2d: {  	s3 =	simm.s32 $0x108;
	s8 =	sld [smem:$0x3FAF]  }
0x2e: {  	s3 =	simm.s32 @!p0 $0x1082;
	s9 =	sld [smem:$0x3FB0]  }
0x2f: {  	lr =	sadd.s32 s0, s3;
	s0 =	sld [smem:$0x3FA7]  }
0x30: {  	s3 =	sld [smem:$0x3FAA]  }
0x31: {  	[smem:$0x3FB3] =	sst s10  }
0x32: {  	s10 =	sld [smem:$0x3FB1];
	_ =	sdelay $0x3  }
0x33: {  	p0 =	seq.s32 s10, $0x1;
	s10 =	sld [smem:$0x3FB3];
	_ =	sdelay $0x3  }
0x34: {  	[smem:$0x3FB3] =	sst s10  }
0x35: {  	s10 =	sld [smem:$0x3FB2];
	_ =	sdelay $0x3  }
0x36: {  	p1 =	seq.s32 s10, $0x1;
	s10 =	sld [smem:$0x3FB3];
	_ =	sdelay $0x3  }
0x37: {  	[smem:$0x3FB3] =	sst s10  }
0x38: {  	s10 =	sld [smem:$0x3FB4]  }
0x39: {  	_ = 	snop;
	(pc) =	sbr.ind lr, $3  }
0x3a: {  	_ = 	snop  }
0x3b: {  	_ = 	snop  }
0x3c: {  	p2 =	seq.s32 s10, $0x1;
	s10 =	sld [smem:$0x3FB3]  }
0x3d: {  	_ =	shalt  }
0x3e: {  	_ =	shalt  }
0x3f: {  	_ =	shalt  }
0x40: {  	_ =	shalt  }
0x41: {  	_ =	shalt  }
0x42: {  	_ =	shalt  }
0x43: {  	_ =	shalt  }
0x44: {  	_ =	shalt  }
0x45: {  	_ =	shalt  }
0x46: {  	_ =	shalt  }
0x47: {  	_ =	shalt  }
0x48: {  	_ =	shalt  }
0x49: {  	_ =	shalt  }
0x4a: {  	_ =	shalt  }
0x4b: {  	_ =	shalt  }
0x4c: {  	_ =	shalt  }
0x4d: {  	_ =	shalt  }
0x4e: {  	_ =	shalt  }
0x4f: {  	_ =	shalt  }
0x50: {  	_ =	shalt  }
0x51: {  	_ =	shalt  }
0x52: {  	_ =	shalt  }
0x53: {  	_ =	shalt  }
0x54: {  	_ =	shalt  }
0x55: {  	_ =	shalt  }
0x56: {  	_ =	shalt  }
0x57: {  	_ =	shalt  }
0x58: {  	_ =	shalt  }
0x59: {  	_ =	shalt  }
0x5a: {  	_ =	shalt  }
0x5b: {  	_ =	shalt  }
0x5c: {  	_ =	shalt  }
0x5d: {  	_ =	shalt  }
0x5e: {  	_ =	shalt  }
0x5f: {  	_ =	shalt  }
0x60: {  	_ =	shalt  }
0x61: {  	_ =	shalt  }
0x62: {  	_ =	shalt  }
0x63: {  	_ =	shalt  }
0x64: {  	_ =	shalt  }
0x65: {  	_ =	shalt  }
0x66: {  	_ =	shalt  }
0x67: {  	_ =	shalt  }
0x68: {  	_ =	shalt  }
0x69: {  	_ =	shalt  }
0x6a: {  	_ =	shalt  }
0x6b: {  	_ =	shalt  }
0x6c: {  	_ =	shalt  }
0x6d: {  	_ =	shalt  }
0x6e: {  	_ =	shalt  }
0x6f: {  	_ =	shalt  }
0x70: {  	_ =	shalt  }
0x71: {  	_ =	shalt  }
0x72: {  	_ =	shalt  }
0x73: {  	_ =	shalt  }
0x74: {  	_ =	shalt  }
0x75: {  	_ =	shalt  }
0x76: {  	_ =	shalt  }
0x77: {  	_ =	shalt  }
0x78: {  	_ =	shalt  }
0x79: {  	_ =	shalt  }
0x7a: {  	_ =	shalt  }
0x7b: {  	_ =	shalt  }
0x7c: {  	_ =	shalt  }
0x7d: {  	_ =	shalt  }
0x7e: {  	_ =	shalt  }
0x7f: {  	_ =	shalt  }
0x80: {  	_ =	shalt  }
0x81: {  	_ =	shalt  }
0x82: {  	_ =	shalt  }
0x83: {  	_ =	shalt  }
0x84: {  	_ =	shalt  }
0x85: {  	_ =	shalt  }
0x86: {  	_ =	shalt  }
0x87: {  	_ =	shalt  }
.Lfunc_end0:
.L_simem_size_0:
called_computation_lowered:
.L_overlay_start_0:
0x88: {  	s2 =	sld [smem:$0x3FD9]  }
0x89: {  	s3 =	sld [smem:$0x3FFE];
	_ =	sdelay $0x1  }
0x8a: {  	s1 =	srdreg.scid  }
0x8b: {  	s0 =	sand.u32 $0x1, s1  }
0x8c: {  	s16 =	sshll.u32 s0, $0xA;
	s2 =	sadd.s32 s3, s2  }
0x8d: {  	s2 =	sadd.s32 s2, s16  }
0x8e: {  	[smem:$0x3FBF] =	sst s2  }
0x8f: {  	_ = 	snop  }
0x90: {  	(tm) =	ssettm $0x1  }
0x91: {  	s17 =	sld [smem:$0x3FFB];
	_ =	sdelay $0x3  }
0x92: {  	_ =	strace s17  }
0x93: {  	s2 =	sld [smem:$0x3FFC];
	_ =	sdelay $0x3  }
0x94: {  	_ =	strace s2  }
0x95: {  	s2 =	sld [smem:$0x3FFD];
	_ =	sdelay $0x3  }
0x96: {  	_ =	strace s2  }
0x97: {  	_ =	strace $0x8FFFFFFF  }
0x98: {  	s18 =	sld [smem:$0x3FDB];
	_ =	sdelay $0x1  }
0x99: {  	s19 =	simm.s32 $_scs_section_size  }
0x9a: {  	s4 =	simm.s32 $_size__tile_overlayer_lowered;
	s5 =	simm.s32 $_tile_overlayer_lowered  }
0x9b: {  	s22 =	simm.s32 $0x1BFF;
	s21 =	sshll.u32 s5, $0x1;
	s2 =	sadd.s32 s19, s18  }
0x9c: {  	s6 =	simm.s32 $0x0;
	s20 =	sshll.u32 s4, $0x1;
	s4 =	sadd.s32 s21, s2  }
0x9d: {  	[timem:s6], [sflag:s22] =	dma.local [hbm:s4], s20  }
0x9e: {  	_ =	swait.ge [sflag:s22], s20  }
0x9f: {  	s3 =	ssub.s32 $0x0, s20;
	[sflag:s22] =	ssyncset.done $0x0  }
0xa0: {  	[sflag:s22] =	ssyncadd.s32 s3;
	_ =	sdelay $0x1  }
0xa1: {  	s23 =	simm.s32 $0x1B8B  }
0xa2: {  	_ =	swait.ge [sflag:s23], $0x1  }
0xa3: {  	[sflag:s23] =	ssyncset.done $0x0  }
0xa4: {  	s25 =	simm.s32 $0x1B8E;
	s24 =	sld [smem:$0x3FFE];
	[sflag:s23] =	ssyncadd.s32 $0xFFFFFFFF  }
0xa5: {  	s26 =	simm.s32 $execute0_lowered;
	[smem:$0x3FD2] =	sst s25  }
0xa6: {  	s4 =	sshll.u32 s26, $0x1;
	_ =	strace $0x80000046;
	[dreg:$0x1] =	wrdreg $0xFFFFFFFF  }
0xa7: {  	s28 =	simm.s32 $_size_execute0_lowered;
	s2 =	sadd.s32 s2, s4;
	[dreg:$0x0] =	wrdreg $0x0  }
0xa8: {  	s4 =	sshll.u32 s28, $0x1;
	[dreg:$0x2] =	wrdreg s2  }
0xa9: {  	[dreg:$0x3] =	wrdreg s4  }
0xaa: {  	[dreg:$0x4] =	wrdreg $0xC0  }
0xab: {  	_ =	task [dreg:s6], $0x5FFFF  }
0xac: {  	[dreg:$0x1] =	wrdreg $0xFFFFFFFF  }
0xad: {  	[dreg:$0x0] =	wrdreg $0x60  }
0xae: {  	[dreg:$0x2] =	wrdreg s24  }
0xaf: {  	[dreg:$0x3] =	wrdreg $0x30000  }
0xb0: {  	[dreg:$0x4] =	wrdreg $0x9  }
0xb1: {  	_ =	task.clear_ibuf [dreg:s6], $0x5FFFF;
	_ =	strace $0x90000046  }
0xb2: {  	s29 =	simm.s32 $0x9;
	_ =	strace $0x80000048  }
0xb3: {  	_ =	swait.ge [sflag:s29], $0x1  }
0xb4: {  	[sflag:s29] =	ssyncadd.s32 $0xFFFFFFFF  }
0xb5: {  	_ =	strace $0x90000048  }
0xb6: {  	_ =	sfence  }
0xb7: {  	s30 =	sld [smem:$0x0];
	_ =	sdelay $0x2  }
0xb8: {  	s31 =	sshll.u32 s1, $0xD;
	s1 =	sshrl.u32 s1, $0x2  }
0xb9: {  	s3 =	sand.u32 $0x4000, s31;
	s1 =	sadd.s32 s1, s30  }
0xba: {  	s0 =	sor.u32 s3, s0;
	s1 =	sshll.u32 s1, $0x11  }
0xbb: {  	s0 =	sor.u32 s1, s0  }
0xbc: {  	s0 =	sadd.s32 $0x8F2B, s0  }
0xbd: {  	[sflag:s0] =	ssyncadd.remote.s32 $0x1  }
0xbe: {  	_ =	sfence.sel $0xFFFF  }
0xbf: {  	[dreg:$0x0] =	wrdreg $0xFFFFFFFF;
	(pc) =	sbr.abs _section_cstart, $3  }
0xc0: {  	[dreg:$0x1] =	wrdreg $0xFFFFFFFF  }
0xc1: {  	_ =	task.clear_ibuf [dreg:s6], $0x2FFFF;
	_ =	strace $0x9FFFFFFF  }
0xc2: {  	(tm) =	ssettm $0x7FFFFFFF  }
0xc3: {  	_ =	shalt  }
tec
execute0_lowered:
.L_overlay_start_1:
0x0: {  	(tag) =	ssettag $0x1  }
0x1: {  	s7 =	rddreg [dreg:$0x0];
	s1 =	srdreg.scid  }
0x2: {  	s0 =	stileid.u32;
	s2 =	rddreg [dreg:$0x1]  }
0x3: {  	s3 =	simm.s32 $0x0;
	s13 =	simm.s32 $0x2;
	s14 =	simm.s32 $0x80  }
0x4: {  	s4 =	sand.u32 $0x1, s1;
	s5 =	smul.u32 $0x2780, s0;
	s1 =	rddreg [dreg:$0x2]  }
0x5: {  	s15 =	simm.s32 $0x1;
	[smem:$0x7FF] =	sst s3;
	s9 =	smul.u32 $0x9E00, s0  }
0x6: {  	s16 =	sshll.u32 s0, $0x6;
	s6 =	smul.u32 $0x27800, s4;
	_ =	strace $0x80000047  }
0x7: {  	s8 =	sshll.u32 s4, $0x4;
	s4 =	ssub.s32 $0x2, s4;
	s16 =	sor.u32 $0x1C02, s16  }
0x8: {  	s8 =	sor.u32 s0, s8;
	s10 =	sshrl.u32 s4, $0x1;
	s30 =	sshrl.u32 s9, $0x2  }
0x9: {  	s6 =	sadd.s32 s5, s6;
	s8 =	smul.u32 $0x2800, s8;
	s12 =	ssub.s32 s4, s10  }
0xa: {  	s4 =	sadd.s32 s5, s2;
	s9 =	sadd.s32 s30, s2;
	s6 =	sshrl.u32 s6, $0x3  }
0xb: {  	s5 =	sadd.s32 $0x800, s9;
	s17 =	sshrl.u32 s4, $0x3;
	s8 =	sshrl.u32 s8, $0x3  }
0xc: {  	s11 =	sadd.s32 s6, s7;
	s6 =	sadd.s32 $0x1000, s9;
	s31 =	sadd.s32 s7, s8  }
0xd: {  	s7 =	sadd.s32 $0x1800, s9;
	s8 =	sadd.s32 $0x2000, s9;
	s10 =	sadd.s32 $0x16E00, s11  }
0xe: {  	v0 =	vimm.f32 $0.0e+00;
	v1 =	vimm.f32 $1.000000000e+00;
	s11 =	smax.u32 s12, $0x1;
	s12 =	simm.s32 $0x2800;
	s9 =	sadd.s32 $0xCE00, s31  }
.LBB2_1:
0xf: {  	s18 =	simm.s32 $0x40;
	s19 =	simm.s32 $0x0  }
.LBB2_2:
0x10: {  	p0 =	sne.s32 s18, $0x1FC0;
	[tilespmem:s19+$0x2800] =	vst v0;
	s19 =	smov.u32 s18;
	s18 =	sadd.s32 $0x40, s18  }
.Ltmp0:
0x11: {  	(pc) =	sbr.rel @p0 .LBB2_2-.Ltmp0, $2  }
0x12: {  	_ =	sdelay $0x2  }
0x13: {  	s19 =	sshra.s32 s19, $0x2  }
0x14: {  	[tilespmem:s19+$0x2800] =	vst v0  }
0x15: {  	[spmem:s4] =	stream.linear.scatter [tilespmem:s12], [sflag:$0x2], $0x800, $0x38;
	[tilespmem:$0x5780] =	vst v63  }
0x16: {  	_ =	swait.ge [sflag:s13], $0x800  }
0x17: {  	[sflag:s13] =	ssyncset.done $0x0  }
0x18: {  	[sflag:s13] =	ssyncadd.s32 $0xFFFFF800  }
0x19: {  	[spmem:s5] =	stream.linear.scatter [tilespmem:s12], [sflag:$0x2], $0x800, $0x38;
	[tilespmem:$0x5780] =	vst v63  }
0x1a: {  	_ =	swait.ge [sflag:s13], $0x800  }
0x1b: {  	[sflag:s13] =	ssyncset.done $0x0  }
0x1c: {  	[sflag:s13] =	ssyncadd.s32 $0xFFFFF800  }
0x1d: {  	[spmem:s6] =	stream.linear.scatter [tilespmem:s12], [sflag:$0x2], $0x800, $0x38;
	[tilespmem:$0x5780] =	vst v63  }
0x1e: {  	_ =	swait.ge [sflag:s13], $0x800  }
0x1f: {  	[sflag:s13] =	ssyncset.done $0x0  }
0x20: {  	[sflag:s13] =	ssyncadd.s32 $0xFFFFF800  }
0x21: {  	[spmem:s7] =	stream.linear.scatter [tilespmem:s12], [sflag:$0x2], $0x800, $0x38;
	[tilespmem:$0x5780] =	vst v63  }
0x22: {  	_ =	swait.ge [sflag:s13], $0x800  }
0x23: {  	[sflag:s13] =	ssyncset.done $0x0  }
0x24: {  	[sflag:s13] =	ssyncadd.s32 $0xFFFFF800  }
0x25: {  	[spmem:s8] =	stream.linear.scatter [tilespmem:s12], [sflag:$0x2], $0x780, $0x38;
	[tilespmem:$0x5780] =	vst v63  }
0x26: {  	_ =	swait.ge [sflag:s13], $0x780  }
0x27: {  	[sflag:s13] =	ssyncset.done $0x0  }
0x28: {  	s18 =	simm.s32 $0x40;
	s19 =	simm.s32 $0x0;
	[sflag:s13] =	ssyncadd.s32 $0xFFFFF880  }
.LBB2_4:
0x29: {  	p0 =	sne.s32 s18, $0x1FC0;
	[tilespmem:s19+$0x2800] =	vst v1;
	s19 =	smov.u32 s18;
	s18 =	sadd.s32 $0x40, s18  }
.Ltmp1:
0x2a: {  	(pc) =	sbr.rel @p0 .LBB2_4-.Ltmp1, $2  }
0x2b: {  	_ =	sdelay $0x2  }
0x2c: {  	s19 =	sshra.s32 s19, $0x2  }
0x2d: {  	[tilespmem:s19+$0x2800] =	vst v1  }
0x2e: {  	s18 =	simm.s32 $0x0;
	[bflag:$0x0] =	sbarrier.arrive $0xFFFF  }
0x2f: {  	[tilespmem:s18], [sflag:$0x2] =	stream.linear.gather [hbm4b:s9+s18], $0x2800, $0x38;
	[tilespmem:$0x5780] =	vst v63  }
0x30: {  	_ =	swait.ge [sflag:s13], $0x2800  }
0x31: {  	[sflag:s13] =	ssyncset.done $0x0  }
0x32: {  	s23 =	simm.s32 $0x0;
	[sflag:s13] =	ssyncadd.s32 $0xFFFFD800  }
0x33: {  	[spmem:s2] =	stream.indirect.scatter.add.f32 [tilespmem:s12], [sflag:$0x1], $0x10, s23, s14, $0xb8;
	[tilespmem:$0x5780] =	vst v63  }
0x34: {  	s24 =	simm.s32 $0x80  }
0x35: {  	[spmem:s2] =	stream.indirect.scatter.add.f32 [tilespmem:s12], [sflag:$0x1], $0x10, s24, s14, $0xb8;
	[tilespmem:$0x5780] =	vst v63  }
0x36: {  	s25 =	simm.s32 $0x100  }
0x37: {  	[spmem:s2] =	stream.indirect.scatter.add.f32 [tilespmem:s12], [sflag:$0x1], $0x10, s25, s14, $0xb8;
	[tilespmem:$0x5780] =	vst v63  }
0x38: {  	s26 =	simm.s32 $0x180  }
0x39: {  	[spmem:s2] =	stream.indirect.scatter.add.f32 [tilespmem:s12], [sflag:$0x1], $0x10, s26, s14, $0xb8;
	[tilespmem:$0x5780] =	vst v63  }
0x3a: {  	s28 =	simm.s32 $0x200  }
0x3b: {  	[spmem:s2] =	stream.indirect.scatter.add.f32 [tilespmem:s12], [sflag:$0x1], $0x10, s28, s14, $0xb8;
	[tilespmem:$0x5780] =	vst v63  }
0x3c: {  	s29 =	simm.s32 $0x280  }
0x3d: {  	[spmem:s2] =	stream.indirect.scatter.add.f32 [tilespmem:s12], [sflag:$0x1], $0x10, s29, s14, $0xb8;
	[tilespmem:$0x5780] =	vst v63  }
0x3e: {  	s30 =	simm.s32 $0x300  }
0x3f: {  	[spmem:s2] =	stream.indirect.scatter.add.f32 [tilespmem:s12], [sflag:$0x1], $0x10, s30, s14, $0xb8;
	[tilespmem:$0x5780] =	vst v63  }
0x40: {  	s31 =	simm.s32 $0x380  }
0x41: {  	[spmem:s2] =	stream.indirect.scatter.add.f32 [tilespmem:s12], [sflag:$0x1], $0x10, s31, s14, $0xb8;
	[tilespmem:$0x5780] =	vst v63  }
0x42: {  	_ =	swait.ge [sflag:s15], $0x800  }
0x43: {  	[sflag:s15] =	ssyncset.done $0x0  }
0x44: {  	[sflag:s15] =	ssyncadd.s32 $0xFFFFF800  }
0x45: {  	_ =	swait.ge [sflag:s15], $0x800  }
0x46: {  	[sflag:s15] =	ssyncset.done $0x0  }
0x47: {  	[sflag:s15] =	ssyncadd.s32 $0xFFFFF800  }
0x48: {  	_ =	swait.ge [sflag:s15], $0x800  }
0x49: {  	[sflag:s15] =	ssyncset.done $0x0  }
0x4a: {  	[sflag:s15] =	ssyncadd.s32 $0xFFFFF800  }
0x4b: {  	_ =	swait.ge [sflag:s15], $0x800  }
0x4c: {  	[sflag:s15] =	ssyncset.done $0x0  }
0x4d: {  	[sflag:s15] =	ssyncadd.s32 $0xFFFFF800  }
0x4e: {  	_ =	swait.ge [sflag:s15], $0x800  }
0x4f: {  	[sflag:s15] =	ssyncset.done $0x0  }
0x50: {  	[sflag:s15] =	ssyncadd.s32 $0xFFFFF800  }
0x51: {  	_ =	swait.ge [sflag:s15], $0x800  }
0x52: {  	[sflag:s15] =	ssyncset.done $0x0  }
0x53: {  	[sflag:s15] =	ssyncadd.s32 $0xFFFFF800  }
0x54: {  	_ =	swait.ge [sflag:s15], $0x800  }
0x55: {  	[sflag:s15] =	ssyncset.done $0x0  }
0x56: {  	[sflag:s15] =	ssyncadd.s32 $0xFFFFF800  }
0x57: {  	_ =	swait.ge [sflag:s15], $0x800  }
0x58: {  	s20 =	simm.s32 $0x2000;
	s18 =	simm.s32 $0x1000;
	[sflag:s15] =	ssyncset.done $0x0  }
.LBB2_6:
0x59: {  	s21 =	sshra.s32 s18, $0x2  }
0x5a: {  	[sflag:s15] =	ssyncadd.s32 $0xFFFFF800;
	s18 =	smov.u32 s20;
	s19 =	sadd.s32 $0x1000, s20  }
0x5b: {  	[spmem:s2] =	stream.indirect.scatter.add.f32 [tilespmem:s12], [sflag:$0x1], $0x10, s21, s14, $0xb8;
	[tilespmem:$0x5780] =	vst v63  }
0x5c: {  	p0 =	sne.s32 s20, $0x9000;
	s20 =	sadd.s32 $0x80, s21  }
0x5d: {  	[spmem:s2] =	stream.indirect.scatter.add.f32 [tilespmem:s12], [sflag:$0x1], $0x10, s20, s14, $0xb8;
	[tilespmem:$0x5780] =	vst v63  }
0x5e: {  	s20 =	sadd.s32 $0x100, s21  }
0x5f: {  	[spmem:s2] =	stream.indirect.scatter.add.f32 [tilespmem:s12], [sflag:$0x1], $0x10, s20, s14, $0xb8;
	[tilespmem:$0x5780] =	vst v63  }
0x60: {  	s20 =	sadd.s32 $0x180, s21  }
0x61: {  	[spmem:s2] =	stream.indirect.scatter.add.f32 [tilespmem:s12], [sflag:$0x1], $0x10, s20, s14, $0xb8;
	[tilespmem:$0x5780] =	vst v63  }
0x62: {  	s20 =	sadd.s32 $0x200, s21  }
0x63: {  	[spmem:s2] =	stream.indirect.scatter.add.f32 [tilespmem:s12], [sflag:$0x1], $0x10, s20, s14, $0xb8;
	[tilespmem:$0x5780] =	vst v63  }
0x64: {  	s20 =	sadd.s32 $0x280, s21  }
0x65: {  	[spmem:s2] =	stream.indirect.scatter.add.f32 [tilespmem:s12], [sflag:$0x1], $0x10, s20, s14, $0xb8;
	[tilespmem:$0x5780] =	vst v63  }
0x66: {  	s20 =	sadd.s32 $0x300, s21  }
0x67: {  	[spmem:s2] =	stream.indirect.scatter.add.f32 [tilespmem:s12], [sflag:$0x1], $0x10, s20, s14, $0xb8;
	[tilespmem:$0x5780] =	vst v63  }
0x68: {  	s20 =	sadd.s32 $0x380, s21  }
0x69: {  	[spmem:s2] =	stream.indirect.scatter.add.f32 [tilespmem:s12], [sflag:$0x1], $0x10, s20, s14, $0xb8;
	[tilespmem:$0x5780] =	vst v63  }
0x6a: {  	_ =	swait.ge [sflag:s15], $0x800  }
0x6b: {  	[sflag:s15] =	ssyncset.done $0x0  }
0x6c: {  	[sflag:s15] =	ssyncadd.s32 $0xFFFFF800  }
0x6d: {  	_ =	swait.ge [sflag:s15], $0x800  }
0x6e: {  	[sflag:s15] =	ssyncset.done $0x0  }
0x6f: {  	[sflag:s15] =	ssyncadd.s32 $0xFFFFF800  }
0x70: {  	_ =	swait.ge [sflag:s15], $0x800  }
0x71: {  	[sflag:s15] =	ssyncset.done $0x0  }
0x72: {  	[sflag:s15] =	ssyncadd.s32 $0xFFFFF800  }
0x73: {  	_ =	swait.ge [sflag:s15], $0x800  }
0x74: {  	[sflag:s15] =	ssyncset.done $0x0  }
0x75: {  	[sflag:s15] =	ssyncadd.s32 $0xFFFFF800  }
0x76: {  	_ =	swait.ge [sflag:s15], $0x800  }
0x77: {  	[sflag:s15] =	ssyncset.done $0x0  }
0x78: {  	[sflag:s15] =	ssyncadd.s32 $0xFFFFF800  }
0x79: {  	_ =	swait.ge [sflag:s15], $0x800  }
0x7a: {  	[sflag:s15] =	ssyncset.done $0x0  }
0x7b: {  	[sflag:s15] =	ssyncadd.s32 $0xFFFFF800  }
.Ltmp2:
0x7c: {  	_ =	swait.ge [sflag:s15], $0x800;
	(pc) =	sbr.rel @p0 .LBB2_6-.Ltmp2, $4  }
0x7d: {  	[sflag:s15] =	ssyncset.done $0x0  }
0x7e: {  	[sflag:s15] =	ssyncadd.s32 $0xFFFFF800  }
0x7f: {  	_ =	swait.ge [sflag:s15], $0x800  }
0x80: {  	s20 =	smov.u32 s19;
	[sflag:s15] =	ssyncset.done $0x0  }
0x81: {  	s18 =	sshra.s32 s18, $0x2;
	[sflag:s15] =	ssyncadd.s32 $0xFFFFF800  }
0x82: {  	[spmem:s2] =	stream.indirect.scatter.add.f32 [tilespmem:s12], [sflag:$0x1], $0x10, s18, s14, $0xb8;
	[tilespmem:$0x5780] =	vst v63  }
0x83: {  	s19 =	sadd.s32 $0x80, s18  }
0x84: {  	[spmem:s2] =	stream.indirect.scatter.add.f32 [tilespmem:s12], [sflag:$0x1], $0x10, s19, s14, $0xb8;
	[tilespmem:$0x5780] =	vst v63  }
0x85: {  	s26 =	sadd.s32 $0x100, s18  }
0x86: {  	[spmem:s2] =	stream.indirect.scatter.add.f32 [tilespmem:s12], [sflag:$0x1], $0x10, s26, s14, $0xb8;
	[tilespmem:$0x5780] =	vst v63  }
0x87: {  	s28 =	sadd.s32 $0x180, s18  }
0x88: {  	[spmem:s2] =	stream.indirect.scatter.add.f32 [tilespmem:s12], [sflag:$0x1], $0x10, s28, s14, $0xb8;
	[tilespmem:$0x5780] =	vst v63  }
0x89: {  	s29 =	sadd.s32 $0x200, s18  }
0x8a: {  	[spmem:s2] =	stream.indirect.scatter.add.f32 [tilespmem:s12], [sflag:$0x1], $0x10, s29, s14, $0xb8;
	[tilespmem:$0x5780] =	vst v63  }
0x8b: {  	s30 =	sadd.s32 $0x280, s18  }
0x8c: {  	[spmem:s2] =	stream.indirect.scatter.add.f32 [tilespmem:s12], [sflag:$0x1], $0x10, s30, s14, $0xb8;
	[tilespmem:$0x5780] =	vst v63  }
0x8d: {  	s31 =	sadd.s32 $0x300, s18  }
0x8e: {  	[spmem:s2] =	stream.indirect.scatter.add.f32 [tilespmem:s12], [sflag:$0x1], $0x10, s31, s14, $0xb8;
	[tilespmem:$0x5780] =	vst v63  }
0x8f: {  	s18 =	sadd.s32 $0x380, s18  }
0x90: {  	[spmem:s2] =	stream.indirect.scatter.add.f32 [tilespmem:s12], [sflag:$0x1], $0x10, s18, s14, $0xb8;
	[tilespmem:$0x5780] =	vst v63  }
0x91: {  	_ =	swait.ge [sflag:s15], $0x800  }
0x92: {  	[sflag:s15] =	ssyncset.done $0x0  }
0x93: {  	[sflag:s15] =	ssyncadd.s32 $0xFFFFF800  }
0x94: {  	_ =	swait.ge [sflag:s15], $0x800  }
0x95: {  	[sflag:s15] =	ssyncset.done $0x0  }
0x96: {  	[sflag:s15] =	ssyncadd.s32 $0xFFFFF800  }
0x97: {  	_ =	swait.ge [sflag:s15], $0x800  }
0x98: {  	[sflag:s15] =	ssyncset.done $0x0  }
0x99: {  	[sflag:s15] =	ssyncadd.s32 $0xFFFFF800  }
0x9a: {  	_ =	swait.ge [sflag:s15], $0x800  }
0x9b: {  	[sflag:s15] =	ssyncset.done $0x0  }
0x9c: {  	[sflag:s15] =	ssyncadd.s32 $0xFFFFF800  }
0x9d: {  	_ =	swait.ge [sflag:s15], $0x800  }
0x9e: {  	[sflag:s15] =	ssyncset.done $0x0  }
0x9f: {  	[sflag:s15] =	ssyncadd.s32 $0xFFFFF800  }
0xa0: {  	_ =	swait.ge [sflag:s15], $0x800  }
0xa1: {  	[sflag:s15] =	ssyncset.done $0x0  }
0xa2: {  	[sflag:s15] =	ssyncadd.s32 $0xFFFFF800  }
0xa3: {  	_ =	swait.ge [sflag:s15], $0x800  }
0xa4: {  	[sflag:s15] =	ssyncset.done $0x0  }
0xa5: {  	[sflag:s15] =	ssyncadd.s32 $0xFFFFF800  }
0xa6: {  	_ =	swait.ge [sflag:s15], $0x800  }
0xa7: {  	s3 =	sadd.s32 $0x1, s3;
	[sflag:s15] =	ssyncset.done $0x0  }
0xa8: {  	p0 =	sne.s32 s3, s11;
	[sflag:s15] =	ssyncadd.s32 $0xFFFFF800  }
.Ltmp3:
0xa9: {  	[bflag:$0x0] =	sbarrier.arrive $0xFFFF;
	(pc) =	sbr.rel @p0 .LBB2_1-.Ltmp3, $4  }
0xaa: {  	[hbm:s10], [sflag:s16] =	dma.local [spmem:s17], $0x4F0  }
0xab: {  	_ =	swait.ge [sflag:s13], $0x4F0  }
0xac: {  	[sflag:s13] =	ssyncset.done $0x0  }
0xad: {  	[sflag:s13] =	ssyncadd.s32 $0xFFFFFB10  }
0xae: {  	_ =	sfence.sel $0x180000  }
0xaf: {  	[bflag:$0x0] =	sbarrier.arrive $0xFFFF  }
0xb0: {  	p0 =	sne.s32 s0, $0x0;
	_ =	strace $0x90000047  }
0xb1: {  	s0 =	sadd.s32 @!p0 $0x100000, s1;
	[bflag:$0x2] =	sbarrier.arrive $0xFFFF  }
0xb2: {  	[sflag:s0] =	ssyncadd.tile.s32 @!p0 $0x1;
	_ =	shalt  }
.Lfunc_end2:
_tile_overlayer_lowered:
.L_overlay_start_2:
0xb3: {  	(tag) =	ssettag $0x2  }
0xb4: {  	s0 =	rddreg [dreg:$0x0];
	s2 =	stileid.u32  }
0xb5: {  	s1 =	rddreg [dreg:$0x1];
	p0 =	sne.s32 s2, $0x0  }
0xb6: {  	s3 =	rddreg [dreg:$0x2];
	[bflag:$0x3] =	sbarrier.arrive $0xFFFF;
	s2 =	simm.s32 @!p0 $0x1C02  }
0xb7: {  	[timem:s3], [sflag:s2] =	dma.local @!p0 [hbm:s0], s1  }
0xb8: {  	s0 =	simm.s32 @!p0 $0x2  }
0xb9: {  	_ =	swait.ge @!p0 [sflag:s0], s1  }
0xba: {  	s1 =	ssub.s32 @!p0 $0x0, s1;
	[sflag:s0] =	ssyncset.done @!p0 $0x0  }
0xbb: {  	[sflag:s0] =	ssyncadd.s32 @!p0 s1  }
0xbc: {  	[bflag:$0x3] =	sbarrier.arrive $0xFFFF  }
0xbd: {  	_ =	shalt  }

// kernel: kernel.13.cloned.1.call-start
scs
__scs_entry_jumppad:
0x0: {  	(pc) =	sbr.rel $0x88, $3  }
0x1: {  	(tag) =	ssettag $0x0;
	lr =	simm.s32 $0x1  }
0x2: {  	[smem:$0x3F98] =	sst lr;
	_ =	strace $0xD0000000  }
0x3: {  	_ = 	snop  }
0x4: {  	_ = 	snop  }
0x5: {  	_ = 	snop  }
0x6: {  	_ = 	snop  }
0x7: {  	_ = 	snop  }
__scs_overlays_trampoline_lowered:
0x8: {  	[smem:$0x3FA7] =	sst s0  }
0x9: {  	[smem:$0x3FA8] =	sst s1  }
0xa: {  	[smem:$0x3FA9] =	sst s2  }
0xb: {  	[smem:$0x3FAA] =	sst s3  }
0xc: {  	[smem:$0x3FAB] =	sst s4  }
0xd: {  	[smem:$0x3FAC] =	sst s5  }
0xe: {  	[smem:$0x3FAD] =	sst s6  }
0xf: {  	[smem:$0x3FAE] =	sst s7  }
0x10: {  	[smem:$0x3FAF] =	sst s8  }
0x11: {  	[smem:$0x3FB0] =	sst s9;
	s0 =	simm.s32 @!p0 $0x0  }
0x12: {  	s1 =	sld [smem:$0x3F96];
	s0 =	simm.s32 @p0 $0x1  }
0x13: {  	[smem:$0x3FB1] =	sst s0;
	s0 =	simm.s32 @!p1 $0x0  }
0x14: {  	s2 =	sld [smem:$0x3F95];
	s0 =	simm.s32 @p1 $0x1  }
0x15: {  	[smem:$0x3FB2] =	sst s0;
	s0 =	simm.s32 @!p2 $0x0  }
0x16: {  	s3 =	sld [smem:$0x3FDB];
	s0 =	simm.s32 @p2 $0x1  }
0x17: {  	s4 =	simm.s32 $0x1BF5;
	[smem:$0x3FB4] =	sst s0  }
0x18: {  	s0 =	sld [smem:$0x3F97];
	_ =	swait.ge [sflag:s4], $0x0  }
0x19: {  	s7 =	sld [smem:$0x3F98]  }
0x1a: {  	s8 =	sadd.s32 $0xFFFFE003, lr  }
0x1b: {  	s9 =	sadd.s32 $0xFFFFFEF7, lr;
	s5 =	simm.s32 $0xFFFFFFFF;
	p2 =	slt.u32 s8, $0xFFFFF086  }
0x1c: {  	p1 =	slt.u32 s9, $0xF7A;
	s5 =	simm.s32 @!p2 $0x0  }
0x1d: {  	s5 =	simm.s32 @p1 $0x1;
	p0 =	seq.s32 s7, s2  }
0x1e: {  	s7 =	smul.u32 @!p0 $0xF7A, s2;
	p2 =	seq.s32 @!p0 s5, $0x0  }
0x1f: {  	s9 =	smul.u32 $0xF7A, s1;
	s8 =	simm.s32 @!p0 $0x1BF5;
	p2 =	por !p2, p0  }
0x20: {  	[sflag:s8] =	ssyncset.s32 @!p0 $0xFFFFF086;
	s6 =	sadd.s32 @!p0 s3, s7;
	s7 =	simm.s32 @!p0 $0x108  }
0x21: {  	s3 =	sadd.s32 s3, s9;
	s6 =	sadd.s32 @!p0 $0x88, s6;
	s7 =	simm.s32 @p2 $0x1082  }
0x22: {  	[simem:s7], [sflag:s8] =	dma.local @!p0 [hbm:s6], $0xF7A  }
0x23: {  	s9 =	sor.u32 $0xD0000000, s2;
	s6 =	simm.s32 $0x108;
	_ =	swait.ge @!p0 [sflag:s8], $0x0  }
0x24: {  	s3 =	sadd.s32 $0x88, s3;
	s6 =	simm.s32 @!p1 $0x1082;
	[sflag:s4] =	ssyncset.s32 $0xFFFFF086  }
0x25: {  	[simem:s6], [sflag:s4] =	dma.local [hbm:s3], $0xF7A  }
0x26: {  	[smem:$0x3F98] =	sst s1;
	(tag) =	ssettag s2;
	_ =	strace s9  }
0x27: {  	s1 =	sld [smem:$0x3FA8]  }
0x28: {  	s2 =	sld [smem:$0x3FA9]  }
0x29: {  	s4 =	sld [smem:$0x3FAB]  }
0x2a: {  	p0 =	seq.s32 s5, $0x0;
	s5 =	sld [smem:$0x3FAC]  }
0x2b: {  	s6 =	sld [smem:$0x3FAD]  }
0x2c: {  	s7 =	sld [smem:$0x3FAE]  }
0x2d: {  	s3 =	simm.s32 $0x108;
	s8 =	sld [smem:$0x3FAF]  }
0x2e: {  	s3 =	simm.s32 @!p0 $0x1082;
	s9 =	sld [smem:$0x3FB0]  }
0x2f: {  	lr =	sadd.s32 s0, s3;
	s0 =	sld [smem:$0x3FA7]  }
0x30: {  	s3 =	sld [smem:$0x3FAA]  }
0x31: {  	[smem:$0x3FB3] =	sst s10  }
0x32: {  	s10 =	sld [smem:$0x3FB1];
	_ =	sdelay $0x3  }
0x33: {  	p0 =	seq.s32 s10, $0x1;
	s10 =	sld [smem:$0x3FB3];
	_ =	sdelay $0x3  }
0x34: {  	[smem:$0x3FB3] =	sst s10  }
0x35: {  	s10 =	sld [smem:$0x3FB2];
	_ =	sdelay $0x3  }
0x36: {  	p1 =	seq.s32 s10, $0x1;
	s10 =	sld [smem:$0x3FB3];
	_ =	sdelay $0x3  }
0x37: {  	[smem:$0x3FB3] =	sst s10  }
0x38: {  	s10 =	sld [smem:$0x3FB4]  }
0x39: {  	_ = 	snop;
	(pc) =	sbr.ind lr, $3  }
0x3a: {  	_ = 	snop  }
0x3b: {  	_ = 	snop  }
0x3c: {  	p2 =	seq.s32 s10, $0x1;
	s10 =	sld [smem:$0x3FB3]  }
0x3d: {  	_ =	shalt  }
0x3e: {  	_ =	shalt  }
0x3f: {  	_ =	shalt  }
0x40: {  	_ =	shalt  }
0x41: {  	_ =	shalt  }
0x42: {  	_ =	shalt  }
0x43: {  	_ =	shalt  }
0x44: {  	_ =	shalt  }
0x45: {  	_ =	shalt  }
0x46: {  	_ =	shalt  }
0x47: {  	_ =	shalt  }
0x48: {  	_ =	shalt  }
0x49: {  	_ =	shalt  }
0x4a: {  	_ =	shalt  }
0x4b: {  	_ =	shalt  }
0x4c: {  	_ =	shalt  }
0x4d: {  	_ =	shalt  }
0x4e: {  	_ =	shalt  }
0x4f: {  	_ =	shalt  }
0x50: {  	_ =	shalt  }
0x51: {  	_ =	shalt  }
0x52: {  	_ =	shalt  }
0x53: {  	_ =	shalt  }
0x54: {  	_ =	shalt  }
0x55: {  	_ =	shalt  }
0x56: {  	_ =	shalt  }
0x57: {  	_ =	shalt  }
0x58: {  	_ =	shalt  }
0x59: {  	_ =	shalt  }
0x5a: {  	_ =	shalt  }
0x5b: {  	_ =	shalt  }
0x5c: {  	_ =	shalt  }
0x5d: {  	_ =	shalt  }
0x5e: {  	_ =	shalt  }
0x5f: {  	_ =	shalt  }
0x60: {  	_ =	shalt  }
0x61: {  	_ =	shalt  }
0x62: {  	_ =	shalt  }
0x63: {  	_ =	shalt  }
0x64: {  	_ =	shalt  }
0x65: {  	_ =	shalt  }
0x66: {  	_ =	shalt  }
0x67: {  	_ =	shalt  }
0x68: {  	_ =	shalt  }
0x69: {  	_ =	shalt  }
0x6a: {  	_ =	shalt  }
0x6b: {  	_ =	shalt  }
0x6c: {  	_ =	shalt  }
0x6d: {  	_ =	shalt  }
0x6e: {  	_ =	shalt  }
0x6f: {  	_ =	shalt  }
0x70: {  	_ =	shalt  }
0x71: {  	_ =	shalt  }
0x72: {  	_ =	shalt  }
0x73: {  	_ =	shalt  }
0x74: {  	_ =	shalt  }
0x75: {  	_ =	shalt  }
0x76: {  	_ =	shalt  }
0x77: {  	_ =	shalt  }
0x78: {  	_ =	shalt  }
0x79: {  	_ =	shalt  }
0x7a: {  	_ =	shalt  }
0x7b: {  	_ =	shalt  }
0x7c: {  	_ =	shalt  }
0x7d: {  	_ =	shalt  }
0x7e: {  	_ =	shalt  }
0x7f: {  	_ =	shalt  }
0x80: {  	_ =	shalt  }
0x81: {  	_ =	shalt  }
0x82: {  	_ =	shalt  }
0x83: {  	_ =	shalt  }
0x84: {  	_ =	shalt  }
0x85: {  	_ =	shalt  }
0x86: {  	_ =	shalt  }
0x87: {  	_ =	shalt  }
.Lfunc_end0:
.L_simem_size_0:
called_computation.1_lowered:
.L_overlay_start_0:
0x88: {  	s2 =	sld [smem:$0x3FD9]  }
0x89: {  	s3 =	sld [smem:$0x3FFE];
	_ =	sdelay $0x1  }
0x8a: {  	s1 =	srdreg.scid  }
0x8b: {  	s0 =	sand.u32 $0x1, s1  }
0x8c: {  	s16 =	sshll.u32 s0, $0xA;
	s2 =	sadd.s32 s3, s2  }
0x8d: {  	s2 =	sadd.s32 s2, s16  }
0x8e: {  	[smem:$0x3FBF] =	sst s2  }
0x8f: {  	_ = 	snop  }
0x90: {  	(tm) =	ssettm $0x1  }
0x91: {  	s17 =	sld [smem:$0x3FFB];
	_ =	sdelay $0x3  }
0x92: {  	_ =	strace s17  }
0x93: {  	s2 =	sld [smem:$0x3FFC];
	_ =	sdelay $0x3  }
0x94: {  	_ =	strace s2  }
0x95: {  	s2 =	sld [smem:$0x3FFD];
	_ =	sdelay $0x3  }
0x96: {  	_ =	strace s2  }
0x97: {  	_ =	strace $0x8FFFFFFF  }
0x98: {  	s18 =	sld [smem:$0x3FDB];
	_ =	sdelay $0x1  }
0x99: {  	s19 =	simm.s32 $_scs_section_size  }
0x9a: {  	s4 =	simm.s32 $_size__tile_overlayer_lowered;
	s5 =	simm.s32 $_tile_overlayer_lowered  }
0x9b: {  	s22 =	simm.s32 $0x1BFF;
	s21 =	sshll.u32 s5, $0x1;
	s2 =	sadd.s32 s19, s18  }
0x9c: {  	s6 =	simm.s32 $0x0;
	s20 =	sshll.u32 s4, $0x1;
	s4 =	sadd.s32 s21, s2  }
0x9d: {  	[timem:s6], [sflag:s22] =	dma.local [hbm:s4], s20  }
0x9e: {  	_ =	swait.ge [sflag:s22], s20  }
0x9f: {  	s3 =	ssub.s32 $0x0, s20;
	[sflag:s22] =	ssyncset.done $0x0  }
0xa0: {  	[sflag:s22] =	ssyncadd.s32 s3;
	_ =	sdelay $0x1  }
0xa1: {  	s23 =	simm.s32 $0x1B8B  }
0xa2: {  	_ =	swait.ge [sflag:s23], $0x1  }
0xa3: {  	[sflag:s23] =	ssyncset.done $0x0  }
0xa4: {  	s25 =	simm.s32 $0x1B8E;
	s24 =	sld [smem:$0x3FFE];
	[sflag:s23] =	ssyncadd.s32 $0xFFFFFFFF  }
0xa5: {  	s26 =	simm.s32 $execute0_lowered;
	[smem:$0x3FD2] =	sst s25  }
0xa6: {  	s4 =	sshll.u32 s26, $0x1;
	_ =	strace $0x80000049;
	[dreg:$0x1] =	wrdreg $0xFFFFFFFF  }
0xa7: {  	s28 =	simm.s32 $_size_execute0_lowered;
	s2 =	sadd.s32 s2, s4;
	[dreg:$0x0] =	wrdreg $0x0  }
0xa8: {  	s4 =	sshll.u32 s28, $0x1;
	[dreg:$0x2] =	wrdreg s2  }
0xa9: {  	[dreg:$0x3] =	wrdreg s4  }
0xaa: {  	[dreg:$0x4] =	wrdreg $0xC0  }
0xab: {  	_ =	task [dreg:s6], $0x5FFFF  }
0xac: {  	[dreg:$0x1] =	wrdreg $0xFFFFFFFF  }
0xad: {  	[dreg:$0x0] =	wrdreg $0x60  }
0xae: {  	[dreg:$0x2] =	wrdreg s24  }
0xaf: {  	[dreg:$0x3] =	wrdreg $0x107800  }
0xb0: {  	[dreg:$0x4] =	wrdreg $0xE0000  }
0xb1: {  	[dreg:$0x5] =	wrdreg $0x9  }
0xb2: {  	_ =	task.clear_ibuf [dreg:s6], $0x6FFFF;
	_ =	strace $0x90000049  }
0xb3: {  	s29 =	simm.s32 $0x9;
	_ =	strace $0x8000004B  }
0xb4: {  	_ =	swait.ge [sflag:s29], $0x1  }
0xb5: {  	[sflag:s29] =	ssyncadd.s32 $0xFFFFFFFF  }
0xb6: {  	_ =	strace $0x9000004B  }
0xb7: {  	_ =	sfence  }
0xb8: {  	s30 =	sld [smem:$0x0];
	_ =	sdelay $0x2  }
0xb9: {  	s31 =	sshll.u32 s1, $0xD;
	s1 =	sshrl.u32 s1, $0x2  }
0xba: {  	s3 =	sand.u32 $0x4000, s31;
	s1 =	sadd.s32 s1, s30  }
0xbb: {  	s0 =	sor.u32 s3, s0;
	s1 =	sshll.u32 s1, $0x11  }
0xbc: {  	s0 =	sor.u32 s1, s0  }
0xbd: {  	s0 =	sadd.s32 $0x8F2B, s0  }
0xbe: {  	[sflag:s0] =	ssyncadd.remote.s32 $0x1  }
0xbf: {  	_ =	sfence.sel $0xFFFF  }
0xc0: {  	[dreg:$0x0] =	wrdreg $0xFFFFFFFF;
	(pc) =	sbr.abs _section_cstart, $3  }
0xc1: {  	[dreg:$0x1] =	wrdreg $0xFFFFFFFF  }
0xc2: {  	_ =	task.clear_ibuf [dreg:s6], $0x2FFFF;
	_ =	strace $0x9FFFFFFF  }
0xc3: {  	(tm) =	ssettm $0x7FFFFFFF  }
tec
execute0_lowered:
.L_overlay_start_1:
0x0: {  	(tag) =	ssettag $0x1  }
0x1: {  	s0 =	rddreg [dreg:$0x0]  }
0x2: {  	s2 =	rddreg [dreg:$0x1]  }
0x3: {  	s1 =	srdreg.scid;
	s16 =	stileid.u32  }
0x4: {  	s3 =	rddreg [dreg:$0x2];
	s4 =	simm.s32 $0x0;
	s5 =	smul.u32 $0x2780, s16  }
0x5: {  	s28 =	simm.s32 $0xC800;
	s29 =	simm.s32 $0xD000;
	s11 =	smul.u32 $0x9E00, s16  }
0x6: {  	s30 =	simm.s32 $0xD800;
	s31 =	simm.s32 $0x1;
	s22 =	smul.u32 $0x5000, s16  }
0x7: {  	s1 =	sand.u32 $0x1, s1;
	[smem:$0x7FF] =	sst s4;
	s25 =	smul.u32 $0xA00, s16  }
0x8: {  	s8 =	sadd.s32 $0x16E00, s0;
	s9 =	sadd.s32 $0x2E00, s0;
	s6 =	smul.u32 $0x27800, s1  }
0x9: {  	p0 =	seq.s32 s16, $0xF;
	s7 =	smul.u32 $0x27400, s1;
	s1 =	ssub.s32 $0x2, s1  }
0xa: {  	_ =	strace $0x8000004A;
	s10 =	sshrl.u32 s1, $0x1;
	s18 =	sadd.s32 s5, s2  }
0xb: {  	s20 =	sshrl.u32 s11, $0x2;
	s12 =	sshrl.u32 s22, $0x3;
	s22 =	simm.s32 $0x80  }
0xc: {  	s6 =	sadd.s32 s5, s6;
	s19 =	sadd.s32 s5, s7;
	s1 =	ssub.s32 s1, s10  }
0xd: {  	s7 =	sshrl.u32 s7, $0x3;
	s21 =	sadd.s32 s20, s3;
	s26 =	sadd.s32 s9, s12  }
0xe: {  	s12 =	sadd.s32 s9, s25;
	s18 =	sshrl.u32 @!p0 s18, $0x3;
	s20 =	simm.s32 $0x5  }
0xf: {  	s25 =	simm.s32 $0xB800;
	s6 =	sshrl.u32 s6, $0x3;
	s7 =	sadd.s32 s8, s7  }
0x10: {  	s23 =	sadd.s32 $0x800, s21;
	s24 =	sadd.s32 $0x1000, s21;
	s10 =	sadd.s32 $0x1800, s21  }
0x11: {  	s11 =	sadd.s32 $0x2000, s21;
	s13 =	sadd.s32 $0xA000, s26;
	s15 =	smax.u32 s1, $0x1  }
0x12: {  	s26 =	simm.s32 $0xC000;
	s1 =	simm.s32 $0x2;
	s21 =	simm.s32 $0x3  }
0x13: {  	s0 =	sadd.s32 s6, s0;
	s6 =	sshrl.u32 s19, $0x3;
	[dreg:$0x6] =	wrdreg s23  }
0x14: {  	s7 =	sadd.s32 $0x4A10, s7;
	[dreg:$0x7] =	wrdreg s24;
	s19 =	simm.s32 $0xA000  }
0x15: {  	s23 =	simm.s32 $0xA800;
	s24 =	simm.s32 $0xB000;
	s6 =	sadd.s32 s8, s6  }
0x16: {  	[dreg:$0x5] =	wrdreg s7;
	s7 =	sadd.s32 s5, s3;
	s14 =	sadd.s32 $0x20C00, s0  }
0x17: {  	s0 =	sshll.u32 @!p0 s16, $0x6;
	[dreg:$0x4] =	wrdreg s6;
	s6 =	sadd.s32 $0x25080, s2  }
0x18: {  	v0 =	vimm.f32 $0.0e+00;
	s17 =	sor.u32 @!p0 $0x1C05, s0;
	s0 =	simm.s32 $0x4;
	s16 =	sshrl.u32 @p0 s6, $0x3  }
.LBB2_1:
0x19: {  	s5 =	simm.s32 @p0 $0x1FC5;
	s6 =	rddreg [dreg:$0x5]  }
0x1a: {  	[spmem:s16], [sflag:s5] =	dma.local @p0 [hbm:s6], $0x410  }
0x1b: {  	s5 =	simm.s32 @p0 $0x5  }
0x1c: {  	_ =	swait.ge @p0 [sflag:s5], $0x410  }
0x1d: {  	[sflag:s5] =	ssyncset.done @p0 $0x0  }
0x1e: {  	[sflag:s5] =	ssyncadd.s32 @p0 $0xFFFFFBF0;
	s5 =	rddreg [dreg:$0x4]  }
0x1f: {  	[spmem:s18], [sflag:s17] =	dma.local @!p0 [hbm:s5], $0x4F0  }
0x20: {  	s5 =	simm.s32 @!p0 $0x5  }
0x21: {  	_ =	swait.ge @!p0 [sflag:s5], $0x4F0  }
0x22: {  	[sflag:s5] =	ssyncset.done @!p0 $0x0  }
0x23: {  	s6 =	simm.s32 $0x0;
	[sflag:s5] =	ssyncadd.s32 @!p0 $0xFFFFFB10;
	s5 =	simm.s32 $0x40  }
.LBB2_2:
0x24: {  	p1 =	sne.s32 s5, $0x1FC0;
	[tilespmem:s6+$0xA000] =	vst v0;
	s6 =	smov.u32 s5;
	s5 =	sadd.s32 $0x40, s5  }
.Ltmp0:
0x25: {  	(pc) =	sbr.rel @p1 .LBB2_2-.Ltmp0, $2  }
0x26: {  	_ =	sdelay $0x2  }
0x27: {  	s6 =	sshra.s32 s6, $0x2  }
0x28: {  	[tilespmem:s6+$0xA000] =	vst v0  }
0x29: {  	[spmem:s7] =	stream.linear.scatter [tilespmem:s19], [sflag:$0x5], $0x800, $0x38;
	[tilespmem:$0x12E90] =	vst v63  }
0x2a: {  	_ =	swait.ge [sflag:s20], $0x800  }
0x2b: {  	[sflag:s20] =	ssyncset.done $0x0  }
0x2c: {  	s5 =	rddreg [dreg:$0x6];
	[sflag:s20] =	ssyncadd.s32 $0xFFFFF800  }
0x2d: {  	[spmem:s5] =	stream.linear.scatter [tilespmem:s19], [sflag:$0x5], $0x800, $0x38;
	[tilespmem:$0x12E90] =	vst v63  }
0x2e: {  	_ =	swait.ge [sflag:s20], $0x800  }
0x2f: {  	[sflag:s20] =	ssyncset.done $0x0  }
0x30: {  	s9 =	rddreg [dreg:$0x7];
	[sflag:s20] =	ssyncadd.s32 $0xFFFFF800  }
0x31: {  	[spmem:s9] =	stream.linear.scatter [tilespmem:s19], [sflag:$0x5], $0x800, $0x38;
	[tilespmem:$0x12E90] =	vst v63  }
0x32: {  	_ =	swait.ge [sflag:s20], $0x800  }
0x33: {  	[sflag:s20] =	ssyncset.done $0x0  }
0x34: {  	[sflag:s20] =	ssyncadd.s32 $0xFFFFF800  }
0x35: {  	[spmem:s10] =	stream.linear.scatter [tilespmem:s19], [sflag:$0x5], $0x800, $0x38;
	[tilespmem:$0x12E90] =	vst v63  }
0x36: {  	_ =	swait.ge [sflag:s20], $0x800  }
0x37: {  	[sflag:s20] =	ssyncset.done $0x0  }
0x38: {  	[sflag:s20] =	ssyncadd.s32 $0xFFFFF800  }
0x39: {  	[spmem:s11] =	stream.linear.scatter [tilespmem:s19], [sflag:$0x5], $0x780, $0x38;
	[tilespmem:$0x12E90] =	vst v63  }
0x3a: {  	_ =	swait.ge [sflag:s20], $0x780  }
0x3b: {  	[sflag:s20] =	ssyncset.done $0x0  }
0x3c: {  	[sflag:s20] =	ssyncadd.s32 $0xFFFFF880  }
0x3d: {  	s6 =	simm.s32 $0x0;
	[bflag:$0x0] =	sbarrier.arrive $0xFFFF  }
0x3e: {  	[tilespmem:s6], [sflag:$0x5] =	stream.linear.gather [hbm4b:s12+s6], $0x5000, $0x38;
	[tilespmem:$0x12E90] =	vst v63  }
0x3f: {  	_ =	swait.ge [sflag:s20], $0x5000  }
0x40: {  	[sflag:s20] =	ssyncset.done $0x0  }
0x41: {  	s8 =	simm.s32 $0x5000;
	[sflag:s20] =	ssyncadd.s32 $0xFFFFB000  }
0x42: {  	[tilespmem:s8], [sflag:$0x5] =	stream.linear.gather [hbm4b:s13+s6], $0x5000, $0x38;
	[tilespmem:$0x12E90] =	vst v63  }
0x43: {  	_ =	swait.ge [sflag:s20], $0x5000  }
0x44: {  	[sflag:s20] =	ssyncset.done $0x0  }
0x45: {  	s9 =	simm.s32 $0x0;
	[sflag:s20] =	ssyncadd.s32 $0xFFFFB000  }
0x46: {  	[tilespmem:s19], [sflag:$0x1] =	stream.indirect.gather [spmem:s2], $0x10, s9, s22, $0xb8;
	[tilespmem:$0x12E90] =	vst v63  }
0x47: {  	s6 =	simm.s32 $0x80  }
0x48: {  	[tilespmem:s23], [sflag:$0x1] =	stream.indirect.gather [spmem:s2], $0x10, s6, s22, $0xb8;
	[tilespmem:$0x12E90] =	vst v63  }
0x49: {  	s8 =	simm.s32 $0x100  }
0x4a: {  	[tilespmem:s24], [sflag:$0x1] =	stream.indirect.gather [spmem:s2], $0x10, s8, s22, $0xb8;
	[tilespmem:$0x12E90] =	vst v63  }
0x4b: {  	s9 =	simm.s32 $0x180  }
0x4c: {  	[tilespmem:s25], [sflag:$0x1] =	stream.indirect.gather [spmem:s2], $0x10, s9, s22, $0xb8;
	[tilespmem:$0x12E90] =	vst v63  }
0x4d: {  	s6 =	simm.s32 $0x200  }
0x4e: {  	[tilespmem:s26], [sflag:$0x2] =	stream.indirect.gather [spmem:s2], $0x10, s6, s22, $0xb8;
	[tilespmem:$0x12E90] =	vst v63  }
0x4f: {  	s8 =	simm.s32 $0x280  }
0x50: {  	[tilespmem:s28], [sflag:$0x2] =	stream.indirect.gather [spmem:s2], $0x10, s8, s22, $0xb8;
	[tilespmem:$0x12E90] =	vst v63  }
0x51: {  	s9 =	simm.s32 $0x300  }
0x52: {  	[tilespmem:s29], [sflag:$0x2] =	stream.indirect.gather [spmem:s2], $0x10, s9, s22, $0xb8;
	[tilespmem:$0x12E90] =	vst v63  }
0x53: {  	s6 =	simm.s32 $0x380  }
0x54: {  	[tilespmem:s30], [sflag:$0x2] =	stream.indirect.gather [spmem:s2], $0x10, s6, s22, $0xb8;
	[tilespmem:$0x12E90] =	vst v63  }
0x55: {  	_ =	swait.ge [sflag:s31], $0x800  }
0x56: {  	[sflag:s31] =	ssyncset.done $0x0  }
0x57: {  	[sflag:s31] =	ssyncadd.s32 $0xFFFFF800  }
0x58: {  	_ =	swait.ge [sflag:s31], $0x800  }
0x59: {  	[sflag:s31] =	ssyncset.done $0x0  }
0x5a: {  	[sflag:s31] =	ssyncadd.s32 $0xFFFFF800  }
0x5b: {  	_ =	swait.ge [sflag:s31], $0x800  }
0x5c: {  	[sflag:s31] =	ssyncset.done $0x0  }
0x5d: {  	[sflag:s31] =	ssyncadd.s32 $0xFFFFF800  }
0x5e: {  	_ =	swait.ge [sflag:s31], $0x800  }
0x5f: {  	[sflag:s31] =	ssyncset.done $0x0  }
0x60: {  	s8 =	simm.s32 $0x5000;
	[sflag:s31] =	ssyncadd.s32 $0xFFFFF800  }
0x61: {  	[spmem:s3] =	stream.indirect.scatter.add.f32 [tilespmem:s19], [sflag:$0x3], $0x10, s8, s22, $0xb8;
	[tilespmem:$0x12E90] =	vst v63  }
0x62: {  	s9 =	simm.s32 $0x5080  }
0x63: {  	[spmem:s3] =	stream.indirect.scatter.add.f32 [tilespmem:s23], [sflag:$0x3], $0x10, s9, s22, $0xb8;
	[tilespmem:$0x12E90] =	vst v63  }
0x64: {  	s6 =	simm.s32 $0x5100  }
0x65: {  	[spmem:s3] =	stream.indirect.scatter.add.f32 [tilespmem:s24], [sflag:$0x3], $0x10, s6, s22, $0xb8;
	[tilespmem:$0x12E90] =	vst v63  }
0x66: {  	s8 =	simm.s32 $0x5180  }
0x67: {  	[spmem:s3] =	stream.indirect.scatter.add.f32 [tilespmem:s25], [sflag:$0x3], $0x10, s8, s22, $0xb8;
	[tilespmem:$0x12E90] =	vst v63  }
0x68: {  	_ =	swait.ge [sflag:s1], $0x800  }
0x69: {  	[sflag:s1] =	ssyncset.done $0x0  }
0x6a: {  	[sflag:s1] =	ssyncadd.s32 $0xFFFFF800  }
0x6b: {  	_ =	swait.ge [sflag:s1], $0x800  }
0x6c: {  	[sflag:s1] =	ssyncset.done $0x0  }
0x6d: {  	[sflag:s1] =	ssyncadd.s32 $0xFFFFF800  }
0x6e: {  	_ =	swait.ge [sflag:s1], $0x800  }
0x6f: {  	[sflag:s1] =	ssyncset.done $0x0  }
0x70: {  	[sflag:s1] =	ssyncadd.s32 $0xFFFFF800  }
0x71: {  	_ =	swait.ge [sflag:s1], $0x800  }
0x72: {  	[sflag:s1] =	ssyncset.done $0x0  }
0x73: {  	s9 =	simm.s32 $0x5200;
	[sflag:s1] =	ssyncadd.s32 $0xFFFFF800  }
0x74: {  	[spmem:s3] =	stream.indirect.scatter.add.f32 [tilespmem:s26], [sflag:$0x4], $0x10, s9, s22, $0xb8;
	[tilespmem:$0x12E90] =	vst v63  }
0x75: {  	s6 =	simm.s32 $0x5280  }
0x76: {  	[spmem:s3] =	stream.indirect.scatter.add.f32 [tilespmem:s28], [sflag:$0x4], $0x10, s6, s22, $0xb8;
	[tilespmem:$0x12E90] =	vst v63  }
0x77: {  	s8 =	simm.s32 $0x5300  }
0x78: {  	[spmem:s3] =	stream.indirect.scatter.add.f32 [tilespmem:s29], [sflag:$0x4], $0x10, s8, s22, $0xb8;
	[tilespmem:$0x12E90] =	vst v63  }
0x79: {  	s9 =	simm.s32 $0x5380  }
0x7a: {  	[spmem:s3] =	stream.indirect.scatter.add.f32 [tilespmem:s30], [sflag:$0x4], $0x10, s9, s22, $0xb8;
	[tilespmem:$0x12E90] =	vst v63  }
0x7b: {  	_ =	swait.ge [sflag:s21], $0x800  }
0x7c: {  	[sflag:s21] =	ssyncset.done $0x0  }
0x7d: {  	[sflag:s21] =	ssyncadd.s32 $0xFFFFF800  }
0x7e: {  	_ =	swait.ge [sflag:s21], $0x800  }
0x7f: {  	[sflag:s21] =	ssyncset.done $0x0  }
0x80: {  	[sflag:s21] =	ssyncadd.s32 $0xFFFFF800  }
0x81: {  	_ =	swait.ge [sflag:s21], $0x800  }
0x82: {  	[sflag:s21] =	ssyncset.done $0x0  }
0x83: {  	[sflag:s21] =	ssyncadd.s32 $0xFFFFF800  }
0x84: {  	_ =	swait.ge [sflag:s21], $0x800  }
0x85: {  	[sflag:s21] =	ssyncset.done $0x0  }
0x86: {  	[sflag:s21] =	ssyncadd.s32 $0xFFFFF800  }
0x87: {  	_ =	swait.ge [sflag:s0], $0x800  }
0x88: {  	[sflag:s0] =	ssyncset.done $0x0  }
0x89: {  	[sflag:s0] =	ssyncadd.s32 $0xFFFFF800  }
0x8a: {  	_ =	swait.ge [sflag:s0], $0x800  }
0x8b: {  	[sflag:s0] =	ssyncset.done $0x0  }
0x8c: {  	[sflag:s0] =	ssyncadd.s32 $0xFFFFF800  }
0x8d: {  	_ =	swait.ge [sflag:s0], $0x800  }
0x8e: {  	[sflag:s0] =	ssyncset.done $0x0  }
0x8f: {  	[sflag:s0] =	ssyncadd.s32 $0xFFFFF800  }
0x90: {  	_ =	swait.ge [sflag:s0], $0x800  }
0x91: {  	s5 =	simm.s32 $0x1000;
	s6 =	simm.s32 $0x2000;
	[sflag:s0] =	ssyncset.done $0x0  }
.LBB2_4:
0x92: {  	s8 =	sshra.s32 s5, $0x2  }
0x93: {  	[sflag:s0] =	ssyncadd.s32 $0xFFFFF800;
	s5 =	smov.u32 s6;
	s9 =	sadd.s32 $0x1000, s6  }
0x94: {  	[tilespmem:s19], [sflag:$0x1] =	stream.indirect.gather [spmem:s2], $0x10, s8, s22, $0xb8;
	[tilespmem:$0x12E90] =	vst v63  }
0x95: {  	p1 =	sne.s32 s6, $0x13000;
	s6 =	sadd.s32 $0x80, s8  }
0x96: {  	[tilespmem:s23], [sflag:$0x1] =	stream.indirect.gather [spmem:s2], $0x10, s6, s22, $0xb8;
	[tilespmem:$0x12E90] =	vst v63  }
0x97: {  	s6 =	sadd.s32 $0x100, s8  }
0x98: {  	[tilespmem:s24], [sflag:$0x1] =	stream.indirect.gather [spmem:s2], $0x10, s6, s22, $0xb8;
	[tilespmem:$0x12E90] =	vst v63  }
0x99: {  	s6 =	sadd.s32 $0x180, s8  }
0x9a: {  	[tilespmem:s25], [sflag:$0x1] =	stream.indirect.gather [spmem:s2], $0x10, s6, s22, $0xb8;
	[tilespmem:$0x12E90] =	vst v63  }
0x9b: {  	s6 =	sadd.s32 $0x200, s8  }
0x9c: {  	[tilespmem:s26], [sflag:$0x2] =	stream.indirect.gather [spmem:s2], $0x10, s6, s22, $0xb8;
	[tilespmem:$0x12E90] =	vst v63  }
0x9d: {  	s6 =	sadd.s32 $0x280, s8  }
0x9e: {  	[tilespmem:s28], [sflag:$0x2] =	stream.indirect.gather [spmem:s2], $0x10, s6, s22, $0xb8;
	[tilespmem:$0x12E90] =	vst v63  }
0x9f: {  	s6 =	sadd.s32 $0x300, s8  }
0xa0: {  	[tilespmem:s29], [sflag:$0x2] =	stream.indirect.gather [spmem:s2], $0x10, s6, s22, $0xb8;
	[tilespmem:$0x12E90] =	vst v63  }
0xa1: {  	s6 =	sadd.s32 $0x380, s8  }
0xa2: {  	[tilespmem:s30], [sflag:$0x2] =	stream.indirect.gather [spmem:s2], $0x10, s6, s22, $0xb8;
	[tilespmem:$0x12E90] =	vst v63  }
0xa3: {  	_ =	swait.ge [sflag:s31], $0x800  }
0xa4: {  	[sflag:s31] =	ssyncset.done $0x0  }
0xa5: {  	[sflag:s31] =	ssyncadd.s32 $0xFFFFF800  }
0xa6: {  	_ =	swait.ge [sflag:s31], $0x800  }
0xa7: {  	[sflag:s31] =	ssyncset.done $0x0  }
0xa8: {  	[sflag:s31] =	ssyncadd.s32 $0xFFFFF800  }
0xa9: {  	_ =	swait.ge [sflag:s31], $0x800  }
0xaa: {  	[sflag:s31] =	ssyncset.done $0x0  }
0xab: {  	[sflag:s31] =	ssyncadd.s32 $0xFFFFF800  }
0xac: {  	_ =	swait.ge [sflag:s31], $0x800  }
0xad: {  	[sflag:s31] =	ssyncset.done $0x0  }
0xae: {  	s6 =	sadd.s32 $0x5000, s8;
	[sflag:s31] =	ssyncadd.s32 $0xFFFFF800  }
0xaf: {  	[spmem:s3] =	stream.indirect.scatter.add.f32 [tilespmem:s19], [sflag:$0x3], $0x10, s6, s22, $0xb8;
	[tilespmem:$0x12E90] =	vst v63  }
0xb0: {  	s6 =	sadd.s32 $0x5080, s8  }
0xb1: {  	[spmem:s3] =	stream.indirect.scatter.add.f32 [tilespmem:s23], [sflag:$0x3], $0x10, s6, s22, $0xb8;
	[tilespmem:$0x12E90] =	vst v63  }
0xb2: {  	s6 =	sadd.s32 $0x5100, s8  }
0xb3: {  	[spmem:s3] =	stream.indirect.scatter.add.f32 [tilespmem:s24], [sflag:$0x3], $0x10, s6, s22, $0xb8;
	[tilespmem:$0x12E90] =	vst v63  }
0xb4: {  	s6 =	sadd.s32 $0x5180, s8  }
0xb5: {  	[spmem:s3] =	stream.indirect.scatter.add.f32 [tilespmem:s25], [sflag:$0x3], $0x10, s6, s22, $0xb8;
	[tilespmem:$0x12E90] =	vst v63  }
0xb6: {  	_ =	swait.ge [sflag:s1], $0x800  }
0xb7: {  	[sflag:s1] =	ssyncset.done $0x0  }
0xb8: {  	[sflag:s1] =	ssyncadd.s32 $0xFFFFF800  }
0xb9: {  	_ =	swait.ge [sflag:s1], $0x800  }
0xba: {  	[sflag:s1] =	ssyncset.done $0x0  }
0xbb: {  	[sflag:s1] =	ssyncadd.s32 $0xFFFFF800  }
0xbc: {  	_ =	swait.ge [sflag:s1], $0x800  }
0xbd: {  	[sflag:s1] =	ssyncset.done $0x0  }
0xbe: {  	[sflag:s1] =	ssyncadd.s32 $0xFFFFF800  }
0xbf: {  	_ =	swait.ge [sflag:s1], $0x800  }
0xc0: {  	[sflag:s1] =	ssyncset.done $0x0  }
0xc1: {  	s6 =	sadd.s32 $0x5200, s8;
	[sflag:s1] =	ssyncadd.s32 $0xFFFFF800  }
0xc2: {  	[spmem:s3] =	stream.indirect.scatter.add.f32 [tilespmem:s26], [sflag:$0x4], $0x10, s6, s22, $0xb8;
	[tilespmem:$0x12E90] =	vst v63  }
0xc3: {  	s6 =	sadd.s32 $0x5280, s8  }
0xc4: {  	[spmem:s3] =	stream.indirect.scatter.add.f32 [tilespmem:s28], [sflag:$0x4], $0x10, s6, s22, $0xb8;
	[tilespmem:$0x12E90] =	vst v63  }
0xc5: {  	s6 =	sadd.s32 $0x5300, s8  }
0xc6: {  	[spmem:s3] =	stream.indirect.scatter.add.f32 [tilespmem:s29], [sflag:$0x4], $0x10, s6, s22, $0xb8;
	[tilespmem:$0x12E90] =	vst v63  }
0xc7: {  	s6 =	sadd.s32 $0x5380, s8  }
0xc8: {  	[spmem:s3] =	stream.indirect.scatter.add.f32 [tilespmem:s30], [sflag:$0x4], $0x10, s6, s22, $0xb8;
	[tilespmem:$0x12E90] =	vst v63  }
0xc9: {  	_ =	swait.ge [sflag:s21], $0x800  }
0xca: {  	[sflag:s21] =	ssyncset.done $0x0  }
0xcb: {  	[sflag:s21] =	ssyncadd.s32 $0xFFFFF800  }
0xcc: {  	_ =	swait.ge [sflag:s21], $0x800  }
0xcd: {  	[sflag:s21] =	ssyncset.done $0x0  }
0xce: {  	[sflag:s21] =	ssyncadd.s32 $0xFFFFF800  }
0xcf: {  	_ =	swait.ge [sflag:s21], $0x800  }
0xd0: {  	[sflag:s21] =	ssyncset.done $0x0  }
0xd1: {  	[sflag:s21] =	ssyncadd.s32 $0xFFFFF800  }
0xd2: {  	_ =	swait.ge [sflag:s21], $0x800  }
0xd3: {  	[sflag:s21] =	ssyncset.done $0x0  }
0xd4: {  	[sflag:s21] =	ssyncadd.s32 $0xFFFFF800  }
0xd5: {  	_ =	swait.ge [sflag:s0], $0x800  }
0xd6: {  	[sflag:s0] =	ssyncset.done $0x0  }
0xd7: {  	[sflag:s0] =	ssyncadd.s32 $0xFFFFF800  }
0xd8: {  	_ =	swait.ge [sflag:s0], $0x800  }
0xd9: {  	[sflag:s0] =	ssyncset.done $0x0  }
0xda: {  	[sflag:s0] =	ssyncadd.s32 $0xFFFFF800  }
.Ltmp1:
0xdb: {  	_ =	swait.ge [sflag:s0], $0x800;
	(pc) =	sbr.rel @p1 .LBB2_4-.Ltmp1, $4  }
0xdc: {  	[sflag:s0] =	ssyncset.done $0x0  }
0xdd: {  	[sflag:s0] =	ssyncadd.s32 $0xFFFFF800  }
0xde: {  	_ =	swait.ge [sflag:s0], $0x800  }
0xdf: {  	s6 =	smov.u32 s9;
	[sflag:s0] =	ssyncset.done $0x0  }
0xe0: {  	s5 =	sshra.s32 s5, $0x2;
	[sflag:s0] =	ssyncadd.s32 $0xFFFFF800  }
0xe1: {  	[tilespmem:s19], [sflag:$0x1] =	stream.indirect.gather [spmem:s2], $0x10, s5, s22, $0xb8;
	[tilespmem:$0x12E90] =	vst v63  }
0xe2: {  	s6 =	sadd.s32 $0x80, s5  }
0xe3: {  	[tilespmem:s23], [sflag:$0x1] =	stream.indirect.gather [spmem:s2], $0x10, s6, s22, $0xb8;
	[tilespmem:$0x12E90] =	vst v63  }
0xe4: {  	s9 =	sadd.s32 $0x100, s5  }
0xe5: {  	[tilespmem:s24], [sflag:$0x1] =	stream.indirect.gather [spmem:s2], $0x10, s9, s22, $0xb8;
	[tilespmem:$0x12E90] =	vst v63  }
0xe6: {  	s8 =	sadd.s32 $0x180, s5  }
0xe7: {  	[tilespmem:s25], [sflag:$0x1] =	stream.indirect.gather [spmem:s2], $0x10, s8, s22, $0xb8;
	[tilespmem:$0x12E90] =	vst v63  }
0xe8: {  	s9 =	sadd.s32 $0x200, s5  }
0xe9: {  	[tilespmem:s26], [sflag:$0x2] =	stream.indirect.gather [spmem:s2], $0x10, s9, s22, $0xb8;
	[tilespmem:$0x12E90] =	vst v63  }
0xea: {  	s8 =	sadd.s32 $0x280, s5  }
0xeb: {  	[tilespmem:s28], [sflag:$0x2] =	stream.indirect.gather [spmem:s2], $0x10, s8, s22, $0xb8;
	[tilespmem:$0x12E90] =	vst v63  }
0xec: {  	s9 =	sadd.s32 $0x300, s5  }
0xed: {  	[tilespmem:s29], [sflag:$0x2] =	stream.indirect.gather [spmem:s2], $0x10, s9, s22, $0xb8;
	[tilespmem:$0x12E90] =	vst v63  }
0xee: {  	s8 =	sadd.s32 $0x380, s5  }
0xef: {  	[tilespmem:s30], [sflag:$0x2] =	stream.indirect.gather [spmem:s2], $0x10, s8, s22, $0xb8;
	[tilespmem:$0x12E90] =	vst v63  }
0xf0: {  	_ =	swait.ge [sflag:s31], $0x800  }
0xf1: {  	[sflag:s31] =	ssyncset.done $0x0  }
0xf2: {  	[sflag:s31] =	ssyncadd.s32 $0xFFFFF800  }
0xf3: {  	_ =	swait.ge [sflag:s31], $0x800  }
0xf4: {  	[sflag:s31] =	ssyncset.done $0x0  }
0xf5: {  	[sflag:s31] =	ssyncadd.s32 $0xFFFFF800  }
0xf6: {  	_ =	swait.ge [sflag:s31], $0x800  }
0xf7: {  	[sflag:s31] =	ssyncset.done $0x0  }
0xf8: {  	[sflag:s31] =	ssyncadd.s32 $0xFFFFF800  }
0xf9: {  	_ =	swait.ge [sflag:s31], $0x800  }
0xfa: {  	[sflag:s31] =	ssyncset.done $0x0  }
0xfb: {  	s9 =	sadd.s32 $0x5000, s5;
	[sflag:s31] =	ssyncadd.s32 $0xFFFFF800  }
0xfc: {  	[spmem:s3] =	stream.indirect.scatter.add.f32 [tilespmem:s19], [sflag:$0x3], $0x10, s9, s22, $0xb8;
	[tilespmem:$0x12E90] =	vst v63  }
0xfd: {  	s8 =	sadd.s32 $0x5080, s5  }
0xfe: {  	[spmem:s3] =	stream.indirect.scatter.add.f32 [tilespmem:s23], [sflag:$0x3], $0x10, s8, s22, $0xb8;
	[tilespmem:$0x12E90] =	vst v63  }
0xff: {  	s9 =	sadd.s32 $0x5100, s5  }
0x100: {  	[spmem:s3] =	stream.indirect.scatter.add.f32 [tilespmem:s24], [sflag:$0x3], $0x10, s9, s22, $0xb8;
	[tilespmem:$0x12E90] =	vst v63  }
0x101: {  	s8 =	sadd.s32 $0x5180, s5  }
0x102: {  	[spmem:s3] =	stream.indirect.scatter.add.f32 [tilespmem:s25], [sflag:$0x3], $0x10, s8, s22, $0xb8;
	[tilespmem:$0x12E90] =	vst v63  }
0x103: {  	_ =	swait.ge [sflag:s1], $0x800  }
0x104: {  	[sflag:s1] =	ssyncset.done $0x0  }
0x105: {  	[sflag:s1] =	ssyncadd.s32 $0xFFFFF800  }
0x106: {  	_ =	swait.ge [sflag:s1], $0x800  }
0x107: {  	[sflag:s1] =	ssyncset.done $0x0  }
0x108: {  	[sflag:s1] =	ssyncadd.s32 $0xFFFFF800  }
0x109: {  	_ =	swait.ge [sflag:s1], $0x800  }
0x10a: {  	[sflag:s1] =	ssyncset.done $0x0  }
0x10b: {  	[sflag:s1] =	ssyncadd.s32 $0xFFFFF800  }
0x10c: {  	_ =	swait.ge [sflag:s1], $0x800  }
0x10d: {  	[sflag:s1] =	ssyncset.done $0x0  }
0x10e: {  	s9 =	sadd.s32 $0x5200, s5;
	[sflag:s1] =	ssyncadd.s32 $0xFFFFF800  }
0x10f: {  	[spmem:s3] =	stream.indirect.scatter.add.f32 [tilespmem:s26], [sflag:$0x4], $0x10, s9, s22, $0xb8;
	[tilespmem:$0x12E90] =	vst v63  }
0x110: {  	s8 =	sadd.s32 $0x5280, s5  }
0x111: {  	[spmem:s3] =	stream.indirect.scatter.add.f32 [tilespmem:s28], [sflag:$0x4], $0x10, s8, s22, $0xb8;
	[tilespmem:$0x12E90] =	vst v63  }
0x112: {  	s9 =	sadd.s32 $0x5300, s5  }
0x113: {  	[spmem:s3] =	stream.indirect.scatter.add.f32 [tilespmem:s29], [sflag:$0x4], $0x10, s9, s22, $0xb8;
	[tilespmem:$0x12E90] =	vst v63  }
0x114: {  	s5 =	sadd.s32 $0x5380, s5  }
0x115: {  	[spmem:s3] =	stream.indirect.scatter.add.f32 [tilespmem:s30], [sflag:$0x4], $0x10, s5, s22, $0xb8;
	[tilespmem:$0x12E90] =	vst v63  }
0x116: {  	_ =	swait.ge [sflag:s21], $0x800  }
0x117: {  	[sflag:s21] =	ssyncset.done $0x0  }
0x118: {  	[sflag:s21] =	ssyncadd.s32 $0xFFFFF800  }
0x119: {  	_ =	swait.ge [sflag:s21], $0x800  }
0x11a: {  	[sflag:s21] =	ssyncset.done $0x0  }
0x11b: {  	[sflag:s21] =	ssyncadd.s32 $0xFFFFF800  }
0x11c: {  	_ =	swait.ge [sflag:s21], $0x800  }
0x11d: {  	[sflag:s21] =	ssyncset.done $0x0  }
0x11e: {  	[sflag:s21] =	ssyncadd.s32 $0xFFFFF800  }
0x11f: {  	_ =	swait.ge [sflag:s21], $0x800  }
0x120: {  	[sflag:s21] =	ssyncset.done $0x0  }
0x121: {  	[sflag:s21] =	ssyncadd.s32 $0xFFFFF800  }
0x122: {  	_ =	swait.ge [sflag:s0], $0x800  }
0x123: {  	[sflag:s0] =	ssyncset.done $0x0  }
0x124: {  	[sflag:s0] =	ssyncadd.s32 $0xFFFFF800  }
0x125: {  	_ =	swait.ge [sflag:s0], $0x800  }
0x126: {  	[sflag:s0] =	ssyncset.done $0x0  }
0x127: {  	[sflag:s0] =	ssyncadd.s32 $0xFFFFF800  }
0x128: {  	_ =	swait.ge [sflag:s0], $0x800  }
0x129: {  	[sflag:s0] =	ssyncset.done $0x0  }
0x12a: {  	[sflag:s0] =	ssyncadd.s32 $0xFFFFF800  }
0x12b: {  	s4 =	sadd.s32 $0x1, s4;
	_ =	swait.ge [sflag:s0], $0x800  }
0x12c: {  	p1 =	sne.s32 s4, s15;
	s8 =	stileid.u32;
	[sflag:s0] =	ssyncset.done $0x0  }
0x12d: {  	s9 =	sshrl.u32 s7, $0x3;
	s5 =	sshll.u32 s8, $0x6;
	[sflag:s0] =	ssyncadd.s32 $0xFFFFF800  }
.Ltmp2:
0x12e: {  	s5 =	sor.u32 $0x1C05, s5;
	[bflag:$0x0] =	sbarrier.arrive $0xFFFF;
	(pc) =	sbr.rel @p1 .LBB2_1-.Ltmp2, $4  }
0x12f: {  	[hbm:s14], [sflag:s5] =	dma.local [spmem:s9], $0x4F0  }
0x130: {  	_ =	swait.ge [sflag:s20], $0x4F0  }
0x131: {  	[sflag:s20] =	ssyncset.done $0x0  }
0x132: {  	[sflag:s20] =	ssyncadd.s32 $0xFFFFFB10  }
0x133: {  	_ =	sfence.sel $0x180000  }
0x134: {  	[bflag:$0x0] =	sbarrier.arrive $0xFFFF  }
0x135: {  	_ =	strace $0x9000004A  }
0x136: {  	s0 =	stileid.u32;
	[bflag:$0x2] =	sbarrier.arrive $0xFFFF  }
0x137: {  	p0 =	sne.s32 s0, $0x0;
	s0 =	rddreg [dreg:$0x3]  }
0x138: {  	s0 =	sadd.s32 @!p0 $0x100000, s0  }
0x139: {  	[sflag:s0] =	ssyncadd.tile.s32 @!p0 $0x1;
	_ =	shalt  }
.Lfunc_end2:
_tile_overlayer_lowered:
.L_overlay_start_2:
0x13a: {  	(tag) =	ssettag $0x2  }
0x13b: {  	s0 =	rddreg [dreg:$0x0];
	s2 =	stileid.u32  }
0x13c: {  	s1 =	rddreg [dreg:$0x1];
	p0 =	sne.s32 s2, $0x0  }
0x13d: {  	s3 =	rddreg [dreg:$0x2];
	[bflag:$0x3] =	sbarrier.arrive $0xFFFF;
	s2 =	simm.s32 @!p0 $0x1C05  }
0x13e: {  	[timem:s3], [sflag:s2] =	dma.local @!p0 [hbm:s0], s1  }
0x13f: {  	s0 =	simm.s32 @!p0 $0x5  }
0x140: {  	_ =	swait.ge @!p0 [sflag:s0], s1  }
0x141: {  	s1 =	ssub.s32 @!p0 $0x0, s1;
	[sflag:s0] =	ssyncset.done @!p0 $0x0  }
0x142: {  	[sflag:s0] =	ssyncadd.s32 @!p0 s1  }
0x143: {  	[bflag:$0x3] =	sbarrier.arrive $0xFFFF  }
0x144: {  	_ =	shalt  }

// kernel: kernel.16.cloned.1.call-start
scs
__scs_entry_jumppad:
0x0: {  	(pc) =	sbr.rel $0x88, $3  }
0x1: {  	(tag) =	ssettag $0x0;
	lr =	simm.s32 $0x1  }
0x2: {  	[smem:$0x3F98] =	sst lr;
	_ =	strace $0xD0000000  }
0x3: {  	_ = 	snop  }
0x4: {  	_ = 	snop  }
0x5: {  	_ = 	snop  }
0x6: {  	_ = 	snop  }
0x7: {  	_ = 	snop  }
__scs_overlays_trampoline_lowered:
0x8: {  	[smem:$0x3FA7] =	sst s0  }
0x9: {  	[smem:$0x3FA8] =	sst s1  }
0xa: {  	[smem:$0x3FA9] =	sst s2  }
0xb: {  	[smem:$0x3FAA] =	sst s3  }
0xc: {  	[smem:$0x3FAB] =	sst s4  }
0xd: {  	[smem:$0x3FAC] =	sst s5  }
0xe: {  	[smem:$0x3FAD] =	sst s6  }
0xf: {  	[smem:$0x3FAE] =	sst s7  }
0x10: {  	[smem:$0x3FAF] =	sst s8  }
0x11: {  	[smem:$0x3FB0] =	sst s9;
	s0 =	simm.s32 @!p0 $0x0  }
0x12: {  	s1 =	sld [smem:$0x3F96];
	s0 =	simm.s32 @p0 $0x1  }
0x13: {  	[smem:$0x3FB1] =	sst s0;
	s0 =	simm.s32 @!p1 $0x0  }
0x14: {  	s2 =	sld [smem:$0x3F95];
	s0 =	simm.s32 @p1 $0x1  }
0x15: {  	[smem:$0x3FB2] =	sst s0;
	s0 =	simm.s32 @!p2 $0x0  }
0x16: {  	s3 =	sld [smem:$0x3FDB];
	s0 =	simm.s32 @p2 $0x1  }
0x17: {  	s4 =	simm.s32 $0x1BF5;
	[smem:$0x3FB4] =	sst s0  }
0x18: {  	s0 =	sld [smem:$0x3F97];
	_ =	swait.ge [sflag:s4], $0x0  }
0x19: {  	s7 =	sld [smem:$0x3F98]  }
0x1a: {  	s8 =	sadd.s32 $0xFFFFE003, lr  }
0x1b: {  	s9 =	sadd.s32 $0xFFFFFEF7, lr;
	s5 =	simm.s32 $0xFFFFFFFF;
	p2 =	slt.u32 s8, $0xFFFFF086  }
0x1c: {  	p1 =	slt.u32 s9, $0xF7A;
	s5 =	simm.s32 @!p2 $0x0  }
0x1d: {  	s5 =	simm.s32 @p1 $0x1;
	p0 =	seq.s32 s7, s2  }
0x1e: {  	s7 =	smul.u32 @!p0 $0xF7A, s2;
	p2 =	seq.s32 @!p0 s5, $0x0  }
0x1f: {  	s9 =	smul.u32 $0xF7A, s1;
	s8 =	simm.s32 @!p0 $0x1BF5;
	p2 =	por !p2, p0  }
0x20: {  	[sflag:s8] =	ssyncset.s32 @!p0 $0xFFFFF086;
	s6 =	sadd.s32 @!p0 s3, s7;
	s7 =	simm.s32 @!p0 $0x108  }
0x21: {  	s3 =	sadd.s32 s3, s9;
	s6 =	sadd.s32 @!p0 $0x88, s6;
	s7 =	simm.s32 @p2 $0x1082  }
0x22: {  	[simem:s7], [sflag:s8] =	dma.local @!p0 [hbm:s6], $0xF7A  }
0x23: {  	s9 =	sor.u32 $0xD0000000, s2;
	s6 =	simm.s32 $0x108;
	_ =	swait.ge @!p0 [sflag:s8], $0x0  }
0x24: {  	s3 =	sadd.s32 $0x88, s3;
	s6 =	simm.s32 @!p1 $0x1082;
	[sflag:s4] =	ssyncset.s32 $0xFFFFF086  }
0x25: {  	[simem:s6], [sflag:s4] =	dma.local [hbm:s3], $0xF7A  }
0x26: {  	[smem:$0x3F98] =	sst s1;
	(tag) =	ssettag s2;
	_ =	strace s9  }
0x27: {  	s1 =	sld [smem:$0x3FA8]  }
0x28: {  	s2 =	sld [smem:$0x3FA9]  }
0x29: {  	s4 =	sld [smem:$0x3FAB]  }
0x2a: {  	p0 =	seq.s32 s5, $0x0;
	s5 =	sld [smem:$0x3FAC]  }
0x2b: {  	s6 =	sld [smem:$0x3FAD]  }
0x2c: {  	s7 =	sld [smem:$0x3FAE]  }
0x2d: {  	s3 =	simm.s32 $0x108;
	s8 =	sld [smem:$0x3FAF]  }
0x2e: {  	s3 =	simm.s32 @!p0 $0x1082;
	s9 =	sld [smem:$0x3FB0]  }
0x2f: {  	lr =	sadd.s32 s0, s3;
	s0 =	sld [smem:$0x3FA7]  }
0x30: {  	s3 =	sld [smem:$0x3FAA]  }
0x31: {  	[smem:$0x3FB3] =	sst s10  }
0x32: {  	s10 =	sld [smem:$0x3FB1];
	_ =	sdelay $0x3  }
0x33: {  	p0 =	seq.s32 s10, $0x1;
	s10 =	sld [smem:$0x3FB3];
	_ =	sdelay $0x3  }
0x34: {  	[smem:$0x3FB3] =	sst s10  }
0x35: {  	s10 =	sld [smem:$0x3FB2];
	_ =	sdelay $0x3  }
0x36: {  	p1 =	seq.s32 s10, $0x1;
	s10 =	sld [smem:$0x3FB3];
	_ =	sdelay $0x3  }
0x37: {  	[smem:$0x3FB3] =	sst s10  }
0x38: {  	s10 =	sld [smem:$0x3FB4]  }
0x39: {  	_ = 	snop;
	(pc) =	sbr.ind lr, $3  }
0x3a: {  	_ = 	snop  }
0x3b: {  	_ = 	snop  }
0x3c: {  	p2 =	seq.s32 s10, $0x1;
	s10 =	sld [smem:$0x3FB3]  }
0x3d: {  	_ =	shalt  }
0x3e: {  	_ =	shalt  }
0x3f: {  	_ =	shalt  }
0x40: {  	_ =	shalt  }
0x41: {  	_ =	shalt  }
0x42: {  	_ =	shalt  }
0x43: {  	_ =	shalt  }
0x44: {  	_ =	shalt  }
0x45: {  	_ =	shalt  }
0x46: {  	_ =	shalt  }
0x47: {  	_ =	shalt  }
0x48: {  	_ =	shalt  }
0x49: {  	_ =	shalt  }
0x4a: {  	_ =	shalt  }
0x4b: {  	_ =	shalt  }
0x4c: {  	_ =	shalt  }
0x4d: {  	_ =	shalt  }
0x4e: {  	_ =	shalt  }
0x4f: {  	_ =	shalt  }
0x50: {  	_ =	shalt  }
0x51: {  	_ =	shalt  }
0x52: {  	_ =	shalt  }
0x53: {  	_ =	shalt  }
0x54: {  	_ =	shalt  }
0x55: {  	_ =	shalt  }
0x56: {  	_ =	shalt  }
0x57: {  	_ =	shalt  }
0x58: {  	_ =	shalt  }
0x59: {  	_ =	shalt  }
0x5a: {  	_ =	shalt  }
0x5b: {  	_ =	shalt  }
0x5c: {  	_ =	shalt  }
0x5d: {  	_ =	shalt  }
0x5e: {  	_ =	shalt  }
0x5f: {  	_ =	shalt  }
0x60: {  	_ =	shalt  }
0x61: {  	_ =	shalt  }
0x62: {  	_ =	shalt  }
0x63: {  	_ =	shalt  }
0x64: {  	_ =	shalt  }
0x65: {  	_ =	shalt  }
0x66: {  	_ =	shalt  }
0x67: {  	_ =	shalt  }
0x68: {  	_ =	shalt  }
0x69: {  	_ =	shalt  }
0x6a: {  	_ =	shalt  }
0x6b: {  	_ =	shalt  }
0x6c: {  	_ =	shalt  }
0x6d: {  	_ =	shalt  }
0x6e: {  	_ =	shalt  }
0x6f: {  	_ =	shalt  }
0x70: {  	_ =	shalt  }
0x71: {  	_ =	shalt  }
0x72: {  	_ =	shalt  }
0x73: {  	_ =	shalt  }
0x74: {  	_ =	shalt  }
0x75: {  	_ =	shalt  }
0x76: {  	_ =	shalt  }
0x77: {  	_ =	shalt  }
0x78: {  	_ =	shalt  }
0x79: {  	_ =	shalt  }
0x7a: {  	_ =	shalt  }
0x7b: {  	_ =	shalt  }
0x7c: {  	_ =	shalt  }
0x7d: {  	_ =	shalt  }
0x7e: {  	_ =	shalt  }
0x7f: {  	_ =	shalt  }
0x80: {  	_ =	shalt  }
0x81: {  	_ =	shalt  }
0x82: {  	_ =	shalt  }
0x83: {  	_ =	shalt  }
0x84: {  	_ =	shalt  }
0x85: {  	_ =	shalt  }
0x86: {  	_ =	shalt  }
0x87: {  	_ =	shalt  }
.Lfunc_end0:
.L_simem_size_0:
called_computation.2_lowered:
.L_overlay_start_0:
0x88: {  	s2 =	sld [smem:$0x3FD9]  }
0x89: {  	s3 =	sld [smem:$0x3FFE];
	_ =	sdelay $0x1  }
0x8a: {  	s1 =	srdreg.scid  }
0x8b: {  	s0 =	sand.u32 $0x1, s1  }
0x8c: {  	s16 =	sshll.u32 s0, $0xA;
	s2 =	sadd.s32 s3, s2  }
0x8d: {  	s2 =	sadd.s32 s2, s16  }
0x8e: {  	[smem:$0x3FBF] =	sst s2  }
0x8f: {  	_ = 	snop  }
0x90: {  	(tm) =	ssettm $0x1  }
0x91: {  	s17 =	sld [smem:$0x3FFB];
	_ =	sdelay $0x3  }
0x92: {  	_ =	strace s17  }
0x93: {  	s2 =	sld [smem:$0x3FFC];
	_ =	sdelay $0x3  }
0x94: {  	_ =	strace s2  }
0x95: {  	s2 =	sld [smem:$0x3FFD];
	_ =	sdelay $0x3  }
0x96: {  	_ =	strace s2  }
0x97: {  	_ =	strace $0x8FFFFFFF  }
0x98: {  	s18 =	sld [smem:$0x3FDB];
	_ =	sdelay $0x1  }
0x99: {  	s19 =	simm.s32 $_scs_section_size  }
0x9a: {  	s4 =	simm.s32 $_size__tile_overlayer_lowered;
	s5 =	simm.s32 $_tile_overlayer_lowered  }
0x9b: {  	s22 =	simm.s32 $0x1BFF;
	s21 =	sshll.u32 s5, $0x1;
	s2 =	sadd.s32 s19, s18  }
0x9c: {  	s6 =	simm.s32 $0x0;
	s20 =	sshll.u32 s4, $0x1;
	s4 =	sadd.s32 s21, s2  }
0x9d: {  	[timem:s6], [sflag:s22] =	dma.local [hbm:s4], s20  }
0x9e: {  	_ =	swait.ge [sflag:s22], s20  }
0x9f: {  	s3 =	ssub.s32 $0x0, s20;
	[sflag:s22] =	ssyncset.done $0x0  }
0xa0: {  	[sflag:s22] =	ssyncadd.s32 s3;
	_ =	sdelay $0x1  }
0xa1: {  	s23 =	simm.s32 $0x1B8B  }
0xa2: {  	_ =	swait.ge [sflag:s23], $0x1  }
0xa3: {  	[sflag:s23] =	ssyncset.done $0x0  }
0xa4: {  	s25 =	simm.s32 $0x1B8E;
	s24 =	sld [smem:$0x3FFE];
	[sflag:s23] =	ssyncadd.s32 $0xFFFFFFFF  }
0xa5: {  	s26 =	simm.s32 $execute0_lowered;
	[smem:$0x3FD2] =	sst s25  }
0xa6: {  	s4 =	sshll.u32 s26, $0x1;
	_ =	strace $0x8000004C;
	[dreg:$0x1] =	wrdreg $0xFFFFFFFF  }
0xa7: {  	s28 =	simm.s32 $_size_execute0_lowered;
	s2 =	sadd.s32 s2, s4;
	[dreg:$0x0] =	wrdreg $0x0  }
0xa8: {  	s4 =	sshll.u32 s28, $0x1;
	[dreg:$0x2] =	wrdreg s2  }
0xa9: {  	[dreg:$0x3] =	wrdreg s4  }
0xaa: {  	[dreg:$0x4] =	wrdreg $0xC0  }
0xab: {  	_ =	task [dreg:s6], $0x5FFFF  }
0xac: {  	[dreg:$0x1] =	wrdreg $0xFFFFFFFF  }
0xad: {  	[dreg:$0x0] =	wrdreg $0x60  }
0xae: {  	[dreg:$0x2] =	wrdreg s24  }
0xaf: {  	[dreg:$0x3] =	wrdreg $0x16F000  }
0xb0: {  	[dreg:$0x4] =	wrdreg $0x120000  }
0xb1: {  	[dreg:$0x5] =	wrdreg $0x9  }
0xb2: {  	_ =	task.clear_ibuf [dreg:s6], $0x6FFFF;
	_ =	strace $0x9000004C  }
0xb3: {  	s29 =	simm.s32 $0x9;
	_ =	strace $0x8000004E  }
0xb4: {  	_ =	swait.ge [sflag:s29], $0x1  }
0xb5: {  	[sflag:s29] =	ssyncadd.s32 $0xFFFFFFFF  }
0xb6: {  	_ =	strace $0x9000004E  }
0xb7: {  	_ =	sfence  }
0xb8: {  	s30 =	sld [smem:$0x0];
	_ =	sdelay $0x2  }
0xb9: {  	s31 =	sshll.u32 s1, $0xD;
	s1 =	sshrl.u32 s1, $0x2  }
0xba: {  	s3 =	sand.u32 $0x4000, s31;
	s1 =	sadd.s32 s1, s30  }
0xbb: {  	s0 =	sor.u32 s3, s0;
	s1 =	sshll.u32 s1, $0x11  }
0xbc: {  	s0 =	sor.u32 s1, s0  }
0xbd: {  	s0 =	sadd.s32 $0x8F2B, s0  }
0xbe: {  	[sflag:s0] =	ssyncadd.remote.s32 $0x1  }
0xbf: {  	_ =	sfence.sel $0xFFFF  }
0xc0: {  	[dreg:$0x0] =	wrdreg $0xFFFFFFFF;
	(pc) =	sbr.abs _section_cstart, $3  }
0xc1: {  	[dreg:$0x1] =	wrdreg $0xFFFFFFFF  }
0xc2: {  	_ =	task.clear_ibuf [dreg:s6], $0x2FFFF;
	_ =	strace $0x9FFFFFFF  }
0xc3: {  	(tm) =	ssettm $0x7FFFFFFF  }
tec
execute0_lowered:
.L_overlay_start_1:
0x0: {  	(tag) =	ssettag $0x1  }
0x1: {  	s0 =	rddreg [dreg:$0x0]  }
0x2: {  	s2 =	rddreg [dreg:$0x1]  }
0x3: {  	s1 =	srdreg.scid;
	s16 =	stileid.u32  }
0x4: {  	s3 =	rddreg [dreg:$0x2];
	s4 =	simm.s32 $0x0;
	s5 =	smul.u32 $0x4F00, s16  }
0x5: {  	s28 =	simm.s32 $0xF000;
	s29 =	simm.s32 $0x10000;
	s11 =	smul.u32 $0x13C00, s16  }
0x6: {  	s30 =	simm.s32 $0x11000;
	s31 =	simm.s32 $0x1;
	s22 =	smul.u32 $0x5000, s16  }
0x7: {  	s1 =	sand.u32 $0x1, s1;
	[smem:$0x7FF] =	sst s4;
	s25 =	smul.u32 $0xA00, s16  }
0x8: {  	s8 =	sadd.s32 $0x16E00, s0;
	s9 =	sadd.s32 $0x2E00, s0;
	s6 =	smul.u32 $0x4F000, s1  }
0x9: {  	p0 =	seq.s32 s16, $0xF;
	s7 =	smul.u32 $0x4E400, s1;
	s1 =	ssub.s32 $0x2, s1  }
0xa: {  	_ =	strace $0x8000004D;
	s10 =	sshrl.u32 s1, $0x1;
	s18 =	sadd.s32 s5, s2  }
0xb: {  	s20 =	sshrl.u32 s11, $0x2;
	s12 =	sshrl.u32 s22, $0x3;
	s22 =	simm.s32 $0x80  }
0xc: {  	s6 =	sadd.s32 s5, s6;
	s19 =	sadd.s32 s5, s7;
	s1 =	ssub.s32 s1, s10  }
0xd: {  	s7 =	sshrl.u32 s7, $0x3;
	s21 =	sadd.s32 s20, s3;
	s26 =	sadd.s32 s9, s12  }
0xe: {  	s12 =	sadd.s32 s9, s25;
	s18 =	sshrl.u32 @!p0 s18, $0x3;
	s20 =	simm.s32 $0x5  }
0xf: {  	s25 =	simm.s32 $0xD000;
	s6 =	sshrl.u32 s6, $0x3;
	s7 =	sadd.s32 s8, s7  }
0x10: {  	s23 =	sadd.s32 $0x1000, s21;
	s24 =	sadd.s32 $0x2000, s21;
	s10 =	sadd.s32 $0x3000, s21  }
0x11: {  	s11 =	sadd.s32 $0x4000, s21;
	s13 =	sadd.s32 $0xA000, s26;
	s15 =	smax.u32 s1, $0x1  }
0x12: {  	s26 =	simm.s32 $0xE000;
	s1 =	simm.s32 $0x2;
	s21 =	simm.s32 $0x3  }
0x13: {  	s0 =	sadd.s32 s6, s0;
	s6 =	sshrl.u32 s19, $0x3;
	[dreg:$0x6] =	wrdreg s23  }
0x14: {  	s7 =	sadd.s32 $0x9420, s7;
	[dreg:$0x7] =	wrdreg s24;
	s19 =	simm.s32 $0xA000  }
0x15: {  	s23 =	simm.s32 $0xB000;
	s24 =	simm.s32 $0xC000;
	s6 =	sadd.s32 s8, s6  }
0x16: {  	[dreg:$0x5] =	wrdreg s7;
	s7 =	sadd.s32 s5, s3;
	s14 =	sadd.s32 $0x2A800, s0  }
0x17: {  	s0 =	sshll.u32 @!p0 s16, $0x6;
	[dreg:$0x4] =	wrdreg s6;
	s6 =	sadd.s32 $0x4A100, s2  }
0x18: {  	v0 =	vimm.f32 $0.0e+00;
	s17 =	sor.u32 @!p0 $0x1C05, s0;
	s0 =	simm.s32 $0x4;
	s16 =	sshrl.u32 @p0 s6, $0x3  }
.LBB2_1:
0x19: {  	s5 =	simm.s32 @p0 $0x1FC5;
	s6 =	rddreg [dreg:$0x5]  }
0x1a: {  	[spmem:s16], [sflag:s5] =	dma.local @p0 [hbm:s6], $0x820  }
0x1b: {  	s5 =	simm.s32 @p0 $0x5  }
0x1c: {  	_ =	swait.ge @p0 [sflag:s5], $0x820  }
0x1d: {  	[sflag:s5] =	ssyncset.done @p0 $0x0  }
0x1e: {  	[sflag:s5] =	ssyncadd.s32 @p0 $0xFFFFF7E0;
	s5 =	rddreg [dreg:$0x4]  }
0x1f: {  	[spmem:s18], [sflag:s17] =	dma.local @!p0 [hbm:s5], $0x9E0  }
0x20: {  	s5 =	simm.s32 @!p0 $0x5  }
0x21: {  	_ =	swait.ge @!p0 [sflag:s5], $0x9E0  }
0x22: {  	[sflag:s5] =	ssyncset.done @!p0 $0x0  }
0x23: {  	s6 =	simm.s32 $0x0;
	[sflag:s5] =	ssyncadd.s32 @!p0 $0xFFFFF620;
	s5 =	simm.s32 $0x80  }
.LBB2_2:
0x24: {  	p1 =	sne.s32 s5, $0x3F80;
	[tilespmem:s6+$0xA000] =	vst v0;
	s8 =	smov.u32 s5;
	s5 =	sadd.s32 $0x80, s5  }
.Ltmp0:
0x25: {  	[tilespmem:s6+$0xA010] =	vst v0;
	(pc) =	sbr.rel @p1 .LBB2_2-.Ltmp0, $2  }
0x26: {  	_ =	sdelay $0x2  }
0x27: {  	s6 =	sshra.s32 s8, $0x2  }
0x28: {  	[tilespmem:s6+$0xA000] =	vst v0  }
0x29: {  	[tilespmem:s6+$0xA010] =	vst v0  }
0x2a: {  	[spmem:s7] =	stream.linear.scatter [tilespmem:s19], [sflag:$0x5], $0x1000, $0x38;
	[tilespmem:$0x1BD20] =	vst v63  }
0x2b: {  	_ =	swait.ge [sflag:s20], $0x1000  }
0x2c: {  	[sflag:s20] =	ssyncset.done $0x0  }
0x2d: {  	s5 =	rddreg [dreg:$0x6];
	[sflag:s20] =	ssyncadd.s32 $0xFFFFF000  }
0x2e: {  	[spmem:s5] =	stream.linear.scatter [tilespmem:s19], [sflag:$0x5], $0x1000, $0x38;
	[tilespmem:$0x1BD20] =	vst v63  }
0x2f: {  	_ =	swait.ge [sflag:s20], $0x1000  }
0x30: {  	[sflag:s20] =	ssyncset.done $0x0  }
0x31: {  	s9 =	rddreg [dreg:$0x7];
	[sflag:s20] =	ssyncadd.s32 $0xFFFFF000  }
0x32: {  	[spmem:s9] =	stream.linear.scatter [tilespmem:s19], [sflag:$0x5], $0x1000, $0x38;
	[tilespmem:$0x1BD20] =	vst v63  }
0x33: {  	_ =	swait.ge [sflag:s20], $0x1000  }
0x34: {  	[sflag:s20] =	ssyncset.done $0x0  }
0x35: {  	[sflag:s20] =	ssyncadd.s32 $0xFFFFF000  }
0x36: {  	[spmem:s10] =	stream.linear.scatter [tilespmem:s19], [sflag:$0x5], $0x1000, $0x38;
	[tilespmem:$0x1BD20] =	vst v63  }
0x37: {  	_ =	swait.ge [sflag:s20], $0x1000  }
0x38: {  	[sflag:s20] =	ssyncset.done $0x0  }
0x39: {  	[sflag:s20] =	ssyncadd.s32 $0xFFFFF000  }
0x3a: {  	[spmem:s11] =	stream.linear.scatter [tilespmem:s19], [sflag:$0x5], $0xF00, $0x38;
	[tilespmem:$0x1BD20] =	vst v63  }
0x3b: {  	_ =	swait.ge [sflag:s20], $0xF00  }
0x3c: {  	[sflag:s20] =	ssyncset.done $0x0  }
0x3d: {  	[sflag:s20] =	ssyncadd.s32 $0xFFFFF100  }
0x3e: {  	s6 =	simm.s32 $0x0;
	[bflag:$0x0] =	sbarrier.arrive $0xFFFF  }
0x3f: {  	[tilespmem:s6], [sflag:$0x5] =	stream.linear.gather [hbm4b:s12+s6], $0x5000, $0x38;
	[tilespmem:$0x1BD20] =	vst v63  }
0x40: {  	_ =	swait.ge [sflag:s20], $0x5000  }
0x41: {  	[sflag:s20] =	ssyncset.done $0x0  }
0x42: {  	s8 =	simm.s32 $0x5000;
	[sflag:s20] =	ssyncadd.s32 $0xFFFFB000  }
0x43: {  	[tilespmem:s8], [sflag:$0x5] =	stream.linear.gather [hbm4b:s13+s6], $0x5000, $0x38;
	[tilespmem:$0x1BD20] =	vst v63  }
0x44: {  	_ =	swait.ge [sflag:s20], $0x5000  }
0x45: {  	[sflag:s20] =	ssyncset.done $0x0  }
0x46: {  	s9 =	simm.s32 $0x0;
	[sflag:s20] =	ssyncadd.s32 $0xFFFFB000  }
0x47: {  	[tilespmem:s19], [sflag:$0x1] =	stream.indirect.gather [spmem:s2], $0x20, s9, s22, $0xb8;
	[tilespmem:$0x1BD20] =	vst v63  }
0x48: {  	s6 =	simm.s32 $0x80  }
0x49: {  	[tilespmem:s23], [sflag:$0x1] =	stream.indirect.gather [spmem:s2], $0x20, s6, s22, $0xb8;
	[tilespmem:$0x1BD20] =	vst v63  }
0x4a: {  	s8 =	simm.s32 $0x100  }
0x4b: {  	[tilespmem:s24], [sflag:$0x1] =	stream.indirect.gather [spmem:s2], $0x20, s8, s22, $0xb8;
	[tilespmem:$0x1BD20] =	vst v63  }
0x4c: {  	s9 =	simm.s32 $0x180  }
0x4d: {  	[tilespmem:s25], [sflag:$0x1] =	stream.indirect.gather [spmem:s2], $0x20, s9, s22, $0xb8;
	[tilespmem:$0x1BD20] =	vst v63  }
0x4e: {  	s6 =	simm.s32 $0x200  }
0x4f: {  	[tilespmem:s26], [sflag:$0x2] =	stream.indirect.gather [spmem:s2], $0x20, s6, s22, $0xb8;
	[tilespmem:$0x1BD20] =	vst v63  }
0x50: {  	s8 =	simm.s32 $0x280  }
0x51: {  	[tilespmem:s28], [sflag:$0x2] =	stream.indirect.gather [spmem:s2], $0x20, s8, s22, $0xb8;
	[tilespmem:$0x1BD20] =	vst v63  }
0x52: {  	s9 =	simm.s32 $0x300  }
0x53: {  	[tilespmem:s29], [sflag:$0x2] =	stream.indirect.gather [spmem:s2], $0x20, s9, s22, $0xb8;
	[tilespmem:$0x1BD20] =	vst v63  }
0x54: {  	s6 =	simm.s32 $0x380  }
0x55: {  	[tilespmem:s30], [sflag:$0x2] =	stream.indirect.gather [spmem:s2], $0x20, s6, s22, $0xb8;
	[tilespmem:$0x1BD20] =	vst v63  }
0x56: {  	_ =	swait.ge [sflag:s31], $0x1000  }
0x57: {  	[sflag:s31] =	ssyncset.done $0x0  }
0x58: {  	[sflag:s31] =	ssyncadd.s32 $0xFFFFF000  }
0x59: {  	_ =	swait.ge [sflag:s31], $0x1000  }
0x5a: {  	[sflag:s31] =	ssyncset.done $0x0  }
0x5b: {  	[sflag:s31] =	ssyncadd.s32 $0xFFFFF000  }
0x5c: {  	_ =	swait.ge [sflag:s31], $0x1000  }
0x5d: {  	[sflag:s31] =	ssyncset.done $0x0  }
0x5e: {  	[sflag:s31] =	ssyncadd.s32 $0xFFFFF000  }
0x5f: {  	_ =	swait.ge [sflag:s31], $0x1000  }
0x60: {  	[sflag:s31] =	ssyncset.done $0x0  }
0x61: {  	s8 =	simm.s32 $0x5000;
	[sflag:s31] =	ssyncadd.s32 $0xFFFFF000  }
0x62: {  	[spmem:s3] =	stream.indirect.scatter.add.f32 [tilespmem:s19], [sflag:$0x3], $0x20, s8, s22, $0xb8;
	[tilespmem:$0x1BD20] =	vst v63  }
0x63: {  	s9 =	simm.s32 $0x5080  }
0x64: {  	[spmem:s3] =	stream.indirect.scatter.add.f32 [tilespmem:s23], [sflag:$0x3], $0x20, s9, s22, $0xb8;
	[tilespmem:$0x1BD20] =	vst v63  }
0x65: {  	s6 =	simm.s32 $0x5100  }
0x66: {  	[spmem:s3] =	stream.indirect.scatter.add.f32 [tilespmem:s24], [sflag:$0x3], $0x20, s6, s22, $0xb8;
	[tilespmem:$0x1BD20] =	vst v63  }
0x67: {  	s8 =	simm.s32 $0x5180  }
0x68: {  	[spmem:s3] =	stream.indirect.scatter.add.f32 [tilespmem:s25], [sflag:$0x3], $0x20, s8, s22, $0xb8;
	[tilespmem:$0x1BD20] =	vst v63  }
0x69: {  	_ =	swait.ge [sflag:s1], $0x1000  }
0x6a: {  	[sflag:s1] =	ssyncset.done $0x0  }
0x6b: {  	[sflag:s1] =	ssyncadd.s32 $0xFFFFF000  }
0x6c: {  	_ =	swait.ge [sflag:s1], $0x1000  }
0x6d: {  	[sflag:s1] =	ssyncset.done $0x0  }
0x6e: {  	[sflag:s1] =	ssyncadd.s32 $0xFFFFF000  }
0x6f: {  	_ =	swait.ge [sflag:s1], $0x1000  }
0x70: {  	[sflag:s1] =	ssyncset.done $0x0  }
0x71: {  	[sflag:s1] =	ssyncadd.s32 $0xFFFFF000  }
0x72: {  	_ =	swait.ge [sflag:s1], $0x1000  }
0x73: {  	[sflag:s1] =	ssyncset.done $0x0  }
0x74: {  	s9 =	simm.s32 $0x5200;
	[sflag:s1] =	ssyncadd.s32 $0xFFFFF000  }
0x75: {  	[spmem:s3] =	stream.indirect.scatter.add.f32 [tilespmem:s26], [sflag:$0x4], $0x20, s9, s22, $0xb8;
	[tilespmem:$0x1BD20] =	vst v63  }
0x76: {  	s6 =	simm.s32 $0x5280  }
0x77: {  	[spmem:s3] =	stream.indirect.scatter.add.f32 [tilespmem:s28], [sflag:$0x4], $0x20, s6, s22, $0xb8;
	[tilespmem:$0x1BD20] =	vst v63  }
0x78: {  	s8 =	simm.s32 $0x5300  }
0x79: {  	[spmem:s3] =	stream.indirect.scatter.add.f32 [tilespmem:s29], [sflag:$0x4], $0x20, s8, s22, $0xb8;
	[tilespmem:$0x1BD20] =	vst v63  }
0x7a: {  	s9 =	simm.s32 $0x5380  }
0x7b: {  	[spmem:s3] =	stream.indirect.scatter.add.f32 [tilespmem:s30], [sflag:$0x4], $0x20, s9, s22, $0xb8;
	[tilespmem:$0x1BD20] =	vst v63  }
0x7c: {  	_ =	swait.ge [sflag:s21], $0x1000  }
0x7d: {  	[sflag:s21] =	ssyncset.done $0x0  }
0x7e: {  	[sflag:s21] =	ssyncadd.s32 $0xFFFFF000  }
0x7f: {  	_ =	swait.ge [sflag:s21], $0x1000  }
0x80: {  	[sflag:s21] =	ssyncset.done $0x0  }
0x81: {  	[sflag:s21] =	ssyncadd.s32 $0xFFFFF000  }
0x82: {  	_ =	swait.ge [sflag:s21], $0x1000  }
0x83: {  	[sflag:s21] =	ssyncset.done $0x0  }
0x84: {  	[sflag:s21] =	ssyncadd.s32 $0xFFFFF000  }
0x85: {  	_ =	swait.ge [sflag:s21], $0x1000  }
0x86: {  	[sflag:s21] =	ssyncset.done $0x0  }
0x87: {  	[sflag:s21] =	ssyncadd.s32 $0xFFFFF000  }
0x88: {  	_ =	swait.ge [sflag:s0], $0x1000  }
0x89: {  	[sflag:s0] =	ssyncset.done $0x0  }
0x8a: {  	[sflag:s0] =	ssyncadd.s32 $0xFFFFF000  }
0x8b: {  	_ =	swait.ge [sflag:s0], $0x1000  }
0x8c: {  	[sflag:s0] =	ssyncset.done $0x0  }
0x8d: {  	[sflag:s0] =	ssyncadd.s32 $0xFFFFF000  }
0x8e: {  	_ =	swait.ge [sflag:s0], $0x1000  }
0x8f: {  	[sflag:s0] =	ssyncset.done $0x0  }
0x90: {  	[sflag:s0] =	ssyncadd.s32 $0xFFFFF000  }
0x91: {  	_ =	swait.ge [sflag:s0], $0x1000  }
0x92: {  	s5 =	simm.s32 $0x1000;
	s6 =	simm.s32 $0x2000;
	[sflag:s0] =	ssyncset.done $0x0  }
.LBB2_4:
0x93: {  	s8 =	sshra.s32 s5, $0x2  }
0x94: {  	[sflag:s0] =	ssyncadd.s32 $0xFFFFF000;
	s5 =	smov.u32 s6;
	s9 =	sadd.s32 $0x1000, s6  }
0x95: {  	[tilespmem:s19], [sflag:$0x1] =	stream.indirect.gather [spmem:s2], $0x20, s8, s22, $0xb8;
	[tilespmem:$0x1BD20] =	vst v63  }
0x96: {  	p1 =	sne.s32 s6, $0x13000;
	s6 =	sadd.s32 $0x80, s8  }
0x97: {  	[tilespmem:s23], [sflag:$0x1] =	stream.indirect.gather [spmem:s2], $0x20, s6, s22, $0xb8;
	[tilespmem:$0x1BD20] =	vst v63  }
0x98: {  	s6 =	sadd.s32 $0x100, s8  }
0x99: {  	[tilespmem:s24], [sflag:$0x1] =	stream.indirect.gather [spmem:s2], $0x20, s6, s22, $0xb8;
	[tilespmem:$0x1BD20] =	vst v63  }
0x9a: {  	s6 =	sadd.s32 $0x180, s8  }
0x9b: {  	[tilespmem:s25], [sflag:$0x1] =	stream.indirect.gather [spmem:s2], $0x20, s6, s22, $0xb8;
	[tilespmem:$0x1BD20] =	vst v63  }
0x9c: {  	s6 =	sadd.s32 $0x200, s8  }
0x9d: {  	[tilespmem:s26], [sflag:$0x2] =	stream.indirect.gather [spmem:s2], $0x20, s6, s22, $0xb8;
	[tilespmem:$0x1BD20] =	vst v63  }
0x9e: {  	s6 =	sadd.s32 $0x280, s8  }
0x9f: {  	[tilespmem:s28], [sflag:$0x2] =	stream.indirect.gather [spmem:s2], $0x20, s6, s22, $0xb8;
	[tilespmem:$0x1BD20] =	vst v63  }
0xa0: {  	s6 =	sadd.s32 $0x300, s8  }
0xa1: {  	[tilespmem:s29], [sflag:$0x2] =	stream.indirect.gather [spmem:s2], $0x20, s6, s22, $0xb8;
	[tilespmem:$0x1BD20] =	vst v63  }
0xa2: {  	s6 =	sadd.s32 $0x380, s8  }
0xa3: {  	[tilespmem:s30], [sflag:$0x2] =	stream.indirect.gather [spmem:s2], $0x20, s6, s22, $0xb8;
	[tilespmem:$0x1BD20] =	vst v63  }
0xa4: {  	_ =	swait.ge [sflag:s31], $0x1000  }
0xa5: {  	[sflag:s31] =	ssyncset.done $0x0  }
0xa6: {  	[sflag:s31] =	ssyncadd.s32 $0xFFFFF000  }
0xa7: {  	_ =	swait.ge [sflag:s31], $0x1000  }
0xa8: {  	[sflag:s31] =	ssyncset.done $0x0  }
0xa9: {  	[sflag:s31] =	ssyncadd.s32 $0xFFFFF000  }
0xaa: {  	_ =	swait.ge [sflag:s31], $0x1000  }
0xab: {  	[sflag:s31] =	ssyncset.done $0x0  }
0xac: {  	[sflag:s31] =	ssyncadd.s32 $0xFFFFF000  }
0xad: {  	_ =	swait.ge [sflag:s31], $0x1000  }
0xae: {  	[sflag:s31] =	ssyncset.done $0x0  }
0xaf: {  	s6 =	sadd.s32 $0x5000, s8;
	[sflag:s31] =	ssyncadd.s32 $0xFFFFF000  }
0xb0: {  	[spmem:s3] =	stream.indirect.scatter.add.f32 [tilespmem:s19], [sflag:$0x3], $0x20, s6, s22, $0xb8;
	[tilespmem:$0x1BD20] =	vst v63  }
0xb1: {  	s6 =	sadd.s32 $0x5080, s8  }
0xb2: {  	[spmem:s3] =	stream.indirect.scatter.add.f32 [tilespmem:s23], [sflag:$0x3], $0x20, s6, s22, $0xb8;
	[tilespmem:$0x1BD20] =	vst v63  }
0xb3: {  	s6 =	sadd.s32 $0x5100, s8  }
0xb4: {  	[spmem:s3] =	stream.indirect.scatter.add.f32 [tilespmem:s24], [sflag:$0x3], $0x20, s6, s22, $0xb8;
	[tilespmem:$0x1BD20] =	vst v63  }
0xb5: {  	s6 =	sadd.s32 $0x5180, s8  }
0xb6: {  	[spmem:s3] =	stream.indirect.scatter.add.f32 [tilespmem:s25], [sflag:$0x3], $0x20, s6, s22, $0xb8;
	[tilespmem:$0x1BD20] =	vst v63  }
0xb7: {  	_ =	swait.ge [sflag:s1], $0x1000  }
0xb8: {  	[sflag:s1] =	ssyncset.done $0x0  }
0xb9: {  	[sflag:s1] =	ssyncadd.s32 $0xFFFFF000  }
0xba: {  	_ =	swait.ge [sflag:s1], $0x1000  }
0xbb: {  	[sflag:s1] =	ssyncset.done $0x0  }
0xbc: {  	[sflag:s1] =	ssyncadd.s32 $0xFFFFF000  }
0xbd: {  	_ =	swait.ge [sflag:s1], $0x1000  }
0xbe: {  	[sflag:s1] =	ssyncset.done $0x0  }
0xbf: {  	[sflag:s1] =	ssyncadd.s32 $0xFFFFF000  }
0xc0: {  	_ =	swait.ge [sflag:s1], $0x1000  }
0xc1: {  	[sflag:s1] =	ssyncset.done $0x0  }
0xc2: {  	s6 =	sadd.s32 $0x5200, s8;
	[sflag:s1] =	ssyncadd.s32 $0xFFFFF000  }
0xc3: {  	[spmem:s3] =	stream.indirect.scatter.add.f32 [tilespmem:s26], [sflag:$0x4], $0x20, s6, s22, $0xb8;
	[tilespmem:$0x1BD20] =	vst v63  }
0xc4: {  	s6 =	sadd.s32 $0x5280, s8  }
0xc5: {  	[spmem:s3] =	stream.indirect.scatter.add.f32 [tilespmem:s28], [sflag:$0x4], $0x20, s6, s22, $0xb8;
	[tilespmem:$0x1BD20] =	vst v63  }
0xc6: {  	s6 =	sadd.s32 $0x5300, s8  }
0xc7: {  	[spmem:s3] =	stream.indirect.scatter.add.f32 [tilespmem:s29], [sflag:$0x4], $0x20, s6, s22, $0xb8;
	[tilespmem:$0x1BD20] =	vst v63  }
0xc8: {  	s6 =	sadd.s32 $0x5380, s8  }
0xc9: {  	[spmem:s3] =	stream.indirect.scatter.add.f32 [tilespmem:s30], [sflag:$0x4], $0x20, s6, s22, $0xb8;
	[tilespmem:$0x1BD20] =	vst v63  }
0xca: {  	_ =	swait.ge [sflag:s21], $0x1000  }
0xcb: {  	[sflag:s21] =	ssyncset.done $0x0  }
0xcc: {  	[sflag:s21] =	ssyncadd.s32 $0xFFFFF000  }
0xcd: {  	_ =	swait.ge [sflag:s21], $0x1000  }
0xce: {  	[sflag:s21] =	ssyncset.done $0x0  }
0xcf: {  	[sflag:s21] =	ssyncadd.s32 $0xFFFFF000  }
0xd0: {  	_ =	swait.ge [sflag:s21], $0x1000  }
0xd1: {  	[sflag:s21] =	ssyncset.done $0x0  }
0xd2: {  	[sflag:s21] =	ssyncadd.s32 $0xFFFFF000  }
0xd3: {  	_ =	swait.ge [sflag:s21], $0x1000  }
0xd4: {  	[sflag:s21] =	ssyncset.done $0x0  }
0xd5: {  	[sflag:s21] =	ssyncadd.s32 $0xFFFFF000  }
0xd6: {  	_ =	swait.ge [sflag:s0], $0x1000  }
0xd7: {  	[sflag:s0] =	ssyncset.done $0x0  }
0xd8: {  	[sflag:s0] =	ssyncadd.s32 $0xFFFFF000  }
0xd9: {  	_ =	swait.ge [sflag:s0], $0x1000  }
0xda: {  	[sflag:s0] =	ssyncset.done $0x0  }
0xdb: {  	[sflag:s0] =	ssyncadd.s32 $0xFFFFF000  }
.Ltmp1:
0xdc: {  	_ =	swait.ge [sflag:s0], $0x1000;
	(pc) =	sbr.rel @p1 .LBB2_4-.Ltmp1, $4  }
0xdd: {  	[sflag:s0] =	ssyncset.done $0x0  }
0xde: {  	[sflag:s0] =	ssyncadd.s32 $0xFFFFF000  }
0xdf: {  	_ =	swait.ge [sflag:s0], $0x1000  }
0xe0: {  	s6 =	smov.u32 s9;
	[sflag:s0] =	ssyncset.done $0x0  }
0xe1: {  	s5 =	sshra.s32 s5, $0x2;
	[sflag:s0] =	ssyncadd.s32 $0xFFFFF000  }
0xe2: {  	[tilespmem:s19], [sflag:$0x1] =	stream.indirect.gather [spmem:s2], $0x20, s5, s22, $0xb8;
	[tilespmem:$0x1BD20] =	vst v63  }
0xe3: {  	s6 =	sadd.s32 $0x80, s5  }
0xe4: {  	[tilespmem:s23], [sflag:$0x1] =	stream.indirect.gather [spmem:s2], $0x20, s6, s22, $0xb8;
	[tilespmem:$0x1BD20] =	vst v63  }
0xe5: {  	s9 =	sadd.s32 $0x100, s5  }
0xe6: {  	[tilespmem:s24], [sflag:$0x1] =	stream.indirect.gather [spmem:s2], $0x20, s9, s22, $0xb8;
	[tilespmem:$0x1BD20] =	vst v63  }
0xe7: {  	s8 =	sadd.s32 $0x180, s5  }
0xe8: {  	[tilespmem:s25], [sflag:$0x1] =	stream.indirect.gather [spmem:s2], $0x20, s8, s22, $0xb8;
	[tilespmem:$0x1BD20] =	vst v63  }
0xe9: {  	s9 =	sadd.s32 $0x200, s5  }
0xea: {  	[tilespmem:s26], [sflag:$0x2] =	stream.indirect.gather [spmem:s2], $0x20, s9, s22, $0xb8;
	[tilespmem:$0x1BD20] =	vst v63  }
0xeb: {  	s8 =	sadd.s32 $0x280, s5  }
0xec: {  	[tilespmem:s28], [sflag:$0x2] =	stream.indirect.gather [spmem:s2], $0x20, s8, s22, $0xb8;
	[tilespmem:$0x1BD20] =	vst v63  }
0xed: {  	s9 =	sadd.s32 $0x300, s5  }
0xee: {  	[tilespmem:s29], [sflag:$0x2] =	stream.indirect.gather [spmem:s2], $0x20, s9, s22, $0xb8;
	[tilespmem:$0x1BD20] =	vst v63  }
0xef: {  	s8 =	sadd.s32 $0x380, s5  }
0xf0: {  	[tilespmem:s30], [sflag:$0x2] =	stream.indirect.gather [spmem:s2], $0x20, s8, s22, $0xb8;
	[tilespmem:$0x1BD20] =	vst v63  }
0xf1: {  	_ =	swait.ge [sflag:s31], $0x1000  }
0xf2: {  	[sflag:s31] =	ssyncset.done $0x0  }
0xf3: {  	[sflag:s31] =	ssyncadd.s32 $0xFFFFF000  }
0xf4: {  	_ =	swait.ge [sflag:s31], $0x1000  }
0xf5: {  	[sflag:s31] =	ssyncset.done $0x0  }
0xf6: {  	[sflag:s31] =	ssyncadd.s32 $0xFFFFF000  }
0xf7: {  	_ =	swait.ge [sflag:s31], $0x1000  }
0xf8: {  	[sflag:s31] =	ssyncset.done $0x0  }
0xf9: {  	[sflag:s31] =	ssyncadd.s32 $0xFFFFF000  }
0xfa: {  	_ =	swait.ge [sflag:s31], $0x1000  }
0xfb: {  	[sflag:s31] =	ssyncset.done $0x0  }
0xfc: {  	s9 =	sadd.s32 $0x5000, s5;
	[sflag:s31] =	ssyncadd.s32 $0xFFFFF000  }
0xfd: {  	[spmem:s3] =	stream.indirect.scatter.add.f32 [tilespmem:s19], [sflag:$0x3], $0x20, s9, s22, $0xb8;
	[tilespmem:$0x1BD20] =	vst v63  }
0xfe: {  	s8 =	sadd.s32 $0x5080, s5  }
0xff: {  	[spmem:s3] =	stream.indirect.scatter.add.f32 [tilespmem:s23], [sflag:$0x3], $0x20, s8, s22, $0xb8;
	[tilespmem:$0x1BD20] =	vst v63  }
0x100: {  	s9 =	sadd.s32 $0x5100, s5  }
0x101: {  	[spmem:s3] =	stream.indirect.scatter.add.f32 [tilespmem:s24], [sflag:$0x3], $0x20, s9, s22, $0xb8;
	[tilespmem:$0x1BD20] =	vst v63  }
0x102: {  	s8 =	sadd.s32 $0x5180, s5  }
0x103: {  	[spmem:s3] =	stream.indirect.scatter.add.f32 [tilespmem:s25], [sflag:$0x3], $0x20, s8, s22, $0xb8;
	[tilespmem:$0x1BD20] =	vst v63  }
0x104: {  	_ =	swait.ge [sflag:s1], $0x1000  }
0x105: {  	[sflag:s1] =	ssyncset.done $0x0  }
0x106: {  	[sflag:s1] =	ssyncadd.s32 $0xFFFFF000  }
0x107: {  	_ =	swait.ge [sflag:s1], $0x1000  }
0x108: {  	[sflag:s1] =	ssyncset.done $0x0  }
0x109: {  	[sflag:s1] =	ssyncadd.s32 $0xFFFFF000  }
0x10a: {  	_ =	swait.ge [sflag:s1], $0x1000  }
0x10b: {  	[sflag:s1] =	ssyncset.done $0x0  }
0x10c: {  	[sflag:s1] =	ssyncadd.s32 $0xFFFFF000  }
0x10d: {  	_ =	swait.ge [sflag:s1], $0x1000  }
0x10e: {  	[sflag:s1] =	ssyncset.done $0x0  }
0x10f: {  	s9 =	sadd.s32 $0x5200, s5;
	[sflag:s1] =	ssyncadd.s32 $0xFFFFF000  }
0x110: {  	[spmem:s3] =	stream.indirect.scatter.add.f32 [tilespmem:s26], [sflag:$0x4], $0x20, s9, s22, $0xb8;
	[tilespmem:$0x1BD20] =	vst v63  }
0x111: {  	s8 =	sadd.s32 $0x5280, s5  }
0x112: {  	[spmem:s3] =	stream.indirect.scatter.add.f32 [tilespmem:s28], [sflag:$0x4], $0x20, s8, s22, $0xb8;
	[tilespmem:$0x1BD20] =	vst v63  }
0x113: {  	s9 =	sadd.s32 $0x5300, s5  }
0x114: {  	[spmem:s3] =	stream.indirect.scatter.add.f32 [tilespmem:s29], [sflag:$0x4], $0x20, s9, s22, $0xb8;
	[tilespmem:$0x1BD20] =	vst v63  }
0x115: {  	s5 =	sadd.s32 $0x5380, s5  }
0x116: {  	[spmem:s3] =	stream.indirect.scatter.add.f32 [tilespmem:s30], [sflag:$0x4], $0x20, s5, s22, $0xb8;
	[tilespmem:$0x1BD20] =	vst v63  }
0x117: {  	_ =	swait.ge [sflag:s21], $0x1000  }
0x118: {  	[sflag:s21] =	ssyncset.done $0x0  }
0x119: {  	[sflag:s21] =	ssyncadd.s32 $0xFFFFF000  }
0x11a: {  	_ =	swait.ge [sflag:s21], $0x1000  }
0x11b: {  	[sflag:s21] =	ssyncset.done $0x0  }
0x11c: {  	[sflag:s21] =	ssyncadd.s32 $0xFFFFF000  }
0x11d: {  	_ =	swait.ge [sflag:s21], $0x1000  }
0x11e: {  	[sflag:s21] =	ssyncset.done $0x0  }
0x11f: {  	[sflag:s21] =	ssyncadd.s32 $0xFFFFF000  }
0x120: {  	_ =	swait.ge [sflag:s21], $0x1000  }
0x121: {  	[sflag:s21] =	ssyncset.done $0x0  }
0x122: {  	[sflag:s21] =	ssyncadd.s32 $0xFFFFF000  }
0x123: {  	_ =	swait.ge [sflag:s0], $0x1000  }
0x124: {  	[sflag:s0] =	ssyncset.done $0x0  }
0x125: {  	[sflag:s0] =	ssyncadd.s32 $0xFFFFF000  }
0x126: {  	_ =	swait.ge [sflag:s0], $0x1000  }
0x127: {  	[sflag:s0] =	ssyncset.done $0x0  }
0x128: {  	[sflag:s0] =	ssyncadd.s32 $0xFFFFF000  }
0x129: {  	_ =	swait.ge [sflag:s0], $0x1000  }
0x12a: {  	[sflag:s0] =	ssyncset.done $0x0  }
0x12b: {  	[sflag:s0] =	ssyncadd.s32 $0xFFFFF000  }
0x12c: {  	s4 =	sadd.s32 $0x1, s4;
	_ =	swait.ge [sflag:s0], $0x1000  }
0x12d: {  	p1 =	sne.s32 s4, s15;
	s8 =	stileid.u32;
	[sflag:s0] =	ssyncset.done $0x0  }
0x12e: {  	s9 =	sshrl.u32 s7, $0x3;
	s5 =	sshll.u32 s8, $0x6;
	[sflag:s0] =	ssyncadd.s32 $0xFFFFF000  }
.Ltmp2:
0x12f: {  	s5 =	sor.u32 $0x1C05, s5;
	[bflag:$0x0] =	sbarrier.arrive $0xFFFF;
	(pc) =	sbr.rel @p1 .LBB2_1-.Ltmp2, $4  }
0x130: {  	[hbm:s14], [sflag:s5] =	dma.local [spmem:s9], $0x9E0  }
0x131: {  	_ =	swait.ge [sflag:s20], $0x9E0  }
0x132: {  	[sflag:s20] =	ssyncset.done $0x0  }
0x133: {  	[sflag:s20] =	ssyncadd.s32 $0xFFFFF620  }
0x134: {  	_ =	sfence.sel $0x180000  }
0x135: {  	[bflag:$0x0] =	sbarrier.arrive $0xFFFF  }
0x136: {  	_ =	strace $0x9000004D  }
0x137: {  	s0 =	stileid.u32;
	[bflag:$0x2] =	sbarrier.arrive $0xFFFF  }
0x138: {  	p0 =	sne.s32 s0, $0x0;
	s0 =	rddreg [dreg:$0x3]  }
0x139: {  	s0 =	sadd.s32 @!p0 $0x100000, s0  }
0x13a: {  	[sflag:s0] =	ssyncadd.tile.s32 @!p0 $0x1;
	_ =	shalt  }
.Lfunc_end2:
_tile_overlayer_lowered:
.L_overlay_start_2:
0x13b: {  	(tag) =	ssettag $0x2  }
0x13c: {  	s0 =	rddreg [dreg:$0x0];
	s2 =	stileid.u32  }
0x13d: {  	s1 =	rddreg [dreg:$0x1];
	p0 =	sne.s32 s2, $0x0  }
0x13e: {  	s3 =	rddreg [dreg:$0x2];
	[bflag:$0x3] =	sbarrier.arrive $0xFFFF;
	s2 =	simm.s32 @!p0 $0x1C05  }
0x13f: {  	[timem:s3], [sflag:s2] =	dma.local @!p0 [hbm:s0], s1  }
0x140: {  	s0 =	simm.s32 @!p0 $0x5  }
0x141: {  	_ =	swait.ge @!p0 [sflag:s0], s1  }
0x142: {  	s1 =	ssub.s32 @!p0 $0x0, s1;
	[sflag:s0] =	ssyncset.done @!p0 $0x0  }
0x143: {  	[sflag:s0] =	ssyncadd.s32 @!p0 s1  }
0x144: {  	[bflag:$0x3] =	sbarrier.arrive $0xFFFF  }
0x145: {  	_ =	shalt  }

</sc_bundles>
